<compile_context>
chip_gen: v7x
topology: tpu7x:2x2x1
jax: 0.10.2.dev20260603
libtpu: 0.0.44.dev20260713+nightly
codegen_flags: <defaults>
</compile_context>

<pallas_src>
import functools

import jax
import jax.numpy as jnp
from jax import lax
from jax.experimental import pallas as pl
from jax.experimental.pallas import tpu as pltpu
from jax.experimental.pallas import tpu_sc as plsc

N_NODES = 10000
N_EDGES = 320000
NC = 2
NS = 16
NW = NC * NS
E_PER_W = N_EDGES // NW
CHUNK = 80
N_CHUNKS = 128
PASS_CHUNKS = 32
E_PAD = N_CHUNKS * CHUNK - E_PER_W
N_ACC = 10048
ROW_OFF = 624
ROW_SPAN = 640


def _make_spmm(F):
  mesh = plsc.VectorSubcoreMesh(core_axis_name="c", subcore_axis_name="s")

  @functools.partial(
      pl.kernel,
      out_type=jax.ShapeDtypeStruct((NC, N_NODES, F), jnp.float32),
      mesh=mesh,
      scratch_types=[
          pltpu.VMEM((PASS_CHUNKS, CHUNK), jnp.int32),
          pltpu.VMEM((PASS_CHUNKS, CHUNK), jnp.int32),
          pltpu.VMEM((CHUNK, F), jnp.float32),
          pltpu.VMEM((CHUNK, F), jnp.float32),
          pltpu.VMEM((CHUNK, F), jnp.float32),
          pltpu.VMEM_SHARED((N_ACC, F), jnp.float32),
          pltpu.SemaphoreType.DMA,
          pltpu.SemaphoreType.DMA,
          pltpu.SemaphoreType.DMA,
      ],
  )
  def spmm(table, src, dst, zeros, out, src_v, dst_v, rows0, rows1, rows2,
           acc, sem0, sem1, sem2):
    c = lax.axis_index("c")
    s = lax.axis_index("s")
    wid = c * NS + s
    row0 = pl.multiple_of(s * ROW_OFF, 8)
    pltpu.sync_copy(zeros, acc.at[pl.ds(row0, ROW_SPAN)])
    plsc.subcore_barrier()

    for p in range(N_CHUNKS // PASS_CHUNKS):
      pltpu.sync_copy(src.at[wid, pl.ds(p * PASS_CHUNKS, PASS_CHUNKS)], src_v)
      pltpu.sync_copy(dst.at[wid, pl.ds(p * PASS_CHUNKS, PASS_CHUNKS)], dst_v)
      pltpu.async_copy(table.at[src_v.at[0]], rows0, sem0)
      pltpu.async_copy(table.at[src_v.at[1]], rows1, sem1)

      def body(k, carry):
        j = 3 * k
        pltpu.async_copy(table.at[src_v.at[j + 2]], rows2, sem2)
        pltpu.make_async_copy(table.at[src_v.at[j]], rows0, sem0).wait()
        pltpu.sync_copy(rows0, acc.at[dst_v.at[j]], add=True)
        pltpu.async_copy(table.at[src_v.at[j + 3]], rows0, sem0)
        pltpu.make_async_copy(table.at[src_v.at[j + 1]], rows1, sem1).wait()
        pltpu.sync_copy(rows1, acc.at[dst_v.at[j + 1]], add=True)
        pltpu.async_copy(table.at[src_v.at[j + 4]], rows1, sem1)
        pltpu.make_async_copy(table.at[src_v.at[j + 2]], rows2, sem2).wait()
        pltpu.sync_copy(rows2, acc.at[dst_v.at[j + 2]], add=True)
        return carry

      lax.fori_loop(0, (PASS_CHUNKS - 2) // 3, body, 0)
      pltpu.make_async_copy(table.at[src_v.at[PASS_CHUNKS - 2]],
                            rows0, sem0).wait()
      pltpu.sync_copy(rows0, acc.at[dst_v.at[PASS_CHUNKS - 2]], add=True)
      pltpu.make_async_copy(table.at[src_v.at[PASS_CHUNKS - 1]],
                            rows1, sem1).wait()
      pltpu.sync_copy(rows1, acc.at[dst_v.at[PASS_CHUNKS - 1]], add=True)
    plsc.subcore_barrier()
    pltpu.sync_copy(acc.at[pl.ds(row0, ROW_SPAN)],
                    out.at[c, pl.ds(row0, ROW_SPAN)])

  return spmm


_spmm_128 = _make_spmm(128)


def _tc1_body(x_ref, w_ref, out_ref):
  out_ref[...] = jnp.dot(x_ref[...], w_ref[...],
                         preferred_element_type=jnp.float32)


def _tc2_body(p_ref, b_ref, out_ref):
  out_ref[...] = jnp.maximum(p_ref[0] + p_ref[1] + b_ref[...], 0.0)


def _tc3_body(p_ref, w_ref, b_ref, out_ref):
  o = jnp.dot(p_ref[0] + p_ref[1], w_ref[...],
              preferred_element_type=jnp.float32) + b_ref[...]
  m = jnp.max(o, axis=1, keepdims=True)
  x = o - m
  lse = jnp.log(jnp.sum(jnp.exp(x), axis=1, keepdims=True))
  out_ref[...] = x - lse


def kernel(X, edge_index, W1, B1, W2, B2):
  wids = jnp.arange(NW, dtype=jnp.int32)[:, None]
  pad_ar = jnp.arange(E_PAD, dtype=jnp.int32)[None, :]
  src = jnp.concatenate(
      [edge_index[0].astype(jnp.int32).reshape(NW, E_PER_W),
       (wids * 313 + pad_ar * 41) % N_NODES],
      axis=1).reshape(NW, N_CHUNKS, CHUNK)
  dst = jnp.concatenate(
      [edge_index[1].astype(jnp.int32).reshape(NW, E_PER_W),
       N_NODES + (wids % NS) * 3 + pad_ar % 3],
      axis=1).reshape(NW, N_CHUNKS, CHUNK)

  s1 = pl.pallas_call(
      _tc1_body,
      out_shape=jax.ShapeDtypeStruct((N_NODES, 128), jnp.float32),
  )(X, W1)

  zeros = jnp.zeros((ROW_SPAN, 128), jnp.float32)
  p1 = _spmm_128(s1, src, dst, zeros)

  h = pl.pallas_call(
      _tc2_body,
      out_shape=jax.ShapeDtypeStruct((N_NODES, 128), jnp.float32),
  )(p1, B1.reshape(1, 128))

  p2 = _spmm_128(h, src, dst, zeros)

  return pl.pallas_call(
      _tc3_body,
      out_shape=jax.ShapeDtypeStruct((N_NODES, 64), jnp.float32),
  )(p2, W2, B2.reshape(1, 64))

# --- scband reference (transcript-rebuilt; emitter-appended) ---
"""Pipeline reference for scband-gcn-28106265985528 (READ-ONLY COPY).

The authoritative reference and input builder live on the scoring server;
editing this copy changes nothing except your own understanding.
"""

import jax, jax.numpy as jnp
import numpy as np

N_NODES = 10000
N_EDGES = 320000
NFEAT = 128
NHID = 128
NCLASS = 64


def _kaiming_uniform(key, shape):
    # matches nn.init.kaiming_uniform_ default (a=sqrt(5) not used here; original
    # code calls kaiming_uniform_ with default a=0, fan_in = shape[0])
    fan_in = shape[0]
    gain = jnp.sqrt(2.0)
    bound = gain * jnp.sqrt(3.0 / fan_in)
    return jax.random.uniform(key, shape, minval=-bound, maxval=bound, dtype=jnp.float32)


def setup_inputs(seed: int = 0) -> dict:
    key = jax.random.key(seed)
    k_x, k_e, k_w1, k_w2 = jax.random.split(key, 4)
    X = jax.random.normal(k_x, (N_NODES, NFEAT), dtype=jnp.float32)
    edge_index = jax.random.randint(k_e, (2, N_EDGES), 0, N_NODES, dtype=jnp.int64)
    W1 = _kaiming_uniform(k_w1, (NFEAT, NHID))
    B1 = jnp.zeros((NHID,), dtype=jnp.float32)
    W2 = _kaiming_uniform(k_w2, (NHID, NCLASS))
    B2 = jnp.zeros((NCLASS,), dtype=jnp.float32)
    return {"X": X, "edge_index": edge_index, "W1": W1, "B1": B1, "W2": W2, "B2": B2}


def _gcn_layer(X, edge_index, W, B):
    # support = X @ W  (torch.mm)
    support = X @ W
    # output = spmm(adj, support): adj[dst, src] = 1 for each edge -> scatter-add
    src = edge_index[0]
    dst = edge_index[1]
    gathered = jnp.take(support, src, axis=0)
    out = jax.ops.segment_sum(gathered, dst, num_segments=N_NODES)
    return out + B


def reference(X, edge_index, W1, B1, W2, B2):
    # gcn1: nfeat -> nhid, relu
    H = jax.nn.relu(_gcn_layer(X, edge_index, W1, B1))
    # gcn2: nhid -> nclass
    O = _gcn_layer(H, edge_index, W2, B2)
    return jax.nn.log_softmax(O, axis=1)

if __name__ == "__main__":
    import jax
    _d = setup_inputs()
    print(jax.jit(kernel)(*tuple(_d.values())))

</pallas_src>

<mosaic_0001>
#map = affine_map<(d0, d1) -> (0, 0)>
#map1 = affine_map<(d0, d1) -> (0, 0, 0)>
module attributes {stable_mosaic.version = 14 : i64} {
  func.func @spmm(%arg0: i32, %arg1: i32, %arg2: memref<10000x128xf32, #tpu.memory_space<hbm>>, %arg3: memref<32x128x80xi32, #tpu.memory_space<hbm>>, %arg4: memref<32x128x80xi32, #tpu.memory_space<hbm>>, %arg5: memref<640x128xf32, #tpu.memory_space<hbm>>, %arg6: memref<2x10000x128xf32, #tpu.memory_space<hbm>>, %arg7: memref<32x80xi32, #tpu.memory_space<vmem>>, %arg8: memref<32x80xi32, #tpu.memory_space<vmem>>, %arg9: memref<80x128xf32, #tpu.memory_space<vmem>>, %arg10: memref<80x128xf32, #tpu.memory_space<vmem>>, %arg11: memref<80x128xf32, #tpu.memory_space<vmem>>, %arg12: memref<10048x128xf32, #tpu.memory_space<vmem_shared>>, %arg13: memref<!tpu.dma_semaphore, #tpu.memory_space<semaphore_mem>>, %arg14: memref<!tpu.dma_semaphore, #tpu.memory_space<semaphore_mem>>, %arg15: memref<!tpu.dma_semaphore, #tpu.memory_space<semaphore_mem>>) attributes {dimension_semantics = [#tpu.dimension_semantics<core_parallel>, #tpu.dimension_semantics<subcore_parallel>], iteration_bounds = array<i64: 2, 16>, scalar_prefetch = 0 : i64, scratch_operands = 9 : i64, tpu.core_type = #tpu.core_type<sc_vector_subcore>, window_params = [{transform_indices = #map}, {transform_indices = #map1}, {transform_indices = #map1}, {transform_indices = #map}, {transform_indices = #map1}]} {
    %mul3A = arith.constant 16 : i32
    %mul3A_0 = arith.muli %arg0, %mul3A : i32
    %add3A = arith.addi %mul3A_0, %arg1 : i32
    %mul3A_1 = arith.constant 624 : i32
    %mul3A_2 = arith.muli %arg1, %mul3A_1 : i32
    %multiple_of3A = tpu.assume_multiple %mul3A_2, 8 : i32
    "tpu.region"() ({
      %run_scoped3A_144 = tpu.sem_alloc : memref<!tpu.dma_semaphore, #tpu.memory_space<semaphore_mem>>
      %dma_start3A_145 = arith.constant 0 : i32
      %dma_start3A_146 = tpu.memref_slice %arg12[%multiple_of3A, %dma_start3A_145] : memref<10048x128xf32, #tpu.memory_space<vmem_shared>> -> memref<640x128xf32, #tpu.memory_space<vmem_shared>>
      tpu.enqueue_dma source(%arg5 : memref<640x128xf32, #tpu.memory_space<hbm>>) target(%dma_start3A_146 : memref<640x128xf32, #tpu.memory_space<vmem_shared>>) target_semaphore(%run_scoped3A_144 : memref<!tpu.dma_semaphore, #tpu.memory_space<semaphore_mem>>)
      %dma_wait3A_147 = arith.constant 0 : i32
      %dma_wait3A_148 = tpu.memref_slice %arg12[%multiple_of3A, %dma_wait3A_147] : memref<10048x128xf32, #tpu.memory_space<vmem_shared>> -> memref<640x128xf32, #tpu.memory_space<vmem_shared>>
      tpu.wait_dma2 semaphore(%run_scoped3A_144 : memref<!tpu.dma_semaphore, #tpu.memory_space<semaphore_mem>>) src(%arg5 : memref<640x128xf32, #tpu.memory_space<hbm>>) dst(%dma_wait3A_148 : memref<640x128xf32, #tpu.memory_space<vmem_shared>>)
      tpu.yield
    }) : () -> ()
    %barrier3A = arith.constant 0 : index
    tpu.barrier barrier_id(%barrier3A)
    "tpu.region"() ({
      %run_scoped3A_144 = tpu.sem_alloc : memref<!tpu.dma_semaphore, #tpu.memory_space<semaphore_mem>>
      %dma_start3A_145 = arith.constant 0 : i32
      %dma_start3A_146 = arith.constant 0 : i32
      %dma_start3A_147 = tpu.memref_slice %arg3[%add3A, %dma_start3A_145, %dma_start3A_146] : memref<32x128x80xi32, #tpu.memory_space<hbm>> -> memref<1x32x80xi32, #tpu.memory_space<hbm>>
      %dma_start3A_148 = tpu.memref_squeeze %dma_start3A_147 : memref<1x32x80xi32, #tpu.memory_space<hbm>> -> memref<32x80xi32, #tpu.memory_space<hbm>>
      %dma_start3A_149 = arith.constant 0 : i32
      %dma_start3A_150 = arith.constant 0 : i32
      %dma_start3A_151 = tpu.memref_slice %arg3[%add3A, %dma_start3A_149, %dma_start3A_150] : memref<32x128x80xi32, #tpu.memory_space<hbm>> -> memref<1x32x80xi32, #tpu.memory_space<hbm>>
      %dma_start3A_152 = tpu.memref_squeeze %dma_start3A_151 : memref<1x32x80xi32, #tpu.memory_space<hbm>> -> memref<32x80xi32, #tpu.memory_space<hbm>>
      tpu.enqueue_dma source(%dma_start3A_152 : memref<32x80xi32, #tpu.memory_space<hbm>>) target(%arg7 : memref<32x80xi32, #tpu.memory_space<vmem>>) target_semaphore(%run_scoped3A_144 : memref<!tpu.dma_semaphore, #tpu.memory_space<semaphore_mem>>)
      %dma_wait3A_153 = arith.constant 0 : i32
      %dma_wait3A_154 = arith.constant 0 : i32
      %dma_wait3A_155 = tpu.memref_slice %arg3[%add3A, %dma_wait3A_153, %dma_wait3A_154] : memref<32x128x80xi32, #tpu.memory_space<hbm>> -> memref<1x32x80xi32, #tpu.memory_space<hbm>>
      %dma_wait3A_156 = tpu.memref_squeeze %dma_wait3A_155 : memref<1x32x80xi32, #tpu.memory_space<hbm>> -> memref<32x80xi32, #tpu.memory_space<hbm>>
      %dma_wait3A_157 = arith.constant 0 : i32
      %dma_wait3A_158 = arith.constant 0 : i32
      %dma_wait3A_159 = tpu.memref_slice %arg3[%add3A, %dma_wait3A_157, %dma_wait3A_158] : memref<32x128x80xi32, #tpu.memory_space<hbm>> -> memref<1x32x80xi32, #tpu.memory_space<hbm>>
      %dma_wait3A_160 = tpu.memref_squeeze %dma_wait3A_159 : memref<1x32x80xi32, #tpu.memory_space<hbm>> -> memref<32x80xi32, #tpu.memory_space<hbm>>
      tpu.wait_dma2 semaphore(%run_scoped3A_144 : memref<!tpu.dma_semaphore, #tpu.memory_space<semaphore_mem>>) src(%dma_wait3A_160 : memref<32x80xi32, #tpu.memory_space<hbm>>) dst(%arg7 : memref<32x80xi32, #tpu.memory_space<vmem>>)
      tpu.yield
    }) : () -> ()
    "tpu.region"() ({
      %run_scoped3A_144 = tpu.sem_alloc : memref<!tpu.dma_semaphore, #tpu.memory_space<semaphore_mem>>
      %dma_start3A_145 = arith.constant 0 : i32
      %dma_start3A_146 = arith.constant 0 : i32
      %dma_start3A_147 = tpu.memref_slice %arg4[%add3A, %dma_start3A_145, %dma_start3A_146] : memref<32x128x80xi32, #tpu.memory_space<hbm>> -> memref<1x32x80xi32, #tpu.memory_space<hbm>>
      %dma_start3A_148 = tpu.memref_squeeze %dma_start3A_147 : memref<1x32x80xi32, #tpu.memory_space<hbm>> -> memref<32x80xi32, #tpu.memory_space<hbm>>
      %dma_start3A_149 = arith.constant 0 : i32
      %dma_start3A_150 = arith.constant 0 : i32
      %dma_start3A_151 = tpu.memref_slice %arg4[%add3A, %dma_start3A_149, %dma_start3A_150] : memref<32x128x80xi32, #tpu.memory_space<hbm>> -> memref<1x32x80xi32, #tpu.memory_space<hbm>>
      %dma_start3A_152 = tpu.memref_squeeze %dma_start3A_151 : memref<1x32x80xi32, #tpu.memory_space<hbm>> -> memref<32x80xi32, #tpu.memory_space<hbm>>
      tpu.enqueue_dma source(%dma_start3A_152 : memref<32x80xi32, #tpu.memory_space<hbm>>) target(%arg8 : memref<32x80xi32, #tpu.memory_space<vmem>>) target_semaphore(%run_scoped3A_144 : memref<!tpu.dma_semaphore, #tpu.memory_space<semaphore_mem>>)
      %dma_wait3A_153 = arith.constant 0 : i32
      %dma_wait3A_154 = arith.constant 0 : i32
      %dma_wait3A_155 = tpu.memref_slice %arg4[%add3A, %dma_wait3A_153, %dma_wait3A_154] : memref<32x128x80xi32, #tpu.memory_space<hbm>> -> memref<1x32x80xi32, #tpu.memory_space<hbm>>
      %dma_wait3A_156 = tpu.memref_squeeze %dma_wait3A_155 : memref<1x32x80xi32, #tpu.memory_space<hbm>> -> memref<32x80xi32, #tpu.memory_space<hbm>>
      %dma_wait3A_157 = arith.constant 0 : i32
      %dma_wait3A_158 = arith.constant 0 : i32
      %dma_wait3A_159 = tpu.memref_slice %arg4[%add3A, %dma_wait3A_157, %dma_wait3A_158] : memref<32x128x80xi32, #tpu.memory_space<hbm>> -> memref<1x32x80xi32, #tpu.memory_space<hbm>>
      %dma_wait3A_160 = tpu.memref_squeeze %dma_wait3A_159 : memref<1x32x80xi32, #tpu.memory_space<hbm>> -> memref<32x80xi32, #tpu.memory_space<hbm>>
      tpu.wait_dma2 semaphore(%run_scoped3A_144 : memref<!tpu.dma_semaphore, #tpu.memory_space<semaphore_mem>>) src(%dma_wait3A_160 : memref<32x80xi32, #tpu.memory_space<hbm>>) dst(%arg8 : memref<32x80xi32, #tpu.memory_space<vmem>>)
      tpu.yield
    }) : () -> ()
    %dma_start3A = arith.constant 0 : i32
    %dma_start3A_3 = arith.constant 0 : i32
    %dma_start3A_4 = tpu.memref_slice %arg7[%dma_start3A, %dma_start3A_3] : memref<32x80xi32, #tpu.memory_space<vmem>> -> memref<1x80xi32, #tpu.memory_space<vmem>>
    %dma_start3A_5 = tpu.memref_squeeze %dma_start3A_4 : memref<1x80xi32, #tpu.memory_space<vmem>> -> memref<80xi32, #tpu.memory_space<vmem>>
    %dma_start3A_6 = arith.constant 0 : i32
    %dma_start3A_7 = arith.constant 0 : i32
    %dma_start3A_8 = tpu.memref_slice %arg2[%dma_start3A_6, %dma_start3A_7] : memref<10000x128xf32, #tpu.memory_space<hbm>> -> memref<10000x128xf32, #tpu.memory_space<hbm>>
    tpu.enqueue_indirect_dma source(%dma_start3A_8 : memref<10000x128xf32, #tpu.memory_space<hbm>>) target(%arg9 : memref<80x128xf32, #tpu.memory_space<vmem>>) offsets(%dma_start3A_5 : memref<80xi32, #tpu.memory_space<vmem>>) semaphore(%arg13 : memref<!tpu.dma_semaphore, #tpu.memory_space<semaphore_mem>>)
    %dma_start3A_9 = arith.constant 1 : i32
    %dma_start3A_10 = arith.constant 0 : i32
    %dma_start3A_11 = tpu.memref_slice %arg7[%dma_start3A_9, %dma_start3A_10] : memref<32x80xi32, #tpu.memory_space<vmem>> -> memref<1x80xi32, #tpu.memory_space<vmem>>
    %dma_start3A_12 = tpu.memref_squeeze %dma_start3A_11 : memref<1x80xi32, #tpu.memory_space<vmem>> -> memref<80xi32, #tpu.memory_space<vmem>>
    %dma_start3A_13 = arith.constant 0 : i32
    %dma_start3A_14 = arith.constant 0 : i32
    %dma_start3A_15 = tpu.memref_slice %arg2[%dma_start3A_13, %dma_start3A_14] : memref<10000x128xf32, #tpu.memory_space<hbm>> -> memref<10000x128xf32, #tpu.memory_space<hbm>>
    tpu.enqueue_indirect_dma source(%dma_start3A_15 : memref<10000x128xf32, #tpu.memory_space<hbm>>) target(%arg10 : memref<80x128xf32, #tpu.memory_space<vmem>>) offsets(%dma_start3A_12 : memref<80xi32, #tpu.memory_space<vmem>>) semaphore(%arg14 : memref<!tpu.dma_semaphore, #tpu.memory_space<semaphore_mem>>)
    %scan3A = arith.constant 0 : i32
    %scan3A_16 = arith.constant 0 : i32
    %scan3A_17 = arith.constant 10 : i32
    %scan3A_18 = arith.addi %scan3A_16, %scan3A_17 : i32
    %scan3A_19 = arith.constant 1 : i32
    scf.for %scan3A_144 = %scan3A_16 to %scan3A_18 step %scan3A_19  : i32 {
      %mul3A_145 = arith.constant 3 : i32
      %mul3A_146 = arith.muli %mul3A_145, %scan3A_144 : i32
      %add3A_147 = arith.constant 2 : i32
      %add3A_148 = arith.addi %mul3A_146, %add3A_147 : i32
      %dma_start3A_149 = arith.constant 0 : i32
      %dma_start3A_150 = tpu.memref_slice %arg7[%add3A_148, %dma_start3A_149] : memref<32x80xi32, #tpu.memory_space<vmem>> -> memref<1x80xi32, #tpu.memory_space<vmem>>
      %dma_start3A_151 = tpu.memref_squeeze %dma_start3A_150 : memref<1x80xi32, #tpu.memory_space<vmem>> -> memref<80xi32, #tpu.memory_space<vmem>>
      %dma_start3A_152 = arith.constant 0 : i32
      %dma_start3A_153 = arith.constant 0 : i32
      %dma_start3A_154 = tpu.memref_slice %arg2[%dma_start3A_152, %dma_start3A_153] : memref<10000x128xf32, #tpu.memory_space<hbm>> -> memref<10000x128xf32, #tpu.memory_space<hbm>>
      tpu.enqueue_indirect_dma source(%dma_start3A_154 : memref<10000x128xf32, #tpu.memory_space<hbm>>) target(%arg11 : memref<80x128xf32, #tpu.memory_space<vmem>>) offsets(%dma_start3A_151 : memref<80xi32, #tpu.memory_space<vmem>>) semaphore(%arg15 : memref<!tpu.dma_semaphore, #tpu.memory_space<semaphore_mem>>)
      %dma_wait3A_155 = arith.constant 0 : i32
      %dma_wait3A_156 = tpu.memref_slice %arg7[%mul3A_146, %dma_wait3A_155] : memref<32x80xi32, #tpu.memory_space<vmem>> -> memref<1x80xi32, #tpu.memory_space<vmem>>
      %dma_wait3A_157 = tpu.memref_squeeze %dma_wait3A_156 : memref<1x80xi32, #tpu.memory_space<vmem>> -> memref<80xi32, #tpu.memory_space<vmem>>
      %dma_wait3A_158 = arith.constant 0 : i32
      %dma_wait3A_159 = arith.constant 0 : i32
      %dma_wait3A_160 = tpu.memref_slice %arg2[%dma_wait3A_158, %dma_wait3A_159] : memref<10000x128xf32, #tpu.memory_space<hbm>> -> memref<10000x128xf32, #tpu.memory_space<hbm>>
      tpu.wait_indirect_dma semaphore(%arg13 : memref<!tpu.dma_semaphore, #tpu.memory_space<semaphore_mem>>) src(%dma_wait3A_160 : memref<10000x128xf32, #tpu.memory_space<hbm>>) dst(%arg9 : memref<80x128xf32, #tpu.memory_space<vmem>>)
      "tpu.region"() ({
        %run_scoped3A_197 = tpu.sem_alloc : memref<!tpu.dma_semaphore, #tpu.memory_space<semaphore_mem>>
        %dma_start3A_198 = arith.constant 0 : i32
        %dma_start3A_199 = tpu.memref_slice %arg8[%mul3A_146, %dma_start3A_198] : memref<32x80xi32, #tpu.memory_space<vmem>> -> memref<1x80xi32, #tpu.memory_space<vmem>>
        %dma_start3A_200 = tpu.memref_squeeze %dma_start3A_199 : memref<1x80xi32, #tpu.memory_space<vmem>> -> memref<80xi32, #tpu.memory_space<vmem>>
        %dma_start3A_201 = arith.constant 0 : i32
        %dma_start3A_202 = arith.constant 0 : i32
        %dma_start3A_203 = tpu.memref_slice %arg12[%dma_start3A_201, %dma_start3A_202] : memref<10048x128xf32, #tpu.memory_space<vmem_shared>> -> memref<10048x128xf32, #tpu.memory_space<vmem_shared>>
        tpu.enqueue_indirect_dma source(%arg9 : memref<80x128xf32, #tpu.memory_space<vmem>>) target(%dma_start3A_203 : memref<10048x128xf32, #tpu.memory_space<vmem_shared>>) offsets(%dma_start3A_200 : memref<80xi32, #tpu.memory_space<vmem>>) semaphore(%run_scoped3A_197 : memref<!tpu.dma_semaphore, #tpu.memory_space<semaphore_mem>>) {add = true}
        %dma_wait3A_204 = arith.constant 0 : i32
        %dma_wait3A_205 = tpu.memref_slice %arg8[%mul3A_146, %dma_wait3A_204] : memref<32x80xi32, #tpu.memory_space<vmem>> -> memref<1x80xi32, #tpu.memory_space<vmem>>
        %dma_wait3A_206 = tpu.memref_squeeze %dma_wait3A_205 : memref<1x80xi32, #tpu.memory_space<vmem>> -> memref<80xi32, #tpu.memory_space<vmem>>
        %dma_wait3A_207 = arith.constant 0 : i32
        %dma_wait3A_208 = arith.constant 0 : i32
        %dma_wait3A_209 = tpu.memref_slice %arg12[%dma_wait3A_207, %dma_wait3A_208] : memref<10048x128xf32, #tpu.memory_space<vmem_shared>> -> memref<10048x128xf32, #tpu.memory_space<vmem_shared>>
        tpu.wait_indirect_dma semaphore(%run_scoped3A_197 : memref<!tpu.dma_semaphore, #tpu.memory_space<semaphore_mem>>) src(%arg9 : memref<80x128xf32, #tpu.memory_space<vmem>>) dst(%dma_wait3A_209 : memref<10048x128xf32, #tpu.memory_space<vmem_shared>>)
        tpu.yield
      }) : () -> ()
      %add3A_161 = arith.constant 3 : i32
      %add3A_162 = arith.addi %mul3A_146, %add3A_161 : i32
      %dma_start3A_163 = arith.constant 0 : i32
      %dma_start3A_164 = tpu.memref_slice %arg7[%add3A_162, %dma_start3A_163] : memref<32x80xi32, #tpu.memory_space<vmem>> -> memref<1x80xi32, #tpu.memory_space<vmem>>
      %dma_start3A_165 = tpu.memref_squeeze %dma_start3A_164 : memref<1x80xi32, #tpu.memory_space<vmem>> -> memref<80xi32, #tpu.memory_space<vmem>>
      %dma_start3A_166 = arith.constant 0 : i32
      %dma_start3A_167 = arith.constant 0 : i32
      %dma_start3A_168 = tpu.memref_slice %arg2[%dma_start3A_166, %dma_start3A_167] : memref<10000x128xf32, #tpu.memory_space<hbm>> -> memref<10000x128xf32, #tpu.memory_space<hbm>>
      tpu.enqueue_indirect_dma source(%dma_start3A_168 : memref<10000x128xf32, #tpu.memory_space<hbm>>) target(%arg9 : memref<80x128xf32, #tpu.memory_space<vmem>>) offsets(%dma_start3A_165 : memref<80xi32, #tpu.memory_space<vmem>>) semaphore(%arg13 : memref<!tpu.dma_semaphore, #tpu.memory_space<semaphore_mem>>)
      %add3A_169 = arith.constant 1 : i32
      %add3A_170 = arith.addi %mul3A_146, %add3A_169 : i32
      %dma_wait3A_171 = arith.constant 0 : i32
      %dma_wait3A_172 = tpu.memref_slice %arg7[%add3A_170, %dma_wait3A_171] : memref<32x80xi32, #tpu.memory_space<vmem>> -> memref<1x80xi32, #tpu.memory_space<vmem>>
      %dma_wait3A_173 = tpu.memref_squeeze %dma_wait3A_172 : memref<1x80xi32, #tpu.memory_space<vmem>> -> memref<80xi32, #tpu.memory_space<vmem>>
      %dma_wait3A_174 = arith.constant 0 : i32
      %dma_wait3A_175 = arith.constant 0 : i32
      %dma_wait3A_176 = tpu.memref_slice %arg2[%dma_wait3A_174, %dma_wait3A_175] : memref<10000x128xf32, #tpu.memory_space<hbm>> -> memref<10000x128xf32, #tpu.memory_space<hbm>>
      tpu.wait_indirect_dma semaphore(%arg14 : memref<!tpu.dma_semaphore, #tpu.memory_space<semaphore_mem>>) src(%dma_wait3A_176 : memref<10000x128xf32, #tpu.memory_space<hbm>>) dst(%arg10 : memref<80x128xf32, #tpu.memory_space<vmem>>)
      %add3A_177 = arith.constant 1 : i32
      %add3A_178 = arith.addi %mul3A_146, %add3A_177 : i32
      "tpu.region"() ({
        %run_scoped3A_197 = tpu.sem_alloc : memref<!tpu.dma_semaphore, #tpu.memory_space<semaphore_mem>>
        %dma_start3A_198 = arith.constant 0 : i32
        %dma_start3A_199 = tpu.memref_slice %arg8[%add3A_178, %dma_start3A_198] : memref<32x80xi32, #tpu.memory_space<vmem>> -> memref<1x80xi32, #tpu.memory_space<vmem>>
        %dma_start3A_200 = tpu.memref_squeeze %dma_start3A_199 : memref<1x80xi32, #tpu.memory_space<vmem>> -> memref<80xi32, #tpu.memory_space<vmem>>
        %dma_start3A_201 = arith.constant 0 : i32
        %dma_start3A_202 = arith.constant 0 : i32
        %dma_start3A_203 = tpu.memref_slice %arg12[%dma_start3A_201, %dma_start3A_202] : memref<10048x128xf32, #tpu.memory_space<vmem_shared>> -> memref<10048x128xf32, #tpu.memory_space<vmem_shared>>
        tpu.enqueue_indirect_dma source(%arg10 : memref<80x128xf32, #tpu.memory_space<vmem>>) target(%dma_start3A_203 : memref<10048x128xf32, #tpu.memory_space<vmem_shared>>) offsets(%dma_start3A_200 : memref<80xi32, #tpu.memory_space<vmem>>) semaphore(%run_scoped3A_197 : memref<!tpu.dma_semaphore, #tpu.memory_space<semaphore_mem>>) {add = true}
        %dma_wait3A_204 = arith.constant 0 : i32
        %dma_wait3A_205 = tpu.memref_slice %arg8[%add3A_178, %dma_wait3A_204] : memref<32x80xi32, #tpu.memory_space<vmem>> -> memref<1x80xi32, #tpu.memory_space<vmem>>
        %dma_wait3A_206 = tpu.memref_squeeze %dma_wait3A_205 : memref<1x80xi32, #tpu.memory_space<vmem>> -> memref<80xi32, #tpu.memory_space<vmem>>
        %dma_wait3A_207 = arith.constant 0 : i32
        %dma_wait3A_208 = arith.constant 0 : i32
        %dma_wait3A_209 = tpu.memref_slice %arg12[%dma_wait3A_207, %dma_wait3A_208] : memref<10048x128xf32, #tpu.memory_space<vmem_shared>> -> memref<10048x128xf32, #tpu.memory_space<vmem_shared>>
        tpu.wait_indirect_dma semaphore(%run_scoped3A_197 : memref<!tpu.dma_semaphore, #tpu.memory_space<semaphore_mem>>) src(%arg10 : memref<80x128xf32, #tpu.memory_space<vmem>>) dst(%dma_wait3A_209 : memref<10048x128xf32, #tpu.memory_space<vmem_shared>>)
        tpu.yield
      }) : () -> ()
      %add3A_179 = arith.constant 4 : i32
      %add3A_180 = arith.addi %mul3A_146, %add3A_179 : i32
      %dma_start3A_181 = arith.constant 0 : i32
      %dma_start3A_182 = tpu.memref_slice %arg7[%add3A_180, %dma_start3A_181] : memref<32x80xi32, #tpu.memory_space<vmem>> -> memref<1x80xi32, #tpu.memory_space<vmem>>
      %dma_start3A_183 = tpu.memref_squeeze %dma_start3A_182 : memref<1x80xi32, #tpu.memory_space<vmem>> -> memref<80xi32, #tpu.memory_space<vmem>>
      %dma_start3A_184 = arith.constant 0 : i32
      %dma_start3A_185 = arith.constant 0 : i32
      %dma_start3A_186 = tpu.memref_slice %arg2[%dma_start3A_184, %dma_start3A_185] : memref<10000x128xf32, #tpu.memory_space<hbm>> -> memref<10000x128xf32, #tpu.memory_space<hbm>>
      tpu.enqueue_indirect_dma source(%dma_start3A_186 : memref<10000x128xf32, #tpu.memory_space<hbm>>) target(%arg10 : memref<80x128xf32, #tpu.memory_space<vmem>>) offsets(%dma_start3A_183 : memref<80xi32, #tpu.memory_space<vmem>>) semaphore(%arg14 : memref<!tpu.dma_semaphore, #tpu.memory_space<semaphore_mem>>)
      %add3A_187 = arith.constant 2 : i32
      %add3A_188 = arith.addi %mul3A_146, %add3A_187 : i32
      %dma_wait3A_189 = arith.constant 0 : i32
      %dma_wait3A_190 = tpu.memref_slice %arg7[%add3A_188, %dma_wait3A_189] : memref<32x80xi32, #tpu.memory_space<vmem>> -> memref<1x80xi32, #tpu.memory_space<vmem>>
      %dma_wait3A_191 = tpu.memref_squeeze %dma_wait3A_190 : memref<1x80xi32, #tpu.memory_space<vmem>> -> memref<80xi32, #tpu.memory_space<vmem>>
      %dma_wait3A_192 = arith.constant 0 : i32
      %dma_wait3A_193 = arith.constant 0 : i32
      %dma_wait3A_194 = tpu.memref_slice %arg2[%dma_wait3A_192, %dma_wait3A_193] : memref<10000x128xf32, #tpu.memory_space<hbm>> -> memref<10000x128xf32, #tpu.memory_space<hbm>>
      tpu.wait_indirect_dma semaphore(%arg15 : memref<!tpu.dma_semaphore, #tpu.memory_space<semaphore_mem>>) src(%dma_wait3A_194 : memref<10000x128xf32, #tpu.memory_space<hbm>>) dst(%arg11 : memref<80x128xf32, #tpu.memory_space<vmem>>)
      %add3A_195 = arith.constant 2 : i32
      %add3A_196 = arith.addi %mul3A_146, %add3A_195 : i32
      "tpu.region"() ({
        %run_scoped3A_197 = tpu.sem_alloc : memref<!tpu.dma_semaphore, #tpu.memory_space<semaphore_mem>>
        %dma_start3A_198 = arith.constant 0 : i32
        %dma_start3A_199 = tpu.memref_slice %arg8[%add3A_196, %dma_start3A_198] : memref<32x80xi32, #tpu.memory_space<vmem>> -> memref<1x80xi32, #tpu.memory_space<vmem>>
        %dma_start3A_200 = tpu.memref_squeeze %dma_start3A_199 : memref<1x80xi32, #tpu.memory_space<vmem>> -> memref<80xi32, #tpu.memory_space<vmem>>
        %dma_start3A_201 = arith.constant 0 : i32
        %dma_start3A_202 = arith.constant 0 : i32
        %dma_start3A_203 = tpu.memref_slice %arg12[%dma_start3A_201, %dma_start3A_202] : memref<10048x128xf32, #tpu.memory_space<vmem_shared>> -> memref<10048x128xf32, #tpu.memory_space<vmem_shared>>
        tpu.enqueue_indirect_dma source(%arg11 : memref<80x128xf32, #tpu.memory_space<vmem>>) target(%dma_start3A_203 : memref<10048x128xf32, #tpu.memory_space<vmem_shared>>) offsets(%dma_start3A_200 : memref<80xi32, #tpu.memory_space<vmem>>) semaphore(%run_scoped3A_197 : memref<!tpu.dma_semaphore, #tpu.memory_space<semaphore_mem>>) {add = true}
        %dma_wait3A_204 = arith.constant 0 : i32
        %dma_wait3A_205 = tpu.memref_slice %arg8[%add3A_196, %dma_wait3A_204] : memref<32x80xi32, #tpu.memory_space<vmem>> -> memref<1x80xi32, #tpu.memory_space<vmem>>
        %dma_wait3A_206 = tpu.memref_squeeze %dma_wait3A_205 : memref<1x80xi32, #tpu.memory_space<vmem>> -> memref<80xi32, #tpu.memory_space<vmem>>
        %dma_wait3A_207 = arith.constant 0 : i32
        %dma_wait3A_208 = arith.constant 0 : i32
        %dma_wait3A_209 = tpu.memref_slice %arg12[%dma_wait3A_207, %dma_wait3A_208] : memref<10048x128xf32, #tpu.memory_space<vmem_shared>> -> memref<10048x128xf32, #tpu.memory_space<vmem_shared>>
        tpu.wait_indirect_dma semaphore(%run_scoped3A_197 : memref<!tpu.dma_semaphore, #tpu.memory_space<semaphore_mem>>) src(%arg11 : memref<80x128xf32, #tpu.memory_space<vmem>>) dst(%dma_wait3A_209 : memref<10048x128xf32, #tpu.memory_space<vmem_shared>>)
        tpu.yield
      }) : () -> ()
    }
    %scan3A_20 = arith.constant 10 : i32
    %dma_wait3A = arith.constant 30 : i32
    %dma_wait3A_21 = arith.constant 0 : i32
    %dma_wait3A_22 = tpu.memref_slice %arg7[%dma_wait3A, %dma_wait3A_21] : memref<32x80xi32, #tpu.memory_space<vmem>> -> memref<1x80xi32, #tpu.memory_space<vmem>>
    %dma_wait3A_23 = tpu.memref_squeeze %dma_wait3A_22 : memref<1x80xi32, #tpu.memory_space<vmem>> -> memref<80xi32, #tpu.memory_space<vmem>>
    %dma_wait3A_24 = arith.constant 0 : i32
    %dma_wait3A_25 = arith.constant 0 : i32
    %dma_wait3A_26 = tpu.memref_slice %arg2[%dma_wait3A_24, %dma_wait3A_25] : memref<10000x128xf32, #tpu.memory_space<hbm>> -> memref<10000x128xf32, #tpu.memory_space<hbm>>
    tpu.wait_indirect_dma semaphore(%arg13 : memref<!tpu.dma_semaphore, #tpu.memory_space<semaphore_mem>>) src(%dma_wait3A_26 : memref<10000x128xf32, #tpu.memory_space<hbm>>) dst(%arg9 : memref<80x128xf32, #tpu.memory_space<vmem>>)
    %run_scoped3A = arith.constant 30 : i32
    "tpu.region"() ({
      %run_scoped3A_144 = tpu.sem_alloc : memref<!tpu.dma_semaphore, #tpu.memory_space<semaphore_mem>>
      %dma_start3A_145 = arith.constant 0 : i32
      %dma_start3A_146 = tpu.memref_slice %arg8[%run_scoped3A, %dma_start3A_145] : memref<32x80xi32, #tpu.memory_space<vmem>> -> memref<1x80xi32, #tpu.memory_space<vmem>>
      %dma_start3A_147 = tpu.memref_squeeze %dma_start3A_146 : memref<1x80xi32, #tpu.memory_space<vmem>> -> memref<80xi32, #tpu.memory_space<vmem>>
      %dma_start3A_148 = arith.constant 0 : i32
      %dma_start3A_149 = arith.constant 0 : i32
      %dma_start3A_150 = tpu.memref_slice %arg12[%dma_start3A_148, %dma_start3A_149] : memref<10048x128xf32, #tpu.memory_space<vmem_shared>> -> memref<10048x128xf32, #tpu.memory_space<vmem_shared>>
      tpu.enqueue_indirect_dma source(%arg9 : memref<80x128xf32, #tpu.memory_space<vmem>>) target(%dma_start3A_150 : memref<10048x128xf32, #tpu.memory_space<vmem_shared>>) offsets(%dma_start3A_147 : memref<80xi32, #tpu.memory_space<vmem>>) semaphore(%run_scoped3A_144 : memref<!tpu.dma_semaphore, #tpu.memory_space<semaphore_mem>>) {add = true}
      %dma_wait3A_151 = arith.constant 0 : i32
      %dma_wait3A_152 = tpu.memref_slice %arg8[%run_scoped3A, %dma_wait3A_151] : memref<32x80xi32, #tpu.memory_space<vmem>> -> memref<1x80xi32, #tpu.memory_space<vmem>>
      %dma_wait3A_153 = tpu.memref_squeeze %dma_wait3A_152 : memref<1x80xi32, #tpu.memory_space<vmem>> -> memref<80xi32, #tpu.memory_space<vmem>>
      %dma_wait3A_154 = arith.constant 0 : i32
      %dma_wait3A_155 = arith.constant 0 : i32
      %dma_wait3A_156 = tpu.memref_slice %arg12[%dma_wait3A_154, %dma_wait3A_155] : memref<10048x128xf32, #tpu.memory_space<vmem_shared>> -> memref<10048x128xf32, #tpu.memory_space<vmem_shared>>
      tpu.wait_indirect_dma semaphore(%run_scoped3A_144 : memref<!tpu.dma_semaphore, #tpu.memory_space<semaphore_mem>>) src(%arg9 : memref<80x128xf32, #tpu.memory_space<vmem>>) dst(%dma_wait3A_156 : memref<10048x128xf32, #tpu.memory_space<vmem_shared>>)
      tpu.yield
    }) : () -> ()
    %dma_wait3A_27 = arith.constant 31 : i32
    %dma_wait3A_28 = arith.constant 0 : i32
    %dma_wait3A_29 = tpu.memref_slice %arg7[%dma_wait3A_27, %dma_wait3A_28] : memref<32x80xi32, #tpu.memory_space<vmem>> -> memref<1x80xi32, #tpu.memory_space<vmem>>
    %dma_wait3A_30 = tpu.memref_squeeze %dma_wait3A_29 : memref<1x80xi32, #tpu.memory_space<vmem>> -> memref<80xi32, #tpu.memory_space<vmem>>
    %dma_wait3A_31 = arith.constant 0 : i32
    %dma_wait3A_32 = arith.constant 0 : i32
    %dma_wait3A_33 = tpu.memref_slice %arg2[%dma_wait3A_31, %dma_wait3A_32] : memref<10000x128xf32, #tpu.memory_space<hbm>> -> memref<10000x128xf32, #tpu.memory_space<hbm>>
    tpu.wait_indirect_dma semaphore(%arg14 : memref<!tpu.dma_semaphore, #tpu.memory_space<semaphore_mem>>) src(%dma_wait3A_33 : memref<10000x128xf32, #tpu.memory_space<hbm>>) dst(%arg10 : memref<80x128xf32, #tpu.memory_space<vmem>>)
    %run_scoped3A_34 = arith.constant 31 : i32
    "tpu.region"() ({
      %run_scoped3A_144 = tpu.sem_alloc : memref<!tpu.dma_semaphore, #tpu.memory_space<semaphore_mem>>
      %dma_start3A_145 = arith.constant 0 : i32
      %dma_start3A_146 = tpu.memref_slice %arg8[%run_scoped3A_34, %dma_start3A_145] : memref<32x80xi32, #tpu.memory_space<vmem>> -> memref<1x80xi32, #tpu.memory_space<vmem>>
      %dma_start3A_147 = tpu.memref_squeeze %dma_start3A_146 : memref<1x80xi32, #tpu.memory_space<vmem>> -> memref<80xi32, #tpu.memory_space<vmem>>
      %dma_start3A_148 = arith.constant 0 : i32
      %dma_start3A_149 = arith.constant 0 : i32
      %dma_start3A_150 = tpu.memref_slice %arg12[%dma_start3A_148, %dma_start3A_149] : memref<10048x128xf32, #tpu.memory_space<vmem_shared>> -> memref<10048x128xf32, #tpu.memory_space<vmem_shared>>
      tpu.enqueue_indirect_dma source(%arg10 : memref<80x128xf32, #tpu.memory_space<vmem>>) target(%dma_start3A_150 : memref<10048x128xf32, #tpu.memory_space<vmem_shared>>) offsets(%dma_start3A_147 : memref<80xi32, #tpu.memory_space<vmem>>) semaphore(%run_scoped3A_144 : memref<!tpu.dma_semaphore, #tpu.memory_space<semaphore_mem>>) {add = true}
      %dma_wait3A_151 = arith.constant 0 : i32
      %dma_wait3A_152 = tpu.memref_slice %arg8[%run_scoped3A_34, %dma_wait3A_151] : memref<32x80xi32, #tpu.memory_space<vmem>> -> memref<1x80xi32, #tpu.memory_space<vmem>>
      %dma_wait3A_153 = tpu.memref_squeeze %dma_wait3A_152 : memref<1x80xi32, #tpu.memory_space<vmem>> -> memref<80xi32, #tpu.memory_space<vmem>>
      %dma_wait3A_154 = arith.constant 0 : i32
      %dma_wait3A_155 = arith.constant 0 : i32
      %dma_wait3A_156 = tpu.memref_slice %arg12[%dma_wait3A_154, %dma_wait3A_155] : memref<10048x128xf32, #tpu.memory_space<vmem_shared>> -> memref<10048x128xf32, #tpu.memory_space<vmem_shared>>
      tpu.wait_indirect_dma semaphore(%run_scoped3A_144 : memref<!tpu.dma_semaphore, #tpu.memory_space<semaphore_mem>>) src(%arg10 : memref<80x128xf32, #tpu.memory_space<vmem>>) dst(%dma_wait3A_156 : memref<10048x128xf32, #tpu.memory_space<vmem_shared>>)
      tpu.yield
    }) : () -> ()
    "tpu.region"() ({
      %run_scoped3A_144 = tpu.sem_alloc : memref<!tpu.dma_semaphore, #tpu.memory_space<semaphore_mem>>
      %dma_start3A_145 = arith.constant 32 : i32
      %dma_start3A_146 = arith.constant 0 : i32
      %dma_start3A_147 = tpu.memref_slice %arg3[%add3A, %dma_start3A_145, %dma_start3A_146] : memref<32x128x80xi32, #tpu.memory_space<hbm>> -> memref<1x32x80xi32, #tpu.memory_space<hbm>>
      %dma_start3A_148 = tpu.memref_squeeze %dma_start3A_147 : memref<1x32x80xi32, #tpu.memory_space<hbm>> -> memref<32x80xi32, #tpu.memory_space<hbm>>
      %dma_start3A_149 = arith.constant 32 : i32
      %dma_start3A_150 = arith.constant 0 : i32
      %dma_start3A_151 = tpu.memref_slice %arg3[%add3A, %dma_start3A_149, %dma_start3A_150] : memref<32x128x80xi32, #tpu.memory_space<hbm>> -> memref<1x32x80xi32, #tpu.memory_space<hbm>>
      %dma_start3A_152 = tpu.memref_squeeze %dma_start3A_151 : memref<1x32x80xi32, #tpu.memory_space<hbm>> -> memref<32x80xi32, #tpu.memory_space<hbm>>
      tpu.enqueue_dma source(%dma_start3A_152 : memref<32x80xi32, #tpu.memory_space<hbm>>) target(%arg7 : memref<32x80xi32, #tpu.memory_space<vmem>>) target_semaphore(%run_scoped3A_144 : memref<!tpu.dma_semaphore, #tpu.memory_space<semaphore_mem>>)
      %dma_wait3A_153 = arith.constant 32 : i32
      %dma_wait3A_154 = arith.constant 0 : i32
      %dma_wait3A_155 = tpu.memref_slice %arg3[%add3A, %dma_wait3A_153, %dma_wait3A_154] : memref<32x128x80xi32, #tpu.memory_space<hbm>> -> memref<1x32x80xi32, #tpu.memory_space<hbm>>
      %dma_wait3A_156 = tpu.memref_squeeze %dma_wait3A_155 : memref<1x32x80xi32, #tpu.memory_space<hbm>> -> memref<32x80xi32, #tpu.memory_space<hbm>>
      %dma_wait3A_157 = arith.constant 32 : i32
      %dma_wait3A_158 = arith.constant 0 : i32
      %dma_wait3A_159 = tpu.memref_slice %arg3[%add3A, %dma_wait3A_157, %dma_wait3A_158] : memref<32x128x80xi32, #tpu.memory_space<hbm>> -> memref<1x32x80xi32, #tpu.memory_space<hbm>>
      %dma_wait3A_160 = tpu.memref_squeeze %dma_wait3A_159 : memref<1x32x80xi32, #tpu.memory_space<hbm>> -> memref<32x80xi32, #tpu.memory_space<hbm>>
      tpu.wait_dma2 semaphore(%run_scoped3A_144 : memref<!tpu.dma_semaphore, #tpu.memory_space<semaphore_mem>>) src(%dma_wait3A_160 : memref<32x80xi32, #tpu.memory_space<hbm>>) dst(%arg7 : memref<32x80xi32, #tpu.memory_space<vmem>>)
      tpu.yield
    }) : () -> ()
    "tpu.region"() ({
      %run_scoped3A_144 = tpu.sem_alloc : memref<!tpu.dma_semaphore, #tpu.memory_space<semaphore_mem>>
      %dma_start3A_145 = arith.constant 32 : i32
      %dma_start3A_146 = arith.constant 0 : i32
      %dma_start3A_147 = tpu.memref_slice %arg4[%add3A, %dma_start3A_145, %dma_start3A_146] : memref<32x128x80xi32, #tpu.memory_space<hbm>> -> memref<1x32x80xi32, #tpu.memory_space<hbm>>
      %dma_start3A_148 = tpu.memref_squeeze %dma_start3A_147 : memref<1x32x80xi32, #tpu.memory_space<hbm>> -> memref<32x80xi32, #tpu.memory_space<hbm>>
      %dma_start3A_149 = arith.constant 32 : i32
      %dma_start3A_150 = arith.constant 0 : i32
      %dma_start3A_151 = tpu.memref_slice %arg4[%add3A, %dma_start3A_149, %dma_start3A_150] : memref<32x128x80xi32, #tpu.memory_space<hbm>> -> memref<1x32x80xi32, #tpu.memory_space<hbm>>
      %dma_start3A_152 = tpu.memref_squeeze %dma_start3A_151 : memref<1x32x80xi32, #tpu.memory_space<hbm>> -> memref<32x80xi32, #tpu.memory_space<hbm>>
      tpu.enqueue_dma source(%dma_start3A_152 : memref<32x80xi32, #tpu.memory_space<hbm>>) target(%arg8 : memref<32x80xi32, #tpu.memory_space<vmem>>) target_semaphore(%run_scoped3A_144 : memref<!tpu.dma_semaphore, #tpu.memory_space<semaphore_mem>>)
      %dma_wait3A_153 = arith.constant 32 : i32
      %dma_wait3A_154 = arith.constant 0 : i32
      %dma_wait3A_155 = tpu.memref_slice %arg4[%add3A, %dma_wait3A_153, %dma_wait3A_154] : memref<32x128x80xi32, #tpu.memory_space<hbm>> -> memref<1x32x80xi32, #tpu.memory_space<hbm>>
      %dma_wait3A_156 = tpu.memref_squeeze %dma_wait3A_155 : memref<1x32x80xi32, #tpu.memory_space<hbm>> -> memref<32x80xi32, #tpu.memory_space<hbm>>
      %dma_wait3A_157 = arith.constant 32 : i32
      %dma_wait3A_158 = arith.constant 0 : i32
      %dma_wait3A_159 = tpu.memref_slice %arg4[%add3A, %dma_wait3A_157, %dma_wait3A_158] : memref<32x128x80xi32, #tpu.memory_space<hbm>> -> memref<1x32x80xi32, #tpu.memory_space<hbm>>
      %dma_wait3A_160 = tpu.memref_squeeze %dma_wait3A_159 : memref<1x32x80xi32, #tpu.memory_space<hbm>> -> memref<32x80xi32, #tpu.memory_space<hbm>>
      tpu.wait_dma2 semaphore(%run_scoped3A_144 : memref<!tpu.dma_semaphore, #tpu.memory_space<semaphore_mem>>) src(%dma_wait3A_160 : memref<32x80xi32, #tpu.memory_space<hbm>>) dst(%arg8 : memref<32x80xi32, #tpu.memory_space<vmem>>)
      tpu.yield
    }) : () -> ()
    %dma_start3A_35 = arith.constant 0 : i32
    %dma_start3A_36 = arith.constant 0 : i32
    %dma_start3A_37 = tpu.memref_slice %arg7[%dma_start3A_35, %dma_start3A_36] : memref<32x80xi32, #tpu.memory_space<vmem>> -> memref<1x80xi32, #tpu.memory_space<vmem>>
    %dma_start3A_38 = tpu.memref_squeeze %dma_start3A_37 : memref<1x80xi32, #tpu.memory_space<vmem>> -> memref<80xi32, #tpu.memory_space<vmem>>
    %dma_start3A_39 = arith.constant 0 : i32
    %dma_start3A_40 = arith.constant 0 : i32
    %dma_start3A_41 = tpu.memref_slice %arg2[%dma_start3A_39, %dma_start3A_40] : memref<10000x128xf32, #tpu.memory_space<hbm>> -> memref<10000x128xf32, #tpu.memory_space<hbm>>
    tpu.enqueue_indirect_dma source(%dma_start3A_41 : memref<10000x128xf32, #tpu.memory_space<hbm>>) target(%arg9 : memref<80x128xf32, #tpu.memory_space<vmem>>) offsets(%dma_start3A_38 : memref<80xi32, #tpu.memory_space<vmem>>) semaphore(%arg13 : memref<!tpu.dma_semaphore, #tpu.memory_space<semaphore_mem>>)
    %dma_start3A_42 = arith.constant 1 : i32
    %dma_start3A_43 = arith.constant 0 : i32
    %dma_start3A_44 = tpu.memref_slice %arg7[%dma_start3A_42, %dma_start3A_43] : memref<32x80xi32, #tpu.memory_space<vmem>> -> memref<1x80xi32, #tpu.memory_space<vmem>>
    %dma_start3A_45 = tpu.memref_squeeze %dma_start3A_44 : memref<1x80xi32, #tpu.memory_space<vmem>> -> memref<80xi32, #tpu.memory_space<vmem>>
    %dma_start3A_46 = arith.constant 0 : i32
    %dma_start3A_47 = arith.constant 0 : i32
    %dma_start3A_48 = tpu.memref_slice %arg2[%dma_start3A_46, %dma_start3A_47] : memref<10000x128xf32, #tpu.memory_space<hbm>> -> memref<10000x128xf32, #tpu.memory_space<hbm>>
    tpu.enqueue_indirect_dma source(%dma_start3A_48 : memref<10000x128xf32, #tpu.memory_space<hbm>>) target(%arg10 : memref<80x128xf32, #tpu.memory_space<vmem>>) offsets(%dma_start3A_45 : memref<80xi32, #tpu.memory_space<vmem>>) semaphore(%arg14 : memref<!tpu.dma_semaphore, #tpu.memory_space<semaphore_mem>>)
    %scan3A_49 = arith.constant 0 : i32
    %scan3A_50 = arith.constant 0 : i32
    %scan3A_51 = arith.constant 10 : i32
    %scan3A_52 = arith.addi %scan3A_50, %scan3A_51 : i32
    %scan3A_53 = arith.constant 1 : i32
    scf.for %scan3A_144 = %scan3A_50 to %scan3A_52 step %scan3A_53  : i32 {
      %mul3A_145 = arith.constant 3 : i32
      %mul3A_146 = arith.muli %mul3A_145, %scan3A_144 : i32
      %add3A_147 = arith.constant 2 : i32
      %add3A_148 = arith.addi %mul3A_146, %add3A_147 : i32
      %dma_start3A_149 = arith.constant 0 : i32
      %dma_start3A_150 = tpu.memref_slice %arg7[%add3A_148, %dma_start3A_149] : memref<32x80xi32, #tpu.memory_space<vmem>> -> memref<1x80xi32, #tpu.memory_space<vmem>>
      %dma_start3A_151 = tpu.memref_squeeze %dma_start3A_150 : memref<1x80xi32, #tpu.memory_space<vmem>> -> memref<80xi32, #tpu.memory_space<vmem>>
      %dma_start3A_152 = arith.constant 0 : i32
      %dma_start3A_153 = arith.constant 0 : i32
      %dma_start3A_154 = tpu.memref_slice %arg2[%dma_start3A_152, %dma_start3A_153] : memref<10000x128xf32, #tpu.memory_space<hbm>> -> memref<10000x128xf32, #tpu.memory_space<hbm>>
      tpu.enqueue_indirect_dma source(%dma_start3A_154 : memref<10000x128xf32, #tpu.memory_space<hbm>>) target(%arg11 : memref<80x128xf32, #tpu.memory_space<vmem>>) offsets(%dma_start3A_151 : memref<80xi32, #tpu.memory_space<vmem>>) semaphore(%arg15 : memref<!tpu.dma_semaphore, #tpu.memory_space<semaphore_mem>>)
      %dma_wait3A_155 = arith.constant 0 : i32
      %dma_wait3A_156 = tpu.memref_slice %arg7[%mul3A_146, %dma_wait3A_155] : memref<32x80xi32, #tpu.memory_space<vmem>> -> memref<1x80xi32, #tpu.memory_space<vmem>>
      %dma_wait3A_157 = tpu.memref_squeeze %dma_wait3A_156 : memref<1x80xi32, #tpu.memory_space<vmem>> -> memref<80xi32, #tpu.memory_space<vmem>>
      %dma_wait3A_158 = arith.constant 0 : i32
      %dma_wait3A_159 = arith.constant 0 : i32
      %dma_wait3A_160 = tpu.memref_slice %arg2[%dma_wait3A_158, %dma_wait3A_159] : memref<10000x128xf32, #tpu.memory_space<hbm>> -> memref<10000x128xf32, #tpu.memory_space<hbm>>
      tpu.wait_indirect_dma semaphore(%arg13 : memref<!tpu.dma_semaphore, #tpu.memory_space<semaphore_mem>>) src(%dma_wait3A_160 : memref<10000x128xf32, #tpu.memory_space<hbm>>) dst(%arg9 : memref<80x128xf32, #tpu.memory_space<vmem>>)
      "tpu.region"() ({
        %run_scoped3A_197 = tpu.sem_alloc : memref<!tpu.dma_semaphore, #tpu.memory_space<semaphore_mem>>
        %dma_start3A_198 = arith.constant 0 : i32
        %dma_start3A_199 = tpu.memref_slice %arg8[%mul3A_146, %dma_start3A_198] : memref<32x80xi32, #tpu.memory_space<vmem>> -> memref<1x80xi32, #tpu.memory_space<vmem>>
        %dma_start3A_200 = tpu.memref_squeeze %dma_start3A_199 : memref<1x80xi32, #tpu.memory_space<vmem>> -> memref<80xi32, #tpu.memory_space<vmem>>
        %dma_start3A_201 = arith.constant 0 : i32
        %dma_start3A_202 = arith.constant 0 : i32
        %dma_start3A_203 = tpu.memref_slice %arg12[%dma_start3A_201, %dma_start3A_202] : memref<10048x128xf32, #tpu.memory_space<vmem_shared>> -> memref<10048x128xf32, #tpu.memory_space<vmem_shared>>
        tpu.enqueue_indirect_dma source(%arg9 : memref<80x128xf32, #tpu.memory_space<vmem>>) target(%dma_start3A_203 : memref<10048x128xf32, #tpu.memory_space<vmem_shared>>) offsets(%dma_start3A_200 : memref<80xi32, #tpu.memory_space<vmem>>) semaphore(%run_scoped3A_197 : memref<!tpu.dma_semaphore, #tpu.memory_space<semaphore_mem>>) {add = true}
        %dma_wait3A_204 = arith.constant 0 : i32
        %dma_wait3A_205 = tpu.memref_slice %arg8[%mul3A_146, %dma_wait3A_204] : memref<32x80xi32, #tpu.memory_space<vmem>> -> memref<1x80xi32, #tpu.memory_space<vmem>>
        %dma_wait3A_206 = tpu.memref_squeeze %dma_wait3A_205 : memref<1x80xi32, #tpu.memory_space<vmem>> -> memref<80xi32, #tpu.memory_space<vmem>>
        %dma_wait3A_207 = arith.constant 0 : i32
        %dma_wait3A_208 = arith.constant 0 : i32
        %dma_wait3A_209 = tpu.memref_slice %arg12[%dma_wait3A_207, %dma_wait3A_208] : memref<10048x128xf32, #tpu.memory_space<vmem_shared>> -> memref<10048x128xf32, #tpu.memory_space<vmem_shared>>
        tpu.wait_indirect_dma semaphore(%run_scoped3A_197 : memref<!tpu.dma_semaphore, #tpu.memory_space<semaphore_mem>>) src(%arg9 : memref<80x128xf32, #tpu.memory_space<vmem>>) dst(%dma_wait3A_209 : memref<10048x128xf32, #tpu.memory_space<vmem_shared>>)
        tpu.yield
      }) : () -> ()
      %add3A_161 = arith.constant 3 : i32
      %add3A_162 = arith.addi %mul3A_146, %add3A_161 : i32
      %dma_start3A_163 = arith.constant 0 : i32
      %dma_start3A_164 = tpu.memref_slice %arg7[%add3A_162, %dma_start3A_163] : memref<32x80xi32, #tpu.memory_space<vmem>> -> memref<1x80xi32, #tpu.memory_space<vmem>>
      %dma_start3A_165 = tpu.memref_squeeze %dma_start3A_164 : memref<1x80xi32, #tpu.memory_space<vmem>> -> memref<80xi32, #tpu.memory_space<vmem>>
      %dma_start3A_166 = arith.constant 0 : i32
      %dma_start3A_167 = arith.constant 0 : i32
      %dma_start3A_168 = tpu.memref_slice %arg2[%dma_start3A_166, %dma_start3A_167] : memref<10000x128xf32, #tpu.memory_space<hbm>> -> memref<10000x128xf32, #tpu.memory_space<hbm>>
      tpu.enqueue_indirect_dma source(%dma_start3A_168 : memref<10000x128xf32, #tpu.memory_space<hbm>>) target(%arg9 : memref<80x128xf32, #tpu.memory_space<vmem>>) offsets(%dma_start3A_165 : memref<80xi32, #tpu.memory_space<vmem>>) semaphore(%arg13 : memref<!tpu.dma_semaphore, #tpu.memory_space<semaphore_mem>>)
      %add3A_169 = arith.constant 1 : i32
      %add3A_170 = arith.addi %mul3A_146, %add3A_169 : i32
      %dma_wait3A_171 = arith.constant 0 : i32
      %dma_wait3A_172 = tpu.memref_slice %arg7[%add3A_170, %dma_wait3A_171] : memref<32x80xi32, #tpu.memory_space<vmem>> -> memref<1x80xi32, #tpu.memory_space<vmem>>
      %dma_wait3A_173 = tpu.memref_squeeze %dma_wait3A_172 : memref<1x80xi32, #tpu.memory_space<vmem>> -> memref<80xi32, #tpu.memory_space<vmem>>
      %dma_wait3A_174 = arith.constant 0 : i32
      %dma_wait3A_175 = arith.constant 0 : i32
      %dma_wait3A_176 = tpu.memref_slice %arg2[%dma_wait3A_174, %dma_wait3A_175] : memref<10000x128xf32, #tpu.memory_space<hbm>> -> memref<10000x128xf32, #tpu.memory_space<hbm>>
      tpu.wait_indirect_dma semaphore(%arg14 : memref<!tpu.dma_semaphore, #tpu.memory_space<semaphore_mem>>) src(%dma_wait3A_176 : memref<10000x128xf32, #tpu.memory_space<hbm>>) dst(%arg10 : memref<80x128xf32, #tpu.memory_space<vmem>>)
      %add3A_177 = arith.constant 1 : i32
      %add3A_178 = arith.addi %mul3A_146, %add3A_177 : i32
      "tpu.region"() ({
        %run_scoped3A_197 = tpu.sem_alloc : memref<!tpu.dma_semaphore, #tpu.memory_space<semaphore_mem>>
        %dma_start3A_198 = arith.constant 0 : i32
        %dma_start3A_199 = tpu.memref_slice %arg8[%add3A_178, %dma_start3A_198] : memref<32x80xi32, #tpu.memory_space<vmem>> -> memref<1x80xi32, #tpu.memory_space<vmem>>
        %dma_start3A_200 = tpu.memref_squeeze %dma_start3A_199 : memref<1x80xi32, #tpu.memory_space<vmem>> -> memref<80xi32, #tpu.memory_space<vmem>>
        %dma_start3A_201 = arith.constant 0 : i32
        %dma_start3A_202 = arith.constant 0 : i32
        %dma_start3A_203 = tpu.memref_slice %arg12[%dma_start3A_201, %dma_start3A_202] : memref<10048x128xf32, #tpu.memory_space<vmem_shared>> -> memref<10048x128xf32, #tpu.memory_space<vmem_shared>>
        tpu.enqueue_indirect_dma source(%arg10 : memref<80x128xf32, #tpu.memory_space<vmem>>) target(%dma_start3A_203 : memref<10048x128xf32, #tpu.memory_space<vmem_shared>>) offsets(%dma_start3A_200 : memref<80xi32, #tpu.memory_space<vmem>>) semaphore(%run_scoped3A_197 : memref<!tpu.dma_semaphore, #tpu.memory_space<semaphore_mem>>) {add = true}
        %dma_wait3A_204 = arith.constant 0 : i32
        %dma_wait3A_205 = tpu.memref_slice %arg8[%add3A_178, %dma_wait3A_204] : memref<32x80xi32, #tpu.memory_space<vmem>> -> memref<1x80xi32, #tpu.memory_space<vmem>>
        %dma_wait3A_206 = tpu.memref_squeeze %dma_wait3A_205 : memref<1x80xi32, #tpu.memory_space<vmem>> -> memref<80xi32, #tpu.memory_space<vmem>>
        %dma_wait3A_207 = arith.constant 0 : i32
        %dma_wait3A_208 = arith.constant 0 : i32
        %dma_wait3A_209 = tpu.memref_slice %arg12[%dma_wait3A_207, %dma_wait3A_208] : memref<10048x128xf32, #tpu.memory_space<vmem_shared>> -> memref<10048x128xf32, #tpu.memory_space<vmem_shared>>
        tpu.wait_indirect_dma semaphore(%run_scoped3A_197 : memref<!tpu.dma_semaphore, #tpu.memory_space<semaphore_mem>>) src(%arg10 : memref<80x128xf32, #tpu.memory_space<vmem>>) dst(%dma_wait3A_209 : memref<10048x128xf32, #tpu.memory_space<vmem_shared>>)
        tpu.yield
      }) : () -> ()
      %add3A_179 = arith.constant 4 : i32
      %add3A_180 = arith.addi %mul3A_146, %add3A_179 : i32
      %dma_start3A_181 = arith.constant 0 : i32
      %dma_start3A_182 = tpu.memref_slice %arg7[%add3A_180, %dma_start3A_181] : memref<32x80xi32, #tpu.memory_space<vmem>> -> memref<1x80xi32, #tpu.memory_space<vmem>>
      %dma_start3A_183 = tpu.memref_squeeze %dma_start3A_182 : memref<1x80xi32, #tpu.memory_space<vmem>> -> memref<80xi32, #tpu.memory_space<vmem>>
      %dma_start3A_184 = arith.constant 0 : i32
      %dma_start3A_185 = arith.constant 0 : i32
      %dma_start3A_186 = tpu.memref_slice %arg2[%dma_start3A_184, %dma_start3A_185] : memref<10000x128xf32, #tpu.memory_space<hbm>> -> memref<10000x128xf32, #tpu.memory_space<hbm>>
      tpu.enqueue_indirect_dma source(%dma_start3A_186 : memref<10000x128xf32, #tpu.memory_space<hbm>>) target(%arg10 : memref<80x128xf32, #tpu.memory_space<vmem>>) offsets(%dma_start3A_183 : memref<80xi32, #tpu.memory_space<vmem>>) semaphore(%arg14 : memref<!tpu.dma_semaphore, #tpu.memory_space<semaphore_mem>>)
      %add3A_187 = arith.constant 2 : i32
      %add3A_188 = arith.addi %mul3A_146, %add3A_187 : i32
      %dma_wait3A_189 = arith.constant 0 : i32
      %dma_wait3A_190 = tpu.memref_slice %arg7[%add3A_188, %dma_wait3A_189] : memref<32x80xi32, #tpu.memory_space<vmem>> -> memref<1x80xi32, #tpu.memory_space<vmem>>
      %dma_wait3A_191 = tpu.memref_squeeze %dma_wait3A_190 : memref<1x80xi32, #tpu.memory_space<vmem>> -> memref<80xi32, #tpu.memory_space<vmem>>
      %dma_wait3A_192 = arith.constant 0 : i32
      %dma_wait3A_193 = arith.constant 0 : i32
      %dma_wait3A_194 = tpu.memref_slice %arg2[%dma_wait3A_192, %dma_wait3A_193] : memref<10000x128xf32, #tpu.memory_space<hbm>> -> memref<10000x128xf32, #tpu.memory_space<hbm>>
      tpu.wait_indirect_dma semaphore(%arg15 : memref<!tpu.dma_semaphore, #tpu.memory_space<semaphore_mem>>) src(%dma_wait3A_194 : memref<10000x128xf32, #tpu.memory_space<hbm>>) dst(%arg11 : memref<80x128xf32, #tpu.memory_space<vmem>>)
      %add3A_195 = arith.constant 2 : i32
      %add3A_196 = arith.addi %mul3A_146, %add3A_195 : i32
      "tpu.region"() ({
        %run_scoped3A_197 = tpu.sem_alloc : memref<!tpu.dma_semaphore, #tpu.memory_space<semaphore_mem>>
        %dma_start3A_198 = arith.constant 0 : i32
        %dma_start3A_199 = tpu.memref_slice %arg8[%add3A_196, %dma_start3A_198] : memref<32x80xi32, #tpu.memory_space<vmem>> -> memref<1x80xi32, #tpu.memory_space<vmem>>
        %dma_start3A_200 = tpu.memref_squeeze %dma_start3A_199 : memref<1x80xi32, #tpu.memory_space<vmem>> -> memref<80xi32, #tpu.memory_space<vmem>>
        %dma_start3A_201 = arith.constant 0 : i32
        %dma_start3A_202 = arith.constant 0 : i32
        %dma_start3A_203 = tpu.memref_slice %arg12[%dma_start3A_201, %dma_start3A_202] : memref<10048x128xf32, #tpu.memory_space<vmem_shared>> -> memref<10048x128xf32, #tpu.memory_space<vmem_shared>>
        tpu.enqueue_indirect_dma source(%arg11 : memref<80x128xf32, #tpu.memory_space<vmem>>) target(%dma_start3A_203 : memref<10048x128xf32, #tpu.memory_space<vmem_shared>>) offsets(%dma_start3A_200 : memref<80xi32, #tpu.memory_space<vmem>>) semaphore(%run_scoped3A_197 : memref<!tpu.dma_semaphore, #tpu.memory_space<semaphore_mem>>) {add = true}
        %dma_wait3A_204 = arith.constant 0 : i32
        %dma_wait3A_205 = tpu.memref_slice %arg8[%add3A_196, %dma_wait3A_204] : memref<32x80xi32, #tpu.memory_space<vmem>> -> memref<1x80xi32, #tpu.memory_space<vmem>>
        %dma_wait3A_206 = tpu.memref_squeeze %dma_wait3A_205 : memref<1x80xi32, #tpu.memory_space<vmem>> -> memref<80xi32, #tpu.memory_space<vmem>>
        %dma_wait3A_207 = arith.constant 0 : i32
        %dma_wait3A_208 = arith.constant 0 : i32
        %dma_wait3A_209 = tpu.memref_slice %arg12[%dma_wait3A_207, %dma_wait3A_208] : memref<10048x128xf32, #tpu.memory_space<vmem_shared>> -> memref<10048x128xf32, #tpu.memory_space<vmem_shared>>
        tpu.wait_indirect_dma semaphore(%run_scoped3A_197 : memref<!tpu.dma_semaphore, #tpu.memory_space<semaphore_mem>>) src(%arg11 : memref<80x128xf32, #tpu.memory_space<vmem>>) dst(%dma_wait3A_209 : memref<10048x128xf32, #tpu.memory_space<vmem_shared>>)
        tpu.yield
      }) : () -> ()
    }
    %scan3A_54 = arith.constant 10 : i32
    %dma_wait3A_55 = arith.constant 30 : i32
    %dma_wait3A_56 = arith.constant 0 : i32
    %dma_wait3A_57 = tpu.memref_slice %arg7[%dma_wait3A_55, %dma_wait3A_56] : memref<32x80xi32, #tpu.memory_space<vmem>> -> memref<1x80xi32, #tpu.memory_space<vmem>>
    %dma_wait3A_58 = tpu.memref_squeeze %dma_wait3A_57 : memref<1x80xi32, #tpu.memory_space<vmem>> -> memref<80xi32, #tpu.memory_space<vmem>>
    %dma_wait3A_59 = arith.constant 0 : i32
    %dma_wait3A_60 = arith.constant 0 : i32
    %dma_wait3A_61 = tpu.memref_slice %arg2[%dma_wait3A_59, %dma_wait3A_60] : memref<10000x128xf32, #tpu.memory_space<hbm>> -> memref<10000x128xf32, #tpu.memory_space<hbm>>
    tpu.wait_indirect_dma semaphore(%arg13 : memref<!tpu.dma_semaphore, #tpu.memory_space<semaphore_mem>>) src(%dma_wait3A_61 : memref<10000x128xf32, #tpu.memory_space<hbm>>) dst(%arg9 : memref<80x128xf32, #tpu.memory_space<vmem>>)
    %run_scoped3A_62 = arith.constant 30 : i32
    "tpu.region"() ({
      %run_scoped3A_144 = tpu.sem_alloc : memref<!tpu.dma_semaphore, #tpu.memory_space<semaphore_mem>>
      %dma_start3A_145 = arith.constant 0 : i32
      %dma_start3A_146 = tpu.memref_slice %arg8[%run_scoped3A_62, %dma_start3A_145] : memref<32x80xi32, #tpu.memory_space<vmem>> -> memref<1x80xi32, #tpu.memory_space<vmem>>
      %dma_start3A_147 = tpu.memref_squeeze %dma_start3A_146 : memref<1x80xi32, #tpu.memory_space<vmem>> -> memref<80xi32, #tpu.memory_space<vmem>>
      %dma_start3A_148 = arith.constant 0 : i32
      %dma_start3A_149 = arith.constant 0 : i32
      %dma_start3A_150 = tpu.memref_slice %arg12[%dma_start3A_148, %dma_start3A_149] : memref<10048x128xf32, #tpu.memory_space<vmem_shared>> -> memref<10048x128xf32, #tpu.memory_space<vmem_shared>>
      tpu.enqueue_indirect_dma source(%arg9 : memref<80x128xf32, #tpu.memory_space<vmem>>) target(%dma_start3A_150 : memref<10048x128xf32, #tpu.memory_space<vmem_shared>>) offsets(%dma_start3A_147 : memref<80xi32, #tpu.memory_space<vmem>>) semaphore(%run_scoped3A_144 : memref<!tpu.dma_semaphore, #tpu.memory_space<semaphore_mem>>) {add = true}
      %dma_wait3A_151 = arith.constant 0 : i32
      %dma_wait3A_152 = tpu.memref_slice %arg8[%run_scoped3A_62, %dma_wait3A_151] : memref<32x80xi32, #tpu.memory_space<vmem>> -> memref<1x80xi32, #tpu.memory_space<vmem>>
      %dma_wait3A_153 = tpu.memref_squeeze %dma_wait3A_152 : memref<1x80xi32, #tpu.memory_space<vmem>> -> memref<80xi32, #tpu.memory_space<vmem>>
      %dma_wait3A_154 = arith.constant 0 : i32
      %dma_wait3A_155 = arith.constant 0 : i32
      %dma_wait3A_156 = tpu.memref_slice %arg12[%dma_wait3A_154, %dma_wait3A_155] : memref<10048x128xf32, #tpu.memory_space<vmem_shared>> -> memref<10048x128xf32, #tpu.memory_space<vmem_shared>>
      tpu.wait_indirect_dma semaphore(%run_scoped3A_144 : memref<!tpu.dma_semaphore, #tpu.memory_space<semaphore_mem>>) src(%arg9 : memref<80x128xf32, #tpu.memory_space<vmem>>) dst(%dma_wait3A_156 : memref<10048x128xf32, #tpu.memory_space<vmem_shared>>)
      tpu.yield
    }) : () -> ()
    %dma_wait3A_63 = arith.constant 31 : i32
    %dma_wait3A_64 = arith.constant 0 : i32
    %dma_wait3A_65 = tpu.memref_slice %arg7[%dma_wait3A_63, %dma_wait3A_64] : memref<32x80xi32, #tpu.memory_space<vmem>> -> memref<1x80xi32, #tpu.memory_space<vmem>>
    %dma_wait3A_66 = tpu.memref_squeeze %dma_wait3A_65 : memref<1x80xi32, #tpu.memory_space<vmem>> -> memref<80xi32, #tpu.memory_space<vmem>>
    %dma_wait3A_67 = arith.constant 0 : i32
    %dma_wait3A_68 = arith.constant 0 : i32
    %dma_wait3A_69 = tpu.memref_slice %arg2[%dma_wait3A_67, %dma_wait3A_68] : memref<10000x128xf32, #tpu.memory_space<hbm>> -> memref<10000x128xf32, #tpu.memory_space<hbm>>
    tpu.wait_indirect_dma semaphore(%arg14 : memref<!tpu.dma_semaphore, #tpu.memory_space<semaphore_mem>>) src(%dma_wait3A_69 : memref<10000x128xf32, #tpu.memory_space<hbm>>) dst(%arg10 : memref<80x128xf32, #tpu.memory_space<vmem>>)
    %run_scoped3A_70 = arith.constant 31 : i32
    "tpu.region"() ({
      %run_scoped3A_144 = tpu.sem_alloc : memref<!tpu.dma_semaphore, #tpu.memory_space<semaphore_mem>>
      %dma_start3A_145 = arith.constant 0 : i32
      %dma_start3A_146 = tpu.memref_slice %arg8[%run_scoped3A_70, %dma_start3A_145] : memref<32x80xi32, #tpu.memory_space<vmem>> -> memref<1x80xi32, #tpu.memory_space<vmem>>
      %dma_start3A_147 = tpu.memref_squeeze %dma_start3A_146 : memref<1x80xi32, #tpu.memory_space<vmem>> -> memref<80xi32, #tpu.memory_space<vmem>>
      %dma_start3A_148 = arith.constant 0 : i32
      %dma_start3A_149 = arith.constant 0 : i32
      %dma_start3A_150 = tpu.memref_slice %arg12[%dma_start3A_148, %dma_start3A_149] : memref<10048x128xf32, #tpu.memory_space<vmem_shared>> -> memref<10048x128xf32, #tpu.memory_space<vmem_shared>>
      tpu.enqueue_indirect_dma source(%arg10 : memref<80x128xf32, #tpu.memory_space<vmem>>) target(%dma_start3A_150 : memref<10048x128xf32, #tpu.memory_space<vmem_shared>>) offsets(%dma_start3A_147 : memref<80xi32, #tpu.memory_space<vmem>>) semaphore(%run_scoped3A_144 : memref<!tpu.dma_semaphore, #tpu.memory_space<semaphore_mem>>) {add = true}
      %dma_wait3A_151 = arith.constant 0 : i32
      %dma_wait3A_152 = tpu.memref_slice %arg8[%run_scoped3A_70, %dma_wait3A_151] : memref<32x80xi32, #tpu.memory_space<vmem>> -> memref<1x80xi32, #tpu.memory_space<vmem>>
      %dma_wait3A_153 = tpu.memref_squeeze %dma_wait3A_152 : memref<1x80xi32, #tpu.memory_space<vmem>> -> memref<80xi32, #tpu.memory_space<vmem>>
      %dma_wait3A_154 = arith.constant 0 : i32
      %dma_wait3A_155 = arith.constant 0 : i32
      %dma_wait3A_156 = tpu.memref_slice %arg12[%dma_wait3A_154, %dma_wait3A_155] : memref<10048x128xf32, #tpu.memory_space<vmem_shared>> -> memref<10048x128xf32, #tpu.memory_space<vmem_shared>>
      tpu.wait_indirect_dma semaphore(%run_scoped3A_144 : memref<!tpu.dma_semaphore, #tpu.memory_space<semaphore_mem>>) src(%arg10 : memref<80x128xf32, #tpu.memory_space<vmem>>) dst(%dma_wait3A_156 : memref<10048x128xf32, #tpu.memory_space<vmem_shared>>)
      tpu.yield
    }) : () -> ()
    "tpu.region"() ({
      %run_scoped3A_144 = tpu.sem_alloc : memref<!tpu.dma_semaphore, #tpu.memory_space<semaphore_mem>>
      %dma_start3A_145 = arith.constant 64 : i32
      %dma_start3A_146 = arith.constant 0 : i32
      %dma_start3A_147 = tpu.memref_slice %arg3[%add3A, %dma_start3A_145, %dma_start3A_146] : memref<32x128x80xi32, #tpu.memory_space<hbm>> -> memref<1x32x80xi32, #tpu.memory_space<hbm>>
      %dma_start3A_148 = tpu.memref_squeeze %dma_start3A_147 : memref<1x32x80xi32, #tpu.memory_space<hbm>> -> memref<32x80xi32, #tpu.memory_space<hbm>>
      %dma_start3A_149 = arith.constant 64 : i32
      %dma_start3A_150 = arith.constant 0 : i32
      %dma_start3A_151 = tpu.memref_slice %arg3[%add3A, %dma_start3A_149, %dma_start3A_150] : memref<32x128x80xi32, #tpu.memory_space<hbm>> -> memref<1x32x80xi32, #tpu.memory_space<hbm>>
      %dma_start3A_152 = tpu.memref_squeeze %dma_start3A_151 : memref<1x32x80xi32, #tpu.memory_space<hbm>> -> memref<32x80xi32, #tpu.memory_space<hbm>>
      tpu.enqueue_dma source(%dma_start3A_152 : memref<32x80xi32, #tpu.memory_space<hbm>>) target(%arg7 : memref<32x80xi32, #tpu.memory_space<vmem>>) target_semaphore(%run_scoped3A_144 : memref<!tpu.dma_semaphore, #tpu.memory_space<semaphore_mem>>)
      %dma_wait3A_153 = arith.constant 64 : i32
      %dma_wait3A_154 = arith.constant 0 : i32
      %dma_wait3A_155 = tpu.memref_slice %arg3[%add3A, %dma_wait3A_153, %dma_wait3A_154] : memref<32x128x80xi32, #tpu.memory_space<hbm>> -> memref<1x32x80xi32, #tpu.memory_space<hbm>>
      %dma_wait3A_156 = tpu.memref_squeeze %dma_wait3A_155 : memref<1x32x80xi32, #tpu.memory_space<hbm>> -> memref<32x80xi32, #tpu.memory_space<hbm>>
      %dma_wait3A_157 = arith.constant 64 : i32
      %dma_wait3A_158 = arith.constant 0 : i32
      %dma_wait3A_159 = tpu.memref_slice %arg3[%add3A, %dma_wait3A_157, %dma_wait3A_158] : memref<32x128x80xi32, #tpu.memory_space<hbm>> -> memref<1x32x80xi32, #tpu.memory_space<hbm>>
      %dma_wait3A_160 = tpu.memref_squeeze %dma_wait3A_159 : memref<1x32x80xi32, #tpu.memory_space<hbm>> -> memref<32x80xi32, #tpu.memory_space<hbm>>
      tpu.wait_dma2 semaphore(%run_scoped3A_144 : memref<!tpu.dma_semaphore, #tpu.memory_space<semaphore_mem>>) src(%dma_wait3A_160 : memref<32x80xi32, #tpu.memory_space<hbm>>) dst(%arg7 : memref<32x80xi32, #tpu.memory_space<vmem>>)
      tpu.yield
    }) : () -> ()
    "tpu.region"() ({
      %run_scoped3A_144 = tpu.sem_alloc : memref<!tpu.dma_semaphore, #tpu.memory_space<semaphore_mem>>
      %dma_start3A_145 = arith.constant 64 : i32
      %dma_start3A_146 = arith.constant 0 : i32
      %dma_start3A_147 = tpu.memref_slice %arg4[%add3A, %dma_start3A_145, %dma_start3A_146] : memref<32x128x80xi32, #tpu.memory_space<hbm>> -> memref<1x32x80xi32, #tpu.memory_space<hbm>>
      %dma_start3A_148 = tpu.memref_squeeze %dma_start3A_147 : memref<1x32x80xi32, #tpu.memory_space<hbm>> -> memref<32x80xi32, #tpu.memory_space<hbm>>
      %dma_start3A_149 = arith.constant 64 : i32
      %dma_start3A_150 = arith.constant 0 : i32
      %dma_start3A_151 = tpu.memref_slice %arg4[%add3A, %dma_start3A_149, %dma_start3A_150] : memref<32x128x80xi32, #tpu.memory_space<hbm>> -> memref<1x32x80xi32, #tpu.memory_space<hbm>>
      %dma_start3A_152 = tpu.memref_squeeze %dma_start3A_151 : memref<1x32x80xi32, #tpu.memory_space<hbm>> -> memref<32x80xi32, #tpu.memory_space<hbm>>
      tpu.enqueue_dma source(%dma_start3A_152 : memref<32x80xi32, #tpu.memory_space<hbm>>) target(%arg8 : memref<32x80xi32, #tpu.memory_space<vmem>>) target_semaphore(%run_scoped3A_144 : memref<!tpu.dma_semaphore, #tpu.memory_space<semaphore_mem>>)
      %dma_wait3A_153 = arith.constant 64 : i32
      %dma_wait3A_154 = arith.constant 0 : i32
      %dma_wait3A_155 = tpu.memref_slice %arg4[%add3A, %dma_wait3A_153, %dma_wait3A_154] : memref<32x128x80xi32, #tpu.memory_space<hbm>> -> memref<1x32x80xi32, #tpu.memory_space<hbm>>
      %dma_wait3A_156 = tpu.memref_squeeze %dma_wait3A_155 : memref<1x32x80xi32, #tpu.memory_space<hbm>> -> memref<32x80xi32, #tpu.memory_space<hbm>>
      %dma_wait3A_157 = arith.constant 64 : i32
      %dma_wait3A_158 = arith.constant 0 : i32
      %dma_wait3A_159 = tpu.memref_slice %arg4[%add3A, %dma_wait3A_157, %dma_wait3A_158] : memref<32x128x80xi32, #tpu.memory_space<hbm>> -> memref<1x32x80xi32, #tpu.memory_space<hbm>>
      %dma_wait3A_160 = tpu.memref_squeeze %dma_wait3A_159 : memref<1x32x80xi32, #tpu.memory_space<hbm>> -> memref<32x80xi32, #tpu.memory_space<hbm>>
      tpu.wait_dma2 semaphore(%run_scoped3A_144 : memref<!tpu.dma_semaphore, #tpu.memory_space<semaphore_mem>>) src(%dma_wait3A_160 : memref<32x80xi32, #tpu.memory_space<hbm>>) dst(%arg8 : memref<32x80xi32, #tpu.memory_space<vmem>>)
      tpu.yield
    }) : () -> ()
    %dma_start3A_71 = arith.constant 0 : i32
    %dma_start3A_72 = arith.constant 0 : i32
    %dma_start3A_73 = tpu.memref_slice %arg7[%dma_start3A_71, %dma_start3A_72] : memref<32x80xi32, #tpu.memory_space<vmem>> -> memref<1x80xi32, #tpu.memory_space<vmem>>
    %dma_start3A_74 = tpu.memref_squeeze %dma_start3A_73 : memref<1x80xi32, #tpu.memory_space<vmem>> -> memref<80xi32, #tpu.memory_space<vmem>>
    %dma_start3A_75 = arith.constant 0 : i32
    %dma_start3A_76 = arith.constant 0 : i32
    %dma_start3A_77 = tpu.memref_slice %arg2[%dma_start3A_75, %dma_start3A_76] : memref<10000x128xf32, #tpu.memory_space<hbm>> -> memref<10000x128xf32, #tpu.memory_space<hbm>>
    tpu.enqueue_indirect_dma source(%dma_start3A_77 : memref<10000x128xf32, #tpu.memory_space<hbm>>) target(%arg9 : memref<80x128xf32, #tpu.memory_space<vmem>>) offsets(%dma_start3A_74 : memref<80xi32, #tpu.memory_space<vmem>>) semaphore(%arg13 : memref<!tpu.dma_semaphore, #tpu.memory_space<semaphore_mem>>)
    %dma_start3A_78 = arith.constant 1 : i32
    %dma_start3A_79 = arith.constant 0 : i32
    %dma_start3A_80 = tpu.memref_slice %arg7[%dma_start3A_78, %dma_start3A_79] : memref<32x80xi32, #tpu.memory_space<vmem>> -> memref<1x80xi32, #tpu.memory_space<vmem>>
    %dma_start3A_81 = tpu.memref_squeeze %dma_start3A_80 : memref<1x80xi32, #tpu.memory_space<vmem>> -> memref<80xi32, #tpu.memory_space<vmem>>
    %dma_start3A_82 = arith.constant 0 : i32
    %dma_start3A_83 = arith.constant 0 : i32
    %dma_start3A_84 = tpu.memref_slice %arg2[%dma_start3A_82, %dma_start3A_83] : memref<10000x128xf32, #tpu.memory_space<hbm>> -> memref<10000x128xf32, #tpu.memory_space<hbm>>
    tpu.enqueue_indirect_dma source(%dma_start3A_84 : memref<10000x128xf32, #tpu.memory_space<hbm>>) target(%arg10 : memref<80x128xf32, #tpu.memory_space<vmem>>) offsets(%dma_start3A_81 : memref<80xi32, #tpu.memory_space<vmem>>) semaphore(%arg14 : memref<!tpu.dma_semaphore, #tpu.memory_space<semaphore_mem>>)
    %scan3A_85 = arith.constant 0 : i32
    %scan3A_86 = arith.constant 0 : i32
    %scan3A_87 = arith.constant 10 : i32
    %scan3A_88 = arith.addi %scan3A_86, %scan3A_87 : i32
    %scan3A_89 = arith.constant 1 : i32
    scf.for %scan3A_144 = %scan3A_86 to %scan3A_88 step %scan3A_89  : i32 {
      %mul3A_145 = arith.constant 3 : i32
      %mul3A_146 = arith.muli %mul3A_145, %scan3A_144 : i32
      %add3A_147 = arith.constant 2 : i32
      %add3A_148 = arith.addi %mul3A_146, %add3A_147 : i32
      %dma_start3A_149 = arith.constant 0 : i32
      %dma_start3A_150 = tpu.memref_slice %arg7[%add3A_148, %dma_start3A_149] : memref<32x80xi32, #tpu.memory_space<vmem>> -> memref<1x80xi32, #tpu.memory_space<vmem>>
      %dma_start3A_151 = tpu.memref_squeeze %dma_start3A_150 : memref<1x80xi32, #tpu.memory_space<vmem>> -> memref<80xi32, #tpu.memory_space<vmem>>
      %dma_start3A_152 = arith.constant 0 : i32
      %dma_start3A_153 = arith.constant 0 : i32
      %dma_start3A_154 = tpu.memref_slice %arg2[%dma_start3A_152, %dma_start3A_153] : memref<10000x128xf32, #tpu.memory_space<hbm>> -> memref<10000x128xf32, #tpu.memory_space<hbm>>
      tpu.enqueue_indirect_dma source(%dma_start3A_154 : memref<10000x128xf32, #tpu.memory_space<hbm>>) target(%arg11 : memref<80x128xf32, #tpu.memory_space<vmem>>) offsets(%dma_start3A_151 : memref<80xi32, #tpu.memory_space<vmem>>) semaphore(%arg15 : memref<!tpu.dma_semaphore, #tpu.memory_space<semaphore_mem>>)
      %dma_wait3A_155 = arith.constant 0 : i32
      %dma_wait3A_156 = tpu.memref_slice %arg7[%mul3A_146, %dma_wait3A_155] : memref<32x80xi32, #tpu.memory_space<vmem>> -> memref<1x80xi32, #tpu.memory_space<vmem>>
      %dma_wait3A_157 = tpu.memref_squeeze %dma_wait3A_156 : memref<1x80xi32, #tpu.memory_space<vmem>> -> memref<80xi32, #tpu.memory_space<vmem>>
      %dma_wait3A_158 = arith.constant 0 : i32
      %dma_wait3A_159 = arith.constant 0 : i32
      %dma_wait3A_160 = tpu.memref_slice %arg2[%dma_wait3A_158, %dma_wait3A_159] : memref<10000x128xf32, #tpu.memory_space<hbm>> -> memref<10000x128xf32, #tpu.memory_space<hbm>>
      tpu.wait_indirect_dma semaphore(%arg13 : memref<!tpu.dma_semaphore, #tpu.memory_space<semaphore_mem>>) src(%dma_wait3A_160 : memref<10000x128xf32, #tpu.memory_space<hbm>>) dst(%arg9 : memref<80x128xf32, #tpu.memory_space<vmem>>)
      "tpu.region"() ({
        %run_scoped3A_197 = tpu.sem_alloc : memref<!tpu.dma_semaphore, #tpu.memory_space<semaphore_mem>>
        %dma_start3A_198 = arith.constant 0 : i32
        %dma_start3A_199 = tpu.memref_slice %arg8[%mul3A_146, %dma_start3A_198] : memref<32x80xi32, #tpu.memory_space<vmem>> -> memref<1x80xi32, #tpu.memory_space<vmem>>
        %dma_start3A_200 = tpu.memref_squeeze %dma_start3A_199 : memref<1x80xi32, #tpu.memory_space<vmem>> -> memref<80xi32, #tpu.memory_space<vmem>>
        %dma_start3A_201 = arith.constant 0 : i32
        %dma_start3A_202 = arith.constant 0 : i32
        %dma_start3A_203 = tpu.memref_slice %arg12[%dma_start3A_201, %dma_start3A_202] : memref<10048x128xf32, #tpu.memory_space<vmem_shared>> -> memref<10048x128xf32, #tpu.memory_space<vmem_shared>>
        tpu.enqueue_indirect_dma source(%arg9 : memref<80x128xf32, #tpu.memory_space<vmem>>) target(%dma_start3A_203 : memref<10048x128xf32, #tpu.memory_space<vmem_shared>>) offsets(%dma_start3A_200 : memref<80xi32, #tpu.memory_space<vmem>>) semaphore(%run_scoped3A_197 : memref<!tpu.dma_semaphore, #tpu.memory_space<semaphore_mem>>) {add = true}
        %dma_wait3A_204 = arith.constant 0 : i32
        %dma_wait3A_205 = tpu.memref_slice %arg8[%mul3A_146, %dma_wait3A_204] : memref<32x80xi32, #tpu.memory_space<vmem>> -> memref<1x80xi32, #tpu.memory_space<vmem>>
        %dma_wait3A_206 = tpu.memref_squeeze %dma_wait3A_205 : memref<1x80xi32, #tpu.memory_space<vmem>> -> memref<80xi32, #tpu.memory_space<vmem>>
        %dma_wait3A_207 = arith.constant 0 : i32
        %dma_wait3A_208 = arith.constant 0 : i32
        %dma_wait3A_209 = tpu.memref_slice %arg12[%dma_wait3A_207, %dma_wait3A_208] : memref<10048x128xf32, #tpu.memory_space<vmem_shared>> -> memref<10048x128xf32, #tpu.memory_space<vmem_shared>>
        tpu.wait_indirect_dma semaphore(%run_scoped3A_197 : memref<!tpu.dma_semaphore, #tpu.memory_space<semaphore_mem>>) src(%arg9 : memref<80x128xf32, #tpu.memory_space<vmem>>) dst(%dma_wait3A_209 : memref<10048x128xf32, #tpu.memory_space<vmem_shared>>)
        tpu.yield
      }) : () -> ()
      %add3A_161 = arith.constant 3 : i32
      %add3A_162 = arith.addi %mul3A_146, %add3A_161 : i32
      %dma_start3A_163 = arith.constant 0 : i32
      %dma_start3A_164 = tpu.memref_slice %arg7[%add3A_162, %dma_start3A_163] : memref<32x80xi32, #tpu.memory_space<vmem>> -> memref<1x80xi32, #tpu.memory_space<vmem>>
      %dma_start3A_165 = tpu.memref_squeeze %dma_start3A_164 : memref<1x80xi32, #tpu.memory_space<vmem>> -> memref<80xi32, #tpu.memory_space<vmem>>
      %dma_start3A_166 = arith.constant 0 : i32
      %dma_start3A_167 = arith.constant 0 : i32
      %dma_start3A_168 = tpu.memref_slice %arg2[%dma_start3A_166, %dma_start3A_167] : memref<10000x128xf32, #tpu.memory_space<hbm>> -> memref<10000x128xf32, #tpu.memory_space<hbm>>
      tpu.enqueue_indirect_dma source(%dma_start3A_168 : memref<10000x128xf32, #tpu.memory_space<hbm>>) target(%arg9 : memref<80x128xf32, #tpu.memory_space<vmem>>) offsets(%dma_start3A_165 : memref<80xi32, #tpu.memory_space<vmem>>) semaphore(%arg13 : memref<!tpu.dma_semaphore, #tpu.memory_space<semaphore_mem>>)
      %add3A_169 = arith.constant 1 : i32
      %add3A_170 = arith.addi %mul3A_146, %add3A_169 : i32
      %dma_wait3A_171 = arith.constant 0 : i32
      %dma_wait3A_172 = tpu.memref_slice %arg7[%add3A_170, %dma_wait3A_171] : memref<32x80xi32, #tpu.memory_space<vmem>> -> memref<1x80xi32, #tpu.memory_space<vmem>>
      %dma_wait3A_173 = tpu.memref_squeeze %dma_wait3A_172 : memref<1x80xi32, #tpu.memory_space<vmem>> -> memref<80xi32, #tpu.memory_space<vmem>>
      %dma_wait3A_174 = arith.constant 0 : i32
      %dma_wait3A_175 = arith.constant 0 : i32
      %dma_wait3A_176 = tpu.memref_slice %arg2[%dma_wait3A_174, %dma_wait3A_175] : memref<10000x128xf32, #tpu.memory_space<hbm>> -> memref<10000x128xf32, #tpu.memory_space<hbm>>
      tpu.wait_indirect_dma semaphore(%arg14 : memref<!tpu.dma_semaphore, #tpu.memory_space<semaphore_mem>>) src(%dma_wait3A_176 : memref<10000x128xf32, #tpu.memory_space<hbm>>) dst(%arg10 : memref<80x128xf32, #tpu.memory_space<vmem>>)
      %add3A_177 = arith.constant 1 : i32
      %add3A_178 = arith.addi %mul3A_146, %add3A_177 : i32
      "tpu.region"() ({
        %run_scoped3A_197 = tpu.sem_alloc : memref<!tpu.dma_semaphore, #tpu.memory_space<semaphore_mem>>
        %dma_start3A_198 = arith.constant 0 : i32
        %dma_start3A_199 = tpu.memref_slice %arg8[%add3A_178, %dma_start3A_198] : memref<32x80xi32, #tpu.memory_space<vmem>> -> memref<1x80xi32, #tpu.memory_space<vmem>>
        %dma_start3A_200 = tpu.memref_squeeze %dma_start3A_199 : memref<1x80xi32, #tpu.memory_space<vmem>> -> memref<80xi32, #tpu.memory_space<vmem>>
        %dma_start3A_201 = arith.constant 0 : i32
        %dma_start3A_202 = arith.constant 0 : i32
        %dma_start3A_203 = tpu.memref_slice %arg12[%dma_start3A_201, %dma_start3A_202] : memref<10048x128xf32, #tpu.memory_space<vmem_shared>> -> memref<10048x128xf32, #tpu.memory_space<vmem_shared>>
        tpu.enqueue_indirect_dma source(%arg10 : memref<80x128xf32, #tpu.memory_space<vmem>>) target(%dma_start3A_203 : memref<10048x128xf32, #tpu.memory_space<vmem_shared>>) offsets(%dma_start3A_200 : memref<80xi32, #tpu.memory_space<vmem>>) semaphore(%run_scoped3A_197 : memref<!tpu.dma_semaphore, #tpu.memory_space<semaphore_mem>>) {add = true}
        %dma_wait3A_204 = arith.constant 0 : i32
        %dma_wait3A_205 = tpu.memref_slice %arg8[%add3A_178, %dma_wait3A_204] : memref<32x80xi32, #tpu.memory_space<vmem>> -> memref<1x80xi32, #tpu.memory_space<vmem>>
        %dma_wait3A_206 = tpu.memref_squeeze %dma_wait3A_205 : memref<1x80xi32, #tpu.memory_space<vmem>> -> memref<80xi32, #tpu.memory_space<vmem>>
        %dma_wait3A_207 = arith.constant 0 : i32
        %dma_wait3A_208 = arith.constant 0 : i32
        %dma_wait3A_209 = tpu.memref_slice %arg12[%dma_wait3A_207, %dma_wait3A_208] : memref<10048x128xf32, #tpu.memory_space<vmem_shared>> -> memref<10048x128xf32, #tpu.memory_space<vmem_shared>>
        tpu.wait_indirect_dma semaphore(%run_scoped3A_197 : memref<!tpu.dma_semaphore, #tpu.memory_space<semaphore_mem>>) src(%arg10 : memref<80x128xf32, #tpu.memory_space<vmem>>) dst(%dma_wait3A_209 : memref<10048x128xf32, #tpu.memory_space<vmem_shared>>)
        tpu.yield
      }) : () -> ()
      %add3A_179 = arith.constant 4 : i32
      %add3A_180 = arith.addi %mul3A_146, %add3A_179 : i32
      %dma_start3A_181 = arith.constant 0 : i32
      %dma_start3A_182 = tpu.memref_slice %arg7[%add3A_180, %dma_start3A_181] : memref<32x80xi32, #tpu.memory_space<vmem>> -> memref<1x80xi32, #tpu.memory_space<vmem>>
      %dma_start3A_183 = tpu.memref_squeeze %dma_start3A_182 : memref<1x80xi32, #tpu.memory_space<vmem>> -> memref<80xi32, #tpu.memory_space<vmem>>
      %dma_start3A_184 = arith.constant 0 : i32
      %dma_start3A_185 = arith.constant 0 : i32
      %dma_start3A_186 = tpu.memref_slice %arg2[%dma_start3A_184, %dma_start3A_185] : memref<10000x128xf32, #tpu.memory_space<hbm>> -> memref<10000x128xf32, #tpu.memory_space<hbm>>
      tpu.enqueue_indirect_dma source(%dma_start3A_186 : memref<10000x128xf32, #tpu.memory_space<hbm>>) target(%arg10 : memref<80x128xf32, #tpu.memory_space<vmem>>) offsets(%dma_start3A_183 : memref<80xi32, #tpu.memory_space<vmem>>) semaphore(%arg14 : memref<!tpu.dma_semaphore, #tpu.memory_space<semaphore_mem>>)
      %add3A_187 = arith.constant 2 : i32
      %add3A_188 = arith.addi %mul3A_146, %add3A_187 : i32
      %dma_wait3A_189 = arith.constant 0 : i32
      %dma_wait3A_190 = tpu.memref_slice %arg7[%add3A_188, %dma_wait3A_189] : memref<32x80xi32, #tpu.memory_space<vmem>> -> memref<1x80xi32, #tpu.memory_space<vmem>>
      %dma_wait3A_191 = tpu.memref_squeeze %dma_wait3A_190 : memref<1x80xi32, #tpu.memory_space<vmem>> -> memref<80xi32, #tpu.memory_space<vmem>>
      %dma_wait3A_192 = arith.constant 0 : i32
      %dma_wait3A_193 = arith.constant 0 : i32
      %dma_wait3A_194 = tpu.memref_slice %arg2[%dma_wait3A_192, %dma_wait3A_193] : memref<10000x128xf32, #tpu.memory_space<hbm>> -> memref<10000x128xf32, #tpu.memory_space<hbm>>
      tpu.wait_indirect_dma semaphore(%arg15 : memref<!tpu.dma_semaphore, #tpu.memory_space<semaphore_mem>>) src(%dma_wait3A_194 : memref<10000x128xf32, #tpu.memory_space<hbm>>) dst(%arg11 : memref<80x128xf32, #tpu.memory_space<vmem>>)
      %add3A_195 = arith.constant 2 : i32
      %add3A_196 = arith.addi %mul3A_146, %add3A_195 : i32
      "tpu.region"() ({
        %run_scoped3A_197 = tpu.sem_alloc : memref<!tpu.dma_semaphore, #tpu.memory_space<semaphore_mem>>
        %dma_start3A_198 = arith.constant 0 : i32
        %dma_start3A_199 = tpu.memref_slice %arg8[%add3A_196, %dma_start3A_198] : memref<32x80xi32, #tpu.memory_space<vmem>> -> memref<1x80xi32, #tpu.memory_space<vmem>>
        %dma_start3A_200 = tpu.memref_squeeze %dma_start3A_199 : memref<1x80xi32, #tpu.memory_space<vmem>> -> memref<80xi32, #tpu.memory_space<vmem>>
        %dma_start3A_201 = arith.constant 0 : i32
        %dma_start3A_202 = arith.constant 0 : i32
        %dma_start3A_203 = tpu.memref_slice %arg12[%dma_start3A_201, %dma_start3A_202] : memref<10048x128xf32, #tpu.memory_space<vmem_shared>> -> memref<10048x128xf32, #tpu.memory_space<vmem_shared>>
        tpu.enqueue_indirect_dma source(%arg11 : memref<80x128xf32, #tpu.memory_space<vmem>>) target(%dma_start3A_203 : memref<10048x128xf32, #tpu.memory_space<vmem_shared>>) offsets(%dma_start3A_200 : memref<80xi32, #tpu.memory_space<vmem>>) semaphore(%run_scoped3A_197 : memref<!tpu.dma_semaphore, #tpu.memory_space<semaphore_mem>>) {add = true}
        %dma_wait3A_204 = arith.constant 0 : i32
        %dma_wait3A_205 = tpu.memref_slice %arg8[%add3A_196, %dma_wait3A_204] : memref<32x80xi32, #tpu.memory_space<vmem>> -> memref<1x80xi32, #tpu.memory_space<vmem>>
        %dma_wait3A_206 = tpu.memref_squeeze %dma_wait3A_205 : memref<1x80xi32, #tpu.memory_space<vmem>> -> memref<80xi32, #tpu.memory_space<vmem>>
        %dma_wait3A_207 = arith.constant 0 : i32
        %dma_wait3A_208 = arith.constant 0 : i32
        %dma_wait3A_209 = tpu.memref_slice %arg12[%dma_wait3A_207, %dma_wait3A_208] : memref<10048x128xf32, #tpu.memory_space<vmem_shared>> -> memref<10048x128xf32, #tpu.memory_space<vmem_shared>>
        tpu.wait_indirect_dma semaphore(%run_scoped3A_197 : memref<!tpu.dma_semaphore, #tpu.memory_space<semaphore_mem>>) src(%arg11 : memref<80x128xf32, #tpu.memory_space<vmem>>) dst(%dma_wait3A_209 : memref<10048x128xf32, #tpu.memory_space<vmem_shared>>)
        tpu.yield
      }) : () -> ()
    }
    %scan3A_90 = arith.constant 10 : i32
    %dma_wait3A_91 = arith.constant 30 : i32
    %dma_wait3A_92 = arith.constant 0 : i32
    %dma_wait3A_93 = tpu.memref_slice %arg7[%dma_wait3A_91, %dma_wait3A_92] : memref<32x80xi32, #tpu.memory_space<vmem>> -> memref<1x80xi32, #tpu.memory_space<vmem>>
    %dma_wait3A_94 = tpu.memref_squeeze %dma_wait3A_93 : memref<1x80xi32, #tpu.memory_space<vmem>> -> memref<80xi32, #tpu.memory_space<vmem>>
    %dma_wait3A_95 = arith.constant 0 : i32
    %dma_wait3A_96 = arith.constant 0 : i32
    %dma_wait3A_97 = tpu.memref_slice %arg2[%dma_wait3A_95, %dma_wait3A_96] : memref<10000x128xf32, #tpu.memory_space<hbm>> -> memref<10000x128xf32, #tpu.memory_space<hbm>>
    tpu.wait_indirect_dma semaphore(%arg13 : memref<!tpu.dma_semaphore, #tpu.memory_space<semaphore_mem>>) src(%dma_wait3A_97 : memref<10000x128xf32, #tpu.memory_space<hbm>>) dst(%arg9 : memref<80x128xf32, #tpu.memory_space<vmem>>)
    %run_scoped3A_98 = arith.constant 30 : i32
    "tpu.region"() ({
      %run_scoped3A_144 = tpu.sem_alloc : memref<!tpu.dma_semaphore, #tpu.memory_space<semaphore_mem>>
      %dma_start3A_145 = arith.constant 0 : i32
      %dma_start3A_146 = tpu.memref_slice %arg8[%run_scoped3A_98, %dma_start3A_145] : memref<32x80xi32, #tpu.memory_space<vmem>> -> memref<1x80xi32, #tpu.memory_space<vmem>>
      %dma_start3A_147 = tpu.memref_squeeze %dma_start3A_146 : memref<1x80xi32, #tpu.memory_space<vmem>> -> memref<80xi32, #tpu.memory_space<vmem>>
      %dma_start3A_148 = arith.constant 0 : i32
      %dma_start3A_149 = arith.constant 0 : i32
      %dma_start3A_150 = tpu.memref_slice %arg12[%dma_start3A_148, %dma_start3A_149] : memref<10048x128xf32, #tpu.memory_space<vmem_shared>> -> memref<10048x128xf32, #tpu.memory_space<vmem_shared>>
      tpu.enqueue_indirect_dma source(%arg9 : memref<80x128xf32, #tpu.memory_space<vmem>>) target(%dma_start3A_150 : memref<10048x128xf32, #tpu.memory_space<vmem_shared>>) offsets(%dma_start3A_147 : memref<80xi32, #tpu.memory_space<vmem>>) semaphore(%run_scoped3A_144 : memref<!tpu.dma_semaphore, #tpu.memory_space<semaphore_mem>>) {add = true}
      %dma_wait3A_151 = arith.constant 0 : i32
      %dma_wait3A_152 = tpu.memref_slice %arg8[%run_scoped3A_98, %dma_wait3A_151] : memref<32x80xi32, #tpu.memory_space<vmem>> -> memref<1x80xi32, #tpu.memory_space<vmem>>
      %dma_wait3A_153 = tpu.memref_squeeze %dma_wait3A_152 : memref<1x80xi32, #tpu.memory_space<vmem>> -> memref<80xi32, #tpu.memory_space<vmem>>
      %dma_wait3A_154 = arith.constant 0 : i32
      %dma_wait3A_155 = arith.constant 0 : i32
      %dma_wait3A_156 = tpu.memref_slice %arg12[%dma_wait3A_154, %dma_wait3A_155] : memref<10048x128xf32, #tpu.memory_space<vmem_shared>> -> memref<10048x128xf32, #tpu.memory_space<vmem_shared>>
      tpu.wait_indirect_dma semaphore(%run_scoped3A_144 : memref<!tpu.dma_semaphore, #tpu.memory_space<semaphore_mem>>) src(%arg9 : memref<80x128xf32, #tpu.memory_space<vmem>>) dst(%dma_wait3A_156 : memref<10048x128xf32, #tpu.memory_space<vmem_shared>>)
      tpu.yield
    }) : () -> ()
    %dma_wait3A_99 = arith.constant 31 : i32
    %dma_wait3A_100 = arith.constant 0 : i32
    %dma_wait3A_101 = tpu.memref_slice %arg7[%dma_wait3A_99, %dma_wait3A_100] : memref<32x80xi32, #tpu.memory_space<vmem>> -> memref<1x80xi32, #tpu.memory_space<vmem>>
    %dma_wait3A_102 = tpu.memref_squeeze %dma_wait3A_101 : memref<1x80xi32, #tpu.memory_space<vmem>> -> memref<80xi32, #tpu.memory_space<vmem>>
    %dma_wait3A_103 = arith.constant 0 : i32
    %dma_wait3A_104 = arith.constant 0 : i32
    %dma_wait3A_105 = tpu.memref_slice %arg2[%dma_wait3A_103, %dma_wait3A_104] : memref<10000x128xf32, #tpu.memory_space<hbm>> -> memref<10000x128xf32, #tpu.memory_space<hbm>>
    tpu.wait_indirect_dma semaphore(%arg14 : memref<!tpu.dma_semaphore, #tpu.memory_space<semaphore_mem>>) src(%dma_wait3A_105 : memref<10000x128xf32, #tpu.memory_space<hbm>>) dst(%arg10 : memref<80x128xf32, #tpu.memory_space<vmem>>)
    %run_scoped3A_106 = arith.constant 31 : i32
    "tpu.region"() ({
      %run_scoped3A_144 = tpu.sem_alloc : memref<!tpu.dma_semaphore, #tpu.memory_space<semaphore_mem>>
      %dma_start3A_145 = arith.constant 0 : i32
      %dma_start3A_146 = tpu.memref_slice %arg8[%run_scoped3A_106, %dma_start3A_145] : memref<32x80xi32, #tpu.memory_space<vmem>> -> memref<1x80xi32, #tpu.memory_space<vmem>>
      %dma_start3A_147 = tpu.memref_squeeze %dma_start3A_146 : memref<1x80xi32, #tpu.memory_space<vmem>> -> memref<80xi32, #tpu.memory_space<vmem>>
      %dma_start3A_148 = arith.constant 0 : i32
      %dma_start3A_149 = arith.constant 0 : i32
      %dma_start3A_150 = tpu.memref_slice %arg12[%dma_start3A_148, %dma_start3A_149] : memref<10048x128xf32, #tpu.memory_space<vmem_shared>> -> memref<10048x128xf32, #tpu.memory_space<vmem_shared>>
      tpu.enqueue_indirect_dma source(%arg10 : memref<80x128xf32, #tpu.memory_space<vmem>>) target(%dma_start3A_150 : memref<10048x128xf32, #tpu.memory_space<vmem_shared>>) offsets(%dma_start3A_147 : memref<80xi32, #tpu.memory_space<vmem>>) semaphore(%run_scoped3A_144 : memref<!tpu.dma_semaphore, #tpu.memory_space<semaphore_mem>>) {add = true}
      %dma_wait3A_151 = arith.constant 0 : i32
      %dma_wait3A_152 = tpu.memref_slice %arg8[%run_scoped3A_106, %dma_wait3A_151] : memref<32x80xi32, #tpu.memory_space<vmem>> -> memref<1x80xi32, #tpu.memory_space<vmem>>
      %dma_wait3A_153 = tpu.memref_squeeze %dma_wait3A_152 : memref<1x80xi32, #tpu.memory_space<vmem>> -> memref<80xi32, #tpu.memory_space<vmem>>
      %dma_wait3A_154 = arith.constant 0 : i32
      %dma_wait3A_155 = arith.constant 0 : i32
      %dma_wait3A_156 = tpu.memref_slice %arg12[%dma_wait3A_154, %dma_wait3A_155] : memref<10048x128xf32, #tpu.memory_space<vmem_shared>> -> memref<10048x128xf32, #tpu.memory_space<vmem_shared>>
      tpu.wait_indirect_dma semaphore(%run_scoped3A_144 : memref<!tpu.dma_semaphore, #tpu.memory_space<semaphore_mem>>) src(%arg10 : memref<80x128xf32, #tpu.memory_space<vmem>>) dst(%dma_wait3A_156 : memref<10048x128xf32, #tpu.memory_space<vmem_shared>>)
      tpu.yield
    }) : () -> ()
    "tpu.region"() ({
      %run_scoped3A_144 = tpu.sem_alloc : memref<!tpu.dma_semaphore, #tpu.memory_space<semaphore_mem>>
      %dma_start3A_145 = arith.constant 96 : i32
      %dma_start3A_146 = arith.constant 0 : i32
      %dma_start3A_147 = tpu.memref_slice %arg3[%add3A, %dma_start3A_145, %dma_start3A_146] : memref<32x128x80xi32, #tpu.memory_space<hbm>> -> memref<1x32x80xi32, #tpu.memory_space<hbm>>
      %dma_start3A_148 = tpu.memref_squeeze %dma_start3A_147 : memref<1x32x80xi32, #tpu.memory_space<hbm>> -> memref<32x80xi32, #tpu.memory_space<hbm>>
      %dma_start3A_149 = arith.constant 96 : i32
      %dma_start3A_150 = arith.constant 0 : i32
      %dma_start3A_151 = tpu.memref_slice %arg3[%add3A, %dma_start3A_149, %dma_start3A_150] : memref<32x128x80xi32, #tpu.memory_space<hbm>> -> memref<1x32x80xi32, #tpu.memory_space<hbm>>
      %dma_start3A_152 = tpu.memref_squeeze %dma_start3A_151 : memref<1x32x80xi32, #tpu.memory_space<hbm>> -> memref<32x80xi32, #tpu.memory_space<hbm>>
      tpu.enqueue_dma source(%dma_start3A_152 : memref<32x80xi32, #tpu.memory_space<hbm>>) target(%arg7 : memref<32x80xi32, #tpu.memory_space<vmem>>) target_semaphore(%run_scoped3A_144 : memref<!tpu.dma_semaphore, #tpu.memory_space<semaphore_mem>>)
      %dma_wait3A_153 = arith.constant 96 : i32
      %dma_wait3A_154 = arith.constant 0 : i32
      %dma_wait3A_155 = tpu.memref_slice %arg3[%add3A, %dma_wait3A_153, %dma_wait3A_154] : memref<32x128x80xi32, #tpu.memory_space<hbm>> -> memref<1x32x80xi32, #tpu.memory_space<hbm>>
      %dma_wait3A_156 = tpu.memref_squeeze %dma_wait3A_155 : memref<1x32x80xi32, #tpu.memory_space<hbm>> -> memref<32x80xi32, #tpu.memory_space<hbm>>
      %dma_wait3A_157 = arith.constant 96 : i32
      %dma_wait3A_158 = arith.constant 0 : i32
      %dma_wait3A_159 = tpu.memref_slice %arg3[%add3A, %dma_wait3A_157, %dma_wait3A_158] : memref<32x128x80xi32, #tpu.memory_space<hbm>> -> memref<1x32x80xi32, #tpu.memory_space<hbm>>
      %dma_wait3A_160 = tpu.memref_squeeze %dma_wait3A_159 : memref<1x32x80xi32, #tpu.memory_space<hbm>> -> memref<32x80xi32, #tpu.memory_space<hbm>>
      tpu.wait_dma2 semaphore(%run_scoped3A_144 : memref<!tpu.dma_semaphore, #tpu.memory_space<semaphore_mem>>) src(%dma_wait3A_160 : memref<32x80xi32, #tpu.memory_space<hbm>>) dst(%arg7 : memref<32x80xi32, #tpu.memory_space<vmem>>)
      tpu.yield
    }) : () -> ()
    "tpu.region"() ({
      %run_scoped3A_144 = tpu.sem_alloc : memref<!tpu.dma_semaphore, #tpu.memory_space<semaphore_mem>>
      %dma_start3A_145 = arith.constant 96 : i32
      %dma_start3A_146 = arith.constant 0 : i32
      %dma_start3A_147 = tpu.memref_slice %arg4[%add3A, %dma_start3A_145, %dma_start3A_146] : memref<32x128x80xi32, #tpu.memory_space<hbm>> -> memref<1x32x80xi32, #tpu.memory_space<hbm>>
      %dma_start3A_148 = tpu.memref_squeeze %dma_start3A_147 : memref<1x32x80xi32, #tpu.memory_space<hbm>> -> memref<32x80xi32, #tpu.memory_space<hbm>>
      %dma_start3A_149 = arith.constant 96 : i32
      %dma_start3A_150 = arith.constant 0 : i32
      %dma_start3A_151 = tpu.memref_slice %arg4[%add3A, %dma_start3A_149, %dma_start3A_150] : memref<32x128x80xi32, #tpu.memory_space<hbm>> -> memref<1x32x80xi32, #tpu.memory_space<hbm>>
      %dma_start3A_152 = tpu.memref_squeeze %dma_start3A_151 : memref<1x32x80xi32, #tpu.memory_space<hbm>> -> memref<32x80xi32, #tpu.memory_space<hbm>>
      tpu.enqueue_dma source(%dma_start3A_152 : memref<32x80xi32, #tpu.memory_space<hbm>>) target(%arg8 : memref<32x80xi32, #tpu.memory_space<vmem>>) target_semaphore(%run_scoped3A_144 : memref<!tpu.dma_semaphore, #tpu.memory_space<semaphore_mem>>)
      %dma_wait3A_153 = arith.constant 96 : i32
      %dma_wait3A_154 = arith.constant 0 : i32
      %dma_wait3A_155 = tpu.memref_slice %arg4[%add3A, %dma_wait3A_153, %dma_wait3A_154] : memref<32x128x80xi32, #tpu.memory_space<hbm>> -> memref<1x32x80xi32, #tpu.memory_space<hbm>>
      %dma_wait3A_156 = tpu.memref_squeeze %dma_wait3A_155 : memref<1x32x80xi32, #tpu.memory_space<hbm>> -> memref<32x80xi32, #tpu.memory_space<hbm>>
      %dma_wait3A_157 = arith.constant 96 : i32
      %dma_wait3A_158 = arith.constant 0 : i32
      %dma_wait3A_159 = tpu.memref_slice %arg4[%add3A, %dma_wait3A_157, %dma_wait3A_158] : memref<32x128x80xi32, #tpu.memory_space<hbm>> -> memref<1x32x80xi32, #tpu.memory_space<hbm>>
      %dma_wait3A_160 = tpu.memref_squeeze %dma_wait3A_159 : memref<1x32x80xi32, #tpu.memory_space<hbm>> -> memref<32x80xi32, #tpu.memory_space<hbm>>
      tpu.wait_dma2 semaphore(%run_scoped3A_144 : memref<!tpu.dma_semaphore, #tpu.memory_space<semaphore_mem>>) src(%dma_wait3A_160 : memref<32x80xi32, #tpu.memory_space<hbm>>) dst(%arg8 : memref<32x80xi32, #tpu.memory_space<vmem>>)
      tpu.yield
    }) : () -> ()
    %dma_start3A_107 = arith.constant 0 : i32
    %dma_start3A_108 = arith.constant 0 : i32
    %dma_start3A_109 = tpu.memref_slice %arg7[%dma_start3A_107, %dma_start3A_108] : memref<32x80xi32, #tpu.memory_space<vmem>> -> memref<1x80xi32, #tpu.memory_space<vmem>>
    %dma_start3A_110 = tpu.memref_squeeze %dma_start3A_109 : memref<1x80xi32, #tpu.memory_space<vmem>> -> memref<80xi32, #tpu.memory_space<vmem>>
    %dma_start3A_111 = arith.constant 0 : i32
    %dma_start3A_112 = arith.constant 0 : i32
    %dma_start3A_113 = tpu.memref_slice %arg2[%dma_start3A_111, %dma_start3A_112] : memref<10000x128xf32, #tpu.memory_space<hbm>> -> memref<10000x128xf32, #tpu.memory_space<hbm>>
    tpu.enqueue_indirect_dma source(%dma_start3A_113 : memref<10000x128xf32, #tpu.memory_space<hbm>>) target(%arg9 : memref<80x128xf32, #tpu.memory_space<vmem>>) offsets(%dma_start3A_110 : memref<80xi32, #tpu.memory_space<vmem>>) semaphore(%arg13 : memref<!tpu.dma_semaphore, #tpu.memory_space<semaphore_mem>>)
    %dma_start3A_114 = arith.constant 1 : i32
    %dma_start3A_115 = arith.constant 0 : i32
    %dma_start3A_116 = tpu.memref_slice %arg7[%dma_start3A_114, %dma_start3A_115] : memref<32x80xi32, #tpu.memory_space<vmem>> -> memref<1x80xi32, #tpu.memory_space<vmem>>
    %dma_start3A_117 = tpu.memref_squeeze %dma_start3A_116 : memref<1x80xi32, #tpu.memory_space<vmem>> -> memref<80xi32, #tpu.memory_space<vmem>>
    %dma_start3A_118 = arith.constant 0 : i32
    %dma_start3A_119 = arith.constant 0 : i32
    %dma_start3A_120 = tpu.memref_slice %arg2[%dma_start3A_118, %dma_start3A_119] : memref<10000x128xf32, #tpu.memory_space<hbm>> -> memref<10000x128xf32, #tpu.memory_space<hbm>>
    tpu.enqueue_indirect_dma source(%dma_start3A_120 : memref<10000x128xf32, #tpu.memory_space<hbm>>) target(%arg10 : memref<80x128xf32, #tpu.memory_space<vmem>>) offsets(%dma_start3A_117 : memref<80xi32, #tpu.memory_space<vmem>>) semaphore(%arg14 : memref<!tpu.dma_semaphore, #tpu.memory_space<semaphore_mem>>)
    %scan3A_121 = arith.constant 0 : i32
    %scan3A_122 = arith.constant 0 : i32
    %scan3A_123 = arith.constant 10 : i32
    %scan3A_124 = arith.addi %scan3A_122, %scan3A_123 : i32
    %scan3A_125 = arith.constant 1 : i32
    scf.for %scan3A_144 = %scan3A_122 to %scan3A_124 step %scan3A_125  : i32 {
      %mul3A_145 = arith.constant 3 : i32
      %mul3A_146 = arith.muli %mul3A_145, %scan3A_144 : i32
      %add3A_147 = arith.constant 2 : i32
      %add3A_148 = arith.addi %mul3A_146, %add3A_147 : i32
      %dma_start3A_149 = arith.constant 0 : i32
      %dma_start3A_150 = tpu.memref_slice %arg7[%add3A_148, %dma_start3A_149] : memref<32x80xi32, #tpu.memory_space<vmem>> -> memref<1x80xi32, #tpu.memory_space<vmem>>
      %dma_start3A_151 = tpu.memref_squeeze %dma_start3A_150 : memref<1x80xi32, #tpu.memory_space<vmem>> -> memref<80xi32, #tpu.memory_space<vmem>>
      %dma_start3A_152 = arith.constant 0 : i32
      %dma_start3A_153 = arith.constant 0 : i32
      %dma_start3A_154 = tpu.memref_slice %arg2[%dma_start3A_152, %dma_start3A_153] : memref<10000x128xf32, #tpu.memory_space<hbm>> -> memref<10000x128xf32, #tpu.memory_space<hbm>>
      tpu.enqueue_indirect_dma source(%dma_start3A_154 : memref<10000x128xf32, #tpu.memory_space<hbm>>) target(%arg11 : memref<80x128xf32, #tpu.memory_space<vmem>>) offsets(%dma_start3A_151 : memref<80xi32, #tpu.memory_space<vmem>>) semaphore(%arg15 : memref<!tpu.dma_semaphore, #tpu.memory_space<semaphore_mem>>)
      %dma_wait3A_155 = arith.constant 0 : i32
      %dma_wait3A_156 = tpu.memref_slice %arg7[%mul3A_146, %dma_wait3A_155] : memref<32x80xi32, #tpu.memory_space<vmem>> -> memref<1x80xi32, #tpu.memory_space<vmem>>
      %dma_wait3A_157 = tpu.memref_squeeze %dma_wait3A_156 : memref<1x80xi32, #tpu.memory_space<vmem>> -> memref<80xi32, #tpu.memory_space<vmem>>
      %dma_wait3A_158 = arith.constant 0 : i32
      %dma_wait3A_159 = arith.constant 0 : i32
      %dma_wait3A_160 = tpu.memref_slice %arg2[%dma_wait3A_158, %dma_wait3A_159] : memref<10000x128xf32, #tpu.memory_space<hbm>> -> memref<10000x128xf32, #tpu.memory_space<hbm>>
      tpu.wait_indirect_dma semaphore(%arg13 : memref<!tpu.dma_semaphore, #tpu.memory_space<semaphore_mem>>) src(%dma_wait3A_160 : memref<10000x128xf32, #tpu.memory_space<hbm>>) dst(%arg9 : memref<80x128xf32, #tpu.memory_space<vmem>>)
      "tpu.region"() ({
        %run_scoped3A_197 = tpu.sem_alloc : memref<!tpu.dma_semaphore, #tpu.memory_space<semaphore_mem>>
        %dma_start3A_198 = arith.constant 0 : i32
        %dma_start3A_199 = tpu.memref_slice %arg8[%mul3A_146, %dma_start3A_198] : memref<32x80xi32, #tpu.memory_space<vmem>> -> memref<1x80xi32, #tpu.memory_space<vmem>>
        %dma_start3A_200 = tpu.memref_squeeze %dma_start3A_199 : memref<1x80xi32, #tpu.memory_space<vmem>> -> memref<80xi32, #tpu.memory_space<vmem>>
        %dma_start3A_201 = arith.constant 0 : i32
        %dma_start3A_202 = arith.constant 0 : i32
        %dma_start3A_203 = tpu.memref_slice %arg12[%dma_start3A_201, %dma_start3A_202] : memref<10048x128xf32, #tpu.memory_space<vmem_shared>> -> memref<10048x128xf32, #tpu.memory_space<vmem_shared>>
        tpu.enqueue_indirect_dma source(%arg9 : memref<80x128xf32, #tpu.memory_space<vmem>>) target(%dma_start3A_203 : memref<10048x128xf32, #tpu.memory_space<vmem_shared>>) offsets(%dma_start3A_200 : memref<80xi32, #tpu.memory_space<vmem>>) semaphore(%run_scoped3A_197 : memref<!tpu.dma_semaphore, #tpu.memory_space<semaphore_mem>>) {add = true}
        %dma_wait3A_204 = arith.constant 0 : i32
        %dma_wait3A_205 = tpu.memref_slice %arg8[%mul3A_146, %dma_wait3A_204] : memref<32x80xi32, #tpu.memory_space<vmem>> -> memref<1x80xi32, #tpu.memory_space<vmem>>
        %dma_wait3A_206 = tpu.memref_squeeze %dma_wait3A_205 : memref<1x80xi32, #tpu.memory_space<vmem>> -> memref<80xi32, #tpu.memory_space<vmem>>
        %dma_wait3A_207 = arith.constant 0 : i32
        %dma_wait3A_208 = arith.constant 0 : i32
        %dma_wait3A_209 = tpu.memref_slice %arg12[%dma_wait3A_207, %dma_wait3A_208] : memref<10048x128xf32, #tpu.memory_space<vmem_shared>> -> memref<10048x128xf32, #tpu.memory_space<vmem_shared>>
        tpu.wait_indirect_dma semaphore(%run_scoped3A_197 : memref<!tpu.dma_semaphore, #tpu.memory_space<semaphore_mem>>) src(%arg9 : memref<80x128xf32, #tpu.memory_space<vmem>>) dst(%dma_wait3A_209 : memref<10048x128xf32, #tpu.memory_space<vmem_shared>>)
        tpu.yield
      }) : () -> ()
      %add3A_161 = arith.constant 3 : i32
      %add3A_162 = arith.addi %mul3A_146, %add3A_161 : i32
      %dma_start3A_163 = arith.constant 0 : i32
      %dma_start3A_164 = tpu.memref_slice %arg7[%add3A_162, %dma_start3A_163] : memref<32x80xi32, #tpu.memory_space<vmem>> -> memref<1x80xi32, #tpu.memory_space<vmem>>
      %dma_start3A_165 = tpu.memref_squeeze %dma_start3A_164 : memref<1x80xi32, #tpu.memory_space<vmem>> -> memref<80xi32, #tpu.memory_space<vmem>>
      %dma_start3A_166 = arith.constant 0 : i32
      %dma_start3A_167 = arith.constant 0 : i32
      %dma_start3A_168 = tpu.memref_slice %arg2[%dma_start3A_166, %dma_start3A_167] : memref<10000x128xf32, #tpu.memory_space<hbm>> -> memref<10000x128xf32, #tpu.memory_space<hbm>>
      tpu.enqueue_indirect_dma source(%dma_start3A_168 : memref<10000x128xf32, #tpu.memory_space<hbm>>) target(%arg9 : memref<80x128xf32, #tpu.memory_space<vmem>>) offsets(%dma_start3A_165 : memref<80xi32, #tpu.memory_space<vmem>>) semaphore(%arg13 : memref<!tpu.dma_semaphore, #tpu.memory_space<semaphore_mem>>)
      %add3A_169 = arith.constant 1 : i32
      %add3A_170 = arith.addi %mul3A_146, %add3A_169 : i32
      %dma_wait3A_171 = arith.constant 0 : i32
      %dma_wait3A_172 = tpu.memref_slice %arg7[%add3A_170, %dma_wait3A_171] : memref<32x80xi32, #tpu.memory_space<vmem>> -> memref<1x80xi32, #tpu.memory_space<vmem>>
      %dma_wait3A_173 = tpu.memref_squeeze %dma_wait3A_172 : memref<1x80xi32, #tpu.memory_space<vmem>> -> memref<80xi32, #tpu.memory_space<vmem>>
      %dma_wait3A_174 = arith.constant 0 : i32
      %dma_wait3A_175 = arith.constant 0 : i32
      %dma_wait3A_176 = tpu.memref_slice %arg2[%dma_wait3A_174, %dma_wait3A_175] : memref<10000x128xf32, #tpu.memory_space<hbm>> -> memref<10000x128xf32, #tpu.memory_space<hbm>>
      tpu.wait_indirect_dma semaphore(%arg14 : memref<!tpu.dma_semaphore, #tpu.memory_space<semaphore_mem>>) src(%dma_wait3A_176 : memref<10000x128xf32, #tpu.memory_space<hbm>>) dst(%arg10 : memref<80x128xf32, #tpu.memory_space<vmem>>)
      %add3A_177 = arith.constant 1 : i32
      %add3A_178 = arith.addi %mul3A_146, %add3A_177 : i32
      "tpu.region"() ({
        %run_scoped3A_197 = tpu.sem_alloc : memref<!tpu.dma_semaphore, #tpu.memory_space<semaphore_mem>>
        %dma_start3A_198 = arith.constant 0 : i32
        %dma_start3A_199 = tpu.memref_slice %arg8[%add3A_178, %dma_start3A_198] : memref<32x80xi32, #tpu.memory_space<vmem>> -> memref<1x80xi32, #tpu.memory_space<vmem>>
        %dma_start3A_200 = tpu.memref_squeeze %dma_start3A_199 : memref<1x80xi32, #tpu.memory_space<vmem>> -> memref<80xi32, #tpu.memory_space<vmem>>
        %dma_start3A_201 = arith.constant 0 : i32
        %dma_start3A_202 = arith.constant 0 : i32
        %dma_start3A_203 = tpu.memref_slice %arg12[%dma_start3A_201, %dma_start3A_202] : memref<10048x128xf32, #tpu.memory_space<vmem_shared>> -> memref<10048x128xf32, #tpu.memory_space<vmem_shared>>
        tpu.enqueue_indirect_dma source(%arg10 : memref<80x128xf32, #tpu.memory_space<vmem>>) target(%dma_start3A_203 : memref<10048x128xf32, #tpu.memory_space<vmem_shared>>) offsets(%dma_start3A_200 : memref<80xi32, #tpu.memory_space<vmem>>) semaphore(%run_scoped3A_197 : memref<!tpu.dma_semaphore, #tpu.memory_space<semaphore_mem>>) {add = true}
        %dma_wait3A_204 = arith.constant 0 : i32
        %dma_wait3A_205 = tpu.memref_slice %arg8[%add3A_178, %dma_wait3A_204] : memref<32x80xi32, #tpu.memory_space<vmem>> -> memref<1x80xi32, #tpu.memory_space<vmem>>
        %dma_wait3A_206 = tpu.memref_squeeze %dma_wait3A_205 : memref<1x80xi32, #tpu.memory_space<vmem>> -> memref<80xi32, #tpu.memory_space<vmem>>
        %dma_wait3A_207 = arith.constant 0 : i32
        %dma_wait3A_208 = arith.constant 0 : i32
        %dma_wait3A_209 = tpu.memref_slice %arg12[%dma_wait3A_207, %dma_wait3A_208] : memref<10048x128xf32, #tpu.memory_space<vmem_shared>> -> memref<10048x128xf32, #tpu.memory_space<vmem_shared>>
        tpu.wait_indirect_dma semaphore(%run_scoped3A_197 : memref<!tpu.dma_semaphore, #tpu.memory_space<semaphore_mem>>) src(%arg10 : memref<80x128xf32, #tpu.memory_space<vmem>>) dst(%dma_wait3A_209 : memref<10048x128xf32, #tpu.memory_space<vmem_shared>>)
        tpu.yield
      }) : () -> ()
      %add3A_179 = arith.constant 4 : i32
      %add3A_180 = arith.addi %mul3A_146, %add3A_179 : i32
      %dma_start3A_181 = arith.constant 0 : i32
      %dma_start3A_182 = tpu.memref_slice %arg7[%add3A_180, %dma_start3A_181] : memref<32x80xi32, #tpu.memory_space<vmem>> -> memref<1x80xi32, #tpu.memory_space<vmem>>
      %dma_start3A_183 = tpu.memref_squeeze %dma_start3A_182 : memref<1x80xi32, #tpu.memory_space<vmem>> -> memref<80xi32, #tpu.memory_space<vmem>>
      %dma_start3A_184 = arith.constant 0 : i32
      %dma_start3A_185 = arith.constant 0 : i32
      %dma_start3A_186 = tpu.memref_slice %arg2[%dma_start3A_184, %dma_start3A_185] : memref<10000x128xf32, #tpu.memory_space<hbm>> -> memref<10000x128xf32, #tpu.memory_space<hbm>>
      tpu.enqueue_indirect_dma source(%dma_start3A_186 : memref<10000x128xf32, #tpu.memory_space<hbm>>) target(%arg10 : memref<80x128xf32, #tpu.memory_space<vmem>>) offsets(%dma_start3A_183 : memref<80xi32, #tpu.memory_space<vmem>>) semaphore(%arg14 : memref<!tpu.dma_semaphore, #tpu.memory_space<semaphore_mem>>)
      %add3A_187 = arith.constant 2 : i32
      %add3A_188 = arith.addi %mul3A_146, %add3A_187 : i32
      %dma_wait3A_189 = arith.constant 0 : i32
      %dma_wait3A_190 = tpu.memref_slice %arg7[%add3A_188, %dma_wait3A_189] : memref<32x80xi32, #tpu.memory_space<vmem>> -> memref<1x80xi32, #tpu.memory_space<vmem>>
      %dma_wait3A_191 = tpu.memref_squeeze %dma_wait3A_190 : memref<1x80xi32, #tpu.memory_space<vmem>> -> memref<80xi32, #tpu.memory_space<vmem>>
      %dma_wait3A_192 = arith.constant 0 : i32
      %dma_wait3A_193 = arith.constant 0 : i32
      %dma_wait3A_194 = tpu.memref_slice %arg2[%dma_wait3A_192, %dma_wait3A_193] : memref<10000x128xf32, #tpu.memory_space<hbm>> -> memref<10000x128xf32, #tpu.memory_space<hbm>>
      tpu.wait_indirect_dma semaphore(%arg15 : memref<!tpu.dma_semaphore, #tpu.memory_space<semaphore_mem>>) src(%dma_wait3A_194 : memref<10000x128xf32, #tpu.memory_space<hbm>>) dst(%arg11 : memref<80x128xf32, #tpu.memory_space<vmem>>)
      %add3A_195 = arith.constant 2 : i32
      %add3A_196 = arith.addi %mul3A_146, %add3A_195 : i32
      "tpu.region"() ({
        %run_scoped3A_197 = tpu.sem_alloc : memref<!tpu.dma_semaphore, #tpu.memory_space<semaphore_mem>>
        %dma_start3A_198 = arith.constant 0 : i32
        %dma_start3A_199 = tpu.memref_slice %arg8[%add3A_196, %dma_start3A_198] : memref<32x80xi32, #tpu.memory_space<vmem>> -> memref<1x80xi32, #tpu.memory_space<vmem>>
        %dma_start3A_200 = tpu.memref_squeeze %dma_start3A_199 : memref<1x80xi32, #tpu.memory_space<vmem>> -> memref<80xi32, #tpu.memory_space<vmem>>
        %dma_start3A_201 = arith.constant 0 : i32
        %dma_start3A_202 = arith.constant 0 : i32
        %dma_start3A_203 = tpu.memref_slice %arg12[%dma_start3A_201, %dma_start3A_202] : memref<10048x128xf32, #tpu.memory_space<vmem_shared>> -> memref<10048x128xf32, #tpu.memory_space<vmem_shared>>
        tpu.enqueue_indirect_dma source(%arg11 : memref<80x128xf32, #tpu.memory_space<vmem>>) target(%dma_start3A_203 : memref<10048x128xf32, #tpu.memory_space<vmem_shared>>) offsets(%dma_start3A_200 : memref<80xi32, #tpu.memory_space<vmem>>) semaphore(%run_scoped3A_197 : memref<!tpu.dma_semaphore, #tpu.memory_space<semaphore_mem>>) {add = true}
        %dma_wait3A_204 = arith.constant 0 : i32
        %dma_wait3A_205 = tpu.memref_slice %arg8[%add3A_196, %dma_wait3A_204] : memref<32x80xi32, #tpu.memory_space<vmem>> -> memref<1x80xi32, #tpu.memory_space<vmem>>
        %dma_wait3A_206 = tpu.memref_squeeze %dma_wait3A_205 : memref<1x80xi32, #tpu.memory_space<vmem>> -> memref<80xi32, #tpu.memory_space<vmem>>
        %dma_wait3A_207 = arith.constant 0 : i32
        %dma_wait3A_208 = arith.constant 0 : i32
        %dma_wait3A_209 = tpu.memref_slice %arg12[%dma_wait3A_207, %dma_wait3A_208] : memref<10048x128xf32, #tpu.memory_space<vmem_shared>> -> memref<10048x128xf32, #tpu.memory_space<vmem_shared>>
        tpu.wait_indirect_dma semaphore(%run_scoped3A_197 : memref<!tpu.dma_semaphore, #tpu.memory_space<semaphore_mem>>) src(%arg11 : memref<80x128xf32, #tpu.memory_space<vmem>>) dst(%dma_wait3A_209 : memref<10048x128xf32, #tpu.memory_space<vmem_shared>>)
        tpu.yield
      }) : () -> ()
    }
    %scan3A_126 = arith.constant 10 : i32
    %dma_wait3A_127 = arith.constant 30 : i32
    %dma_wait3A_128 = arith.constant 0 : i32
    %dma_wait3A_129 = tpu.memref_slice %arg7[%dma_wait3A_127, %dma_wait3A_128] : memref<32x80xi32, #tpu.memory_space<vmem>> -> memref<1x80xi32, #tpu.memory_space<vmem>>
    %dma_wait3A_130 = tpu.memref_squeeze %dma_wait3A_129 : memref<1x80xi32, #tpu.memory_space<vmem>> -> memref<80xi32, #tpu.memory_space<vmem>>
    %dma_wait3A_131 = arith.constant 0 : i32
    %dma_wait3A_132 = arith.constant 0 : i32
    %dma_wait3A_133 = tpu.memref_slice %arg2[%dma_wait3A_131, %dma_wait3A_132] : memref<10000x128xf32, #tpu.memory_space<hbm>> -> memref<10000x128xf32, #tpu.memory_space<hbm>>
    tpu.wait_indirect_dma semaphore(%arg13 : memref<!tpu.dma_semaphore, #tpu.memory_space<semaphore_mem>>) src(%dma_wait3A_133 : memref<10000x128xf32, #tpu.memory_space<hbm>>) dst(%arg9 : memref<80x128xf32, #tpu.memory_space<vmem>>)
    %run_scoped3A_134 = arith.constant 30 : i32
    "tpu.region"() ({
      %run_scoped3A_144 = tpu.sem_alloc : memref<!tpu.dma_semaphore, #tpu.memory_space<semaphore_mem>>
      %dma_start3A_145 = arith.constant 0 : i32
      %dma_start3A_146 = tpu.memref_slice %arg8[%run_scoped3A_134, %dma_start3A_145] : memref<32x80xi32, #tpu.memory_space<vmem>> -> memref<1x80xi32, #tpu.memory_space<vmem>>
      %dma_start3A_147 = tpu.memref_squeeze %dma_start3A_146 : memref<1x80xi32, #tpu.memory_space<vmem>> -> memref<80xi32, #tpu.memory_space<vmem>>
      %dma_start3A_148 = arith.constant 0 : i32
      %dma_start3A_149 = arith.constant 0 : i32
      %dma_start3A_150 = tpu.memref_slice %arg12[%dma_start3A_148, %dma_start3A_149] : memref<10048x128xf32, #tpu.memory_space<vmem_shared>> -> memref<10048x128xf32, #tpu.memory_space<vmem_shared>>
      tpu.enqueue_indirect_dma source(%arg9 : memref<80x128xf32, #tpu.memory_space<vmem>>) target(%dma_start3A_150 : memref<10048x128xf32, #tpu.memory_space<vmem_shared>>) offsets(%dma_start3A_147 : memref<80xi32, #tpu.memory_space<vmem>>) semaphore(%run_scoped3A_144 : memref<!tpu.dma_semaphore, #tpu.memory_space<semaphore_mem>>) {add = true}
      %dma_wait3A_151 = arith.constant 0 : i32
      %dma_wait3A_152 = tpu.memref_slice %arg8[%run_scoped3A_134, %dma_wait3A_151] : memref<32x80xi32, #tpu.memory_space<vmem>> -> memref<1x80xi32, #tpu.memory_space<vmem>>
      %dma_wait3A_153 = tpu.memref_squeeze %dma_wait3A_152 : memref<1x80xi32, #tpu.memory_space<vmem>> -> memref<80xi32, #tpu.memory_space<vmem>>
      %dma_wait3A_154 = arith.constant 0 : i32
      %dma_wait3A_155 = arith.constant 0 : i32
      %dma_wait3A_156 = tpu.memref_slice %arg12[%dma_wait3A_154, %dma_wait3A_155] : memref<10048x128xf32, #tpu.memory_space<vmem_shared>> -> memref<10048x128xf32, #tpu.memory_space<vmem_shared>>
      tpu.wait_indirect_dma semaphore(%run_scoped3A_144 : memref<!tpu.dma_semaphore, #tpu.memory_space<semaphore_mem>>) src(%arg9 : memref<80x128xf32, #tpu.memory_space<vmem>>) dst(%dma_wait3A_156 : memref<10048x128xf32, #tpu.memory_space<vmem_shared>>)
      tpu.yield
    }) : () -> ()
    %dma_wait3A_135 = arith.constant 31 : i32
    %dma_wait3A_136 = arith.constant 0 : i32
    %dma_wait3A_137 = tpu.memref_slice %arg7[%dma_wait3A_135, %dma_wait3A_136] : memref<32x80xi32, #tpu.memory_space<vmem>> -> memref<1x80xi32, #tpu.memory_space<vmem>>
    %dma_wait3A_138 = tpu.memref_squeeze %dma_wait3A_137 : memref<1x80xi32, #tpu.memory_space<vmem>> -> memref<80xi32, #tpu.memory_space<vmem>>
    %dma_wait3A_139 = arith.constant 0 : i32
    %dma_wait3A_140 = arith.constant 0 : i32
    %dma_wait3A_141 = tpu.memref_slice %arg2[%dma_wait3A_139, %dma_wait3A_140] : memref<10000x128xf32, #tpu.memory_space<hbm>> -> memref<10000x128xf32, #tpu.memory_space<hbm>>
    tpu.wait_indirect_dma semaphore(%arg14 : memref<!tpu.dma_semaphore, #tpu.memory_space<semaphore_mem>>) src(%dma_wait3A_141 : memref<10000x128xf32, #tpu.memory_space<hbm>>) dst(%arg10 : memref<80x128xf32, #tpu.memory_space<vmem>>)
    %run_scoped3A_142 = arith.constant 31 : i32
    "tpu.region"() ({
      %run_scoped3A_144 = tpu.sem_alloc : memref<!tpu.dma_semaphore, #tpu.memory_space<semaphore_mem>>
      %dma_start3A_145 = arith.constant 0 : i32
      %dma_start3A_146 = tpu.memref_slice %arg8[%run_scoped3A_142, %dma_start3A_145] : memref<32x80xi32, #tpu.memory_space<vmem>> -> memref<1x80xi32, #tpu.memory_space<vmem>>
      %dma_start3A_147 = tpu.memref_squeeze %dma_start3A_146 : memref<1x80xi32, #tpu.memory_space<vmem>> -> memref<80xi32, #tpu.memory_space<vmem>>
      %dma_start3A_148 = arith.constant 0 : i32
      %dma_start3A_149 = arith.constant 0 : i32
      %dma_start3A_150 = tpu.memref_slice %arg12[%dma_start3A_148, %dma_start3A_149] : memref<10048x128xf32, #tpu.memory_space<vmem_shared>> -> memref<10048x128xf32, #tpu.memory_space<vmem_shared>>
      tpu.enqueue_indirect_dma source(%arg10 : memref<80x128xf32, #tpu.memory_space<vmem>>) target(%dma_start3A_150 : memref<10048x128xf32, #tpu.memory_space<vmem_shared>>) offsets(%dma_start3A_147 : memref<80xi32, #tpu.memory_space<vmem>>) semaphore(%run_scoped3A_144 : memref<!tpu.dma_semaphore, #tpu.memory_space<semaphore_mem>>) {add = true}
      %dma_wait3A_151 = arith.constant 0 : i32
      %dma_wait3A_152 = tpu.memref_slice %arg8[%run_scoped3A_142, %dma_wait3A_151] : memref<32x80xi32, #tpu.memory_space<vmem>> -> memref<1x80xi32, #tpu.memory_space<vmem>>
      %dma_wait3A_153 = tpu.memref_squeeze %dma_wait3A_152 : memref<1x80xi32, #tpu.memory_space<vmem>> -> memref<80xi32, #tpu.memory_space<vmem>>
      %dma_wait3A_154 = arith.constant 0 : i32
      %dma_wait3A_155 = arith.constant 0 : i32
      %dma_wait3A_156 = tpu.memref_slice %arg12[%dma_wait3A_154, %dma_wait3A_155] : memref<10048x128xf32, #tpu.memory_space<vmem_shared>> -> memref<10048x128xf32, #tpu.memory_space<vmem_shared>>
      tpu.wait_indirect_dma semaphore(%run_scoped3A_144 : memref<!tpu.dma_semaphore, #tpu.memory_space<semaphore_mem>>) src(%arg10 : memref<80x128xf32, #tpu.memory_space<vmem>>) dst(%dma_wait3A_156 : memref<10048x128xf32, #tpu.memory_space<vmem_shared>>)
      tpu.yield
    }) : () -> ()
    %barrier3A_143 = arith.constant 0 : index
    tpu.barrier barrier_id(%barrier3A_143)
    "tpu.region"() ({
      %run_scoped3A_144 = tpu.sem_alloc : memref<!tpu.dma_semaphore, #tpu.memory_space<semaphore_mem>>
      %dma_start3A_145 = arith.constant 0 : i32
      %dma_start3A_146 = tpu.memref_slice %arg6[%arg0, %multiple_of3A, %dma_start3A_145] : memref<2x10000x128xf32, #tpu.memory_space<hbm>> -> memref<1x640x128xf32, #tpu.memory_space<hbm>>
      %dma_start3A_147 = tpu.memref_squeeze %dma_start3A_146 : memref<1x640x128xf32, #tpu.memory_space<hbm>> -> memref<640x128xf32, #tpu.memory_space<hbm>>
      %dma_start3A_148 = arith.constant 0 : i32
      %dma_start3A_149 = tpu.memref_slice %arg12[%multiple_of3A, %dma_start3A_148] : memref<10048x128xf32, #tpu.memory_space<vmem_shared>> -> memref<640x128xf32, #tpu.memory_space<vmem_shared>>
      tpu.enqueue_dma source(%dma_start3A_149 : memref<640x128xf32, #tpu.memory_space<vmem_shared>>) target(%dma_start3A_147 : memref<640x128xf32, #tpu.memory_space<hbm>>) target_semaphore(%run_scoped3A_144 : memref<!tpu.dma_semaphore, #tpu.memory_space<semaphore_mem>>)
      %dma_wait3A_150 = arith.constant 0 : i32
      %dma_wait3A_151 = tpu.memref_slice %arg6[%arg0, %multiple_of3A, %dma_wait3A_150] : memref<2x10000x128xf32, #tpu.memory_space<hbm>> -> memref<1x640x128xf32, #tpu.memory_space<hbm>>
      %dma_wait3A_152 = tpu.memref_squeeze %dma_wait3A_151 : memref<1x640x128xf32, #tpu.memory_space<hbm>> -> memref<640x128xf32, #tpu.memory_space<hbm>>
      %dma_wait3A_153 = arith.constant 0 : i32
      %dma_wait3A_154 = tpu.memref_slice %arg12[%multiple_of3A, %dma_wait3A_153] : memref<10048x128xf32, #tpu.memory_space<vmem_shared>> -> memref<640x128xf32, #tpu.memory_space<vmem_shared>>
      tpu.wait_dma2 semaphore(%run_scoped3A_144 : memref<!tpu.dma_semaphore, #tpu.memory_space<semaphore_mem>>) src(%dma_wait3A_154 : memref<640x128xf32, #tpu.memory_space<vmem_shared>>) dst(%dma_wait3A_152 : memref<640x128xf32, #tpu.memory_space<hbm>>)
      tpu.yield
    }) : () -> ()
    return
  }
}

#map = affine_map<(d0, d1) -> (0, 0)>
#map1 = affine_map<(d0, d1) -> (0, 0, 0)>
module attributes {stable_mosaic.version = 14 : i64} {
  func.func @spmm(%arg0: i32, %arg1: i32, %arg2: memref<10000x128xf32, #tpu.memory_space<hbm>>, %arg3: memref<32x128x80xi32, #tpu.memory_space<hbm>>, %arg4: memref<32x128x80xi32, #tpu.memory_space<hbm>>, %arg5: memref<640x128xf32, #tpu.memory_space<hbm>>, %arg6: memref<2x10000x128xf32, #tpu.memory_space<hbm>>, %arg7: memref<32x80xi32, #tpu.memory_space<vmem>>, %arg8: memref<32x80xi32, #tpu.memory_space<vmem>>, %arg9: memref<80x128xf32, #tpu.memory_space<vmem>>, %arg10: memref<80x128xf32, #tpu.memory_space<vmem>>, %arg11: memref<80x128xf32, #tpu.memory_space<vmem>>, %arg12: memref<10048x128xf32, #tpu.memory_space<vmem_shared>>, %arg13: memref<!tpu.dma_semaphore, #tpu.memory_space<semaphore_mem>>, %arg14: memref<!tpu.dma_semaphore, #tpu.memory_space<semaphore_mem>>, %arg15: memref<!tpu.dma_semaphore, #tpu.memory_space<semaphore_mem>>) attributes {dimension_semantics = [#tpu.dimension_semantics<core_parallel>, #tpu.dimension_semantics<subcore_parallel>], iteration_bounds = array<i64: 2, 16>, scalar_prefetch = 0 : i64, scratch_operands = 9 : i64, tpu.core_type = #tpu.core_type<sc_vector_subcore>, window_params = [{transform_indices = #map}, {transform_indices = #map1}, {transform_indices = #map1}, {transform_indices = #map}, {transform_indices = #map1}]} {
    %mul3A = arith.constant 16 : i32
    %mul3A_0 = arith.muli %arg0, %mul3A : i32
    %add3A = arith.addi %mul3A_0, %arg1 : i32
    %mul3A_1 = arith.constant 624 : i32
    %mul3A_2 = arith.muli %arg1, %mul3A_1 : i32
    %multiple_of3A = tpu.assume_multiple %mul3A_2, 8 : i32
    "tpu.region"() ({
      %run_scoped3A_144 = tpu.sem_alloc : memref<!tpu.dma_semaphore, #tpu.memory_space<semaphore_mem>>
      %dma_start3A_145 = arith.constant 0 : i32
      %dma_start3A_146 = tpu.memref_slice %arg12[%multiple_of3A, %dma_start3A_145] : memref<10048x128xf32, #tpu.memory_space<vmem_shared>> -> memref<640x128xf32, #tpu.memory_space<vmem_shared>>
      tpu.enqueue_dma source(%arg5 : memref<640x128xf32, #tpu.memory_space<hbm>>) target(%dma_start3A_146 : memref<640x128xf32, #tpu.memory_space<vmem_shared>>) target_semaphore(%run_scoped3A_144 : memref<!tpu.dma_semaphore, #tpu.memory_space<semaphore_mem>>)
      %dma_wait3A_147 = arith.constant 0 : i32
      %dma_wait3A_148 = tpu.memref_slice %arg12[%multiple_of3A, %dma_wait3A_147] : memref<10048x128xf32, #tpu.memory_space<vmem_shared>> -> memref<640x128xf32, #tpu.memory_space<vmem_shared>>
      tpu.wait_dma2 semaphore(%run_scoped3A_144 : memref<!tpu.dma_semaphore, #tpu.memory_space<semaphore_mem>>) src(%arg5 : memref<640x128xf32, #tpu.memory_space<hbm>>) dst(%dma_wait3A_148 : memref<640x128xf32, #tpu.memory_space<vmem_shared>>)
      tpu.yield
    }) : () -> ()
    %barrier3A = arith.constant 0 : index
    tpu.barrier barrier_id(%barrier3A)
    "tpu.region"() ({
      %run_scoped3A_144 = tpu.sem_alloc : memref<!tpu.dma_semaphore, #tpu.memory_space<semaphore_mem>>
      %dma_start3A_145 = arith.constant 0 : i32
      %dma_start3A_146 = arith.constant 0 : i32
      %dma_start3A_147 = tpu.memref_slice %arg3[%add3A, %dma_start3A_145, %dma_start3A_146] : memref<32x128x80xi32, #tpu.memory_space<hbm>> -> memref<1x32x80xi32, #tpu.memory_space<hbm>>
      %dma_start3A_148 = tpu.memref_squeeze %dma_start3A_147 : memref<1x32x80xi32, #tpu.memory_space<hbm>> -> memref<32x80xi32, #tpu.memory_space<hbm>>
      %dma_start3A_149 = arith.constant 0 : i32
      %dma_start3A_150 = arith.constant 0 : i32
      %dma_start3A_151 = tpu.memref_slice %arg3[%add3A, %dma_start3A_149, %dma_start3A_150] : memref<32x128x80xi32, #tpu.memory_space<hbm>> -> memref<1x32x80xi32, #tpu.memory_space<hbm>>
      %dma_start3A_152 = tpu.memref_squeeze %dma_start3A_151 : memref<1x32x80xi32, #tpu.memory_space<hbm>> -> memref<32x80xi32, #tpu.memory_space<hbm>>
      tpu.enqueue_dma source(%dma_start3A_152 : memref<32x80xi32, #tpu.memory_space<hbm>>) target(%arg7 : memref<32x80xi32, #tpu.memory_space<vmem>>) target_semaphore(%run_scoped3A_144 : memref<!tpu.dma_semaphore, #tpu.memory_space<semaphore_mem>>)
      %dma_wait3A_153 = arith.constant 0 : i32
      %dma_wait3A_154 = arith.constant 0 : i32
      %dma_wait3A_155 = tpu.memref_slice %arg3[%add3A, %dma_wait3A_153, %dma_wait3A_154] : memref<32x128x80xi32, #tpu.memory_space<hbm>> -> memref<1x32x80xi32, #tpu.memory_space<hbm>>
      %dma_wait3A_156 = tpu.memref_squeeze %dma_wait3A_155 : memref<1x32x80xi32, #tpu.memory_space<hbm>> -> memref<32x80xi32, #tpu.memory_space<hbm>>
      %dma_wait3A_157 = arith.constant 0 : i32
      %dma_wait3A_158 = arith.constant 0 : i32
      %dma_wait3A_159 = tpu.memref_slice %arg3[%add3A, %dma_wait3A_157, %dma_wait3A_158] : memref<32x128x80xi32, #tpu.memory_space<hbm>> -> memref<1x32x80xi32, #tpu.memory_space<hbm>>
      %dma_wait3A_160 = tpu.memref_squeeze %dma_wait3A_159 : memref<1x32x80xi32, #tpu.memory_space<hbm>> -> memref<32x80xi32, #tpu.memory_space<hbm>>
      tpu.wait_dma2 semaphore(%run_scoped3A_144 : memref<!tpu.dma_semaphore, #tpu.memory_space<semaphore_mem>>) src(%dma_wait3A_160 : memref<32x80xi32, #tpu.memory_space<hbm>>) dst(%arg7 : memref<32x80xi32, #tpu.memory_space<vmem>>)
      tpu.yield
    }) : () -> ()
    "tpu.region"() ({
      %run_scoped3A_144 = tpu.sem_alloc : memref<!tpu.dma_semaphore, #tpu.memory_space<semaphore_mem>>
      %dma_start3A_145 = arith.constant 0 : i32
      %dma_start3A_146 = arith.constant 0 : i32
      %dma_start3A_147 = tpu.memref_slice %arg4[%add3A, %dma_start3A_145, %dma_start3A_146] : memref<32x128x80xi32, #tpu.memory_space<hbm>> -> memref<1x32x80xi32, #tpu.memory_space<hbm>>
      %dma_start3A_148 = tpu.memref_squeeze %dma_start3A_147 : memref<1x32x80xi32, #tpu.memory_space<hbm>> -> memref<32x80xi32, #tpu.memory_space<hbm>>
      %dma_start3A_149 = arith.constant 0 : i32
      %dma_start3A_150 = arith.constant 0 : i32
      %dma_start3A_151 = tpu.memref_slice %arg4[%add3A, %dma_start3A_149, %dma_start3A_150] : memref<32x128x80xi32, #tpu.memory_space<hbm>> -> memref<1x32x80xi32, #tpu.memory_space<hbm>>
      %dma_start3A_152 = tpu.memref_squeeze %dma_start3A_151 : memref<1x32x80xi32, #tpu.memory_space<hbm>> -> memref<32x80xi32, #tpu.memory_space<hbm>>
      tpu.enqueue_dma source(%dma_start3A_152 : memref<32x80xi32, #tpu.memory_space<hbm>>) target(%arg8 : memref<32x80xi32, #tpu.memory_space<vmem>>) target_semaphore(%run_scoped3A_144 : memref<!tpu.dma_semaphore, #tpu.memory_space<semaphore_mem>>)
      %dma_wait3A_153 = arith.constant 0 : i32
      %dma_wait3A_154 = arith.constant 0 : i32
      %dma_wait3A_155 = tpu.memref_slice %arg4[%add3A, %dma_wait3A_153, %dma_wait3A_154] : memref<32x128x80xi32, #tpu.memory_space<hbm>> -> memref<1x32x80xi32, #tpu.memory_space<hbm>>
      %dma_wait3A_156 = tpu.memref_squeeze %dma_wait3A_155 : memref<1x32x80xi32, #tpu.memory_space<hbm>> -> memref<32x80xi32, #tpu.memory_space<hbm>>
      %dma_wait3A_157 = arith.constant 0 : i32
      %dma_wait3A_158 = arith.constant 0 : i32
      %dma_wait3A_159 = tpu.memref_slice %arg4[%add3A, %dma_wait3A_157, %dma_wait3A_158] : memref<32x128x80xi32, #tpu.memory_space<hbm>> -> memref<1x32x80xi32, #tpu.memory_space<hbm>>
      %dma_wait3A_160 = tpu.memref_squeeze %dma_wait3A_159 : memref<1x32x80xi32, #tpu.memory_space<hbm>> -> memref<32x80xi32, #tpu.memory_space<hbm>>
      tpu.wait_dma2 semaphore(%run_scoped3A_144 : memref<!tpu.dma_semaphore, #tpu.memory_space<semaphore_mem>>) src(%dma_wait3A_160 : memref<32x80xi32, #tpu.memory_space<hbm>>) dst(%arg8 : memref<32x80xi32, #tpu.memory_space<vmem>>)
      tpu.yield
    }) : () -> ()
    %dma_start3A = arith.constant 0 : i32
    %dma_start3A_3 = arith.constant 0 : i32
    %dma_start3A_4 = tpu.memref_slice %arg7[%dma_start3A, %dma_start3A_3] : memref<32x80xi32, #tpu.memory_space<vmem>> -> memref<1x80xi32, #tpu.memory_space<vmem>>
    %dma_start3A_5 = tpu.memref_squeeze %dma_start3A_4 : memref<1x80xi32, #tpu.memory_space<vmem>> -> memref<80xi32, #tpu.memory_space<vmem>>
    %dma_start3A_6 = arith.constant 0 : i32
    %dma_start3A_7 = arith.constant 0 : i32
    %dma_start3A_8 = tpu.memref_slice %arg2[%dma_start3A_6, %dma_start3A_7] : memref<10000x128xf32, #tpu.memory_space<hbm>> -> memref<10000x128xf32, #tpu.memory_space<hbm>>
    tpu.enqueue_indirect_dma source(%dma_start3A_8 : memref<10000x128xf32, #tpu.memory_space<hbm>>) target(%arg9 : memref<80x128xf32, #tpu.memory_space<vmem>>) offsets(%dma_start3A_5 : memref<80xi32, #tpu.memory_space<vmem>>) semaphore(%arg13 : memref<!tpu.dma_semaphore, #tpu.memory_space<semaphore_mem>>)
    %dma_start3A_9 = arith.constant 1 : i32
    %dma_start3A_10 = arith.constant 0 : i32
    %dma_start3A_11 = tpu.memref_slice %arg7[%dma_start3A_9, %dma_start3A_10] : memref<32x80xi32, #tpu.memory_space<vmem>> -> memref<1x80xi32, #tpu.memory_space<vmem>>
    %dma_start3A_12 = tpu.memref_squeeze %dma_start3A_11 : memref<1x80xi32, #tpu.memory_space<vmem>> -> memref<80xi32, #tpu.memory_space<vmem>>
    %dma_start3A_13 = arith.constant 0 : i32
    %dma_start3A_14 = arith.constant 0 : i32
    %dma_start3A_15 = tpu.memref_slice %arg2[%dma_start3A_13, %dma_start3A_14] : memref<10000x128xf32, #tpu.memory_space<hbm>> -> memref<10000x128xf32, #tpu.memory_space<hbm>>
    tpu.enqueue_indirect_dma source(%dma_start3A_15 : memref<10000x128xf32, #tpu.memory_space<hbm>>) target(%arg10 : memref<80x128xf32, #tpu.memory_space<vmem>>) offsets(%dma_start3A_12 : memref<80xi32, #tpu.memory_space<vmem>>) semaphore(%arg14 : memref<!tpu.dma_semaphore, #tpu.memory_space<semaphore_mem>>)
    %scan3A = arith.constant 0 : i32
    %scan3A_16 = arith.constant 0 : i32
    %scan3A_17 = arith.constant 10 : i32
    %scan3A_18 = arith.addi %scan3A_16, %scan3A_17 : i32
    %scan3A_19 = arith.constant 1 : i32
    scf.for %scan3A_144 = %scan3A_16 to %scan3A_18 step %scan3A_19  : i32 {
      %mul3A_145 = arith.constant 3 : i32
      %mul3A_146 = arith.muli %mul3A_145, %scan3A_144 : i32
      %add3A_147 = arith.constant 2 : i32
      %add3A_148 = arith.addi %mul3A_146, %add3A_147 : i32
      %dma_start3A_149 = arith.constant 0 : i32
      %dma_start3A_150 = tpu.memref_slice %arg7[%add3A_148, %dma_start3A_149] : memref<32x80xi32, #tpu.memory_space<vmem>> -> memref<1x80xi32, #tpu.memory_space<vmem>>
      %dma_start3A_151 = tpu.memref_squeeze %dma_start3A_150 : memref<1x80xi32, #tpu.memory_space<vmem>> -> memref<80xi32, #tpu.memory_space<vmem>>
      %dma_start3A_152 = arith.constant 0 : i32
      %dma_start3A_153 = arith.constant 0 : i32
      %dma_start3A_154 = tpu.memref_slice %arg2[%dma_start3A_152, %dma_start3A_153] : memref<10000x128xf32, #tpu.memory_space<hbm>> -> memref<10000x128xf32, #tpu.memory_space<hbm>>
      tpu.enqueue_indirect_dma source(%dma_start3A_154 : memref<10000x128xf32, #tpu.memory_space<hbm>>) target(%arg11 : memref<80x128xf32, #tpu.memory_space<vmem>>) offsets(%dma_start3A_151 : memref<80xi32, #tpu.memory_space<vmem>>) semaphore(%arg15 : memref<!tpu.dma_semaphore, #tpu.memory_space<semaphore_mem>>)
      %dma_wait3A_155 = arith.constant 0 : i32
      %dma_wait3A_156 = tpu.memref_slice %arg7[%mul3A_146, %dma_wait3A_155] : memref<32x80xi32, #tpu.memory_space<vmem>> -> memref<1x80xi32, #tpu.memory_space<vmem>>
      %dma_wait3A_157 = tpu.memref_squeeze %dma_wait3A_156 : memref<1x80xi32, #tpu.memory_space<vmem>> -> memref<80xi32, #tpu.memory_space<vmem>>
      %dma_wait3A_158 = arith.constant 0 : i32
      %dma_wait3A_159 = arith.constant 0 : i32
      %dma_wait3A_160 = tpu.memref_slice %arg2[%dma_wait3A_158, %dma_wait3A_159] : memref<10000x128xf32, #tpu.memory_space<hbm>> -> memref<10000x128xf32, #tpu.memory_space<hbm>>
      tpu.wait_indirect_dma semaphore(%arg13 : memref<!tpu.dma_semaphore, #tpu.memory_space<semaphore_mem>>) src(%dma_wait3A_160 : memref<10000x128xf32, #tpu.memory_space<hbm>>) dst(%arg9 : memref<80x128xf32, #tpu.memory_space<vmem>>)
      "tpu.region"() ({
        %run_scoped3A_197 = tpu.sem_alloc : memref<!tpu.dma_semaphore, #tpu.memory_space<semaphore_mem>>
        %dma_start3A_198 = arith.constant 0 : i32
        %dma_start3A_199 = tpu.memref_slice %arg8[%mul3A_146, %dma_start3A_198] : memref<32x80xi32, #tpu.memory_space<vmem>> -> memref<1x80xi32, #tpu.memory_space<vmem>>
        %dma_start3A_200 = tpu.memref_squeeze %dma_start3A_199 : memref<1x80xi32, #tpu.memory_space<vmem>> -> memref<80xi32, #tpu.memory_space<vmem>>
        %dma_start3A_201 = arith.constant 0 : i32
        %dma_start3A_202 = arith.constant 0 : i32
        %dma_start3A_203 = tpu.memref_slice %arg12[%dma_start3A_201, %dma_start3A_202] : memref<10048x128xf32, #tpu.memory_space<vmem_shared>> -> memref<10048x128xf32, #tpu.memory_space<vmem_shared>>
        tpu.enqueue_indirect_dma source(%arg9 : memref<80x128xf32, #tpu.memory_space<vmem>>) target(%dma_start3A_203 : memref<10048x128xf32, #tpu.memory_space<vmem_shared>>) offsets(%dma_start3A_200 : memref<80xi32, #tpu.memory_space<vmem>>) semaphore(%run_scoped3A_197 : memref<!tpu.dma_semaphore, #tpu.memory_space<semaphore_mem>>) {add = true}
        %dma_wait3A_204 = arith.constant 0 : i32
        %dma_wait3A_205 = tpu.memref_slice %arg8[%mul3A_146, %dma_wait3A_204] : memref<32x80xi32, #tpu.memory_space<vmem>> -> memref<1x80xi32, #tpu.memory_space<vmem>>
        %dma_wait3A_206 = tpu.memref_squeeze %dma_wait3A_205 : memref<1x80xi32, #tpu.memory_space<vmem>> -> memref<80xi32, #tpu.memory_space<vmem>>
        %dma_wait3A_207 = arith.constant 0 : i32
        %dma_wait3A_208 = arith.constant 0 : i32
        %dma_wait3A_209 = tpu.memref_slice %arg12[%dma_wait3A_207, %dma_wait3A_208] : memref<10048x128xf32, #tpu.memory_space<vmem_shared>> -> memref<10048x128xf32, #tpu.memory_space<vmem_shared>>
        tpu.wait_indirect_dma semaphore(%run_scoped3A_197 : memref<!tpu.dma_semaphore, #tpu.memory_space<semaphore_mem>>) src(%arg9 : memref<80x128xf32, #tpu.memory_space<vmem>>) dst(%dma_wait3A_209 : memref<10048x128xf32, #tpu.memory_space<vmem_shared>>)
        tpu.yield
      }) : () -> ()
      %add3A_161 = arith.constant 3 : i32
      %add3A_162 = arith.addi %mul3A_146, %add3A_161 : i32
      %dma_start3A_163 = arith.constant 0 : i32
      %dma_start3A_164 = tpu.memref_slice %arg7[%add3A_162, %dma_start3A_163] : memref<32x80xi32, #tpu.memory_space<vmem>> -> memref<1x80xi32, #tpu.memory_space<vmem>>
      %dma_start3A_165 = tpu.memref_squeeze %dma_start3A_164 : memref<1x80xi32, #tpu.memory_space<vmem>> -> memref<80xi32, #tpu.memory_space<vmem>>
      %dma_start3A_166 = arith.constant 0 : i32
      %dma_start3A_167 = arith.constant 0 : i32
      %dma_start3A_168 = tpu.memref_slice %arg2[%dma_start3A_166, %dma_start3A_167] : memref<10000x128xf32, #tpu.memory_space<hbm>> -> memref<10000x128xf32, #tpu.memory_space<hbm>>
      tpu.enqueue_indirect_dma source(%dma_start3A_168 : memref<10000x128xf32, #tpu.memory_space<hbm>>) target(%arg9 : memref<80x128xf32, #tpu.memory_space<vmem>>) offsets(%dma_start3A_165 : memref<80xi32, #tpu.memory_space<vmem>>) semaphore(%arg13 : memref<!tpu.dma_semaphore, #tpu.memory_space<semaphore_mem>>)
      %add3A_169 = arith.constant 1 : i32
      %add3A_170 = arith.addi %mul3A_146, %add3A_169 : i32
      %dma_wait3A_171 = arith.constant 0 : i32
      %dma_wait3A_172 = tpu.memref_slice %arg7[%add3A_170, %dma_wait3A_171] : memref<32x80xi32, #tpu.memory_space<vmem>> -> memref<1x80xi32, #tpu.memory_space<vmem>>
      %dma_wait3A_173 = tpu.memref_squeeze %dma_wait3A_172 : memref<1x80xi32, #tpu.memory_space<vmem>> -> memref<80xi32, #tpu.memory_space<vmem>>
      %dma_wait3A_174 = arith.constant 0 : i32
      %dma_wait3A_175 = arith.constant 0 : i32
      %dma_wait3A_176 = tpu.memref_slice %arg2[%dma_wait3A_174, %dma_wait3A_175] : memref<10000x128xf32, #tpu.memory_space<hbm>> -> memref<10000x128xf32, #tpu.memory_space<hbm>>
      tpu.wait_indirect_dma semaphore(%arg14 : memref<!tpu.dma_semaphore, #tpu.memory_space<semaphore_mem>>) src(%dma_wait3A_176 : memref<10000x128xf32, #tpu.memory_space<hbm>>) dst(%arg10 : memref<80x128xf32, #tpu.memory_space<vmem>>)
      %add3A_177 = arith.constant 1 : i32
      %add3A_178 = arith.addi %mul3A_146, %add3A_177 : i32
      "tpu.region"() ({
        %run_scoped3A_197 = tpu.sem_alloc : memref<!tpu.dma_semaphore, #tpu.memory_space<semaphore_mem>>
        %dma_start3A_198 = arith.constant 0 : i32
        %dma_start3A_199 = tpu.memref_slice %arg8[%add3A_178, %dma_start3A_198] : memref<32x80xi32, #tpu.memory_space<vmem>> -> memref<1x80xi32, #tpu.memory_space<vmem>>
        %dma_start3A_200 = tpu.memref_squeeze %dma_start3A_199 : memref<1x80xi32, #tpu.memory_space<vmem>> -> memref<80xi32, #tpu.memory_space<vmem>>
        %dma_start3A_201 = arith.constant 0 : i32
        %dma_start3A_202 = arith.constant 0 : i32
        %dma_start3A_203 = tpu.memref_slice %arg12[%dma_start3A_201, %dma_start3A_202] : memref<10048x128xf32, #tpu.memory_space<vmem_shared>> -> memref<10048x128xf32, #tpu.memory_space<vmem_shared>>
        tpu.enqueue_indirect_dma source(%arg10 : memref<80x128xf32, #tpu.memory_space<vmem>>) target(%dma_start3A_203 : memref<10048x128xf32, #tpu.memory_space<vmem_shared>>) offsets(%dma_start3A_200 : memref<80xi32, #tpu.memory_space<vmem>>) semaphore(%run_scoped3A_197 : memref<!tpu.dma_semaphore, #tpu.memory_space<semaphore_mem>>) {add = true}
        %dma_wait3A_204 = arith.constant 0 : i32
        %dma_wait3A_205 = tpu.memref_slice %arg8[%add3A_178, %dma_wait3A_204] : memref<32x80xi32, #tpu.memory_space<vmem>> -> memref<1x80xi32, #tpu.memory_space<vmem>>
        %dma_wait3A_206 = tpu.memref_squeeze %dma_wait3A_205 : memref<1x80xi32, #tpu.memory_space<vmem>> -> memref<80xi32, #tpu.memory_space<vmem>>
        %dma_wait3A_207 = arith.constant 0 : i32
        %dma_wait3A_208 = arith.constant 0 : i32
        %dma_wait3A_209 = tpu.memref_slice %arg12[%dma_wait3A_207, %dma_wait3A_208] : memref<10048x128xf32, #tpu.memory_space<vmem_shared>> -> memref<10048x128xf32, #tpu.memory_space<vmem_shared>>
        tpu.wait_indirect_dma semaphore(%run_scoped3A_197 : memref<!tpu.dma_semaphore, #tpu.memory_space<semaphore_mem>>) src(%arg10 : memref<80x128xf32, #tpu.memory_space<vmem>>) dst(%dma_wait3A_209 : memref<10048x128xf32, #tpu.memory_space<vmem_shared>>)
        tpu.yield
      }) : () -> ()
      %add3A_179 = arith.constant 4 : i32
      %add3A_180 = arith.addi %mul3A_146, %add3A_179 : i32
      %dma_start3A_181 = arith.constant 0 : i32
      %dma_start3A_182 = tpu.memref_slice %arg7[%add3A_180, %dma_start3A_181] : memref<32x80xi32, #tpu.memory_space<vmem>> -> memref<1x80xi32, #tpu.memory_space<vmem>>
      %dma_start3A_183 = tpu.memref_squeeze %dma_start3A_182 : memref<1x80xi32, #tpu.memory_space<vmem>> -> memref<80xi32, #tpu.memory_space<vmem>>
      %dma_start3A_184 = arith.constant 0 : i32
      %dma_start3A_185 = arith.constant 0 : i32
      %dma_start3A_186 = tpu.memref_slice %arg2[%dma_start3A_184, %dma_start3A_185] : memref<10000x128xf32, #tpu.memory_space<hbm>> -> memref<10000x128xf32, #tpu.memory_space<hbm>>
      tpu.enqueue_indirect_dma source(%dma_start3A_186 : memref<10000x128xf32, #tpu.memory_space<hbm>>) target(%arg10 : memref<80x128xf32, #tpu.memory_space<vmem>>) offsets(%dma_start3A_183 : memref<80xi32, #tpu.memory_space<vmem>>) semaphore(%arg14 : memref<!tpu.dma_semaphore, #tpu.memory_space<semaphore_mem>>)
      %add3A_187 = arith.constant 2 : i32
      %add3A_188 = arith.addi %mul3A_146, %add3A_187 : i32
      %dma_wait3A_189 = arith.constant 0 : i32
      %dma_wait3A_190 = tpu.memref_slice %arg7[%add3A_188, %dma_wait3A_189] : memref<32x80xi32, #tpu.memory_space<vmem>> -> memref<1x80xi32, #tpu.memory_space<vmem>>
      %dma_wait3A_191 = tpu.memref_squeeze %dma_wait3A_190 : memref<1x80xi32, #tpu.memory_space<vmem>> -> memref<80xi32, #tpu.memory_space<vmem>>
      %dma_wait3A_192 = arith.constant 0 : i32
      %dma_wait3A_193 = arith.constant 0 : i32
      %dma_wait3A_194 = tpu.memref_slice %arg2[%dma_wait3A_192, %dma_wait3A_193] : memref<10000x128xf32, #tpu.memory_space<hbm>> -> memref<10000x128xf32, #tpu.memory_space<hbm>>
      tpu.wait_indirect_dma semaphore(%arg15 : memref<!tpu.dma_semaphore, #tpu.memory_space<semaphore_mem>>) src(%dma_wait3A_194 : memref<10000x128xf32, #tpu.memory_space<hbm>>) dst(%arg11 : memref<80x128xf32, #tpu.memory_space<vmem>>)
      %add3A_195 = arith.constant 2 : i32
      %add3A_196 = arith.addi %mul3A_146, %add3A_195 : i32
      "tpu.region"() ({
        %run_scoped3A_197 = tpu.sem_alloc : memref<!tpu.dma_semaphore, #tpu.memory_space<semaphore_mem>>
        %dma_start3A_198 = arith.constant 0 : i32
        %dma_start3A_199 = tpu.memref_slice %arg8[%add3A_196, %dma_start3A_198] : memref<32x80xi32, #tpu.memory_space<vmem>> -> memref<1x80xi32, #tpu.memory_space<vmem>>
        %dma_start3A_200 = tpu.memref_squeeze %dma_start3A_199 : memref<1x80xi32, #tpu.memory_space<vmem>> -> memref<80xi32, #tpu.memory_space<vmem>>
        %dma_start3A_201 = arith.constant 0 : i32
        %dma_start3A_202 = arith.constant 0 : i32
        %dma_start3A_203 = tpu.memref_slice %arg12[%dma_start3A_201, %dma_start3A_202] : memref<10048x128xf32, #tpu.memory_space<vmem_shared>> -> memref<10048x128xf32, #tpu.memory_space<vmem_shared>>
        tpu.enqueue_indirect_dma source(%arg11 : memref<80x128xf32, #tpu.memory_space<vmem>>) target(%dma_start3A_203 : memref<10048x128xf32, #tpu.memory_space<vmem_shared>>) offsets(%dma_start3A_200 : memref<80xi32, #tpu.memory_space<vmem>>) semaphore(%run_scoped3A_197 : memref<!tpu.dma_semaphore, #tpu.memory_space<semaphore_mem>>) {add = true}
        %dma_wait3A_204 = arith.constant 0 : i32
        %dma_wait3A_205 = tpu.memref_slice %arg8[%add3A_196, %dma_wait3A_204] : memref<32x80xi32, #tpu.memory_space<vmem>> -> memref<1x80xi32, #tpu.memory_space<vmem>>
        %dma_wait3A_206 = tpu.memref_squeeze %dma_wait3A_205 : memref<1x80xi32, #tpu.memory_space<vmem>> -> memref<80xi32, #tpu.memory_space<vmem>>
        %dma_wait3A_207 = arith.constant 0 : i32
        %dma_wait3A_208 = arith.constant 0 : i32
        %dma_wait3A_209 = tpu.memref_slice %arg12[%dma_wait3A_207, %dma_wait3A_208] : memref<10048x128xf32, #tpu.memory_space<vmem_shared>> -> memref<10048x128xf32, #tpu.memory_space<vmem_shared>>
        tpu.wait_indirect_dma semaphore(%run_scoped3A_197 : memref<!tpu.dma_semaphore, #tpu.memory_space<semaphore_mem>>) src(%arg11 : memref<80x128xf32, #tpu.memory_space<vmem>>) dst(%dma_wait3A_209 : memref<10048x128xf32, #tpu.memory_space<vmem_shared>>)
        tpu.yield
      }) : () -> ()
    }
    %scan3A_20 = arith.constant 10 : i32
    %dma_wait3A = arith.constant 30 : i32
    %dma_wait3A_21 = arith.constant 0 : i32
    %dma_wait3A_22 = tpu.memref_slice %arg7[%dma_wait3A, %dma_wait3A_21] : memref<32x80xi32, #tpu.memory_space<vmem>> -> memref<1x80xi32, #tpu.memory_space<vmem>>
    %dma_wait3A_23 = tpu.memref_squeeze %dma_wait3A_22 : memref<1x80xi32, #tpu.memory_space<vmem>> -> memref<80xi32, #tpu.memory_space<vmem>>
    %dma_wait3A_24 = arith.constant 0 : i32
    %dma_wait3A_25 = arith.constant 0 : i32
    %dma_wait3A_26 = tpu.memref_slice %arg2[%dma_wait3A_24, %dma_wait3A_25] : memref<10000x128xf32, #tpu.memory_space<hbm>> -> memref<10000x128xf32, #tpu.memory_space<hbm>>
    tpu.wait_indirect_dma semaphore(%arg13 : memref<!tpu.dma_semaphore, #tpu.memory_space<semaphore_mem>>) src(%dma_wait3A_26 : memref<10000x128xf32, #tpu.memory_space<hbm>>) dst(%arg9 : memref<80x128xf32, #tpu.memory_space<vmem>>)
    %run_scoped3A = arith.constant 30 : i32
    "tpu.region"() ({
      %run_scoped3A_144 = tpu.sem_alloc : memref<!tpu.dma_semaphore, #tpu.memory_space<semaphore_mem>>
      %dma_start3A_145 = arith.constant 0 : i32
      %dma_start3A_146 = tpu.memref_slice %arg8[%run_scoped3A, %dma_start3A_145] : memref<32x80xi32, #tpu.memory_space<vmem>> -> memref<1x80xi32, #tpu.memory_space<vmem>>
      %dma_start3A_147 = tpu.memref_squeeze %dma_start3A_146 : memref<1x80xi32, #tpu.memory_space<vmem>> -> memref<80xi32, #tpu.memory_space<vmem>>
      %dma_start3A_148 = arith.constant 0 : i32
      %dma_start3A_149 = arith.constant 0 : i32
      %dma_start3A_150 = tpu.memref_slice %arg12[%dma_start3A_148, %dma_start3A_149] : memref<10048x128xf32, #tpu.memory_space<vmem_shared>> -> memref<10048x128xf32, #tpu.memory_space<vmem_shared>>
      tpu.enqueue_indirect_dma source(%arg9 : memref<80x128xf32, #tpu.memory_space<vmem>>) target(%dma_start3A_150 : memref<10048x128xf32, #tpu.memory_space<vmem_shared>>) offsets(%dma_start3A_147 : memref<80xi32, #tpu.memory_space<vmem>>) semaphore(%run_scoped3A_144 : memref<!tpu.dma_semaphore, #tpu.memory_space<semaphore_mem>>) {add = true}
      %dma_wait3A_151 = arith.constant 0 : i32
      %dma_wait3A_152 = tpu.memref_slice %arg8[%run_scoped3A, %dma_wait3A_151] : memref<32x80xi32, #tpu.memory_space<vmem>> -> memref<1x80xi32, #tpu.memory_space<vmem>>
      %dma_wait3A_153 = tpu.memref_squeeze %dma_wait3A_152 : memref<1x80xi32, #tpu.memory_space<vmem>> -> memref<80xi32, #tpu.memory_space<vmem>>
      %dma_wait3A_154 = arith.constant 0 : i32
      %dma_wait3A_155 = arith.constant 0 : i32
      %dma_wait3A_156 = tpu.memref_slice %arg12[%dma_wait3A_154, %dma_wait3A_155] : memref<10048x128xf32, #tpu.memory_space<vmem_shared>> -> memref<10048x128xf32, #tpu.memory_space<vmem_shared>>
      tpu.wait_indirect_dma semaphore(%run_scoped3A_144 : memref<!tpu.dma_semaphore, #tpu.memory_space<semaphore_mem>>) src(%arg9 : memref<80x128xf32, #tpu.memory_space<vmem>>) dst(%dma_wait3A_156 : memref<10048x128xf32, #tpu.memory_space<vmem_shared>>)
      tpu.yield
    }) : () -> ()
    %dma_wait3A_27 = arith.constant 31 : i32
    %dma_wait3A_28 = arith.constant 0 : i32
    %dma_wait3A_29 = tpu.memref_slice %arg7[%dma_wait3A_27, %dma_wait3A_28] : memref<32x80xi32, #tpu.memory_space<vmem>> -> memref<1x80xi32, #tpu.memory_space<vmem>>
    %dma_wait3A_30 = tpu.memref_squeeze %dma_wait3A_29 : memref<1x80xi32, #tpu.memory_space<vmem>> -> memref<80xi32, #tpu.memory_space<vmem>>
    %dma_wait3A_31 = arith.constant 0 : i32
    %dma_wait3A_32 = arith.constant 0 : i32
    %dma_wait3A_33 = tpu.memref_slice %arg2[%dma_wait3A_31, %dma_wait3A_32] : memref<10000x128xf32, #tpu.memory_space<hbm>> -> memref<10000x128xf32, #tpu.memory_space<hbm>>
    tpu.wait_indirect_dma semaphore(%arg14 : memref<!tpu.dma_semaphore, #tpu.memory_space<semaphore_mem>>) src(%dma_wait3A_33 : memref<10000x128xf32, #tpu.memory_space<hbm>>) dst(%arg10 : memref<80x128xf32, #tpu.memory_space<vmem>>)
    %run_scoped3A_34 = arith.constant 31 : i32
    "tpu.region"() ({
      %run_scoped3A_144 = tpu.sem_alloc : memref<!tpu.dma_semaphore, #tpu.memory_space<semaphore_mem>>
      %dma_start3A_145 = arith.constant 0 : i32
      %dma_start3A_146 = tpu.memref_slice %arg8[%run_scoped3A_34, %dma_start3A_145] : memref<32x80xi32, #tpu.memory_space<vmem>> -> memref<1x80xi32, #tpu.memory_space<vmem>>
      %dma_start3A_147 = tpu.memref_squeeze %dma_start3A_146 : memref<1x80xi32, #tpu.memory_space<vmem>> -> memref<80xi32, #tpu.memory_space<vmem>>
      %dma_start3A_148 = arith.constant 0 : i32
      %dma_start3A_149 = arith.constant 0 : i32
      %dma_start3A_150 = tpu.memref_slice %arg12[%dma_start3A_148, %dma_start3A_149] : memref<10048x128xf32, #tpu.memory_space<vmem_shared>> -> memref<10048x128xf32, #tpu.memory_space<vmem_shared>>
      tpu.enqueue_indirect_dma source(%arg10 : memref<80x128xf32, #tpu.memory_space<vmem>>) target(%dma_start3A_150 : memref<10048x128xf32, #tpu.memory_space<vmem_shared>>) offsets(%dma_start3A_147 : memref<80xi32, #tpu.memory_space<vmem>>) semaphore(%run_scoped3A_144 : memref<!tpu.dma_semaphore, #tpu.memory_space<semaphore_mem>>) {add = true}
      %dma_wait3A_151 = arith.constant 0 : i32
      %dma_wait3A_152 = tpu.memref_slice %arg8[%run_scoped3A_34, %dma_wait3A_151] : memref<32x80xi32, #tpu.memory_space<vmem>> -> memref<1x80xi32, #tpu.memory_space<vmem>>
      %dma_wait3A_153 = tpu.memref_squeeze %dma_wait3A_152 : memref<1x80xi32, #tpu.memory_space<vmem>> -> memref<80xi32, #tpu.memory_space<vmem>>
      %dma_wait3A_154 = arith.constant 0 : i32
      %dma_wait3A_155 = arith.constant 0 : i32
      %dma_wait3A_156 = tpu.memref_slice %arg12[%dma_wait3A_154, %dma_wait3A_155] : memref<10048x128xf32, #tpu.memory_space<vmem_shared>> -> memref<10048x128xf32, #tpu.memory_space<vmem_shared>>
      tpu.wait_indirect_dma semaphore(%run_scoped3A_144 : memref<!tpu.dma_semaphore, #tpu.memory_space<semaphore_mem>>) src(%arg10 : memref<80x128xf32, #tpu.memory_space<vmem>>) dst(%dma_wait3A_156 : memref<10048x128xf32, #tpu.memory_space<vmem_shared>>)
      tpu.yield
    }) : () -> ()
    "tpu.region"() ({
      %run_scoped3A_144 = tpu.sem_alloc : memref<!tpu.dma_semaphore, #tpu.memory_space<semaphore_mem>>
      %dma_start3A_145 = arith.constant 32 : i32
      %dma_start3A_146 = arith.constant 0 : i32
      %dma_start3A_147 = tpu.memref_slice %arg3[%add3A, %dma_start3A_145, %dma_start3A_146] : memref<32x128x80xi32, #tpu.memory_space<hbm>> -> memref<1x32x80xi32, #tpu.memory_space<hbm>>
      %dma_start3A_148 = tpu.memref_squeeze %dma_start3A_147 : memref<1x32x80xi32, #tpu.memory_space<hbm>> -> memref<32x80xi32, #tpu.memory_space<hbm>>
      %dma_start3A_149 = arith.constant 32 : i32
      %dma_start3A_150 = arith.constant 0 : i32
      %dma_start3A_151 = tpu.memref_slice %arg3[%add3A, %dma_start3A_149, %dma_start3A_150] : memref<32x128x80xi32, #tpu.memory_space<hbm>> -> memref<1x32x80xi32, #tpu.memory_space<hbm>>
      %dma_start3A_152 = tpu.memref_squeeze %dma_start3A_151 : memref<1x32x80xi32, #tpu.memory_space<hbm>> -> memref<32x80xi32, #tpu.memory_space<hbm>>
      tpu.enqueue_dma source(%dma_start3A_152 : memref<32x80xi32, #tpu.memory_space<hbm>>) target(%arg7 : memref<32x80xi32, #tpu.memory_space<vmem>>) target_semaphore(%run_scoped3A_144 : memref<!tpu.dma_semaphore, #tpu.memory_space<semaphore_mem>>)
      %dma_wait3A_153 = arith.constant 32 : i32
      %dma_wait3A_154 = arith.constant 0 : i32
      %dma_wait3A_155 = tpu.memref_slice %arg3[%add3A, %dma_wait3A_153, %dma_wait3A_154] : memref<32x128x80xi32, #tpu.memory_space<hbm>> -> memref<1x32x80xi32, #tpu.memory_space<hbm>>
      %dma_wait3A_156 = tpu.memref_squeeze %dma_wait3A_155 : memref<1x32x80xi32, #tpu.memory_space<hbm>> -> memref<32x80xi32, #tpu.memory_space<hbm>>
      %dma_wait3A_157 = arith.constant 32 : i32
      %dma_wait3A_158 = arith.constant 0 : i32
      %dma_wait3A_159 = tpu.memref_slice %arg3[%add3A, %dma_wait3A_157, %dma_wait3A_158] : memref<32x128x80xi32, #tpu.memory_space<hbm>> -> memref<1x32x80xi32, #tpu.memory_space<hbm>>
      %dma_wait3A_160 = tpu.memref_squeeze %dma_wait3A_159 : memref<1x32x80xi32, #tpu.memory_space<hbm>> -> memref<32x80xi32, #tpu.memory_space<hbm>>
      tpu.wait_dma2 semaphore(%run_scoped3A_144 : memref<!tpu.dma_semaphore, #tpu.memory_space<semaphore_mem>>) src(%dma_wait3A_160 : memref<32x80xi32, #tpu.memory_space<hbm>>) dst(%arg7 : memref<32x80xi32, #tpu.memory_space<vmem>>)
      tpu.yield
    }) : () -> ()
    "tpu.region"() ({
      %run_scoped3A_144 = tpu.sem_alloc : memref<!tpu.dma_semaphore, #tpu.memory_space<semaphore_mem>>
      %dma_start3A_145 = arith.constant 32 : i32
      %dma_start3A_146 = arith.constant 0 : i32
      %dma_start3A_147 = tpu.memref_slice %arg4[%add3A, %dma_start3A_145, %dma_start3A_146] : memref<32x128x80xi32, #tpu.memory_space<hbm>> -> memref<1x32x80xi32, #tpu.memory_space<hbm>>
      %dma_start3A_148 = tpu.memref_squeeze %dma_start3A_147 : memref<1x32x80xi32, #tpu.memory_space<hbm>> -> memref<32x80xi32, #tpu.memory_space<hbm>>
      %dma_start3A_149 = arith.constant 32 : i32
      %dma_start3A_150 = arith.constant 0 : i32
      %dma_start3A_151 = tpu.memref_slice %arg4[%add3A, %dma_start3A_149, %dma_start3A_150] : memref<32x128x80xi32, #tpu.memory_space<hbm>> -> memref<1x32x80xi32, #tpu.memory_space<hbm>>
      %dma_start3A_152 = tpu.memref_squeeze %dma_start3A_151 : memref<1x32x80xi32, #tpu.memory_space<hbm>> -> memref<32x80xi32, #tpu.memory_space<hbm>>
      tpu.enqueue_dma source(%dma_start3A_152 : memref<32x80xi32, #tpu.memory_space<hbm>>) target(%arg8 : memref<32x80xi32, #tpu.memory_space<vmem>>) target_semaphore(%run_scoped3A_144 : memref<!tpu.dma_semaphore, #tpu.memory_space<semaphore_mem>>)
      %dma_wait3A_153 = arith.constant 32 : i32
      %dma_wait3A_154 = arith.constant 0 : i32
      %dma_wait3A_155 = tpu.memref_slice %arg4[%add3A, %dma_wait3A_153, %dma_wait3A_154] : memref<32x128x80xi32, #tpu.memory_space<hbm>> -> memref<1x32x80xi32, #tpu.memory_space<hbm>>
      %dma_wait3A_156 = tpu.memref_squeeze %dma_wait3A_155 : memref<1x32x80xi32, #tpu.memory_space<hbm>> -> memref<32x80xi32, #tpu.memory_space<hbm>>
      %dma_wait3A_157 = arith.constant 32 : i32
      %dma_wait3A_158 = arith.constant 0 : i32
      %dma_wait3A_159 = tpu.memref_slice %arg4[%add3A, %dma_wait3A_157, %dma_wait3A_158] : memref<32x128x80xi32, #tpu.memory_space<hbm>> -> memref<1x32x80xi32, #tpu.memory_space<hbm>>
      %dma_wait3A_160 = tpu.memref_squeeze %dma_wait3A_159 : memref<1x32x80xi32, #tpu.memory_space<hbm>> -> memref<32x80xi32, #tpu.memory_space<hbm>>
      tpu.wait_dma2 semaphore(%run_scoped3A_144 : memref<!tpu.dma_semaphore, #tpu.memory_space<semaphore_mem>>) src(%dma_wait3A_160 : memref<32x80xi32, #tpu.memory_space<hbm>>) dst(%arg8 : memref<32x80xi32, #tpu.memory_space<vmem>>)
      tpu.yield
    }) : () -> ()
    %dma_start3A_35 = arith.constant 0 : i32
    %dma_start3A_36 = arith.constant 0 : i32
    %dma_start3A_37 = tpu.memref_slice %arg7[%dma_start3A_35, %dma_start3A_36] : memref<32x80xi32, #tpu.memory_space<vmem>> -> memref<1x80xi32, #tpu.memory_space<vmem>>
    %dma_start3A_38 = tpu.memref_squeeze %dma_start3A_37 : memref<1x80xi32, #tpu.memory_space<vmem>> -> memref<80xi32, #tpu.memory_space<vmem>>
    %dma_start3A_39 = arith.constant 0 : i32
    %dma_start3A_40 = arith.constant 0 : i32
    %dma_start3A_41 = tpu.memref_slice %arg2[%dma_start3A_39, %dma_start3A_40] : memref<10000x128xf32, #tpu.memory_space<hbm>> -> memref<10000x128xf32, #tpu.memory_space<hbm>>
    tpu.enqueue_indirect_dma source(%dma_start3A_41 : memref<10000x128xf32, #tpu.memory_space<hbm>>) target(%arg9 : memref<80x128xf32, #tpu.memory_space<vmem>>) offsets(%dma_start3A_38 : memref<80xi32, #tpu.memory_space<vmem>>) semaphore(%arg13 : memref<!tpu.dma_semaphore, #tpu.memory_space<semaphore_mem>>)
    %dma_start3A_42 = arith.constant 1 : i32
    %dma_start3A_43 = arith.constant 0 : i32
    %dma_start3A_44 = tpu.memref_slice %arg7[%dma_start3A_42, %dma_start3A_43] : memref<32x80xi32, #tpu.memory_space<vmem>> -> memref<1x80xi32, #tpu.memory_space<vmem>>
    %dma_start3A_45 = tpu.memref_squeeze %dma_start3A_44 : memref<1x80xi32, #tpu.memory_space<vmem>> -> memref<80xi32, #tpu.memory_space<vmem>>
    %dma_start3A_46 = arith.constant 0 : i32
    %dma_start3A_47 = arith.constant 0 : i32
    %dma_start3A_48 = tpu.memref_slice %arg2[%dma_start3A_46, %dma_start3A_47] : memref<10000x128xf32, #tpu.memory_space<hbm>> -> memref<10000x128xf32, #tpu.memory_space<hbm>>
    tpu.enqueue_indirect_dma source(%dma_start3A_48 : memref<10000x128xf32, #tpu.memory_space<hbm>>) target(%arg10 : memref<80x128xf32, #tpu.memory_space<vmem>>) offsets(%dma_start3A_45 : memref<80xi32, #tpu.memory_space<vmem>>) semaphore(%arg14 : memref<!tpu.dma_semaphore, #tpu.memory_space<semaphore_mem>>)
    %scan3A_49 = arith.constant 0 : i32
    %scan3A_50 = arith.constant 0 : i32
    %scan3A_51 = arith.constant 10 : i32
    %scan3A_52 = arith.addi %scan3A_50, %scan3A_51 : i32
    %scan3A_53 = arith.constant 1 : i32
    scf.for %scan3A_144 = %scan3A_50 to %scan3A_52 step %scan3A_53  : i32 {
      %mul3A_145 = arith.constant 3 : i32
      %mul3A_146 = arith.muli %mul3A_145, %scan3A_144 : i32
      %add3A_147 = arith.constant 2 : i32
      %add3A_148 = arith.addi %mul3A_146, %add3A_147 : i32
      %dma_start3A_149 = arith.constant 0 : i32
      %dma_start3A_150 = tpu.memref_slice %arg7[%add3A_148, %dma_start3A_149] : memref<32x80xi32, #tpu.memory_space<vmem>> -> memref<1x80xi32, #tpu.memory_space<vmem>>
      %dma_start3A_151 = tpu.memref_squeeze %dma_start3A_150 : memref<1x80xi32, #tpu.memory_space<vmem>> -> memref<80xi32, #tpu.memory_space<vmem>>
      %dma_start3A_152 = arith.constant 0 : i32
      %dma_start3A_153 = arith.constant 0 : i32
      %dma_start3A_154 = tpu.memref_slice %arg2[%dma_start3A_152, %dma_start3A_153] : memref<10000x128xf32, #tpu.memory_space<hbm>> -> memref<10000x128xf32, #tpu.memory_space<hbm>>
      tpu.enqueue_indirect_dma source(%dma_start3A_154 : memref<10000x128xf32, #tpu.memory_space<hbm>>) target(%arg11 : memref<80x128xf32, #tpu.memory_space<vmem>>) offsets(%dma_start3A_151 : memref<80xi32, #tpu.memory_space<vmem>>) semaphore(%arg15 : memref<!tpu.dma_semaphore, #tpu.memory_space<semaphore_mem>>)
      %dma_wait3A_155 = arith.constant 0 : i32
      %dma_wait3A_156 = tpu.memref_slice %arg7[%mul3A_146, %dma_wait3A_155] : memref<32x80xi32, #tpu.memory_space<vmem>> -> memref<1x80xi32, #tpu.memory_space<vmem>>
      %dma_wait3A_157 = tpu.memref_squeeze %dma_wait3A_156 : memref<1x80xi32, #tpu.memory_space<vmem>> -> memref<80xi32, #tpu.memory_space<vmem>>
      %dma_wait3A_158 = arith.constant 0 : i32
      %dma_wait3A_159 = arith.constant 0 : i32
      %dma_wait3A_160 = tpu.memref_slice %arg2[%dma_wait3A_158, %dma_wait3A_159] : memref<10000x128xf32, #tpu.memory_space<hbm>> -> memref<10000x128xf32, #tpu.memory_space<hbm>>
      tpu.wait_indirect_dma semaphore(%arg13 : memref<!tpu.dma_semaphore, #tpu.memory_space<semaphore_mem>>) src(%dma_wait3A_160 : memref<10000x128xf32, #tpu.memory_space<hbm>>) dst(%arg9 : memref<80x128xf32, #tpu.memory_space<vmem>>)
      "tpu.region"() ({
        %run_scoped3A_197 = tpu.sem_alloc : memref<!tpu.dma_semaphore, #tpu.memory_space<semaphore_mem>>
        %dma_start3A_198 = arith.constant 0 : i32
        %dma_start3A_199 = tpu.memref_slice %arg8[%mul3A_146, %dma_start3A_198] : memref<32x80xi32, #tpu.memory_space<vmem>> -> memref<1x80xi32, #tpu.memory_space<vmem>>
        %dma_start3A_200 = tpu.memref_squeeze %dma_start3A_199 : memref<1x80xi32, #tpu.memory_space<vmem>> -> memref<80xi32, #tpu.memory_space<vmem>>
        %dma_start3A_201 = arith.constant 0 : i32
        %dma_start3A_202 = arith.constant 0 : i32
        %dma_start3A_203 = tpu.memref_slice %arg12[%dma_start3A_201, %dma_start3A_202] : memref<10048x128xf32, #tpu.memory_space<vmem_shared>> -> memref<10048x128xf32, #tpu.memory_space<vmem_shared>>
        tpu.enqueue_indirect_dma source(%arg9 : memref<80x128xf32, #tpu.memory_space<vmem>>) target(%dma_start3A_203 : memref<10048x128xf32, #tpu.memory_space<vmem_shared>>) offsets(%dma_start3A_200 : memref<80xi32, #tpu.memory_space<vmem>>) semaphore(%run_scoped3A_197 : memref<!tpu.dma_semaphore, #tpu.memory_space<semaphore_mem>>) {add = true}
        %dma_wait3A_204 = arith.constant 0 : i32
        %dma_wait3A_205 = tpu.memref_slice %arg8[%mul3A_146, %dma_wait3A_204] : memref<32x80xi32, #tpu.memory_space<vmem>> -> memref<1x80xi32, #tpu.memory_space<vmem>>
        %dma_wait3A_206 = tpu.memref_squeeze %dma_wait3A_205 : memref<1x80xi32, #tpu.memory_space<vmem>> -> memref<80xi32, #tpu.memory_space<vmem>>
        %dma_wait3A_207 = arith.constant 0 : i32
        %dma_wait3A_208 = arith.constant 0 : i32
        %dma_wait3A_209 = tpu.memref_slice %arg12[%dma_wait3A_207, %dma_wait3A_208] : memref<10048x128xf32, #tpu.memory_space<vmem_shared>> -> memref<10048x128xf32, #tpu.memory_space<vmem_shared>>
        tpu.wait_indirect_dma semaphore(%run_scoped3A_197 : memref<!tpu.dma_semaphore, #tpu.memory_space<semaphore_mem>>) src(%arg9 : memref<80x128xf32, #tpu.memory_space<vmem>>) dst(%dma_wait3A_209 : memref<10048x128xf32, #tpu.memory_space<vmem_shared>>)
        tpu.yield
      }) : () -> ()
      %add3A_161 = arith.constant 3 : i32
      %add3A_162 = arith.addi %mul3A_146, %add3A_161 : i32
      %dma_start3A_163 = arith.constant 0 : i32
      %dma_start3A_164 = tpu.memref_slice %arg7[%add3A_162, %dma_start3A_163] : memref<32x80xi32, #tpu.memory_space<vmem>> -> memref<1x80xi32, #tpu.memory_space<vmem>>
      %dma_start3A_165 = tpu.memref_squeeze %dma_start3A_164 : memref<1x80xi32, #tpu.memory_space<vmem>> -> memref<80xi32, #tpu.memory_space<vmem>>
      %dma_start3A_166 = arith.constant 0 : i32
      %dma_start3A_167 = arith.constant 0 : i32
      %dma_start3A_168 = tpu.memref_slice %arg2[%dma_start3A_166, %dma_start3A_167] : memref<10000x128xf32, #tpu.memory_space<hbm>> -> memref<10000x128xf32, #tpu.memory_space<hbm>>
      tpu.enqueue_indirect_dma source(%dma_start3A_168 : memref<10000x128xf32, #tpu.memory_space<hbm>>) target(%arg9 : memref<80x128xf32, #tpu.memory_space<vmem>>) offsets(%dma_start3A_165 : memref<80xi32, #tpu.memory_space<vmem>>) semaphore(%arg13 : memref<!tpu.dma_semaphore, #tpu.memory_space<semaphore_mem>>)
      %add3A_169 = arith.constant 1 : i32
      %add3A_170 = arith.addi %mul3A_146, %add3A_169 : i32
      %dma_wait3A_171 = arith.constant 0 : i32
      %dma_wait3A_172 = tpu.memref_slice %arg7[%add3A_170, %dma_wait3A_171] : memref<32x80xi32, #tpu.memory_space<vmem>> -> memref<1x80xi32, #tpu.memory_space<vmem>>
      %dma_wait3A_173 = tpu.memref_squeeze %dma_wait3A_172 : memref<1x80xi32, #tpu.memory_space<vmem>> -> memref<80xi32, #tpu.memory_space<vmem>>
      %dma_wait3A_174 = arith.constant 0 : i32
      %dma_wait3A_175 = arith.constant 0 : i32
      %dma_wait3A_176 = tpu.memref_slice %arg2[%dma_wait3A_174, %dma_wait3A_175] : memref<10000x128xf32, #tpu.memory_space<hbm>> -> memref<10000x128xf32, #tpu.memory_space<hbm>>
      tpu.wait_indirect_dma semaphore(%arg14 : memref<!tpu.dma_semaphore, #tpu.memory_space<semaphore_mem>>) src(%dma_wait3A_176 : memref<10000x128xf32, #tpu.memory_space<hbm>>) dst(%arg10 : memref<80x128xf32, #tpu.memory_space<vmem>>)
      %add3A_177 = arith.constant 1 : i32
      %add3A_178 = arith.addi %mul3A_146, %add3A_177 : i32
      "tpu.region"() ({
        %run_scoped3A_197 = tpu.sem_alloc : memref<!tpu.dma_semaphore, #tpu.memory_space<semaphore_mem>>
        %dma_start3A_198 = arith.constant 0 : i32
        %dma_start3A_199 = tpu.memref_slice %arg8[%add3A_178, %dma_start3A_198] : memref<32x80xi32, #tpu.memory_space<vmem>> -> memref<1x80xi32, #tpu.memory_space<vmem>>
        %dma_start3A_200 = tpu.memref_squeeze %dma_start3A_199 : memref<1x80xi32, #tpu.memory_space<vmem>> -> memref<80xi32, #tpu.memory_space<vmem>>
        %dma_start3A_201 = arith.constant 0 : i32
        %dma_start3A_202 = arith.constant 0 : i32
        %dma_start3A_203 = tpu.memref_slice %arg12[%dma_start3A_201, %dma_start3A_202] : memref<10048x128xf32, #tpu.memory_space<vmem_shared>> -> memref<10048x128xf32, #tpu.memory_space<vmem_shared>>
        tpu.enqueue_indirect_dma source(%arg10 : memref<80x128xf32, #tpu.memory_space<vmem>>) target(%dma_start3A_203 : memref<10048x128xf32, #tpu.memory_space<vmem_shared>>) offsets(%dma_start3A_200 : memref<80xi32, #tpu.memory_space<vmem>>) semaphore(%run_scoped3A_197 : memref<!tpu.dma_semaphore, #tpu.memory_space<semaphore_mem>>) {add = true}
        %dma_wait3A_204 = arith.constant 0 : i32
        %dma_wait3A_205 = tpu.memref_slice %arg8[%add3A_178, %dma_wait3A_204] : memref<32x80xi32, #tpu.memory_space<vmem>> -> memref<1x80xi32, #tpu.memory_space<vmem>>
        %dma_wait3A_206 = tpu.memref_squeeze %dma_wait3A_205 : memref<1x80xi32, #tpu.memory_space<vmem>> -> memref<80xi32, #tpu.memory_space<vmem>>
        %dma_wait3A_207 = arith.constant 0 : i32
        %dma_wait3A_208 = arith.constant 0 : i32
        %dma_wait3A_209 = tpu.memref_slice %arg12[%dma_wait3A_207, %dma_wait3A_208] : memref<10048x128xf32, #tpu.memory_space<vmem_shared>> -> memref<10048x128xf32, #tpu.memory_space<vmem_shared>>
        tpu.wait_indirect_dma semaphore(%run_scoped3A_197 : memref<!tpu.dma_semaphore, #tpu.memory_space<semaphore_mem>>) src(%arg10 : memref<80x128xf32, #tpu.memory_space<vmem>>) dst(%dma_wait3A_209 : memref<10048x128xf32, #tpu.memory_space<vmem_shared>>)
        tpu.yield
      }) : () -> ()
      %add3A_179 = arith.constant 4 : i32
      %add3A_180 = arith.addi %mul3A_146, %add3A_179 : i32
      %dma_start3A_181 = arith.constant 0 : i32
      %dma_start3A_182 = tpu.memref_slice %arg7[%add3A_180, %dma_start3A_181] : memref<32x80xi32, #tpu.memory_space<vmem>> -> memref<1x80xi32, #tpu.memory_space<vmem>>
      %dma_start3A_183 = tpu.memref_squeeze %dma_start3A_182 : memref<1x80xi32, #tpu.memory_space<vmem>> -> memref<80xi32, #tpu.memory_space<vmem>>
      %dma_start3A_184 = arith.constant 0 : i32
      %dma_start3A_185 = arith.constant 0 : i32
      %dma_start3A_186 = tpu.memref_slice %arg2[%dma_start3A_184, %dma_start3A_185] : memref<10000x128xf32, #tpu.memory_space<hbm>> -> memref<10000x128xf32, #tpu.memory_space<hbm>>
      tpu.enqueue_indirect_dma source(%dma_start3A_186 : memref<10000x128xf32, #tpu.memory_space<hbm>>) target(%arg10 : memref<80x128xf32, #tpu.memory_space<vmem>>) offsets(%dma_start3A_183 : memref<80xi32, #tpu.memory_space<vmem>>) semaphore(%arg14 : memref<!tpu.dma_semaphore, #tpu.memory_space<semaphore_mem>>)
      %add3A_187 = arith.constant 2 : i32
      %add3A_188 = arith.addi %mul3A_146, %add3A_187 : i32
      %dma_wait3A_189 = arith.constant 0 : i32
      %dma_wait3A_190 = tpu.memref_slice %arg7[%add3A_188, %dma_wait3A_189] : memref<32x80xi32, #tpu.memory_space<vmem>> -> memref<1x80xi32, #tpu.memory_space<vmem>>
      %dma_wait3A_191 = tpu.memref_squeeze %dma_wait3A_190 : memref<1x80xi32, #tpu.memory_space<vmem>> -> memref<80xi32, #tpu.memory_space<vmem>>
      %dma_wait3A_192 = arith.constant 0 : i32
      %dma_wait3A_193 = arith.constant 0 : i32
      %dma_wait3A_194 = tpu.memref_slice %arg2[%dma_wait3A_192, %dma_wait3A_193] : memref<10000x128xf32, #tpu.memory_space<hbm>> -> memref<10000x128xf32, #tpu.memory_space<hbm>>
      tpu.wait_indirect_dma semaphore(%arg15 : memref<!tpu.dma_semaphore, #tpu.memory_space<semaphore_mem>>) src(%dma_wait3A_194 : memref<10000x128xf32, #tpu.memory_space<hbm>>) dst(%arg11 : memref<80x128xf32, #tpu.memory_space<vmem>>)
      %add3A_195 = arith.constant 2 : i32
      %add3A_196 = arith.addi %mul3A_146, %add3A_195 : i32
      "tpu.region"() ({
        %run_scoped3A_197 = tpu.sem_alloc : memref<!tpu.dma_semaphore, #tpu.memory_space<semaphore_mem>>
        %dma_start3A_198 = arith.constant 0 : i32
        %dma_start3A_199 = tpu.memref_slice %arg8[%add3A_196, %dma_start3A_198] : memref<32x80xi32, #tpu.memory_space<vmem>> -> memref<1x80xi32, #tpu.memory_space<vmem>>
        %dma_start3A_200 = tpu.memref_squeeze %dma_start3A_199 : memref<1x80xi32, #tpu.memory_space<vmem>> -> memref<80xi32, #tpu.memory_space<vmem>>
        %dma_start3A_201 = arith.constant 0 : i32
        %dma_start3A_202 = arith.constant 0 : i32
        %dma_start3A_203 = tpu.memref_slice %arg12[%dma_start3A_201, %dma_start3A_202] : memref<10048x128xf32, #tpu.memory_space<vmem_shared>> -> memref<10048x128xf32, #tpu.memory_space<vmem_shared>>
        tpu.enqueue_indirect_dma source(%arg11 : memref<80x128xf32, #tpu.memory_space<vmem>>) target(%dma_start3A_203 : memref<10048x128xf32, #tpu.memory_space<vmem_shared>>) offsets(%dma_start3A_200 : memref<80xi32, #tpu.memory_space<vmem>>) semaphore(%run_scoped3A_197 : memref<!tpu.dma_semaphore, #tpu.memory_space<semaphore_mem>>) {add = true}
        %dma_wait3A_204 = arith.constant 0 : i32
        %dma_wait3A_205 = tpu.memref_slice %arg8[%add3A_196, %dma_wait3A_204] : memref<32x80xi32, #tpu.memory_space<vmem>> -> memref<1x80xi32, #tpu.memory_space<vmem>>
        %dma_wait3A_206 = tpu.memref_squeeze %dma_wait3A_205 : memref<1x80xi32, #tpu.memory_space<vmem>> -> memref<80xi32, #tpu.memory_space<vmem>>
        %dma_wait3A_207 = arith.constant 0 : i32
        %dma_wait3A_208 = arith.constant 0 : i32
        %dma_wait3A_209 = tpu.memref_slice %arg12[%dma_wait3A_207, %dma_wait3A_208] : memref<10048x128xf32, #tpu.memory_space<vmem_shared>> -> memref<10048x128xf32, #tpu.memory_space<vmem_shared>>
        tpu.wait_indirect_dma semaphore(%run_scoped3A_197 : memref<!tpu.dma_semaphore, #tpu.memory_space<semaphore_mem>>) src(%arg11 : memref<80x128xf32, #tpu.memory_space<vmem>>) dst(%dma_wait3A_209 : memref<10048x128xf32, #tpu.memory_space<vmem_shared>>)
        tpu.yield
      }) : () -> ()
    }
    %scan3A_54 = arith.constant 10 : i32
    %dma_wait3A_55 = arith.constant 30 : i32
    %dma_wait3A_56 = arith.constant 0 : i32
    %dma_wait3A_57 = tpu.memref_slice %arg7[%dma_wait3A_55, %dma_wait3A_56] : memref<32x80xi32, #tpu.memory_space<vmem>> -> memref<1x80xi32, #tpu.memory_space<vmem>>
    %dma_wait3A_58 = tpu.memref_squeeze %dma_wait3A_57 : memref<1x80xi32, #tpu.memory_space<vmem>> -> memref<80xi32, #tpu.memory_space<vmem>>
    %dma_wait3A_59 = arith.constant 0 : i32
    %dma_wait3A_60 = arith.constant 0 : i32
    %dma_wait3A_61 = tpu.memref_slice %arg2[%dma_wait3A_59, %dma_wait3A_60] : memref<10000x128xf32, #tpu.memory_space<hbm>> -> memref<10000x128xf32, #tpu.memory_space<hbm>>
    tpu.wait_indirect_dma semaphore(%arg13 : memref<!tpu.dma_semaphore, #tpu.memory_space<semaphore_mem>>) src(%dma_wait3A_61 : memref<10000x128xf32, #tpu.memory_space<hbm>>) dst(%arg9 : memref<80x128xf32, #tpu.memory_space<vmem>>)
    %run_scoped3A_62 = arith.constant 30 : i32
    "tpu.region"() ({
      %run_scoped3A_144 = tpu.sem_alloc : memref<!tpu.dma_semaphore, #tpu.memory_space<semaphore_mem>>
      %dma_start3A_145 = arith.constant 0 : i32
      %dma_start3A_146 = tpu.memref_slice %arg8[%run_scoped3A_62, %dma_start3A_145] : memref<32x80xi32, #tpu.memory_space<vmem>> -> memref<1x80xi32, #tpu.memory_space<vmem>>
      %dma_start3A_147 = tpu.memref_squeeze %dma_start3A_146 : memref<1x80xi32, #tpu.memory_space<vmem>> -> memref<80xi32, #tpu.memory_space<vmem>>
      %dma_start3A_148 = arith.constant 0 : i32
      %dma_start3A_149 = arith.constant 0 : i32
      %dma_start3A_150 = tpu.memref_slice %arg12[%dma_start3A_148, %dma_start3A_149] : memref<10048x128xf32, #tpu.memory_space<vmem_shared>> -> memref<10048x128xf32, #tpu.memory_space<vmem_shared>>
      tpu.enqueue_indirect_dma source(%arg9 : memref<80x128xf32, #tpu.memory_space<vmem>>) target(%dma_start3A_150 : memref<10048x128xf32, #tpu.memory_space<vmem_shared>>) offsets(%dma_start3A_147 : memref<80xi32, #tpu.memory_space<vmem>>) semaphore(%run_scoped3A_144 : memref<!tpu.dma_semaphore, #tpu.memory_space<semaphore_mem>>) {add = true}
      %dma_wait3A_151 = arith.constant 0 : i32
      %dma_wait3A_152 = tpu.memref_slice %arg8[%run_scoped3A_62, %dma_wait3A_151] : memref<32x80xi32, #tpu.memory_space<vmem>> -> memref<1x80xi32, #tpu.memory_space<vmem>>
      %dma_wait3A_153 = tpu.memref_squeeze %dma_wait3A_152 : memref<1x80xi32, #tpu.memory_space<vmem>> -> memref<80xi32, #tpu.memory_space<vmem>>
      %dma_wait3A_154 = arith.constant 0 : i32
      %dma_wait3A_155 = arith.constant 0 : i32
      %dma_wait3A_156 = tpu.memref_slice %arg12[%dma_wait3A_154, %dma_wait3A_155] : memref<10048x128xf32, #tpu.memory_space<vmem_shared>> -> memref<10048x128xf32, #tpu.memory_space<vmem_shared>>
      tpu.wait_indirect_dma semaphore(%run_scoped3A_144 : memref<!tpu.dma_semaphore, #tpu.memory_space<semaphore_mem>>) src(%arg9 : memref<80x128xf32, #tpu.memory_space<vmem>>) dst(%dma_wait3A_156 : memref<10048x128xf32, #tpu.memory_space<vmem_shared>>)
      tpu.yield
    }) : () -> ()
    %dma_wait3A_63 = arith.constant 31 : i32
    %dma_wait3A_64 = arith.constant 0 : i32
    %dma_wait3A_65 = tpu.memref_slice %arg7[%dma_wait3A_63, %dma_wait3A_64] : memref<32x80xi32, #tpu.memory_space<vmem>> -> memref<1x80xi32, #tpu.memory_space<vmem>>
    %dma_wait3A_66 = tpu.memref_squeeze %dma_wait3A_65 : memref<1x80xi32, #tpu.memory_space<vmem>> -> memref<80xi32, #tpu.memory_space<vmem>>
    %dma_wait3A_67 = arith.constant 0 : i32
    %dma_wait3A_68 = arith.constant 0 : i32
    %dma_wait3A_69 = tpu.memref_slice %arg2[%dma_wait3A_67, %dma_wait3A_68] : memref<10000x128xf32, #tpu.memory_space<hbm>> -> memref<10000x128xf32, #tpu.memory_space<hbm>>
    tpu.wait_indirect_dma semaphore(%arg14 : memref<!tpu.dma_semaphore, #tpu.memory_space<semaphore_mem>>) src(%dma_wait3A_69 : memref<10000x128xf32, #tpu.memory_space<hbm>>) dst(%arg10 : memref<80x128xf32, #tpu.memory_space<vmem>>)
    %run_scoped3A_70 = arith.constant 31 : i32
    "tpu.region"() ({
      %run_scoped3A_144 = tpu.sem_alloc : memref<!tpu.dma_semaphore, #tpu.memory_space<semaphore_mem>>
      %dma_start3A_145 = arith.constant 0 : i32
      %dma_start3A_146 = tpu.memref_slice %arg8[%run_scoped3A_70, %dma_start3A_145] : memref<32x80xi32, #tpu.memory_space<vmem>> -> memref<1x80xi32, #tpu.memory_space<vmem>>
      %dma_start3A_147 = tpu.memref_squeeze %dma_start3A_146 : memref<1x80xi32, #tpu.memory_space<vmem>> -> memref<80xi32, #tpu.memory_space<vmem>>
      %dma_start3A_148 = arith.constant 0 : i32
      %dma_start3A_149 = arith.constant 0 : i32
      %dma_start3A_150 = tpu.memref_slice %arg12[%dma_start3A_148, %dma_start3A_149] : memref<10048x128xf32, #tpu.memory_space<vmem_shared>> -> memref<10048x128xf32, #tpu.memory_space<vmem_shared>>
      tpu.enqueue_indirect_dma source(%arg10 : memref<80x128xf32, #tpu.memory_space<vmem>>) target(%dma_start3A_150 : memref<10048x128xf32, #tpu.memory_space<vmem_shared>>) offsets(%dma_start3A_147 : memref<80xi32, #tpu.memory_space<vmem>>) semaphore(%run_scoped3A_144 : memref<!tpu.dma_semaphore, #tpu.memory_space<semaphore_mem>>) {add = true}
      %dma_wait3A_151 = arith.constant 0 : i32
      %dma_wait3A_152 = tpu.memref_slice %arg8[%run_scoped3A_70, %dma_wait3A_151] : memref<32x80xi32, #tpu.memory_space<vmem>> -> memref<1x80xi32, #tpu.memory_space<vmem>>
      %dma_wait3A_153 = tpu.memref_squeeze %dma_wait3A_152 : memref<1x80xi32, #tpu.memory_space<vmem>> -> memref<80xi32, #tpu.memory_space<vmem>>
      %dma_wait3A_154 = arith.constant 0 : i32
      %dma_wait3A_155 = arith.constant 0 : i32
      %dma_wait3A_156 = tpu.memref_slice %arg12[%dma_wait3A_154, %dma_wait3A_155] : memref<10048x128xf32, #tpu.memory_space<vmem_shared>> -> memref<10048x128xf32, #tpu.memory_space<vmem_shared>>
      tpu.wait_indirect_dma semaphore(%run_scoped3A_144 : memref<!tpu.dma_semaphore, #tpu.memory_space<semaphore_mem>>) src(%arg10 : memref<80x128xf32, #tpu.memory_space<vmem>>) dst(%dma_wait3A_156 : memref<10048x128xf32, #tpu.memory_space<vmem_shared>>)
      tpu.yield
    }) : () -> ()
    "tpu.region"() ({
      %run_scoped3A_144 = tpu.sem_alloc : memref<!tpu.dma_semaphore, #tpu.memory_space<semaphore_mem>>
      %dma_start3A_145 = arith.constant 64 : i32
      %dma_start3A_146 = arith.constant 0 : i32
      %dma_start3A_147 = tpu.memref_slice %arg3[%add3A, %dma_start3A_145, %dma_start3A_146] : memref<32x128x80xi32, #tpu.memory_space<hbm>> -> memref<1x32x80xi32, #tpu.memory_space<hbm>>
      %dma_start3A_148 = tpu.memref_squeeze %dma_start3A_147 : memref<1x32x80xi32, #tpu.memory_space<hbm>> -> memref<32x80xi32, #tpu.memory_space<hbm>>
      %dma_start3A_149 = arith.constant 64 : i32
      %dma_start3A_150 = arith.constant 0 : i32
      %dma_start3A_151 = tpu.memref_slice %arg3[%add3A, %dma_start3A_149, %dma_start3A_150] : memref<32x128x80xi32, #tpu.memory_space<hbm>> -> memref<1x32x80xi32, #tpu.memory_space<hbm>>
      %dma_start3A_152 = tpu.memref_squeeze %dma_start3A_151 : memref<1x32x80xi32, #tpu.memory_space<hbm>> -> memref<32x80xi32, #tpu.memory_space<hbm>>
      tpu.enqueue_dma source(%dma_start3A_152 : memref<32x80xi32, #tpu.memory_space<hbm>>) target(%arg7 : memref<32x80xi32, #tpu.memory_space<vmem>>) target_semaphore(%run_scoped3A_144 : memref<!tpu.dma_semaphore, #tpu.memory_space<semaphore_mem>>)
      %dma_wait3A_153 = arith.constant 64 : i32
      %dma_wait3A_154 = arith.constant 0 : i32
      %dma_wait3A_155 = tpu.memref_slice %arg3[%add3A, %dma_wait3A_153, %dma_wait3A_154] : memref<32x128x80xi32, #tpu.memory_space<hbm>> -> memref<1x32x80xi32, #tpu.memory_space<hbm>>
      %dma_wait3A_156 = tpu.memref_squeeze %dma_wait3A_155 : memref<1x32x80xi32, #tpu.memory_space<hbm>> -> memref<32x80xi32, #tpu.memory_space<hbm>>
      %dma_wait3A_157 = arith.constant 64 : i32
      %dma_wait3A_158 = arith.constant 0 : i32
      %dma_wait3A_159 = tpu.memref_slice %arg3[%add3A, %dma_wait3A_157, %dma_wait3A_158] : memref<32x128x80xi32, #tpu.memory_space<hbm>> -> memref<1x32x80xi32, #tpu.memory_space<hbm>>
      %dma_wait3A_160 = tpu.memref_squeeze %dma_wait3A_159 : memref<1x32x80xi32, #tpu.memory_space<hbm>> -> memref<32x80xi32, #tpu.memory_space<hbm>>
      tpu.wait_dma2 semaphore(%run_scoped3A_144 : memref<!tpu.dma_semaphore, #tpu.memory_space<semaphore_mem>>) src(%dma_wait3A_160 : memref<32x80xi32, #tpu.memory_space<hbm>>) dst(%arg7 : memref<32x80xi32, #tpu.memory_space<vmem>>)
      tpu.yield
    }) : () -> ()
    "tpu.region"() ({
      %run_scoped3A_144 = tpu.sem_alloc : memref<!tpu.dma_semaphore, #tpu.memory_space<semaphore_mem>>
      %dma_start3A_145 = arith.constant 64 : i32
      %dma_start3A_146 = arith.constant 0 : i32
      %dma_start3A_147 = tpu.memref_slice %arg4[%add3A, %dma_start3A_145, %dma_start3A_146] : memref<32x128x80xi32, #tpu.memory_space<hbm>> -> memref<1x32x80xi32, #tpu.memory_space<hbm>>
      %dma_start3A_148 = tpu.memref_squeeze %dma_start3A_147 : memref<1x32x80xi32, #tpu.memory_space<hbm>> -> memref<32x80xi32, #tpu.memory_space<hbm>>
      %dma_start3A_149 = arith.constant 64 : i32
      %dma_start3A_150 = arith.constant 0 : i32
      %dma_start3A_151 = tpu.memref_slice %arg4[%add3A, %dma_start3A_149, %dma_start3A_150] : memref<32x128x80xi32, #tpu.memory_space<hbm>> -> memref<1x32x80xi32, #tpu.memory_space<hbm>>
      %dma_start3A_152 = tpu.memref_squeeze %dma_start3A_151 : memref<1x32x80xi32, #tpu.memory_space<hbm>> -> memref<32x80xi32, #tpu.memory_space<hbm>>
      tpu.enqueue_dma source(%dma_start3A_152 : memref<32x80xi32, #tpu.memory_space<hbm>>) target(%arg8 : memref<32x80xi32, #tpu.memory_space<vmem>>) target_semaphore(%run_scoped3A_144 : memref<!tpu.dma_semaphore, #tpu.memory_space<semaphore_mem>>)
      %dma_wait3A_153 = arith.constant 64 : i32
      %dma_wait3A_154 = arith.constant 0 : i32
      %dma_wait3A_155 = tpu.memref_slice %arg4[%add3A, %dma_wait3A_153, %dma_wait3A_154] : memref<32x128x80xi32, #tpu.memory_space<hbm>> -> memref<1x32x80xi32, #tpu.memory_space<hbm>>
      %dma_wait3A_156 = tpu.memref_squeeze %dma_wait3A_155 : memref<1x32x80xi32, #tpu.memory_space<hbm>> -> memref<32x80xi32, #tpu.memory_space<hbm>>
      %dma_wait3A_157 = arith.constant 64 : i32
      %dma_wait3A_158 = arith.constant 0 : i32
      %dma_wait3A_159 = tpu.memref_slice %arg4[%add3A, %dma_wait3A_157, %dma_wait3A_158] : memref<32x128x80xi32, #tpu.memory_space<hbm>> -> memref<1x32x80xi32, #tpu.memory_space<hbm>>
      %dma_wait3A_160 = tpu.memref_squeeze %dma_wait3A_159 : memref<1x32x80xi32, #tpu.memory_space<hbm>> -> memref<32x80xi32, #tpu.memory_space<hbm>>
      tpu.wait_dma2 semaphore(%run_scoped3A_144 : memref<!tpu.dma_semaphore, #tpu.memory_space<semaphore_mem>>) src(%dma_wait3A_160 : memref<32x80xi32, #tpu.memory_space<hbm>>) dst(%arg8 : memref<32x80xi32, #tpu.memory_space<vmem>>)
      tpu.yield
    }) : () -> ()
    %dma_start3A_71 = arith.constant 0 : i32
    %dma_start3A_72 = arith.constant 0 : i32
    %dma_start3A_73 = tpu.memref_slice %arg7[%dma_start3A_71, %dma_start3A_72] : memref<32x80xi32, #tpu.memory_space<vmem>> -> memref<1x80xi32, #tpu.memory_space<vmem>>
    %dma_start3A_74 = tpu.memref_squeeze %dma_start3A_73 : memref<1x80xi32, #tpu.memory_space<vmem>> -> memref<80xi32, #tpu.memory_space<vmem>>
    %dma_start3A_75 = arith.constant 0 : i32
    %dma_start3A_76 = arith.constant 0 : i32
    %dma_start3A_77 = tpu.memref_slice %arg2[%dma_start3A_75, %dma_start3A_76] : memref<10000x128xf32, #tpu.memory_space<hbm>> -> memref<10000x128xf32, #tpu.memory_space<hbm>>
    tpu.enqueue_indirect_dma source(%dma_start3A_77 : memref<10000x128xf32, #tpu.memory_space<hbm>>) target(%arg9 : memref<80x128xf32, #tpu.memory_space<vmem>>) offsets(%dma_start3A_74 : memref<80xi32, #tpu.memory_space<vmem>>) semaphore(%arg13 : memref<!tpu.dma_semaphore, #tpu.memory_space<semaphore_mem>>)
    %dma_start3A_78 = arith.constant 1 : i32
    %dma_start3A_79 = arith.constant 0 : i32
    %dma_start3A_80 = tpu.memref_slice %arg7[%dma_start3A_78, %dma_start3A_79] : memref<32x80xi32, #tpu.memory_space<vmem>> -> memref<1x80xi32, #tpu.memory_space<vmem>>
    %dma_start3A_81 = tpu.memref_squeeze %dma_start3A_80 : memref<1x80xi32, #tpu.memory_space<vmem>> -> memref<80xi32, #tpu.memory_space<vmem>>
    %dma_start3A_82 = arith.constant 0 : i32
    %dma_start3A_83 = arith.constant 0 : i32
    %dma_start3A_84 = tpu.memref_slice %arg2[%dma_start3A_82, %dma_start3A_83] : memref<10000x128xf32, #tpu.memory_space<hbm>> -> memref<10000x128xf32, #tpu.memory_space<hbm>>
    tpu.enqueue_indirect_dma source(%dma_start3A_84 : memref<10000x128xf32, #tpu.memory_space<hbm>>) target(%arg10 : memref<80x128xf32, #tpu.memory_space<vmem>>) offsets(%dma_start3A_81 : memref<80xi32, #tpu.memory_space<vmem>>) semaphore(%arg14 : memref<!tpu.dma_semaphore, #tpu.memory_space<semaphore_mem>>)
    %scan3A_85 = arith.constant 0 : i32
    %scan3A_86 = arith.constant 0 : i32
    %scan3A_87 = arith.constant 10 : i32
    %scan3A_88 = arith.addi %scan3A_86, %scan3A_87 : i32
    %scan3A_89 = arith.constant 1 : i32
    scf.for %scan3A_144 = %scan3A_86 to %scan3A_88 step %scan3A_89  : i32 {
      %mul3A_145 = arith.constant 3 : i32
      %mul3A_146 = arith.muli %mul3A_145, %scan3A_144 : i32
      %add3A_147 = arith.constant 2 : i32
      %add3A_148 = arith.addi %mul3A_146, %add3A_147 : i32
      %dma_start3A_149 = arith.constant 0 : i32
      %dma_start3A_150 = tpu.memref_slice %arg7[%add3A_148, %dma_start3A_149] : memref<32x80xi32, #tpu.memory_space<vmem>> -> memref<1x80xi32, #tpu.memory_space<vmem>>
      %dma_start3A_151 = tpu.memref_squeeze %dma_start3A_150 : memref<1x80xi32, #tpu.memory_space<vmem>> -> memref<80xi32, #tpu.memory_space<vmem>>
      %dma_start3A_152 = arith.constant 0 : i32
      %dma_start3A_153 = arith.constant 0 : i32
      %dma_start3A_154 = tpu.memref_slice %arg2[%dma_start3A_152, %dma_start3A_153] : memref<10000x128xf32, #tpu.memory_space<hbm>> -> memref<10000x128xf32, #tpu.memory_space<hbm>>
      tpu.enqueue_indirect_dma source(%dma_start3A_154 : memref<10000x128xf32, #tpu.memory_space<hbm>>) target(%arg11 : memref<80x128xf32, #tpu.memory_space<vmem>>) offsets(%dma_start3A_151 : memref<80xi32, #tpu.memory_space<vmem>>) semaphore(%arg15 : memref<!tpu.dma_semaphore, #tpu.memory_space<semaphore_mem>>)
      %dma_wait3A_155 = arith.constant 0 : i32
      %dma_wait3A_156 = tpu.memref_slice %arg7[%mul3A_146, %dma_wait3A_155] : memref<32x80xi32, #tpu.memory_space<vmem>> -> memref<1x80xi32, #tpu.memory_space<vmem>>
      %dma_wait3A_157 = tpu.memref_squeeze %dma_wait3A_156 : memref<1x80xi32, #tpu.memory_space<vmem>> -> memref<80xi32, #tpu.memory_space<vmem>>
      %dma_wait3A_158 = arith.constant 0 : i32
      %dma_wait3A_159 = arith.constant 0 : i32
      %dma_wait3A_160 = tpu.memref_slice %arg2[%dma_wait3A_158, %dma_wait3A_159] : memref<10000x128xf32, #tpu.memory_space<hbm>> -> memref<10000x128xf32, #tpu.memory_space<hbm>>
      tpu.wait_indirect_dma semaphore(%arg13 : memref<!tpu.dma_semaphore, #tpu.memory_space<semaphore_mem>>) src(%dma_wait3A_160 : memref<10000x128xf32, #tpu.memory_space<hbm>>) dst(%arg9 : memref<80x128xf32, #tpu.memory_space<vmem>>)
      "tpu.region"() ({
        %run_scoped3A_197 = tpu.sem_alloc : memref<!tpu.dma_semaphore, #tpu.memory_space<semaphore_mem>>
        %dma_start3A_198 = arith.constant 0 : i32
        %dma_start3A_199 = tpu.memref_slice %arg8[%mul3A_146, %dma_start3A_198] : memref<32x80xi32, #tpu.memory_space<vmem>> -> memref<1x80xi32, #tpu.memory_space<vmem>>
        %dma_start3A_200 = tpu.memref_squeeze %dma_start3A_199 : memref<1x80xi32, #tpu.memory_space<vmem>> -> memref<80xi32, #tpu.memory_space<vmem>>
        %dma_start3A_201 = arith.constant 0 : i32
        %dma_start3A_202 = arith.constant 0 : i32
        %dma_start3A_203 = tpu.memref_slice %arg12[%dma_start3A_201, %dma_start3A_202] : memref<10048x128xf32, #tpu.memory_space<vmem_shared>> -> memref<10048x128xf32, #tpu.memory_space<vmem_shared>>
        tpu.enqueue_indirect_dma source(%arg9 : memref<80x128xf32, #tpu.memory_space<vmem>>) target(%dma_start3A_203 : memref<10048x128xf32, #tpu.memory_space<vmem_shared>>) offsets(%dma_start3A_200 : memref<80xi32, #tpu.memory_space<vmem>>) semaphore(%run_scoped3A_197 : memref<!tpu.dma_semaphore, #tpu.memory_space<semaphore_mem>>) {add = true}
        %dma_wait3A_204 = arith.constant 0 : i32
        %dma_wait3A_205 = tpu.memref_slice %arg8[%mul3A_146, %dma_wait3A_204] : memref<32x80xi32, #tpu.memory_space<vmem>> -> memref<1x80xi32, #tpu.memory_space<vmem>>
        %dma_wait3A_206 = tpu.memref_squeeze %dma_wait3A_205 : memref<1x80xi32, #tpu.memory_space<vmem>> -> memref<80xi32, #tpu.memory_space<vmem>>
        %dma_wait3A_207 = arith.constant 0 : i32
        %dma_wait3A_208 = arith.constant 0 : i32
        %dma_wait3A_209 = tpu.memref_slice %arg12[%dma_wait3A_207, %dma_wait3A_208] : memref<10048x128xf32, #tpu.memory_space<vmem_shared>> -> memref<10048x128xf32, #tpu.memory_space<vmem_shared>>
        tpu.wait_indirect_dma semaphore(%run_scoped3A_197 : memref<!tpu.dma_semaphore, #tpu.memory_space<semaphore_mem>>) src(%arg9 : memref<80x128xf32, #tpu.memory_space<vmem>>) dst(%dma_wait3A_209 : memref<10048x128xf32, #tpu.memory_space<vmem_shared>>)
        tpu.yield
      }) : () -> ()
      %add3A_161 = arith.constant 3 : i32
      %add3A_162 = arith.addi %mul3A_146, %add3A_161 : i32
      %dma_start3A_163 = arith.constant 0 : i32
      %dma_start3A_164 = tpu.memref_slice %arg7[%add3A_162, %dma_start3A_163] : memref<32x80xi32, #tpu.memory_space<vmem>> -> memref<1x80xi32, #tpu.memory_space<vmem>>
      %dma_start3A_165 = tpu.memref_squeeze %dma_start3A_164 : memref<1x80xi32, #tpu.memory_space<vmem>> -> memref<80xi32, #tpu.memory_space<vmem>>
      %dma_start3A_166 = arith.constant 0 : i32
      %dma_start3A_167 = arith.constant 0 : i32
      %dma_start3A_168 = tpu.memref_slice %arg2[%dma_start3A_166, %dma_start3A_167] : memref<10000x128xf32, #tpu.memory_space<hbm>> -> memref<10000x128xf32, #tpu.memory_space<hbm>>
      tpu.enqueue_indirect_dma source(%dma_start3A_168 : memref<10000x128xf32, #tpu.memory_space<hbm>>) target(%arg9 : memref<80x128xf32, #tpu.memory_space<vmem>>) offsets(%dma_start3A_165 : memref<80xi32, #tpu.memory_space<vmem>>) semaphore(%arg13 : memref<!tpu.dma_semaphore, #tpu.memory_space<semaphore_mem>>)
      %add3A_169 = arith.constant 1 : i32
      %add3A_170 = arith.addi %mul3A_146, %add3A_169 : i32
      %dma_wait3A_171 = arith.constant 0 : i32
      %dma_wait3A_172 = tpu.memref_slice %arg7[%add3A_170, %dma_wait3A_171] : memref<32x80xi32, #tpu.memory_space<vmem>> -> memref<1x80xi32, #tpu.memory_space<vmem>>
      %dma_wait3A_173 = tpu.memref_squeeze %dma_wait3A_172 : memref<1x80xi32, #tpu.memory_space<vmem>> -> memref<80xi32, #tpu.memory_space<vmem>>
      %dma_wait3A_174 = arith.constant 0 : i32
      %dma_wait3A_175 = arith.constant 0 : i32
      %dma_wait3A_176 = tpu.memref_slice %arg2[%dma_wait3A_174, %dma_wait3A_175] : memref<10000x128xf32, #tpu.memory_space<hbm>> -> memref<10000x128xf32, #tpu.memory_space<hbm>>
      tpu.wait_indirect_dma semaphore(%arg14 : memref<!tpu.dma_semaphore, #tpu.memory_space<semaphore_mem>>) src(%dma_wait3A_176 : memref<10000x128xf32, #tpu.memory_space<hbm>>) dst(%arg10 : memref<80x128xf32, #tpu.memory_space<vmem>>)
      %add3A_177 = arith.constant 1 : i32
      %add3A_178 = arith.addi %mul3A_146, %add3A_177 : i32
      "tpu.region"() ({
        %run_scoped3A_197 = tpu.sem_alloc : memref<!tpu.dma_semaphore, #tpu.memory_space<semaphore_mem>>
        %dma_start3A_198 = arith.constant 0 : i32
        %dma_start3A_199 = tpu.memref_slice %arg8[%add3A_178, %dma_start3A_198] : memref<32x80xi32, #tpu.memory_space<vmem>> -> memref<1x80xi32, #tpu.memory_space<vmem>>
        %dma_start3A_200 = tpu.memref_squeeze %dma_start3A_199 : memref<1x80xi32, #tpu.memory_space<vmem>> -> memref<80xi32, #tpu.memory_space<vmem>>
        %dma_start3A_201 = arith.constant 0 : i32
        %dma_start3A_202 = arith.constant 0 : i32
        %dma_start3A_203 = tpu.memref_slice %arg12[%dma_start3A_201, %dma_start3A_202] : memref<10048x128xf32, #tpu.memory_space<vmem_shared>> -> memref<10048x128xf32, #tpu.memory_space<vmem_shared>>
        tpu.enqueue_indirect_dma source(%arg10 : memref<80x128xf32, #tpu.memory_space<vmem>>) target(%dma_start3A_203 : memref<10048x128xf32, #tpu.memory_space<vmem_shared>>) offsets(%dma_start3A_200 : memref<80xi32, #tpu.memory_space<vmem>>) semaphore(%run_scoped3A_197 : memref<!tpu.dma_semaphore, #tpu.memory_space<semaphore_mem>>) {add = true}
        %dma_wait3A_204 = arith.constant 0 : i32
        %dma_wait3A_205 = tpu.memref_slice %arg8[%add3A_178, %dma_wait3A_204] : memref<32x80xi32, #tpu.memory_space<vmem>> -> memref<1x80xi32, #tpu.memory_space<vmem>>
        %dma_wait3A_206 = tpu.memref_squeeze %dma_wait3A_205 : memref<1x80xi32, #tpu.memory_space<vmem>> -> memref<80xi32, #tpu.memory_space<vmem>>
        %dma_wait3A_207 = arith.constant 0 : i32
        %dma_wait3A_208 = arith.constant 0 : i32
        %dma_wait3A_209 = tpu.memref_slice %arg12[%dma_wait3A_207, %dma_wait3A_208] : memref<10048x128xf32, #tpu.memory_space<vmem_shared>> -> memref<10048x128xf32, #tpu.memory_space<vmem_shared>>
        tpu.wait_indirect_dma semaphore(%run_scoped3A_197 : memref<!tpu.dma_semaphore, #tpu.memory_space<semaphore_mem>>) src(%arg10 : memref<80x128xf32, #tpu.memory_space<vmem>>) dst(%dma_wait3A_209 : memref<10048x128xf32, #tpu.memory_space<vmem_shared>>)
        tpu.yield
      }) : () -> ()
      %add3A_179 = arith.constant 4 : i32
      %add3A_180 = arith.addi %mul3A_146, %add3A_179 : i32
      %dma_start3A_181 = arith.constant 0 : i32
      %dma_start3A_182 = tpu.memref_slice %arg7[%add3A_180, %dma_start3A_181] : memref<32x80xi32, #tpu.memory_space<vmem>> -> memref<1x80xi32, #tpu.memory_space<vmem>>
      %dma_start3A_183 = tpu.memref_squeeze %dma_start3A_182 : memref<1x80xi32, #tpu.memory_space<vmem>> -> memref<80xi32, #tpu.memory_space<vmem>>
      %dma_start3A_184 = arith.constant 0 : i32
      %dma_start3A_185 = arith.constant 0 : i32
      %dma_start3A_186 = tpu.memref_slice %arg2[%dma_start3A_184, %dma_start3A_185] : memref<10000x128xf32, #tpu.memory_space<hbm>> -> memref<10000x128xf32, #tpu.memory_space<hbm>>
      tpu.enqueue_indirect_dma source(%dma_start3A_186 : memref<10000x128xf32, #tpu.memory_space<hbm>>) target(%arg10 : memref<80x128xf32, #tpu.memory_space<vmem>>) offsets(%dma_start3A_183 : memref<80xi32, #tpu.memory_space<vmem>>) semaphore(%arg14 : memref<!tpu.dma_semaphore, #tpu.memory_space<semaphore_mem>>)
      %add3A_187 = arith.constant 2 : i32
      %add3A_188 = arith.addi %mul3A_146, %add3A_187 : i32
      %dma_wait3A_189 = arith.constant 0 : i32
      %dma_wait3A_190 = tpu.memref_slice %arg7[%add3A_188, %dma_wait3A_189] : memref<32x80xi32, #tpu.memory_space<vmem>> -> memref<1x80xi32, #tpu.memory_space<vmem>>
      %dma_wait3A_191 = tpu.memref_squeeze %dma_wait3A_190 : memref<1x80xi32, #tpu.memory_space<vmem>> -> memref<80xi32, #tpu.memory_space<vmem>>
      %dma_wait3A_192 = arith.constant 0 : i32
      %dma_wait3A_193 = arith.constant 0 : i32
      %dma_wait3A_194 = tpu.memref_slice %arg2[%dma_wait3A_192, %dma_wait3A_193] : memref<10000x128xf32, #tpu.memory_space<hbm>> -> memref<10000x128xf32, #tpu.memory_space<hbm>>
      tpu.wait_indirect_dma semaphore(%arg15 : memref<!tpu.dma_semaphore, #tpu.memory_space<semaphore_mem>>) src(%dma_wait3A_194 : memref<10000x128xf32, #tpu.memory_space<hbm>>) dst(%arg11 : memref<80x128xf32, #tpu.memory_space<vmem>>)
      %add3A_195 = arith.constant 2 : i32
      %add3A_196 = arith.addi %mul3A_146, %add3A_195 : i32
      "tpu.region"() ({
        %run_scoped3A_197 = tpu.sem_alloc : memref<!tpu.dma_semaphore, #tpu.memory_space<semaphore_mem>>
        %dma_start3A_198 = arith.constant 0 : i32
        %dma_start3A_199 = tpu.memref_slice %arg8[%add3A_196, %dma_start3A_198] : memref<32x80xi32, #tpu.memory_space<vmem>> -> memref<1x80xi32, #tpu.memory_space<vmem>>
        %dma_start3A_200 = tpu.memref_squeeze %dma_start3A_199 : memref<1x80xi32, #tpu.memory_space<vmem>> -> memref<80xi32, #tpu.memory_space<vmem>>
        %dma_start3A_201 = arith.constant 0 : i32
        %dma_start3A_202 = arith.constant 0 : i32
        %dma_start3A_203 = tpu.memref_slice %arg12[%dma_start3A_201, %dma_start3A_202] : memref<10048x128xf32, #tpu.memory_space<vmem_shared>> -> memref<10048x128xf32, #tpu.memory_space<vmem_shared>>
        tpu.enqueue_indirect_dma source(%arg11 : memref<80x128xf32, #tpu.memory_space<vmem>>) target(%dma_start3A_203 : memref<10048x128xf32, #tpu.memory_space<vmem_shared>>) offsets(%dma_start3A_200 : memref<80xi32, #tpu.memory_space<vmem>>) semaphore(%run_scoped3A_197 : memref<!tpu.dma_semaphore, #tpu.memory_space<semaphore_mem>>) {add = true}
        %dma_wait3A_204 = arith.constant 0 : i32
        %dma_wait3A_205 = tpu.memref_slice %arg8[%add3A_196, %dma_wait3A_204] : memref<32x80xi32, #tpu.memory_space<vmem>> -> memref<1x80xi32, #tpu.memory_space<vmem>>
        %dma_wait3A_206 = tpu.memref_squeeze %dma_wait3A_205 : memref<1x80xi32, #tpu.memory_space<vmem>> -> memref<80xi32, #tpu.memory_space<vmem>>
        %dma_wait3A_207 = arith.constant 0 : i32
        %dma_wait3A_208 = arith.constant 0 : i32
        %dma_wait3A_209 = tpu.memref_slice %arg12[%dma_wait3A_207, %dma_wait3A_208] : memref<10048x128xf32, #tpu.memory_space<vmem_shared>> -> memref<10048x128xf32, #tpu.memory_space<vmem_shared>>
        tpu.wait_indirect_dma semaphore(%run_scoped3A_197 : memref<!tpu.dma_semaphore, #tpu.memory_space<semaphore_mem>>) src(%arg11 : memref<80x128xf32, #tpu.memory_space<vmem>>) dst(%dma_wait3A_209 : memref<10048x128xf32, #tpu.memory_space<vmem_shared>>)
        tpu.yield
      }) : () -> ()
    }
    %scan3A_90 = arith.constant 10 : i32
    %dma_wait3A_91 = arith.constant 30 : i32
    %dma_wait3A_92 = arith.constant 0 : i32
    %dma_wait3A_93 = tpu.memref_slice %arg7[%dma_wait3A_91, %dma_wait3A_92] : memref<32x80xi32, #tpu.memory_space<vmem>> -> memref<1x80xi32, #tpu.memory_space<vmem>>
    %dma_wait3A_94 = tpu.memref_squeeze %dma_wait3A_93 : memref<1x80xi32, #tpu.memory_space<vmem>> -> memref<80xi32, #tpu.memory_space<vmem>>
    %dma_wait3A_95 = arith.constant 0 : i32
    %dma_wait3A_96 = arith.constant 0 : i32
    %dma_wait3A_97 = tpu.memref_slice %arg2[%dma_wait3A_95, %dma_wait3A_96] : memref<10000x128xf32, #tpu.memory_space<hbm>> -> memref<10000x128xf32, #tpu.memory_space<hbm>>
    tpu.wait_indirect_dma semaphore(%arg13 : memref<!tpu.dma_semaphore, #tpu.memory_space<semaphore_mem>>) src(%dma_wait3A_97 : memref<10000x128xf32, #tpu.memory_space<hbm>>) dst(%arg9 : memref<80x128xf32, #tpu.memory_space<vmem>>)
    %run_scoped3A_98 = arith.constant 30 : i32
    "tpu.region"() ({
      %run_scoped3A_144 = tpu.sem_alloc : memref<!tpu.dma_semaphore, #tpu.memory_space<semaphore_mem>>
      %dma_start3A_145 = arith.constant 0 : i32
      %dma_start3A_146 = tpu.memref_slice %arg8[%run_scoped3A_98, %dma_start3A_145] : memref<32x80xi32, #tpu.memory_space<vmem>> -> memref<1x80xi32, #tpu.memory_space<vmem>>
      %dma_start3A_147 = tpu.memref_squeeze %dma_start3A_146 : memref<1x80xi32, #tpu.memory_space<vmem>> -> memref<80xi32, #tpu.memory_space<vmem>>
      %dma_start3A_148 = arith.constant 0 : i32
      %dma_start3A_149 = arith.constant 0 : i32
      %dma_start3A_150 = tpu.memref_slice %arg12[%dma_start3A_148, %dma_start3A_149] : memref<10048x128xf32, #tpu.memory_space<vmem_shared>> -> memref<10048x128xf32, #tpu.memory_space<vmem_shared>>
      tpu.enqueue_indirect_dma source(%arg9 : memref<80x128xf32, #tpu.memory_space<vmem>>) target(%dma_start3A_150 : memref<10048x128xf32, #tpu.memory_space<vmem_shared>>) offsets(%dma_start3A_147 : memref<80xi32, #tpu.memory_space<vmem>>) semaphore(%run_scoped3A_144 : memref<!tpu.dma_semaphore, #tpu.memory_space<semaphore_mem>>) {add = true}
      %dma_wait3A_151 = arith.constant 0 : i32
      %dma_wait3A_152 = tpu.memref_slice %arg8[%run_scoped3A_98, %dma_wait3A_151] : memref<32x80xi32, #tpu.memory_space<vmem>> -> memref<1x80xi32, #tpu.memory_space<vmem>>
      %dma_wait3A_153 = tpu.memref_squeeze %dma_wait3A_152 : memref<1x80xi32, #tpu.memory_space<vmem>> -> memref<80xi32, #tpu.memory_space<vmem>>
      %dma_wait3A_154 = arith.constant 0 : i32
      %dma_wait3A_155 = arith.constant 0 : i32
      %dma_wait3A_156 = tpu.memref_slice %arg12[%dma_wait3A_154, %dma_wait3A_155] : memref<10048x128xf32, #tpu.memory_space<vmem_shared>> -> memref<10048x128xf32, #tpu.memory_space<vmem_shared>>
      tpu.wait_indirect_dma semaphore(%run_scoped3A_144 : memref<!tpu.dma_semaphore, #tpu.memory_space<semaphore_mem>>) src(%arg9 : memref<80x128xf32, #tpu.memory_space<vmem>>) dst(%dma_wait3A_156 : memref<10048x128xf32, #tpu.memory_space<vmem_shared>>)
      tpu.yield
    }) : () -> ()
    %dma_wait3A_99 = arith.constant 31 : i32
    %dma_wait3A_100 = arith.constant 0 : i32
    %dma_wait3A_101 = tpu.memref_slice %arg7[%dma_wait3A_99, %dma_wait3A_100] : memref<32x80xi32, #tpu.memory_space<vmem>> -> memref<1x80xi32, #tpu.memory_space<vmem>>
    %dma_wait3A_102 = tpu.memref_squeeze %dma_wait3A_101 : memref<1x80xi32, #tpu.memory_space<vmem>> -> memref<80xi32, #tpu.memory_space<vmem>>
    %dma_wait3A_103 = arith.constant 0 : i32
    %dma_wait3A_104 = arith.constant 0 : i32
    %dma_wait3A_105 = tpu.memref_slice %arg2[%dma_wait3A_103, %dma_wait3A_104] : memref<10000x128xf32, #tpu.memory_space<hbm>> -> memref<10000x128xf32, #tpu.memory_space<hbm>>
    tpu.wait_indirect_dma semaphore(%arg14 : memref<!tpu.dma_semaphore, #tpu.memory_space<semaphore_mem>>) src(%dma_wait3A_105 : memref<10000x128xf32, #tpu.memory_space<hbm>>) dst(%arg10 : memref<80x128xf32, #tpu.memory_space<vmem>>)
    %run_scoped3A_106 = arith.constant 31 : i32
    "tpu.region"() ({
      %run_scoped3A_144 = tpu.sem_alloc : memref<!tpu.dma_semaphore, #tpu.memory_space<semaphore_mem>>
      %dma_start3A_145 = arith.constant 0 : i32
      %dma_start3A_146 = tpu.memref_slice %arg8[%run_scoped3A_106, %dma_start3A_145] : memref<32x80xi32, #tpu.memory_space<vmem>> -> memref<1x80xi32, #tpu.memory_space<vmem>>
      %dma_start3A_147 = tpu.memref_squeeze %dma_start3A_146 : memref<1x80xi32, #tpu.memory_space<vmem>> -> memref<80xi32, #tpu.memory_space<vmem>>
      %dma_start3A_148 = arith.constant 0 : i32
      %dma_start3A_149 = arith.constant 0 : i32
      %dma_start3A_150 = tpu.memref_slice %arg12[%dma_start3A_148, %dma_start3A_149] : memref<10048x128xf32, #tpu.memory_space<vmem_shared>> -> memref<10048x128xf32, #tpu.memory_space<vmem_shared>>
      tpu.enqueue_indirect_dma source(%arg10 : memref<80x128xf32, #tpu.memory_space<vmem>>) target(%dma_start3A_150 : memref<10048x128xf32, #tpu.memory_space<vmem_shared>>) offsets(%dma_start3A_147 : memref<80xi32, #tpu.memory_space<vmem>>) semaphore(%run_scoped3A_144 : memref<!tpu.dma_semaphore, #tpu.memory_space<semaphore_mem>>) {add = true}
      %dma_wait3A_151 = arith.constant 0 : i32
      %dma_wait3A_152 = tpu.memref_slice %arg8[%run_scoped3A_106, %dma_wait3A_151] : memref<32x80xi32, #tpu.memory_space<vmem>> -> memref<1x80xi32, #tpu.memory_space<vmem>>
      %dma_wait3A_153 = tpu.memref_squeeze %dma_wait3A_152 : memref<1x80xi32, #tpu.memory_space<vmem>> -> memref<80xi32, #tpu.memory_space<vmem>>
      %dma_wait3A_154 = arith.constant 0 : i32
      %dma_wait3A_155 = arith.constant 0 : i32
      %dma_wait3A_156 = tpu.memref_slice %arg12[%dma_wait3A_154, %dma_wait3A_155] : memref<10048x128xf32, #tpu.memory_space<vmem_shared>> -> memref<10048x128xf32, #tpu.memory_space<vmem_shared>>
      tpu.wait_indirect_dma semaphore(%run_scoped3A_144 : memref<!tpu.dma_semaphore, #tpu.memory_space<semaphore_mem>>) src(%arg10 : memref<80x128xf32, #tpu.memory_space<vmem>>) dst(%dma_wait3A_156 : memref<10048x128xf32, #tpu.memory_space<vmem_shared>>)
      tpu.yield
    }) : () -> ()
    "tpu.region"() ({
      %run_scoped3A_144 = tpu.sem_alloc : memref<!tpu.dma_semaphore, #tpu.memory_space<semaphore_mem>>
      %dma_start3A_145 = arith.constant 96 : i32
      %dma_start3A_146 = arith.constant 0 : i32
      %dma_start3A_147 = tpu.memref_slice %arg3[%add3A, %dma_start3A_145, %dma_start3A_146] : memref<32x128x80xi32, #tpu.memory_space<hbm>> -> memref<1x32x80xi32, #tpu.memory_space<hbm>>
      %dma_start3A_148 = tpu.memref_squeeze %dma_start3A_147 : memref<1x32x80xi32, #tpu.memory_space<hbm>> -> memref<32x80xi32, #tpu.memory_space<hbm>>
      %dma_start3A_149 = arith.constant 96 : i32
      %dma_start3A_150 = arith.constant 0 : i32
      %dma_start3A_151 = tpu.memref_slice %arg3[%add3A, %dma_start3A_149, %dma_start3A_150] : memref<32x128x80xi32, #tpu.memory_space<hbm>> -> memref<1x32x80xi32, #tpu.memory_space<hbm>>
      %dma_start3A_152 = tpu.memref_squeeze %dma_start3A_151 : memref<1x32x80xi32, #tpu.memory_space<hbm>> -> memref<32x80xi32, #tpu.memory_space<hbm>>
      tpu.enqueue_dma source(%dma_start3A_152 : memref<32x80xi32, #tpu.memory_space<hbm>>) target(%arg7 : memref<32x80xi32, #tpu.memory_space<vmem>>) target_semaphore(%run_scoped3A_144 : memref<!tpu.dma_semaphore, #tpu.memory_space<semaphore_mem>>)
      %dma_wait3A_153 = arith.constant 96 : i32
      %dma_wait3A_154 = arith.constant 0 : i32
      %dma_wait3A_155 = tpu.memref_slice %arg3[%add3A, %dma_wait3A_153, %dma_wait3A_154] : memref<32x128x80xi32, #tpu.memory_space<hbm>> -> memref<1x32x80xi32, #tpu.memory_space<hbm>>
      %dma_wait3A_156 = tpu.memref_squeeze %dma_wait3A_155 : memref<1x32x80xi32, #tpu.memory_space<hbm>> -> memref<32x80xi32, #tpu.memory_space<hbm>>
      %dma_wait3A_157 = arith.constant 96 : i32
      %dma_wait3A_158 = arith.constant 0 : i32
      %dma_wait3A_159 = tpu.memref_slice %arg3[%add3A, %dma_wait3A_157, %dma_wait3A_158] : memref<32x128x80xi32, #tpu.memory_space<hbm>> -> memref<1x32x80xi32, #tpu.memory_space<hbm>>
      %dma_wait3A_160 = tpu.memref_squeeze %dma_wait3A_159 : memref<1x32x80xi32, #tpu.memory_space<hbm>> -> memref<32x80xi32, #tpu.memory_space<hbm>>
      tpu.wait_dma2 semaphore(%run_scoped3A_144 : memref<!tpu.dma_semaphore, #tpu.memory_space<semaphore_mem>>) src(%dma_wait3A_160 : memref<32x80xi32, #tpu.memory_space<hbm>>) dst(%arg7 : memref<32x80xi32, #tpu.memory_space<vmem>>)
      tpu.yield
    }) : () -> ()
    "tpu.region"() ({
      %run_scoped3A_144 = tpu.sem_alloc : memref<!tpu.dma_semaphore, #tpu.memory_space<semaphore_mem>>
      %dma_start3A_145 = arith.constant 96 : i32
      %dma_start3A_146 = arith.constant 0 : i32
      %dma_start3A_147 = tpu.memref_slice %arg4[%add3A, %dma_start3A_145, %dma_start3A_146] : memref<32x128x80xi32, #tpu.memory_space<hbm>> -> memref<1x32x80xi32, #tpu.memory_space<hbm>>
      %dma_start3A_148 = tpu.memref_squeeze %dma_start3A_147 : memref<1x32x80xi32, #tpu.memory_space<hbm>> -> memref<32x80xi32, #tpu.memory_space<hbm>>
      %dma_start3A_149 = arith.constant 96 : i32
      %dma_start3A_150 = arith.constant 0 : i32
      %dma_start3A_151 = tpu.memref_slice %arg4[%add3A, %dma_start3A_149, %dma_start3A_150] : memref<32x128x80xi32, #tpu.memory_space<hbm>> -> memref<1x32x80xi32, #tpu.memory_space<hbm>>
      %dma_start3A_152 = tpu.memref_squeeze %dma_start3A_151 : memref<1x32x80xi32, #tpu.memory_space<hbm>> -> memref<32x80xi32, #tpu.memory_space<hbm>>
      tpu.enqueue_dma source(%dma_start3A_152 : memref<32x80xi32, #tpu.memory_space<hbm>>) target(%arg8 : memref<32x80xi32, #tpu.memory_space<vmem>>) target_semaphore(%run_scoped3A_144 : memref<!tpu.dma_semaphore, #tpu.memory_space<semaphore_mem>>)
      %dma_wait3A_153 = arith.constant 96 : i32
      %dma_wait3A_154 = arith.constant 0 : i32
      %dma_wait3A_155 = tpu.memref_slice %arg4[%add3A, %dma_wait3A_153, %dma_wait3A_154] : memref<32x128x80xi32, #tpu.memory_space<hbm>> -> memref<1x32x80xi32, #tpu.memory_space<hbm>>
      %dma_wait3A_156 = tpu.memref_squeeze %dma_wait3A_155 : memref<1x32x80xi32, #tpu.memory_space<hbm>> -> memref<32x80xi32, #tpu.memory_space<hbm>>
      %dma_wait3A_157 = arith.constant 96 : i32
      %dma_wait3A_158 = arith.constant 0 : i32
      %dma_wait3A_159 = tpu.memref_slice %arg4[%add3A, %dma_wait3A_157, %dma_wait3A_158] : memref<32x128x80xi32, #tpu.memory_space<hbm>> -> memref<1x32x80xi32, #tpu.memory_space<hbm>>
      %dma_wait3A_160 = tpu.memref_squeeze %dma_wait3A_159 : memref<1x32x80xi32, #tpu.memory_space<hbm>> -> memref<32x80xi32, #tpu.memory_space<hbm>>
      tpu.wait_dma2 semaphore(%run_scoped3A_144 : memref<!tpu.dma_semaphore, #tpu.memory_space<semaphore_mem>>) src(%dma_wait3A_160 : memref<32x80xi32, #tpu.memory_space<hbm>>) dst(%arg8 : memref<32x80xi32, #tpu.memory_space<vmem>>)
      tpu.yield
    }) : () -> ()
    %dma_start3A_107 = arith.constant 0 : i32
    %dma_start3A_108 = arith.constant 0 : i32
    %dma_start3A_109 = tpu.memref_slice %arg7[%dma_start3A_107, %dma_start3A_108] : memref<32x80xi32, #tpu.memory_space<vmem>> -> memref<1x80xi32, #tpu.memory_space<vmem>>
    %dma_start3A_110 = tpu.memref_squeeze %dma_start3A_109 : memref<1x80xi32, #tpu.memory_space<vmem>> -> memref<80xi32, #tpu.memory_space<vmem>>
    %dma_start3A_111 = arith.constant 0 : i32
    %dma_start3A_112 = arith.constant 0 : i32
    %dma_start3A_113 = tpu.memref_slice %arg2[%dma_start3A_111, %dma_start3A_112] : memref<10000x128xf32, #tpu.memory_space<hbm>> -> memref<10000x128xf32, #tpu.memory_space<hbm>>
    tpu.enqueue_indirect_dma source(%dma_start3A_113 : memref<10000x128xf32, #tpu.memory_space<hbm>>) target(%arg9 : memref<80x128xf32, #tpu.memory_space<vmem>>) offsets(%dma_start3A_110 : memref<80xi32, #tpu.memory_space<vmem>>) semaphore(%arg13 : memref<!tpu.dma_semaphore, #tpu.memory_space<semaphore_mem>>)
    %dma_start3A_114 = arith.constant 1 : i32
    %dma_start3A_115 = arith.constant 0 : i32
    %dma_start3A_116 = tpu.memref_slice %arg7[%dma_start3A_114, %dma_start3A_115] : memref<32x80xi32, #tpu.memory_space<vmem>> -> memref<1x80xi32, #tpu.memory_space<vmem>>
    %dma_start3A_117 = tpu.memref_squeeze %dma_start3A_116 : memref<1x80xi32, #tpu.memory_space<vmem>> -> memref<80xi32, #tpu.memory_space<vmem>>
    %dma_start3A_118 = arith.constant 0 : i32
    %dma_start3A_119 = arith.constant 0 : i32
    %dma_start3A_120 = tpu.memref_slice %arg2[%dma_start3A_118, %dma_start3A_119] : memref<10000x128xf32, #tpu.memory_space<hbm>> -> memref<10000x128xf32, #tpu.memory_space<hbm>>
    tpu.enqueue_indirect_dma source(%dma_start3A_120 : memref<10000x128xf32, #tpu.memory_space<hbm>>) target(%arg10 : memref<80x128xf32, #tpu.memory_space<vmem>>) offsets(%dma_start3A_117 : memref<80xi32, #tpu.memory_space<vmem>>) semaphore(%arg14 : memref<!tpu.dma_semaphore, #tpu.memory_space<semaphore_mem>>)
    %scan3A_121 = arith.constant 0 : i32
    %scan3A_122 = arith.constant 0 : i32
    %scan3A_123 = arith.constant 10 : i32
    %scan3A_124 = arith.addi %scan3A_122, %scan3A_123 : i32
    %scan3A_125 = arith.constant 1 : i32
    scf.for %scan3A_144 = %scan3A_122 to %scan3A_124 step %scan3A_125  : i32 {
      %mul3A_145 = arith.constant 3 : i32
      %mul3A_146 = arith.muli %mul3A_145, %scan3A_144 : i32
      %add3A_147 = arith.constant 2 : i32
      %add3A_148 = arith.addi %mul3A_146, %add3A_147 : i32
      %dma_start3A_149 = arith.constant 0 : i32
      %dma_start3A_150 = tpu.memref_slice %arg7[%add3A_148, %dma_start3A_149] : memref<32x80xi32, #tpu.memory_space<vmem>> -> memref<1x80xi32, #tpu.memory_space<vmem>>
      %dma_start3A_151 = tpu.memref_squeeze %dma_start3A_150 : memref<1x80xi32, #tpu.memory_space<vmem>> -> memref<80xi32, #tpu.memory_space<vmem>>
      %dma_start3A_152 = arith.constant 0 : i32
      %dma_start3A_153 = arith.constant 0 : i32
      %dma_start3A_154 = tpu.memref_slice %arg2[%dma_start3A_152, %dma_start3A_153] : memref<10000x128xf32, #tpu.memory_space<hbm>> -> memref<10000x128xf32, #tpu.memory_space<hbm>>
      tpu.enqueue_indirect_dma source(%dma_start3A_154 : memref<10000x128xf32, #tpu.memory_space<hbm>>) target(%arg11 : memref<80x128xf32, #tpu.memory_space<vmem>>) offsets(%dma_start3A_151 : memref<80xi32, #tpu.memory_space<vmem>>) semaphore(%arg15 : memref<!tpu.dma_semaphore, #tpu.memory_space<semaphore_mem>>)
      %dma_wait3A_155 = arith.constant 0 : i32
      %dma_wait3A_156 = tpu.memref_slice %arg7[%mul3A_146, %dma_wait3A_155] : memref<32x80xi32, #tpu.memory_space<vmem>> -> memref<1x80xi32, #tpu.memory_space<vmem>>
      %dma_wait3A_157 = tpu.memref_squeeze %dma_wait3A_156 : memref<1x80xi32, #tpu.memory_space<vmem>> -> memref<80xi32, #tpu.memory_space<vmem>>
      %dma_wait3A_158 = arith.constant 0 : i32
      %dma_wait3A_159 = arith.constant 0 : i32
      %dma_wait3A_160 = tpu.memref_slice %arg2[%dma_wait3A_158, %dma_wait3A_159] : memref<10000x128xf32, #tpu.memory_space<hbm>> -> memref<10000x128xf32, #tpu.memory_space<hbm>>
      tpu.wait_indirect_dma semaphore(%arg13 : memref<!tpu.dma_semaphore, #tpu.memory_space<semaphore_mem>>) src(%dma_wait3A_160 : memref<10000x128xf32, #tpu.memory_space<hbm>>) dst(%arg9 : memref<80x128xf32, #tpu.memory_space<vmem>>)
      "tpu.region"() ({
        %run_scoped3A_197 = tpu.sem_alloc : memref<!tpu.dma_semaphore, #tpu.memory_space<semaphore_mem>>
        %dma_start3A_198 = arith.constant 0 : i32
        %dma_start3A_199 = tpu.memref_slice %arg8[%mul3A_146, %dma_start3A_198] : memref<32x80xi32, #tpu.memory_space<vmem>> -> memref<1x80xi32, #tpu.memory_space<vmem>>
        %dma_start3A_200 = tpu.memref_squeeze %dma_start3A_199 : memref<1x80xi32, #tpu.memory_space<vmem>> -> memref<80xi32, #tpu.memory_space<vmem>>
        %dma_start3A_201 = arith.constant 0 : i32
        %dma_start3A_202 = arith.constant 0 : i32
        %dma_start3A_203 = tpu.memref_slice %arg12[%dma_start3A_201, %dma_start3A_202] : memref<10048x128xf32, #tpu.memory_space<vmem_shared>> -> memref<10048x128xf32, #tpu.memory_space<vmem_shared>>
        tpu.enqueue_indirect_dma source(%arg9 : memref<80x128xf32, #tpu.memory_space<vmem>>) target(%dma_start3A_203 : memref<10048x128xf32, #tpu.memory_space<vmem_shared>>) offsets(%dma_start3A_200 : memref<80xi32, #tpu.memory_space<vmem>>) semaphore(%run_scoped3A_197 : memref<!tpu.dma_semaphore, #tpu.memory_space<semaphore_mem>>) {add = true}
        %dma_wait3A_204 = arith.constant 0 : i32
        %dma_wait3A_205 = tpu.memref_slice %arg8[%mul3A_146, %dma_wait3A_204] : memref<32x80xi32, #tpu.memory_space<vmem>> -> memref<1x80xi32, #tpu.memory_space<vmem>>
        %dma_wait3A_206 = tpu.memref_squeeze %dma_wait3A_205 : memref<1x80xi32, #tpu.memory_space<vmem>> -> memref<80xi32, #tpu.memory_space<vmem>>
        %dma_wait3A_207 = arith.constant 0 : i32
        %dma_wait3A_208 = arith.constant 0 : i32
        %dma_wait3A_209 = tpu.memref_slice %arg12[%dma_wait3A_207, %dma_wait3A_208] : memref<10048x128xf32, #tpu.memory_space<vmem_shared>> -> memref<10048x128xf32, #tpu.memory_space<vmem_shared>>
        tpu.wait_indirect_dma semaphore(%run_scoped3A_197 : memref<!tpu.dma_semaphore, #tpu.memory_space<semaphore_mem>>) src(%arg9 : memref<80x128xf32, #tpu.memory_space<vmem>>) dst(%dma_wait3A_209 : memref<10048x128xf32, #tpu.memory_space<vmem_shared>>)
        tpu.yield
      }) : () -> ()
      %add3A_161 = arith.constant 3 : i32
      %add3A_162 = arith.addi %mul3A_146, %add3A_161 : i32
      %dma_start3A_163 = arith.constant 0 : i32
      %dma_start3A_164 = tpu.memref_slice %arg7[%add3A_162, %dma_start3A_163] : memref<32x80xi32, #tpu.memory_space<vmem>> -> memref<1x80xi32, #tpu.memory_space<vmem>>
      %dma_start3A_165 = tpu.memref_squeeze %dma_start3A_164 : memref<1x80xi32, #tpu.memory_space<vmem>> -> memref<80xi32, #tpu.memory_space<vmem>>
      %dma_start3A_166 = arith.constant 0 : i32
      %dma_start3A_167 = arith.constant 0 : i32
      %dma_start3A_168 = tpu.memref_slice %arg2[%dma_start3A_166, %dma_start3A_167] : memref<10000x128xf32, #tpu.memory_space<hbm>> -> memref<10000x128xf32, #tpu.memory_space<hbm>>
      tpu.enqueue_indirect_dma source(%dma_start3A_168 : memref<10000x128xf32, #tpu.memory_space<hbm>>) target(%arg9 : memref<80x128xf32, #tpu.memory_space<vmem>>) offsets(%dma_start3A_165 : memref<80xi32, #tpu.memory_space<vmem>>) semaphore(%arg13 : memref<!tpu.dma_semaphore, #tpu.memory_space<semaphore_mem>>)
      %add3A_169 = arith.constant 1 : i32
      %add3A_170 = arith.addi %mul3A_146, %add3A_169 : i32
      %dma_wait3A_171 = arith.constant 0 : i32
      %dma_wait3A_172 = tpu.memref_slice %arg7[%add3A_170, %dma_wait3A_171] : memref<32x80xi32, #tpu.memory_space<vmem>> -> memref<1x80xi32, #tpu.memory_space<vmem>>
      %dma_wait3A_173 = tpu.memref_squeeze %dma_wait3A_172 : memref<1x80xi32, #tpu.memory_space<vmem>> -> memref<80xi32, #tpu.memory_space<vmem>>
      %dma_wait3A_174 = arith.constant 0 : i32
      %dma_wait3A_175 = arith.constant 0 : i32
      %dma_wait3A_176 = tpu.memref_slice %arg2[%dma_wait3A_174, %dma_wait3A_175] : memref<10000x128xf32, #tpu.memory_space<hbm>> -> memref<10000x128xf32, #tpu.memory_space<hbm>>
      tpu.wait_indirect_dma semaphore(%arg14 : memref<!tpu.dma_semaphore, #tpu.memory_space<semaphore_mem>>) src(%dma_wait3A_176 : memref<10000x128xf32, #tpu.memory_space<hbm>>) dst(%arg10 : memref<80x128xf32, #tpu.memory_space<vmem>>)
      %add3A_177 = arith.constant 1 : i32
      %add3A_178 = arith.addi %mul3A_146, %add3A_177 : i32
      "tpu.region"() ({
        %run_scoped3A_197 = tpu.sem_alloc : memref<!tpu.dma_semaphore, #tpu.memory_space<semaphore_mem>>
        %dma_start3A_198 = arith.constant 0 : i32
        %dma_start3A_199 = tpu.memref_slice %arg8[%add3A_178, %dma_start3A_198] : memref<32x80xi32, #tpu.memory_space<vmem>> -> memref<1x80xi32, #tpu.memory_space<vmem>>
        %dma_start3A_200 = tpu.memref_squeeze %dma_start3A_199 : memref<1x80xi32, #tpu.memory_space<vmem>> -> memref<80xi32, #tpu.memory_space<vmem>>
        %dma_start3A_201 = arith.constant 0 : i32
        %dma_start3A_202 = arith.constant 0 : i32
        %dma_start3A_203 = tpu.memref_slice %arg12[%dma_start3A_201, %dma_start3A_202] : memref<10048x128xf32, #tpu.memory_space<vmem_shared>> -> memref<10048x128xf32, #tpu.memory_space<vmem_shared>>
        tpu.enqueue_indirect_dma source(%arg10 : memref<80x128xf32, #tpu.memory_space<vmem>>) target(%dma_start3A_203 : memref<10048x128xf32, #tpu.memory_space<vmem_shared>>) offsets(%dma_start3A_200 : memref<80xi32, #tpu.memory_space<vmem>>) semaphore(%run_scoped3A_197 : memref<!tpu.dma_semaphore, #tpu.memory_space<semaphore_mem>>) {add = true}
        %dma_wait3A_204 = arith.constant 0 : i32
        %dma_wait3A_205 = tpu.memref_slice %arg8[%add3A_178, %dma_wait3A_204] : memref<32x80xi32, #tpu.memory_space<vmem>> -> memref<1x80xi32, #tpu.memory_space<vmem>>
        %dma_wait3A_206 = tpu.memref_squeeze %dma_wait3A_205 : memref<1x80xi32, #tpu.memory_space<vmem>> -> memref<80xi32, #tpu.memory_space<vmem>>
        %dma_wait3A_207 = arith.constant 0 : i32
        %dma_wait3A_208 = arith.constant 0 : i32
        %dma_wait3A_209 = tpu.memref_slice %arg12[%dma_wait3A_207, %dma_wait3A_208] : memref<10048x128xf32, #tpu.memory_space<vmem_shared>> -> memref<10048x128xf32, #tpu.memory_space<vmem_shared>>
        tpu.wait_indirect_dma semaphore(%run_scoped3A_197 : memref<!tpu.dma_semaphore, #tpu.memory_space<semaphore_mem>>) src(%arg10 : memref<80x128xf32, #tpu.memory_space<vmem>>) dst(%dma_wait3A_209 : memref<10048x128xf32, #tpu.memory_space<vmem_shared>>)
        tpu.yield
      }) : () -> ()
      %add3A_179 = arith.constant 4 : i32
      %add3A_180 = arith.addi %mul3A_146, %add3A_179 : i32
      %dma_start3A_181 = arith.constant 0 : i32
      %dma_start3A_182 = tpu.memref_slice %arg7[%add3A_180, %dma_start3A_181] : memref<32x80xi32, #tpu.memory_space<vmem>> -> memref<1x80xi32, #tpu.memory_space<vmem>>
      %dma_start3A_183 = tpu.memref_squeeze %dma_start3A_182 : memref<1x80xi32, #tpu.memory_space<vmem>> -> memref<80xi32, #tpu.memory_space<vmem>>
      %dma_start3A_184 = arith.constant 0 : i32
      %dma_start3A_185 = arith.constant 0 : i32
      %dma_start3A_186 = tpu.memref_slice %arg2[%dma_start3A_184, %dma_start3A_185] : memref<10000x128xf32, #tpu.memory_space<hbm>> -> memref<10000x128xf32, #tpu.memory_space<hbm>>
      tpu.enqueue_indirect_dma source(%dma_start3A_186 : memref<10000x128xf32, #tpu.memory_space<hbm>>) target(%arg10 : memref<80x128xf32, #tpu.memory_space<vmem>>) offsets(%dma_start3A_183 : memref<80xi32, #tpu.memory_space<vmem>>) semaphore(%arg14 : memref<!tpu.dma_semaphore, #tpu.memory_space<semaphore_mem>>)
      %add3A_187 = arith.constant 2 : i32
      %add3A_188 = arith.addi %mul3A_146, %add3A_187 : i32
      %dma_wait3A_189 = arith.constant 0 : i32
      %dma_wait3A_190 = tpu.memref_slice %arg7[%add3A_188, %dma_wait3A_189] : memref<32x80xi32, #tpu.memory_space<vmem>> -> memref<1x80xi32, #tpu.memory_space<vmem>>
      %dma_wait3A_191 = tpu.memref_squeeze %dma_wait3A_190 : memref<1x80xi32, #tpu.memory_space<vmem>> -> memref<80xi32, #tpu.memory_space<vmem>>
      %dma_wait3A_192 = arith.constant 0 : i32
      %dma_wait3A_193 = arith.constant 0 : i32
      %dma_wait3A_194 = tpu.memref_slice %arg2[%dma_wait3A_192, %dma_wait3A_193] : memref<10000x128xf32, #tpu.memory_space<hbm>> -> memref<10000x128xf32, #tpu.memory_space<hbm>>
      tpu.wait_indirect_dma semaphore(%arg15 : memref<!tpu.dma_semaphore, #tpu.memory_space<semaphore_mem>>) src(%dma_wait3A_194 : memref<10000x128xf32, #tpu.memory_space<hbm>>) dst(%arg11 : memref<80x128xf32, #tpu.memory_space<vmem>>)
      %add3A_195 = arith.constant 2 : i32
      %add3A_196 = arith.addi %mul3A_146, %add3A_195 : i32
      "tpu.region"() ({
        %run_scoped3A_197 = tpu.sem_alloc : memref<!tpu.dma_semaphore, #tpu.memory_space<semaphore_mem>>
        %dma_start3A_198 = arith.constant 0 : i32
        %dma_start3A_199 = tpu.memref_slice %arg8[%add3A_196, %dma_start3A_198] : memref<32x80xi32, #tpu.memory_space<vmem>> -> memref<1x80xi32, #tpu.memory_space<vmem>>
        %dma_start3A_200 = tpu.memref_squeeze %dma_start3A_199 : memref<1x80xi32, #tpu.memory_space<vmem>> -> memref<80xi32, #tpu.memory_space<vmem>>
        %dma_start3A_201 = arith.constant 0 : i32
        %dma_start3A_202 = arith.constant 0 : i32
        %dma_start3A_203 = tpu.memref_slice %arg12[%dma_start3A_201, %dma_start3A_202] : memref<10048x128xf32, #tpu.memory_space<vmem_shared>> -> memref<10048x128xf32, #tpu.memory_space<vmem_shared>>
        tpu.enqueue_indirect_dma source(%arg11 : memref<80x128xf32, #tpu.memory_space<vmem>>) target(%dma_start3A_203 : memref<10048x128xf32, #tpu.memory_space<vmem_shared>>) offsets(%dma_start3A_200 : memref<80xi32, #tpu.memory_space<vmem>>) semaphore(%run_scoped3A_197 : memref<!tpu.dma_semaphore, #tpu.memory_space<semaphore_mem>>) {add = true}
        %dma_wait3A_204 = arith.constant 0 : i32
        %dma_wait3A_205 = tpu.memref_slice %arg8[%add3A_196, %dma_wait3A_204] : memref<32x80xi32, #tpu.memory_space<vmem>> -> memref<1x80xi32, #tpu.memory_space<vmem>>
        %dma_wait3A_206 = tpu.memref_squeeze %dma_wait3A_205 : memref<1x80xi32, #tpu.memory_space<vmem>> -> memref<80xi32, #tpu.memory_space<vmem>>
        %dma_wait3A_207 = arith.constant 0 : i32
        %dma_wait3A_208 = arith.constant 0 : i32
        %dma_wait3A_209 = tpu.memref_slice %arg12[%dma_wait3A_207, %dma_wait3A_208] : memref<10048x128xf32, #tpu.memory_space<vmem_shared>> -> memref<10048x128xf32, #tpu.memory_space<vmem_shared>>
        tpu.wait_indirect_dma semaphore(%run_scoped3A_197 : memref<!tpu.dma_semaphore, #tpu.memory_space<semaphore_mem>>) src(%arg11 : memref<80x128xf32, #tpu.memory_space<vmem>>) dst(%dma_wait3A_209 : memref<10048x128xf32, #tpu.memory_space<vmem_shared>>)
        tpu.yield
      }) : () -> ()
    }
    %scan3A_126 = arith.constant 10 : i32
    %dma_wait3A_127 = arith.constant 30 : i32
    %dma_wait3A_128 = arith.constant 0 : i32
    %dma_wait3A_129 = tpu.memref_slice %arg7[%dma_wait3A_127, %dma_wait3A_128] : memref<32x80xi32, #tpu.memory_space<vmem>> -> memref<1x80xi32, #tpu.memory_space<vmem>>
    %dma_wait3A_130 = tpu.memref_squeeze %dma_wait3A_129 : memref<1x80xi32, #tpu.memory_space<vmem>> -> memref<80xi32, #tpu.memory_space<vmem>>
    %dma_wait3A_131 = arith.constant 0 : i32
    %dma_wait3A_132 = arith.constant 0 : i32
    %dma_wait3A_133 = tpu.memref_slice %arg2[%dma_wait3A_131, %dma_wait3A_132] : memref<10000x128xf32, #tpu.memory_space<hbm>> -> memref<10000x128xf32, #tpu.memory_space<hbm>>
    tpu.wait_indirect_dma semaphore(%arg13 : memref<!tpu.dma_semaphore, #tpu.memory_space<semaphore_mem>>) src(%dma_wait3A_133 : memref<10000x128xf32, #tpu.memory_space<hbm>>) dst(%arg9 : memref<80x128xf32, #tpu.memory_space<vmem>>)
    %run_scoped3A_134 = arith.constant 30 : i32
    "tpu.region"() ({
      %run_scoped3A_144 = tpu.sem_alloc : memref<!tpu.dma_semaphore, #tpu.memory_space<semaphore_mem>>
      %dma_start3A_145 = arith.constant 0 : i32
      %dma_start3A_146 = tpu.memref_slice %arg8[%run_scoped3A_134, %dma_start3A_145] : memref<32x80xi32, #tpu.memory_space<vmem>> -> memref<1x80xi32, #tpu.memory_space<vmem>>
      %dma_start3A_147 = tpu.memref_squeeze %dma_start3A_146 : memref<1x80xi32, #tpu.memory_space<vmem>> -> memref<80xi32, #tpu.memory_space<vmem>>
      %dma_start3A_148 = arith.constant 0 : i32
      %dma_start3A_149 = arith.constant 0 : i32
      %dma_start3A_150 = tpu.memref_slice %arg12[%dma_start3A_148, %dma_start3A_149] : memref<10048x128xf32, #tpu.memory_space<vmem_shared>> -> memref<10048x128xf32, #tpu.memory_space<vmem_shared>>
      tpu.enqueue_indirect_dma source(%arg9 : memref<80x128xf32, #tpu.memory_space<vmem>>) target(%dma_start3A_150 : memref<10048x128xf32, #tpu.memory_space<vmem_shared>>) offsets(%dma_start3A_147 : memref<80xi32, #tpu.memory_space<vmem>>) semaphore(%run_scoped3A_144 : memref<!tpu.dma_semaphore, #tpu.memory_space<semaphore_mem>>) {add = true}
      %dma_wait3A_151 = arith.constant 0 : i32
      %dma_wait3A_152 = tpu.memref_slice %arg8[%run_scoped3A_134, %dma_wait3A_151] : memref<32x80xi32, #tpu.memory_space<vmem>> -> memref<1x80xi32, #tpu.memory_space<vmem>>
      %dma_wait3A_153 = tpu.memref_squeeze %dma_wait3A_152 : memref<1x80xi32, #tpu.memory_space<vmem>> -> memref<80xi32, #tpu.memory_space<vmem>>
      %dma_wait3A_154 = arith.constant 0 : i32
      %dma_wait3A_155 = arith.constant 0 : i32
      %dma_wait3A_156 = tpu.memref_slice %arg12[%dma_wait3A_154, %dma_wait3A_155] : memref<10048x128xf32, #tpu.memory_space<vmem_shared>> -> memref<10048x128xf32, #tpu.memory_space<vmem_shared>>
      tpu.wait_indirect_dma semaphore(%run_scoped3A_144 : memref<!tpu.dma_semaphore, #tpu.memory_space<semaphore_mem>>) src(%arg9 : memref<80x128xf32, #tpu.memory_space<vmem>>) dst(%dma_wait3A_156 : memref<10048x128xf32, #tpu.memory_space<vmem_shared>>)
      tpu.yield
    }) : () -> ()
    %dma_wait3A_135 = arith.constant 31 : i32
    %dma_wait3A_136 = arith.constant 0 : i32
    %dma_wait3A_137 = tpu.memref_slice %arg7[%dma_wait3A_135, %dma_wait3A_136] : memref<32x80xi32, #tpu.memory_space<vmem>> -> memref<1x80xi32, #tpu.memory_space<vmem>>
    %dma_wait3A_138 = tpu.memref_squeeze %dma_wait3A_137 : memref<1x80xi32, #tpu.memory_space<vmem>> -> memref<80xi32, #tpu.memory_space<vmem>>
    %dma_wait3A_139 = arith.constant 0 : i32
    %dma_wait3A_140 = arith.constant 0 : i32
    %dma_wait3A_141 = tpu.memref_slice %arg2[%dma_wait3A_139, %dma_wait3A_140] : memref<10000x128xf32, #tpu.memory_space<hbm>> -> memref<10000x128xf32, #tpu.memory_space<hbm>>
    tpu.wait_indirect_dma semaphore(%arg14 : memref<!tpu.dma_semaphore, #tpu.memory_space<semaphore_mem>>) src(%dma_wait3A_141 : memref<10000x128xf32, #tpu.memory_space<hbm>>) dst(%arg10 : memref<80x128xf32, #tpu.memory_space<vmem>>)
    %run_scoped3A_142 = arith.constant 31 : i32
    "tpu.region"() ({
      %run_scoped3A_144 = tpu.sem_alloc : memref<!tpu.dma_semaphore, #tpu.memory_space<semaphore_mem>>
      %dma_start3A_145 = arith.constant 0 : i32
      %dma_start3A_146 = tpu.memref_slice %arg8[%run_scoped3A_142, %dma_start3A_145] : memref<32x80xi32, #tpu.memory_space<vmem>> -> memref<1x80xi32, #tpu.memory_space<vmem>>
      %dma_start3A_147 = tpu.memref_squeeze %dma_start3A_146 : memref<1x80xi32, #tpu.memory_space<vmem>> -> memref<80xi32, #tpu.memory_space<vmem>>
      %dma_start3A_148 = arith.constant 0 : i32
      %dma_start3A_149 = arith.constant 0 : i32
      %dma_start3A_150 = tpu.memref_slice %arg12[%dma_start3A_148, %dma_start3A_149] : memref<10048x128xf32, #tpu.memory_space<vmem_shared>> -> memref<10048x128xf32, #tpu.memory_space<vmem_shared>>
      tpu.enqueue_indirect_dma source(%arg10 : memref<80x128xf32, #tpu.memory_space<vmem>>) target(%dma_start3A_150 : memref<10048x128xf32, #tpu.memory_space<vmem_shared>>) offsets(%dma_start3A_147 : memref<80xi32, #tpu.memory_space<vmem>>) semaphore(%run_scoped3A_144 : memref<!tpu.dma_semaphore, #tpu.memory_space<semaphore_mem>>) {add = true}
      %dma_wait3A_151 = arith.constant 0 : i32
      %dma_wait3A_152 = tpu.memref_slice %arg8[%run_scoped3A_142, %dma_wait3A_151] : memref<32x80xi32, #tpu.memory_space<vmem>> -> memref<1x80xi32, #tpu.memory_space<vmem>>
      %dma_wait3A_153 = tpu.memref_squeeze %dma_wait3A_152 : memref<1x80xi32, #tpu.memory_space<vmem>> -> memref<80xi32, #tpu.memory_space<vmem>>
      %dma_wait3A_154 = arith.constant 0 : i32
      %dma_wait3A_155 = arith.constant 0 : i32
      %dma_wait3A_156 = tpu.memref_slice %arg12[%dma_wait3A_154, %dma_wait3A_155] : memref<10048x128xf32, #tpu.memory_space<vmem_shared>> -> memref<10048x128xf32, #tpu.memory_space<vmem_shared>>
      tpu.wait_indirect_dma semaphore(%run_scoped3A_144 : memref<!tpu.dma_semaphore, #tpu.memory_space<semaphore_mem>>) src(%arg10 : memref<80x128xf32, #tpu.memory_space<vmem>>) dst(%dma_wait3A_156 : memref<10048x128xf32, #tpu.memory_space<vmem_shared>>)
      tpu.yield
    }) : () -> ()
    %barrier3A_143 = arith.constant 0 : index
    tpu.barrier barrier_id(%barrier3A_143)
    "tpu.region"() ({
      %run_scoped3A_144 = tpu.sem_alloc : memref<!tpu.dma_semaphore, #tpu.memory_space<semaphore_mem>>
      %dma_start3A_145 = arith.constant 0 : i32
      %dma_start3A_146 = tpu.memref_slice %arg6[%arg0, %multiple_of3A, %dma_start3A_145] : memref<2x10000x128xf32, #tpu.memory_space<hbm>> -> memref<1x640x128xf32, #tpu.memory_space<hbm>>
      %dma_start3A_147 = tpu.memref_squeeze %dma_start3A_146 : memref<1x640x128xf32, #tpu.memory_space<hbm>> -> memref<640x128xf32, #tpu.memory_space<hbm>>
      %dma_start3A_148 = arith.constant 0 : i32
      %dma_start3A_149 = tpu.memref_slice %arg12[%multiple_of3A, %dma_start3A_148] : memref<10048x128xf32, #tpu.memory_space<vmem_shared>> -> memref<640x128xf32, #tpu.memory_space<vmem_shared>>
      tpu.enqueue_dma source(%dma_start3A_149 : memref<640x128xf32, #tpu.memory_space<vmem_shared>>) target(%dma_start3A_147 : memref<640x128xf32, #tpu.memory_space<hbm>>) target_semaphore(%run_scoped3A_144 : memref<!tpu.dma_semaphore, #tpu.memory_space<semaphore_mem>>)
      %dma_wait3A_150 = arith.constant 0 : i32
      %dma_wait3A_151 = tpu.memref_slice %arg6[%arg0, %multiple_of3A, %dma_wait3A_150] : memref<2x10000x128xf32, #tpu.memory_space<hbm>> -> memref<1x640x128xf32, #tpu.memory_space<hbm>>
      %dma_wait3A_152 = tpu.memref_squeeze %dma_wait3A_151 : memref<1x640x128xf32, #tpu.memory_space<hbm>> -> memref<640x128xf32, #tpu.memory_space<hbm>>
      %dma_wait3A_153 = arith.constant 0 : i32
      %dma_wait3A_154 = tpu.memref_slice %arg12[%multiple_of3A, %dma_wait3A_153] : memref<10048x128xf32, #tpu.memory_space<vmem_shared>> -> memref<640x128xf32, #tpu.memory_space<vmem_shared>>
      tpu.wait_dma2 semaphore(%run_scoped3A_144 : memref<!tpu.dma_semaphore, #tpu.memory_space<semaphore_mem>>) src(%dma_wait3A_154 : memref<640x128xf32, #tpu.memory_space<vmem_shared>>) dst(%dma_wait3A_152 : memref<640x128xf32, #tpu.memory_space<hbm>>)
      tpu.yield
    }) : () -> ()
    return
  }
}

module attributes {stable_mosaic.version = 14 : i64} {
  func.func @_tc1_body(%arg0: memref<10000x128xf32, #tpu.memory_space<vmem>>, %arg1: memref<128x128xf32, #tpu.memory_space<vmem>>, %arg2: memref<10000x128xf32, #tpu.memory_space<vmem>>) attributes {dimension_semantics = [], scalar_prefetch = 0 : i64, scratch_operands = 0 : i64, tpu.core_type = #tpu.core_type<tc>} {
    %get3A = arith.constant 0 : index
    %get3A_0 = arith.constant 0 : index
    %get3A_1 = vector.load %arg0[%get3A, %get3A_0] : memref<10000x128xf32, #tpu.memory_space<vmem>>, vector<10000x128xf32>
    %get3A_2 = arith.constant 0 : index
    %get3A_3 = arith.constant 0 : index
    %get3A_4 = vector.load %arg1[%get3A_2, %get3A_3] : memref<128x128xf32, #tpu.memory_space<vmem>>, vector<128x128xf32>
    %dot_general3A = arith.constant dense<0.000000e+00> : vector<10000x128xf32>
    %dot_general3A_5 = tpu.matmul %get3A_1, %get3A_4, %dot_general3A {dimension_numbers = #tpu.dot_dimension_numbers<[1], [0], [0], [1], [0, 0, 1, 1], [], []>, transpose_lhs_hint = false} : vector<10000x128xf32>, vector<128x128xf32>, vector<10000x128xf32> -> vector<10000x128xf32>
    %swap3A = arith.constant 0 : index
    %swap3A_6 = arith.constant 0 : index
    %swap3A_7 = vector.load %arg2[%swap3A, %swap3A_6] : memref<10000x128xf32, #tpu.memory_space<vmem>>, vector<10000x128xf32>
    tpu.vector_store %arg2[%swap3A, %swap3A_6], %dot_general3A_5 {strides = array<i32>} : memref<10000x128xf32, #tpu.memory_space<vmem>>, vector<10000x128xf32>,
    return
  }
}

module attributes {stable_mosaic.version = 14 : i64} {
  func.func @_tc2_body(%arg0: memref<2x10000x128xf32, #tpu.memory_space<vmem>>, %arg1: memref<1x128xf32, #tpu.memory_space<vmem>>, %arg2: memref<10000x128xf32, #tpu.memory_space<vmem>>) attributes {dimension_semantics = [], scalar_prefetch = 0 : i64, scratch_operands = 0 : i64, tpu.core_type = #tpu.core_type<tc>} {
    %get3A = arith.constant 0 : index
    %get3A_0 = arith.constant 0 : index
    %get3A_1 = arith.constant 0 : index
    %get3A_2 = vector.load %arg0[%get3A, %get3A_0, %get3A_1] : memref<2x10000x128xf32, #tpu.memory_space<vmem>>, vector<1x10000x128xf32>
    %get3A_3 = vector.shape_cast %get3A_2 : vector<1x10000x128xf32> to vector<10000x128xf32>
    %get3A_4 = arith.constant 1 : index
    %get3A_5 = arith.constant 0 : index
    %get3A_6 = arith.constant 0 : index
    %get3A_7 = vector.load %arg0[%get3A_4, %get3A_5, %get3A_6] : memref<2x10000x128xf32, #tpu.memory_space<vmem>>, vector<1x10000x128xf32>
    %get3A_8 = vector.shape_cast %get3A_7 : vector<1x10000x128xf32> to vector<10000x128xf32>
    %add3A = arith.addf %get3A_3, %get3A_8 : vector<10000x128xf32>
    %get3A_9 = arith.constant 0 : index
    %get3A_10 = arith.constant 0 : index
    %get3A_11 = vector.load %arg1[%get3A_9, %get3A_10] : memref<1x128xf32, #tpu.memory_space<vmem>>, vector<1x128xf32>
    %add3A_12 = vector.broadcast %get3A_11 : vector<1x128xf32> to vector<10000x128xf32>
    %add3A_13 = arith.addf %add3A, %add3A_12 : vector<10000x128xf32>
    %max3A = arith.constant 0.000000e+00 : f32
    %max3A_14 = vector.broadcast %max3A : f32 to vector<10000x128xf32>
    %max3A_15 = arith.maximumf %add3A_13, %max3A_14 : vector<10000x128xf32>
    %swap3A = arith.constant 0 : index
    %swap3A_16 = arith.constant 0 : index
    %swap3A_17 = vector.load %arg2[%swap3A, %swap3A_16] : memref<10000x128xf32, #tpu.memory_space<vmem>>, vector<10000x128xf32>
    tpu.vector_store %arg2[%swap3A, %swap3A_16], %max3A_15 {strides = array<i32>} : memref<10000x128xf32, #tpu.memory_space<vmem>>, vector<10000x128xf32>,
    return
  }
}

module attributes {stable_mosaic.version = 14 : i64} {
  func.func @_tc3_body(%arg0: memref<2x10000x128xf32, #tpu.memory_space<vmem>>, %arg1: memref<128x64xf32, #tpu.memory_space<vmem>>, %arg2: memref<1x64xf32, #tpu.memory_space<vmem>>, %arg3: memref<10000x64xf32, #tpu.memory_space<vmem>>) attributes {dimension_semantics = [], scalar_prefetch = 0 : i64, scratch_operands = 0 : i64, tpu.core_type = #tpu.core_type<tc>} {
    %get3A = arith.constant 0 : index
    %get3A_0 = arith.constant 0 : index
    %get3A_1 = arith.constant 0 : index
    %get3A_2 = vector.load %arg0[%get3A, %get3A_0, %get3A_1] : memref<2x10000x128xf32, #tpu.memory_space<vmem>>, vector<1x10000x128xf32>
    %get3A_3 = vector.shape_cast %get3A_2 : vector<1x10000x128xf32> to vector<10000x128xf32>
    %get3A_4 = arith.constant 1 : index
    %get3A_5 = arith.constant 0 : index
    %get3A_6 = arith.constant 0 : index
    %get3A_7 = vector.load %arg0[%get3A_4, %get3A_5, %get3A_6] : memref<2x10000x128xf32, #tpu.memory_space<vmem>>, vector<1x10000x128xf32>
    %get3A_8 = vector.shape_cast %get3A_7 : vector<1x10000x128xf32> to vector<10000x128xf32>
    %add3A = arith.addf %get3A_3, %get3A_8 : vector<10000x128xf32>
    %get3A_9 = arith.constant 0 : index
    %get3A_10 = arith.constant 0 : index
    %get3A_11 = vector.load %arg1[%get3A_9, %get3A_10] : memref<128x64xf32, #tpu.memory_space<vmem>>, vector<128x64xf32>
    %dot_general3A = arith.constant dense<0.000000e+00> : vector<10000x64xf32>
    %dot_general3A_12 = tpu.matmul %add3A, %get3A_11, %dot_general3A {dimension_numbers = #tpu.dot_dimension_numbers<[1], [0], [0], [1], [0, 0, 1, 1], [], []>, transpose_lhs_hint = false} : vector<10000x128xf32>, vector<128x64xf32>, vector<10000x64xf32> -> vector<10000x64xf32>
    %get3A_13 = arith.constant 0 : index
    %get3A_14 = arith.constant 0 : index
    %get3A_15 = vector.load %arg2[%get3A_13, %get3A_14] : memref<1x64xf32, #tpu.memory_space<vmem>>, vector<1x64xf32>
    %add3A_16 = vector.broadcast %get3A_15 : vector<1x64xf32> to vector<10000x64xf32>
    %add3A_17 = arith.addf %dot_general3A_12, %add3A_16 : vector<10000x64xf32>
    %reduce_max3A = arith.constant dense<0xFF800000> : vector<10000xf32>
    %reduce_max3A_18 = vector.multi_reduction <maximumf>, %add3A_17, %reduce_max3A [1] : vector<10000x64xf32> to vector<10000xf32>
    %broadcast_in_dim3A = vector.shape_cast %reduce_max3A_18 : vector<10000xf32> to vector<10000x1xf32>
    %sub3A = vector.broadcast %broadcast_in_dim3A : vector<10000x1xf32> to vector<10000x64xf32>
    %sub3A_19 = arith.subf %add3A_17, %sub3A : vector<10000x64xf32>
    %exp3A = math.exp %sub3A_19 : vector<10000x64xf32>
    %reduce_sum3A = arith.constant dense<0.000000e+00> : vector<10000xf32>
    %reduce_sum3A_20 = vector.multi_reduction <add>, %exp3A, %reduce_sum3A [1] : vector<10000x64xf32> to vector<10000xf32>
    %broadcast_in_dim3A_21 = vector.shape_cast %reduce_sum3A_20 : vector<10000xf32> to vector<10000x1xf32>
    %log3A = math.log %broadcast_in_dim3A_21 : vector<10000x1xf32>
    %sub3A_22 = vector.broadcast %log3A : vector<10000x1xf32> to vector<10000x64xf32>
    %sub3A_23 = arith.subf %sub3A_19, %sub3A_22 : vector<10000x64xf32>
    %swap3A = arith.constant 0 : index
    %swap3A_24 = arith.constant 0 : index
    %swap3A_25 = vector.load %arg3[%swap3A, %swap3A_24] : memref<10000x64xf32, #tpu.memory_space<vmem>>, vector<10000x64xf32>
    tpu.vector_store %arg3[%swap3A, %swap3A_24], %sub3A_23 {strides = array<i32>} : memref<10000x64xf32, #tpu.memory_space<vmem>>, vector<10000x64xf32>,
    return
  }
}

</mosaic_0001>

<sc_bundles>
// kernel: kernel.10.cloned.1.call-start
scs
__scs_entry_jumppad:
0x0: {  	(pc) =	sbr.rel $0x88, $3  }
0x1: {  	(tag) =	ssettag $0x0;
	lr =	simm.s32 $0x1  }
0x2: {  	[smem:$0x3F9B] =	sst lr;
	_ =	strace $0xD0000000  }
0x3: {  	_ = 	snop  }
0x4: {  	_ = 	snop  }
0x5: {  	_ = 	snop  }
0x6: {  	_ = 	snop  }
0x7: {  	_ = 	snop  }
__scs_overlays_trampoline_lowered:
0x8: {  	[smem:$0x3FAA] =	sst s0  }
0x9: {  	[smem:$0x3FAB] =	sst s1  }
0xa: {  	[smem:$0x3FAC] =	sst s2  }
0xb: {  	[smem:$0x3FAD] =	sst s3  }
0xc: {  	[smem:$0x3FAE] =	sst s4  }
0xd: {  	[smem:$0x3FAF] =	sst s5  }
0xe: {  	[smem:$0x3FB0] =	sst s6  }
0xf: {  	[smem:$0x3FB1] =	sst s7  }
0x10: {  	[smem:$0x3FB2] =	sst s8  }
0x11: {  	[smem:$0x3FB3] =	sst s9;
	s0 =	simm.s32 @!p0 $0x0  }
0x12: {  	s1 =	sld [smem:$0x3F99];
	s0 =	simm.s32 @p0 $0x1  }
0x13: {  	[smem:$0x3FB4] =	sst s0;
	s0 =	simm.s32 @!p1 $0x0  }
0x14: {  	s2 =	sld [smem:$0x3F98];
	s0 =	simm.s32 @p1 $0x1  }
0x15: {  	[smem:$0x3FB5] =	sst s0;
	s0 =	simm.s32 @!p2 $0x0  }
0x16: {  	s3 =	sld [smem:$0x3FDB];
	s0 =	simm.s32 @p2 $0x1  }
0x17: {  	s4 =	simm.s32 $0x1BF5;
	[smem:$0x3FB7] =	sst s0  }
0x18: {  	s0 =	sld [smem:$0x3F9A];
	_ =	swait.ge [sflag:s4], $0x0  }
0x19: {  	s7 =	sld [smem:$0x3F9B]  }
0x1a: {  	s8 =	sadd.s32 $0xFFFFE003, lr  }
0x1b: {  	s9 =	sadd.s32 $0xFFFFFEF7, lr;
	s5 =	simm.s32 $0xFFFFFFFF;
	p2 =	slt.u32 s8, $0xFFFFF086  }
0x1c: {  	p1 =	slt.u32 s9, $0xF7A;
	s5 =	simm.s32 @!p2 $0x0  }
0x1d: {  	s5 =	simm.s32 @p1 $0x1;
	p0 =	seq.s32 s7, s2  }
0x1e: {  	s7 =	smul.u32 @!p0 $0xF7A, s2;
	p2 =	seq.s32 @!p0 s5, $0x0  }
0x1f: {  	s9 =	smul.u32 $0xF7A, s1;
	s8 =	simm.s32 @!p0 $0x1BF5;
	p2 =	por !p2, p0  }
0x20: {  	[sflag:s8] =	ssyncset.s32 @!p0 $0xFFFFF086;
	s6 =	sadd.s32 @!p0 s3, s7;
	s7 =	simm.s32 @!p0 $0x108  }
0x21: {  	s3 =	sadd.s32 s3, s9;
	s6 =	sadd.s32 @!p0 $0x88, s6;
	s7 =	simm.s32 @p2 $0x1082  }
0x22: {  	[simem:s7], [sflag:s8] =	dma.local @!p0 [hbm:s6], $0xF7A  }
0x23: {  	s9 =	sor.u32 $0xD0000000, s2;
	s6 =	simm.s32 $0x108;
	_ =	swait.ge @!p0 [sflag:s8], $0x0  }
0x24: {  	s3 =	sadd.s32 $0x88, s3;
	s6 =	simm.s32 @!p1 $0x1082;
	[sflag:s4] =	ssyncset.s32 $0xFFFFF086  }
0x25: {  	[simem:s6], [sflag:s4] =	dma.local [hbm:s3], $0xF7A  }
0x26: {  	[smem:$0x3F9B] =	sst s1;
	(tag) =	ssettag s2;
	_ =	strace s9  }
0x27: {  	s1 =	sld [smem:$0x3FAB]  }
0x28: {  	s2 =	sld [smem:$0x3FAC]  }
0x29: {  	s4 =	sld [smem:$0x3FAE]  }
0x2a: {  	p0 =	seq.s32 s5, $0x0;
	s5 =	sld [smem:$0x3FAF]  }
0x2b: {  	s6 =	sld [smem:$0x3FB0]  }
0x2c: {  	s7 =	sld [smem:$0x3FB1]  }
0x2d: {  	s3 =	simm.s32 $0x108;
	s8 =	sld [smem:$0x3FB2]  }
0x2e: {  	s3 =	simm.s32 @!p0 $0x1082;
	s9 =	sld [smem:$0x3FB3]  }
0x2f: {  	lr =	sadd.s32 s0, s3;
	s0 =	sld [smem:$0x3FAA]  }
0x30: {  	s3 =	sld [smem:$0x3FAD]  }
0x31: {  	[smem:$0x3FB6] =	sst s10  }
0x32: {  	s10 =	sld [smem:$0x3FB4];
	_ =	sdelay $0x3  }
0x33: {  	p0 =	seq.s32 s10, $0x1;
	s10 =	sld [smem:$0x3FB6];
	_ =	sdelay $0x3  }
0x34: {  	[smem:$0x3FB6] =	sst s10  }
0x35: {  	s10 =	sld [smem:$0x3FB5];
	_ =	sdelay $0x3  }
0x36: {  	p1 =	seq.s32 s10, $0x1;
	s10 =	sld [smem:$0x3FB6];
	_ =	sdelay $0x3  }
0x37: {  	[smem:$0x3FB6] =	sst s10  }
0x38: {  	s10 =	sld [smem:$0x3FB7]  }
0x39: {  	_ = 	snop;
	(pc) =	sbr.ind lr, $3  }
0x3a: {  	_ = 	snop  }
0x3b: {  	_ = 	snop  }
0x3c: {  	p2 =	seq.s32 s10, $0x1;
	s10 =	sld [smem:$0x3FB6]  }
0x3d: {  	_ =	shalt  }
0x3e: {  	_ =	shalt  }
0x3f: {  	_ =	shalt  }
0x40: {  	_ =	shalt  }
0x41: {  	_ =	shalt  }
0x42: {  	_ =	shalt  }
0x43: {  	_ =	shalt  }
0x44: {  	_ =	shalt  }
0x45: {  	_ =	shalt  }
0x46: {  	_ =	shalt  }
0x47: {  	_ =	shalt  }
0x48: {  	_ =	shalt  }
0x49: {  	_ =	shalt  }
0x4a: {  	_ =	shalt  }
0x4b: {  	_ =	shalt  }
0x4c: {  	_ =	shalt  }
0x4d: {  	_ =	shalt  }
0x4e: {  	_ =	shalt  }
0x4f: {  	_ =	shalt  }
0x50: {  	_ =	shalt  }
0x51: {  	_ =	shalt  }
0x52: {  	_ =	shalt  }
0x53: {  	_ =	shalt  }
0x54: {  	_ =	shalt  }
0x55: {  	_ =	shalt  }
0x56: {  	_ =	shalt  }
0x57: {  	_ =	shalt  }
0x58: {  	_ =	shalt  }
0x59: {  	_ =	shalt  }
0x5a: {  	_ =	shalt  }
0x5b: {  	_ =	shalt  }
0x5c: {  	_ =	shalt  }
0x5d: {  	_ =	shalt  }
0x5e: {  	_ =	shalt  }
0x5f: {  	_ =	shalt  }
0x60: {  	_ =	shalt  }
0x61: {  	_ =	shalt  }
0x62: {  	_ =	shalt  }
0x63: {  	_ =	shalt  }
0x64: {  	_ =	shalt  }
0x65: {  	_ =	shalt  }
0x66: {  	_ =	shalt  }
0x67: {  	_ =	shalt  }
0x68: {  	_ =	shalt  }
0x69: {  	_ =	shalt  }
0x6a: {  	_ =	shalt  }
0x6b: {  	_ =	shalt  }
0x6c: {  	_ =	shalt  }
0x6d: {  	_ =	shalt  }
0x6e: {  	_ =	shalt  }
0x6f: {  	_ =	shalt  }
0x70: {  	_ =	shalt  }
0x71: {  	_ =	shalt  }
0x72: {  	_ =	shalt  }
0x73: {  	_ =	shalt  }
0x74: {  	_ =	shalt  }
0x75: {  	_ =	shalt  }
0x76: {  	_ =	shalt  }
0x77: {  	_ =	shalt  }
0x78: {  	_ =	shalt  }
0x79: {  	_ =	shalt  }
0x7a: {  	_ =	shalt  }
0x7b: {  	_ =	shalt  }
0x7c: {  	_ =	shalt  }
0x7d: {  	_ =	shalt  }
0x7e: {  	_ =	shalt  }
0x7f: {  	_ =	shalt  }
0x80: {  	_ =	shalt  }
0x81: {  	_ =	shalt  }
0x82: {  	_ =	shalt  }
0x83: {  	_ =	shalt  }
0x84: {  	_ =	shalt  }
0x85: {  	_ =	shalt  }
0x86: {  	_ =	shalt  }
0x87: {  	_ =	shalt  }
.Lfunc_end0:
.L_simem_size_0:
called_computation.1_lowered:
.L_overlay_start_0:
0x88: {  	s2 =	sld [smem:$0x3FD9]  }
0x89: {  	s3 =	sld [smem:$0x3FFE];
	_ =	sdelay $0x1  }
0x8a: {  	s1 =	srdreg.scid  }
0x8b: {  	s0 =	sand.u32 $0x1, s1  }
0x8c: {  	s17 =	sshll.u32 s0, $0xA;
	s2 =	sadd.s32 s3, s2  }
0x8d: {  	s2 =	sadd.s32 s2, s17  }
0x8e: {  	[smem:$0x3FC2] =	sst s2  }
0x8f: {  	_ = 	snop  }
0x90: {  	s2 =	sld [smem:$0x3FD0];
	(tm) =	ssettm $0x1  }
0x91: {  	s18 =	sld [smem:$0x3FFB];
	_ =	sdelay $0x3  }
0x92: {  	_ =	strace s18  }
0x93: {  	s3 =	sld [smem:$0x3FFC];
	_ =	sdelay $0x3  }
0x94: {  	_ =	strace s3  }
0x95: {  	s3 =	sld [smem:$0x3FFD];
	_ =	sdelay $0x3  }
0x96: {  	_ =	strace s3  }
0x97: {  	_ =	strace $0x8FFFFFFF  }
0x98: {  	s19 =	sld [smem:$0x3FDB];
	_ =	sdelay $0x1  }
0x99: {  	s4 =	simm.s32 $_scs_section_size  }
0x9a: {  	s5 =	simm.s32 $_size__tile_overlayer_lowered;
	s6 =	simm.s32 $_tile_overlayer_lowered  }
0x9b: {  	s22 =	simm.s32 $0x1BFF;
	s21 =	sshll.u32 s6, $0x1;
	s3 =	sadd.s32 s4, s19  }
0x9c: {  	s7 =	simm.s32 $0x0;
	s20 =	sshll.u32 s5, $0x1;
	s5 =	sadd.s32 s21, s3  }
0x9d: {  	[timem:s7], [sflag:s22] =	dma.local [hbm:s5], s20  }
0x9e: {  	_ =	swait.ge [sflag:s22], s20  }
0x9f: {  	s4 =	ssub.s32 $0x0, s20;
	[sflag:s22] =	ssyncset.done $0x0  }
0xa0: {  	[sflag:s22] =	ssyncadd.s32 s4;
	_ =	sdelay $0x1  }
0xa1: {  	s23 =	simm.s32 $0x1B8B  }
0xa2: {  	_ =	swait.ge [sflag:s23], $0x1  }
0xa3: {  	[sflag:s23] =	ssyncset.done $0x0  }
0xa4: {  	s25 =	simm.s32 $0x1B8E;
	s24 =	sld [smem:$0x3FFE];
	[sflag:s23] =	ssyncadd.s32 $0xFFFFFFFF  }
0xa5: {  	s26 =	simm.s32 $execute0_lowered;
	[smem:$0x3FD2] =	sst s25  }
0xa6: {  	s5 =	sshll.u32 s26, $0x1;
	_ =	strace $0x80000049;
	[dreg:$0x1] =	wrdreg $0xFFFFFFFF  }
0xa7: {  	s28 =	simm.s32 $_size_execute0_lowered;
	s3 =	sadd.s32 s3, s5;
	[dreg:$0x0] =	wrdreg $0x0  }
0xa8: {  	s5 =	sshll.u32 s28, $0x1;
	[dreg:$0x2] =	wrdreg s3  }
0xa9: {  	[dreg:$0x3] =	wrdreg s5  }
0xaa: {  	[dreg:$0x4] =	wrdreg $0xC0  }
0xab: {  	_ =	task [dreg:s7], $0x5FFFF  }
0xac: {  	[dreg:$0x1] =	wrdreg $0xFFFFFFFF  }
0xad: {  	[dreg:$0x0] =	wrdreg $0x60  }
0xae: {  	[dreg:$0x2] =	wrdreg s24  }
0xaf: {  	[dreg:$0x3] =	wrdreg s2  }
0xb0: {  	[dreg:$0x4] =	wrdreg $0x98000  }
0xb1: {  	[dreg:$0x5] =	wrdreg $0x9  }
0xb2: {  	_ =	task.clear_ibuf [dreg:s7], $0x6FFFF;
	_ =	strace $0x90000049  }
0xb3: {  	s29 =	simm.s32 $0x9;
	_ =	strace $0x8000004B  }
0xb4: {  	_ =	swait.ge [sflag:s29], $0x1  }
0xb5: {  	[sflag:s29] =	ssyncadd.s32 $0xFFFFFFFF  }
0xb6: {  	_ =	strace $0x9000004B  }
0xb7: {  	_ =	sfence  }
0xb8: {  	s30 =	sld [smem:$0x0];
	_ =	sdelay $0x2  }
0xb9: {  	s31 =	sshll.u32 s1, $0xD;
	s1 =	sshrl.u32 s1, $0x2  }
0xba: {  	s3 =	sand.u32 $0x4000, s31;
	s1 =	sadd.s32 s1, s30  }
0xbb: {  	s0 =	sor.u32 s3, s0;
	s1 =	sshll.u32 s1, $0x11  }
0xbc: {  	s0 =	sor.u32 s1, s0  }
0xbd: {  	s0 =	sadd.s32 $0x8F2B, s0  }
0xbe: {  	[sflag:s0] =	ssyncadd.remote.s32 $0x1  }
0xbf: {  	_ =	sfence.sel $0xFFFF  }
0xc0: {  	[dreg:$0x0] =	wrdreg $0xFFFFFFFF;
	(pc) =	sbr.abs _section_cstart, $3  }
0xc1: {  	[dreg:$0x1] =	wrdreg $0xFFFFFFFF  }
0xc2: {  	_ =	task.clear_ibuf [dreg:s7], $0x2FFFF;
	_ =	strace $0x9FFFFFFF  }
0xc3: {  	(tm) =	ssettm $0x7FFFFFFF  }
tec
execute0_lowered:
.L_overlay_start_1:
0x0: {  	(tag) =	ssettag $0x1  }
0x1: {  	s0 =	rddreg [dreg:$0x0]  }
0x2: {  	s2 =	rddreg [dreg:$0x1]  }
0x3: {  	s1 =	rddreg [dreg:$0x2];
	s3 =	srdreg.scid  }
0x4: {  	s11 =	stileid.u32;
	s18 =	simm.s32 $0x4;
	s19 =	simm.s32 $0x1000  }
0x5: {  	s28 =	simm.s32 $0x3;
	s29 =	simm.s32 $0x1F00;
	s30 =	simm.s32 $0x1F80  }
0x6: {  	s31 =	simm.s32 $0x0;
	s6 =	sand.u32 $0x1, s3;
	s3 =	simm.s32 $0x0  }
0x7: {  	s7 =	smul.u32 $0x13800, s11;
	s4 =	sadd.s32 $0x11800, s0;
	s14 =	sadd.s32 $0x1800, s0  }
0x8: {  	s9 =	smul.u32 $0x4E000, s11;
	s20 =	sadd.s32 $0x38A00, s0;
	s22 =	sshll.u32 s11, $0x6  }
0x9: {  	s24 =	sshll.u32 s11, $0xB;
	s5 =	smul.u32 $0x138800, s6;
	[smem:$0x7FF] =	sst s3  }
0xa: {  	s8 =	ssub.s32 $0x2, s6;
	s23 =	sshll.u32 s6, $0xF;
	s6 =	sor.u32 $0x1C04, s22  }
0xb: {  	s22 =	simm.s32 $0x80;
	_ =	strace $0x8000004A;
	[dreg:$0x4] =	wrdreg s20  }
0xc: {  	s10 =	sshrl.u32 s8, $0x1;
	s21 =	sshrl.u32 s9, $0x2;
	s13 =	sor.u32 s24, s23  }
0xd: {  	s20 =	simm.s32 $0x50;
	s23 =	simm.s32 $0x4800;
	s24 =	simm.s32 $0x7000  }
0xe: {  	s7 =	sadd.s32 s7, s5;
	s16 =	ssub.s32 s8, s10;
	s17 =	sadd.s32 s21, s1  }
0xf: {  	s25 =	sadd.s32 s2, s13;
	s26 =	sadd.s32 s14, s13;
	s10 =	sor.u32 $0x200, s13  }
0x10: {  	s12 =	sor.u32 $0x400, s13;
	s15 =	sor.u32 $0x600, s13;
	[dreg:$0x5] =	wrdreg s25  }
0x11: {  	s21 =	simm.s32 $0x2000;
	s7 =	sshrl.u32 s7, $0x3;
	[dreg:$0x6] =	wrdreg s26  }
0x12: {  	s9 =	sadd.s32 s2, s10;
	s10 =	sadd.s32 s14, s10;
	s11 =	sadd.s32 s2, s12  }
0x13: {  	s12 =	sadd.s32 s14, s12;
	s13 =	sadd.s32 s2, s15;
	s14 =	sadd.s32 s14, s15  }
0x14: {  	s16 =	smax.u32 s16, $0x1;
	s17 =	sshrl.u32 s17, $0x3;
	s0 =	sadd.s32 s7, s0  }
0x15: {  	s25 =	simm.s32 $0x1;
	s26 =	simm.s32 $0x2;
	s15 =	sadd.s32 $0x3B200, s0  }
.LBB2_1:
0x16: {  	s0 =	rddreg [dreg:$0x4]  }
0x17: {  	[spmem:s17], [sflag:s6] =	dma.local [hbm:s0], $0x2800  }
0x18: {  	_ =	swait.ge [sflag:s18], $0x2800  }
0x19: {  	[sflag:s18] =	ssyncset.done $0x0  }
0x1a: {  	[sflag:s18] =	ssyncadd.s32 $0xFFFFD800  }
0x1b: {  	[bflag:$0x0] =	sbarrier.arrive $0xFFFF  }
0x1c: {  	s2 =	rddreg [dreg:$0x5]  }
0x1d: {  	[tilespmem:s3], [sflag:$0x4] =	stream.linear.gather [hbm4b:s2+s3], $0x1000, $0x38;
	[tilespmem:$0x1D200] =	vst v63  }
0x1e: {  	_ =	swait.ge [sflag:s18], $0x1000  }
0x1f: {  	[sflag:s18] =	ssyncset.done $0x0  }
0x20: {  	s5 =	rddreg [dreg:$0x6];
	[sflag:s18] =	ssyncadd.s32 $0xFFFFF000  }
0x21: {  	[tilespmem:s19], [sflag:$0x4] =	stream.linear.gather [hbm4b:s5+s3], $0x1000, $0x38;
	[tilespmem:$0x1D200] =	vst v63  }
0x22: {  	_ =	swait.ge [sflag:s18], $0x1000  }
0x23: {  	[sflag:s18] =	ssyncset.done $0x0  }
0x24: {  	[sflag:s18] =	ssyncadd.s32 $0xFFFFF000  }
0x25: {  	[tilespmem:s21], [sflag:$0x1] =	stream.indirect.gather [hbm4b:s4+s20], $0x80, s3, s20, $0xb8;
	[tilespmem:$0x1D200] =	vst v63  }
0x26: {  	_ = 	snop  }
0x27: {  	[tilespmem:s23], [sflag:$0x2] =	stream.indirect.gather [hbm4b:s4+s20], $0x80, s22, s20, $0xb8;
	[tilespmem:$0x1D200] =	vst v63  }
0x28: {  	s7 =	simm.s32 $0x100  }
0x29: {  	[tilespmem:s24], [sflag:$0x3] =	stream.indirect.gather [hbm4b:s4+s20], $0x80, s7, s20, $0xb8;
	[tilespmem:$0x1D200] =	vst v63  }
0x2a: {  	_ =	swait.ge [sflag:s25], $0x2800  }
0x2b: {  	[sflag:s25] =	ssyncset.done $0x0  }
0x2c: {  	s8 =	simm.s32 $0x1000;
	[sflag:s25] =	ssyncadd.s32 $0xFFFFD800  }
0x2d: {  	[spmem:s1] =	stream.indirect.scatter.add.f32 [tilespmem:s21], [sflag:$0x4], $0x80, s8, s20, $0xb8;
	[tilespmem:$0x1D200] =	vst v63  }
0x2e: {  	_ =	swait.ge [sflag:s18], $0x2800  }
0x2f: {  	[sflag:s18] =	ssyncset.done $0x0  }
0x30: {  	s2 =	simm.s32 $0x180;
	[sflag:s18] =	ssyncadd.s32 $0xFFFFD800  }
0x31: {  	[tilespmem:s21], [sflag:$0x1] =	stream.indirect.gather [hbm4b:s4+s20], $0x80, s2, s20, $0xb8;
	[tilespmem:$0x1D200] =	vst v63  }
0x32: {  	_ =	swait.ge [sflag:s26], $0x2800  }
0x33: {  	[sflag:s26] =	ssyncset.done $0x0  }
0x34: {  	s5 =	simm.s32 $0x1080;
	[sflag:s26] =	ssyncadd.s32 $0xFFFFD800  }
0x35: {  	[spmem:s1] =	stream.indirect.scatter.add.f32 [tilespmem:s23], [sflag:$0x4], $0x80, s5, s20, $0xb8;
	[tilespmem:$0x1D200] =	vst v63  }
0x36: {  	_ =	swait.ge [sflag:s18], $0x2800  }
0x37: {  	[sflag:s18] =	ssyncset.done $0x0  }
0x38: {  	s7 =	simm.s32 $0x200;
	[sflag:s18] =	ssyncadd.s32 $0xFFFFD800  }
0x39: {  	[tilespmem:s23], [sflag:$0x2] =	stream.indirect.gather [hbm4b:s4+s20], $0x80, s7, s20, $0xb8;
	[tilespmem:$0x1D200] =	vst v63  }
0x3a: {  	_ =	swait.ge [sflag:s28], $0x2800  }
0x3b: {  	[sflag:s28] =	ssyncset.done $0x0  }
0x3c: {  	s8 =	simm.s32 $0x1100;
	[sflag:s28] =	ssyncadd.s32 $0xFFFFD800  }
0x3d: {  	[spmem:s1] =	stream.indirect.scatter.add.f32 [tilespmem:s24], [sflag:$0x4], $0x80, s8, s20, $0xb8;
	[tilespmem:$0x1D200] =	vst v63  }
0x3e: {  	_ =	swait.ge [sflag:s18], $0x2800  }
0x3f: {  	s0 =	simm.s32 $0x180;
	s2 =	simm.s32 $0xC00;
	[sflag:s18] =	ssyncset.done $0x0  }
.LBB2_2:
0x40: {  	s5 =	sadd.s32 $0x100, s0  }
0x41: {  	[sflag:s18] =	ssyncadd.s32 $0xFFFFD800;
	s7 =	smov.u32 s2;
	s8 =	sadd.s32 $0x600, s2  }
0x42: {  	[tilespmem:s24], [sflag:$0x3] =	stream.indirect.gather [hbm4b:s4+s20], $0x80, s5, s20, $0xb8;
	[tilespmem:$0x1D200] =	vst v63  }
0x43: {  	p0 =	sne.s32 s2, $0x3600;
	_ =	swait.ge [sflag:s25], $0x2800  }
0x44: {  	[sflag:s25] =	ssyncset.done $0x0  }
0x45: {  	s2 =	sadd.s32 $0x1000, s0;
	[sflag:s25] =	ssyncadd.s32 $0xFFFFD800  }
0x46: {  	[spmem:s1] =	stream.indirect.scatter.add.f32 [tilespmem:s21], [sflag:$0x4], $0x80, s2, s20, $0xb8;
	[tilespmem:$0x1D200] =	vst v63  }
0x47: {  	_ =	swait.ge [sflag:s18], $0x2800  }
0x48: {  	[sflag:s18] =	ssyncset.done $0x0  }
0x49: {  	s2 =	sadd.s32 $0x180, s0;
	[sflag:s18] =	ssyncadd.s32 $0xFFFFD800  }
0x4a: {  	[tilespmem:s21], [sflag:$0x1] =	stream.indirect.gather [hbm4b:s4+s20], $0x80, s2, s20, $0xb8;
	[tilespmem:$0x1D200] =	vst v63  }
0x4b: {  	_ =	swait.ge [sflag:s26], $0x2800  }
0x4c: {  	[sflag:s26] =	ssyncset.done $0x0  }
0x4d: {  	s2 =	sadd.s32 $0x1080, s0;
	[sflag:s26] =	ssyncadd.s32 $0xFFFFD800  }
0x4e: {  	[spmem:s1] =	stream.indirect.scatter.add.f32 [tilespmem:s23], [sflag:$0x4], $0x80, s2, s20, $0xb8;
	[tilespmem:$0x1D200] =	vst v63  }
0x4f: {  	_ =	swait.ge [sflag:s18], $0x2800  }
0x50: {  	[sflag:s18] =	ssyncset.done $0x0  }
0x51: {  	s2 =	sadd.s32 $0x200, s0;
	[sflag:s18] =	ssyncadd.s32 $0xFFFFD800  }
0x52: {  	[tilespmem:s23], [sflag:$0x2] =	stream.indirect.gather [hbm4b:s4+s20], $0x80, s2, s20, $0xb8;
	[tilespmem:$0x1D200] =	vst v63  }
0x53: {  	_ =	swait.ge [sflag:s28], $0x2800  }
.Ltmp0:
0x54: {  	[sflag:s28] =	ssyncset.done $0x0;
	(pc) =	sbr.rel @p0 .LBB2_2-.Ltmp0, $4  }
0x55: {  	s0 =	sadd.s32 $0x1100, s0;
	[sflag:s28] =	ssyncadd.s32 $0xFFFFD800  }
0x56: {  	[spmem:s1] =	stream.indirect.scatter.add.f32 [tilespmem:s24], [sflag:$0x4], $0x80, s0, s20, $0xb8;
	[tilespmem:$0x1D200] =	vst v63  }
0x57: {  	_ =	swait.ge [sflag:s18], $0x2800  }
0x58: {  	s2 =	smov.u32 s8;
	s0 =	sshra.s32 s7, $0x2;
	[sflag:s18] =	ssyncset.done $0x0  }
0x59: {  	s2 =	sadd.s32 $0x100, s0;
	[sflag:s18] =	ssyncadd.s32 $0xFFFFD800  }
0x5a: {  	[tilespmem:s24], [sflag:$0x3] =	stream.indirect.gather [hbm4b:s4+s20], $0x80, s2, s20, $0xb8;
	[tilespmem:$0x1D200] =	vst v63  }
0x5b: {  	_ =	swait.ge [sflag:s25], $0x2800  }
0x5c: {  	[sflag:s25] =	ssyncset.done $0x0  }
0x5d: {  	s8 =	sadd.s32 $0x1000, s0;
	[sflag:s25] =	ssyncadd.s32 $0xFFFFD800  }
0x5e: {  	[spmem:s1] =	stream.indirect.scatter.add.f32 [tilespmem:s21], [sflag:$0x4], $0x80, s8, s20, $0xb8;
	[tilespmem:$0x1D200] =	vst v63  }
0x5f: {  	_ =	swait.ge [sflag:s18], $0x2800  }
0x60: {  	[sflag:s18] =	ssyncset.done $0x0  }
0x61: {  	s5 =	sadd.s32 $0x180, s0;
	[sflag:s18] =	ssyncadd.s32 $0xFFFFD800  }
0x62: {  	[tilespmem:s21], [sflag:$0x1] =	stream.indirect.gather [hbm4b:s4+s20], $0x80, s5, s20, $0xb8;
	[tilespmem:$0x1D200] =	vst v63  }
0x63: {  	_ =	swait.ge [sflag:s26], $0x2800  }
0x64: {  	[sflag:s26] =	ssyncset.done $0x0  }
0x65: {  	s7 =	sadd.s32 $0x1080, s0;
	[sflag:s26] =	ssyncadd.s32 $0xFFFFD800  }
0x66: {  	[spmem:s1] =	stream.indirect.scatter.add.f32 [tilespmem:s23], [sflag:$0x4], $0x80, s7, s20, $0xb8;
	[tilespmem:$0x1D200] =	vst v63  }
0x67: {  	_ =	swait.ge [sflag:s18], $0x2800  }
0x68: {  	[sflag:s18] =	ssyncset.done $0x0  }
0x69: {  	s8 =	sadd.s32 $0x200, s0;
	[sflag:s18] =	ssyncadd.s32 $0xFFFFD800  }
0x6a: {  	[tilespmem:s23], [sflag:$0x2] =	stream.indirect.gather [hbm4b:s4+s20], $0x80, s8, s20, $0xb8;
	[tilespmem:$0x1D200] =	vst v63  }
0x6b: {  	_ =	swait.ge [sflag:s28], $0x2800  }
0x6c: {  	[sflag:s28] =	ssyncset.done $0x0  }
0x6d: {  	s2 =	sadd.s32 $0x1100, s0;
	[sflag:s28] =	ssyncadd.s32 $0xFFFFD800  }
0x6e: {  	[spmem:s1] =	stream.indirect.scatter.add.f32 [tilespmem:s24], [sflag:$0x4], $0x80, s2, s20, $0xb8;
	[tilespmem:$0x1D200] =	vst v63  }
0x6f: {  	_ =	swait.ge [sflag:s18], $0x2800  }
0x70: {  	[sflag:s18] =	ssyncset.done $0x0  }
0x71: {  	[sflag:s18] =	ssyncadd.s32 $0xFFFFD800  }
0x72: {  	_ =	swait.ge [sflag:s25], $0x2800  }
0x73: {  	[sflag:s25] =	ssyncset.done $0x0  }
0x74: {  	[sflag:s25] =	ssyncadd.s32 $0xFFFFD800  }
0x75: {  	[spmem:s1] =	stream.indirect.scatter.add.f32 [tilespmem:s21], [sflag:$0x4], $0x80, s29, s20, $0xb8;
	[tilespmem:$0x1D200] =	vst v63  }
0x76: {  	_ =	swait.ge [sflag:s18], $0x2800  }
0x77: {  	[sflag:s18] =	ssyncset.done $0x0  }
0x78: {  	[sflag:s18] =	ssyncadd.s32 $0xFFFFD800  }
0x79: {  	_ =	swait.ge [sflag:s26], $0x2800  }
0x7a: {  	[sflag:s26] =	ssyncset.done $0x0  }
0x7b: {  	[sflag:s26] =	ssyncadd.s32 $0xFFFFD800  }
0x7c: {  	[spmem:s1] =	stream.indirect.scatter.add.f32 [tilespmem:s23], [sflag:$0x4], $0x80, s30, s20, $0xb8;
	[tilespmem:$0x1D200] =	vst v63  }
0x7d: {  	_ =	swait.ge [sflag:s18], $0x2800  }
0x7e: {  	[sflag:s18] =	ssyncset.done $0x0  }
0x7f: {  	s5 =	simm.s32 $0x0;
	[sflag:s18] =	ssyncadd.s32 $0xFFFFD800  }
0x80: {  	[tilespmem:s5], [sflag:$0x4] =	stream.linear.gather [hbm4b:s9+s5], $0x1000, $0x38;
	[tilespmem:$0x1D200] =	vst v63  }
0x81: {  	_ =	swait.ge [sflag:s18], $0x1000  }
0x82: {  	[sflag:s18] =	ssyncset.done $0x0  }
0x83: {  	[sflag:s18] =	ssyncadd.s32 $0xFFFFF000  }
0x84: {  	[tilespmem:s19], [sflag:$0x4] =	stream.linear.gather [hbm4b:s10+s5], $0x1000, $0x38;
	[tilespmem:$0x1D200] =	vst v63  }
0x85: {  	_ =	swait.ge [sflag:s18], $0x1000  }
0x86: {  	[sflag:s18] =	ssyncset.done $0x0  }
0x87: {  	[sflag:s18] =	ssyncadd.s32 $0xFFFFF000  }
0x88: {  	[tilespmem:s21], [sflag:$0x1] =	stream.indirect.gather [hbm4b:s4+s20], $0x80, s5, s20, $0xb8;
	[tilespmem:$0x1D200] =	vst v63  }
0x89: {  	_ = 	snop  }
0x8a: {  	[tilespmem:s23], [sflag:$0x2] =	stream.indirect.gather [hbm4b:s4+s20], $0x80, s22, s20, $0xb8;
	[tilespmem:$0x1D200] =	vst v63  }
0x8b: {  	s7 =	simm.s32 $0x100  }
0x8c: {  	[tilespmem:s24], [sflag:$0x3] =	stream.indirect.gather [hbm4b:s4+s20], $0x80, s7, s20, $0xb8;
	[tilespmem:$0x1D200] =	vst v63  }
0x8d: {  	_ =	swait.ge [sflag:s25], $0x2800  }
0x8e: {  	[sflag:s25] =	ssyncset.done $0x0  }
0x8f: {  	s8 =	simm.s32 $0x1000;
	[sflag:s25] =	ssyncadd.s32 $0xFFFFD800  }
0x90: {  	[spmem:s1] =	stream.indirect.scatter.add.f32 [tilespmem:s21], [sflag:$0x4], $0x80, s8, s20, $0xb8;
	[tilespmem:$0x1D200] =	vst v63  }
0x91: {  	_ =	swait.ge [sflag:s18], $0x2800  }
0x92: {  	[sflag:s18] =	ssyncset.done $0x0  }
0x93: {  	s2 =	simm.s32 $0x180;
	[sflag:s18] =	ssyncadd.s32 $0xFFFFD800  }
0x94: {  	[tilespmem:s21], [sflag:$0x1] =	stream.indirect.gather [hbm4b:s4+s20], $0x80, s2, s20, $0xb8;
	[tilespmem:$0x1D200] =	vst v63  }
0x95: {  	_ =	swait.ge [sflag:s26], $0x2800  }
0x96: {  	[sflag:s26] =	ssyncset.done $0x0  }
0x97: {  	s5 =	simm.s32 $0x1080;
	[sflag:s26] =	ssyncadd.s32 $0xFFFFD800  }
0x98: {  	[spmem:s1] =	stream.indirect.scatter.add.f32 [tilespmem:s23], [sflag:$0x4], $0x80, s5, s20, $0xb8;
	[tilespmem:$0x1D200] =	vst v63  }
0x99: {  	_ =	swait.ge [sflag:s18], $0x2800  }
0x9a: {  	[sflag:s18] =	ssyncset.done $0x0  }
0x9b: {  	s7 =	simm.s32 $0x200;
	[sflag:s18] =	ssyncadd.s32 $0xFFFFD800  }
0x9c: {  	[tilespmem:s23], [sflag:$0x2] =	stream.indirect.gather [hbm4b:s4+s20], $0x80, s7, s20, $0xb8;
	[tilespmem:$0x1D200] =	vst v63  }
0x9d: {  	_ =	swait.ge [sflag:s28], $0x2800  }
0x9e: {  	[sflag:s28] =	ssyncset.done $0x0  }
0x9f: {  	s8 =	simm.s32 $0x1100;
	[sflag:s28] =	ssyncadd.s32 $0xFFFFD800  }
0xa0: {  	[spmem:s1] =	stream.indirect.scatter.add.f32 [tilespmem:s24], [sflag:$0x4], $0x80, s8, s20, $0xb8;
	[tilespmem:$0x1D200] =	vst v63  }
0xa1: {  	_ =	swait.ge [sflag:s18], $0x2800  }
0xa2: {  	s0 =	simm.s32 $0x180;
	s2 =	simm.s32 $0xC00;
	[sflag:s18] =	ssyncset.done $0x0  }
.LBB2_4:
0xa3: {  	s5 =	sadd.s32 $0x100, s0  }
0xa4: {  	[sflag:s18] =	ssyncadd.s32 $0xFFFFD800;
	s7 =	smov.u32 s2;
	s8 =	sadd.s32 $0x600, s2  }
0xa5: {  	[tilespmem:s24], [sflag:$0x3] =	stream.indirect.gather [hbm4b:s4+s20], $0x80, s5, s20, $0xb8;
	[tilespmem:$0x1D200] =	vst v63  }
0xa6: {  	p0 =	sne.s32 s2, $0x3600;
	_ =	swait.ge [sflag:s25], $0x2800  }
0xa7: {  	[sflag:s25] =	ssyncset.done $0x0  }
0xa8: {  	s2 =	sadd.s32 $0x1000, s0;
	[sflag:s25] =	ssyncadd.s32 $0xFFFFD800  }
0xa9: {  	[spmem:s1] =	stream.indirect.scatter.add.f32 [tilespmem:s21], [sflag:$0x4], $0x80, s2, s20, $0xb8;
	[tilespmem:$0x1D200] =	vst v63  }
0xaa: {  	_ =	swait.ge [sflag:s18], $0x2800  }
0xab: {  	[sflag:s18] =	ssyncset.done $0x0  }
0xac: {  	s2 =	sadd.s32 $0x180, s0;
	[sflag:s18] =	ssyncadd.s32 $0xFFFFD800  }
0xad: {  	[tilespmem:s21], [sflag:$0x1] =	stream.indirect.gather [hbm4b:s4+s20], $0x80, s2, s20, $0xb8;
	[tilespmem:$0x1D200] =	vst v63  }
0xae: {  	_ =	swait.ge [sflag:s26], $0x2800  }
0xaf: {  	[sflag:s26] =	ssyncset.done $0x0  }
0xb0: {  	s2 =	sadd.s32 $0x1080, s0;
	[sflag:s26] =	ssyncadd.s32 $0xFFFFD800  }
0xb1: {  	[spmem:s1] =	stream.indirect.scatter.add.f32 [tilespmem:s23], [sflag:$0x4], $0x80, s2, s20, $0xb8;
	[tilespmem:$0x1D200] =	vst v63  }
0xb2: {  	_ =	swait.ge [sflag:s18], $0x2800  }
0xb3: {  	[sflag:s18] =	ssyncset.done $0x0  }
0xb4: {  	s2 =	sadd.s32 $0x200, s0;
	[sflag:s18] =	ssyncadd.s32 $0xFFFFD800  }
0xb5: {  	[tilespmem:s23], [sflag:$0x2] =	stream.indirect.gather [hbm4b:s4+s20], $0x80, s2, s20, $0xb8;
	[tilespmem:$0x1D200] =	vst v63  }
0xb6: {  	_ =	swait.ge [sflag:s28], $0x2800  }
.Ltmp1:
0xb7: {  	[sflag:s28] =	ssyncset.done $0x0;
	(pc) =	sbr.rel @p0 .LBB2_4-.Ltmp1, $4  }
0xb8: {  	s0 =	sadd.s32 $0x1100, s0;
	[sflag:s28] =	ssyncadd.s32 $0xFFFFD800  }
0xb9: {  	[spmem:s1] =	stream.indirect.scatter.add.f32 [tilespmem:s24], [sflag:$0x4], $0x80, s0, s20, $0xb8;
	[tilespmem:$0x1D200] =	vst v63  }
0xba: {  	_ =	swait.ge [sflag:s18], $0x2800  }
0xbb: {  	s2 =	smov.u32 s8;
	s0 =	sshra.s32 s7, $0x2;
	[sflag:s18] =	ssyncset.done $0x0  }
0xbc: {  	s2 =	sadd.s32 $0x100, s0;
	[sflag:s18] =	ssyncadd.s32 $0xFFFFD800  }
0xbd: {  	[tilespmem:s24], [sflag:$0x3] =	stream.indirect.gather [hbm4b:s4+s20], $0x80, s2, s20, $0xb8;
	[tilespmem:$0x1D200] =	vst v63  }
0xbe: {  	_ =	swait.ge [sflag:s25], $0x2800  }
0xbf: {  	[sflag:s25] =	ssyncset.done $0x0  }
0xc0: {  	s8 =	sadd.s32 $0x1000, s0;
	[sflag:s25] =	ssyncadd.s32 $0xFFFFD800  }
0xc1: {  	[spmem:s1] =	stream.indirect.scatter.add.f32 [tilespmem:s21], [sflag:$0x4], $0x80, s8, s20, $0xb8;
	[tilespmem:$0x1D200] =	vst v63  }
0xc2: {  	_ =	swait.ge [sflag:s18], $0x2800  }
0xc3: {  	[sflag:s18] =	ssyncset.done $0x0  }
0xc4: {  	s5 =	sadd.s32 $0x180, s0;
	[sflag:s18] =	ssyncadd.s32 $0xFFFFD800  }
0xc5: {  	[tilespmem:s21], [sflag:$0x1] =	stream.indirect.gather [hbm4b:s4+s20], $0x80, s5, s20, $0xb8;
	[tilespmem:$0x1D200] =	vst v63  }
0xc6: {  	_ =	swait.ge [sflag:s26], $0x2800  }
0xc7: {  	[sflag:s26] =	ssyncset.done $0x0  }
0xc8: {  	s7 =	sadd.s32 $0x1080, s0;
	[sflag:s26] =	ssyncadd.s32 $0xFFFFD800  }
0xc9: {  	[spmem:s1] =	stream.indirect.scatter.add.f32 [tilespmem:s23], [sflag:$0x4], $0x80, s7, s20, $0xb8;
	[tilespmem:$0x1D200] =	vst v63  }
0xca: {  	_ =	swait.ge [sflag:s18], $0x2800  }
0xcb: {  	[sflag:s18] =	ssyncset.done $0x0  }
0xcc: {  	s8 =	sadd.s32 $0x200, s0;
	[sflag:s18] =	ssyncadd.s32 $0xFFFFD800  }
0xcd: {  	[tilespmem:s23], [sflag:$0x2] =	stream.indirect.gather [hbm4b:s4+s20], $0x80, s8, s20, $0xb8;
	[tilespmem:$0x1D200] =	vst v63  }
0xce: {  	_ =	swait.ge [sflag:s28], $0x2800  }
0xcf: {  	[sflag:s28] =	ssyncset.done $0x0  }
0xd0: {  	s2 =	sadd.s32 $0x1100, s0;
	[sflag:s28] =	ssyncadd.s32 $0xFFFFD800  }
0xd1: {  	[spmem:s1] =	stream.indirect.scatter.add.f32 [tilespmem:s24], [sflag:$0x4], $0x80, s2, s20, $0xb8;
	[tilespmem:$0x1D200] =	vst v63  }
0xd2: {  	_ =	swait.ge [sflag:s18], $0x2800  }
0xd3: {  	[sflag:s18] =	ssyncset.done $0x0  }
0xd4: {  	[sflag:s18] =	ssyncadd.s32 $0xFFFFD800  }
0xd5: {  	_ =	swait.ge [sflag:s25], $0x2800  }
0xd6: {  	[sflag:s25] =	ssyncset.done $0x0  }
0xd7: {  	[sflag:s25] =	ssyncadd.s32 $0xFFFFD800  }
0xd8: {  	[spmem:s1] =	stream.indirect.scatter.add.f32 [tilespmem:s21], [sflag:$0x4], $0x80, s29, s20, $0xb8;
	[tilespmem:$0x1D200] =	vst v63  }
0xd9: {  	_ =	swait.ge [sflag:s18], $0x2800  }
0xda: {  	[sflag:s18] =	ssyncset.done $0x0  }
0xdb: {  	[sflag:s18] =	ssyncadd.s32 $0xFFFFD800  }
0xdc: {  	_ =	swait.ge [sflag:s26], $0x2800  }
0xdd: {  	[sflag:s26] =	ssyncset.done $0x0  }
0xde: {  	[sflag:s26] =	ssyncadd.s32 $0xFFFFD800  }
0xdf: {  	[spmem:s1] =	stream.indirect.scatter.add.f32 [tilespmem:s23], [sflag:$0x4], $0x80, s30, s20, $0xb8;
	[tilespmem:$0x1D200] =	vst v63  }
0xe0: {  	_ =	swait.ge [sflag:s18], $0x2800  }
0xe1: {  	[sflag:s18] =	ssyncset.done $0x0  }
0xe2: {  	s5 =	simm.s32 $0x0;
	[sflag:s18] =	ssyncadd.s32 $0xFFFFD800  }
0xe3: {  	[tilespmem:s5], [sflag:$0x4] =	stream.linear.gather [hbm4b:s11+s5], $0x1000, $0x38;
	[tilespmem:$0x1D200] =	vst v63  }
0xe4: {  	_ =	swait.ge [sflag:s18], $0x1000  }
0xe5: {  	[sflag:s18] =	ssyncset.done $0x0  }
0xe6: {  	[sflag:s18] =	ssyncadd.s32 $0xFFFFF000  }
0xe7: {  	[tilespmem:s19], [sflag:$0x4] =	stream.linear.gather [hbm4b:s12+s5], $0x1000, $0x38;
	[tilespmem:$0x1D200] =	vst v63  }
0xe8: {  	_ =	swait.ge [sflag:s18], $0x1000  }
0xe9: {  	[sflag:s18] =	ssyncset.done $0x0  }
0xea: {  	[sflag:s18] =	ssyncadd.s32 $0xFFFFF000  }
0xeb: {  	[tilespmem:s21], [sflag:$0x1] =	stream.indirect.gather [hbm4b:s4+s20], $0x80, s5, s20, $0xb8;
	[tilespmem:$0x1D200] =	vst v63  }
0xec: {  	_ = 	snop  }
0xed: {  	[tilespmem:s23], [sflag:$0x2] =	stream.indirect.gather [hbm4b:s4+s20], $0x80, s22, s20, $0xb8;
	[tilespmem:$0x1D200] =	vst v63  }
0xee: {  	s7 =	simm.s32 $0x100  }
0xef: {  	[tilespmem:s24], [sflag:$0x3] =	stream.indirect.gather [hbm4b:s4+s20], $0x80, s7, s20, $0xb8;
	[tilespmem:$0x1D200] =	vst v63  }
0xf0: {  	_ =	swait.ge [sflag:s25], $0x2800  }
0xf1: {  	[sflag:s25] =	ssyncset.done $0x0  }
0xf2: {  	s8 =	simm.s32 $0x1000;
	[sflag:s25] =	ssyncadd.s32 $0xFFFFD800  }
0xf3: {  	[spmem:s1] =	stream.indirect.scatter.add.f32 [tilespmem:s21], [sflag:$0x4], $0x80, s8, s20, $0xb8;
	[tilespmem:$0x1D200] =	vst v63  }
0xf4: {  	_ =	swait.ge [sflag:s18], $0x2800  }
0xf5: {  	[sflag:s18] =	ssyncset.done $0x0  }
0xf6: {  	s2 =	simm.s32 $0x180;
	[sflag:s18] =	ssyncadd.s32 $0xFFFFD800  }
0xf7: {  	[tilespmem:s21], [sflag:$0x1] =	stream.indirect.gather [hbm4b:s4+s20], $0x80, s2, s20, $0xb8;
	[tilespmem:$0x1D200] =	vst v63  }
0xf8: {  	_ =	swait.ge [sflag:s26], $0x2800  }
0xf9: {  	[sflag:s26] =	ssyncset.done $0x0  }
0xfa: {  	s5 =	simm.s32 $0x1080;
	[sflag:s26] =	ssyncadd.s32 $0xFFFFD800  }
0xfb: {  	[spmem:s1] =	stream.indirect.scatter.add.f32 [tilespmem:s23], [sflag:$0x4], $0x80, s5, s20, $0xb8;
	[tilespmem:$0x1D200] =	vst v63  }
0xfc: {  	_ =	swait.ge [sflag:s18], $0x2800  }
0xfd: {  	[sflag:s18] =	ssyncset.done $0x0  }
0xfe: {  	s7 =	simm.s32 $0x200;
	[sflag:s18] =	ssyncadd.s32 $0xFFFFD800  }
0xff: {  	[tilespmem:s23], [sflag:$0x2] =	stream.indirect.gather [hbm4b:s4+s20], $0x80, s7, s20, $0xb8;
	[tilespmem:$0x1D200] =	vst v63  }
0x100: {  	_ =	swait.ge [sflag:s28], $0x2800  }
0x101: {  	[sflag:s28] =	ssyncset.done $0x0  }
0x102: {  	s8 =	simm.s32 $0x1100;
	[sflag:s28] =	ssyncadd.s32 $0xFFFFD800  }
0x103: {  	[spmem:s1] =	stream.indirect.scatter.add.f32 [tilespmem:s24], [sflag:$0x4], $0x80, s8, s20, $0xb8;
	[tilespmem:$0x1D200] =	vst v63  }
0x104: {  	_ =	swait.ge [sflag:s18], $0x2800  }
0x105: {  	s0 =	simm.s32 $0x180;
	s2 =	simm.s32 $0xC00;
	[sflag:s18] =	ssyncset.done $0x0  }
.LBB2_6:
0x106: {  	s5 =	sadd.s32 $0x100, s0  }
0x107: {  	[sflag:s18] =	ssyncadd.s32 $0xFFFFD800;
	s7 =	smov.u32 s2;
	s8 =	sadd.s32 $0x600, s2  }
0x108: {  	[tilespmem:s24], [sflag:$0x3] =	stream.indirect.gather [hbm4b:s4+s20], $0x80, s5, s20, $0xb8;
	[tilespmem:$0x1D200] =	vst v63  }
0x109: {  	p0 =	sne.s32 s2, $0x3600;
	_ =	swait.ge [sflag:s25], $0x2800  }
0x10a: {  	[sflag:s25] =	ssyncset.done $0x0  }
0x10b: {  	s2 =	sadd.s32 $0x1000, s0;
	[sflag:s25] =	ssyncadd.s32 $0xFFFFD800  }
0x10c: {  	[spmem:s1] =	stream.indirect.scatter.add.f32 [tilespmem:s21], [sflag:$0x4], $0x80, s2, s20, $0xb8;
	[tilespmem:$0x1D200] =	vst v63  }
0x10d: {  	_ =	swait.ge [sflag:s18], $0x2800  }
0x10e: {  	[sflag:s18] =	ssyncset.done $0x0  }
0x10f: {  	s2 =	sadd.s32 $0x180, s0;
	[sflag:s18] =	ssyncadd.s32 $0xFFFFD800  }
0x110: {  	[tilespmem:s21], [sflag:$0x1] =	stream.indirect.gather [hbm4b:s4+s20], $0x80, s2, s20, $0xb8;
	[tilespmem:$0x1D200] =	vst v63  }
0x111: {  	_ =	swait.ge [sflag:s26], $0x2800  }
0x112: {  	[sflag:s26] =	ssyncset.done $0x0  }
0x113: {  	s2 =	sadd.s32 $0x1080, s0;
	[sflag:s26] =	ssyncadd.s32 $0xFFFFD800  }
0x114: {  	[spmem:s1] =	stream.indirect.scatter.add.f32 [tilespmem:s23], [sflag:$0x4], $0x80, s2, s20, $0xb8;
	[tilespmem:$0x1D200] =	vst v63  }
0x115: {  	_ =	swait.ge [sflag:s18], $0x2800  }
0x116: {  	[sflag:s18] =	ssyncset.done $0x0  }
0x117: {  	s2 =	sadd.s32 $0x200, s0;
	[sflag:s18] =	ssyncadd.s32 $0xFFFFD800  }
0x118: {  	[tilespmem:s23], [sflag:$0x2] =	stream.indirect.gather [hbm4b:s4+s20], $0x80, s2, s20, $0xb8;
	[tilespmem:$0x1D200] =	vst v63  }
0x119: {  	_ =	swait.ge [sflag:s28], $0x2800  }
.Ltmp2:
0x11a: {  	[sflag:s28] =	ssyncset.done $0x0;
	(pc) =	sbr.rel @p0 .LBB2_6-.Ltmp2, $4  }
0x11b: {  	s0 =	sadd.s32 $0x1100, s0;
	[sflag:s28] =	ssyncadd.s32 $0xFFFFD800  }
0x11c: {  	[spmem:s1] =	stream.indirect.scatter.add.f32 [tilespmem:s24], [sflag:$0x4], $0x80, s0, s20, $0xb8;
	[tilespmem:$0x1D200] =	vst v63  }
0x11d: {  	_ =	swait.ge [sflag:s18], $0x2800  }
0x11e: {  	s2 =	smov.u32 s8;
	s0 =	sshra.s32 s7, $0x2;
	[sflag:s18] =	ssyncset.done $0x0  }
0x11f: {  	s2 =	sadd.s32 $0x100, s0;
	[sflag:s18] =	ssyncadd.s32 $0xFFFFD800  }
0x120: {  	[tilespmem:s24], [sflag:$0x3] =	stream.indirect.gather [hbm4b:s4+s20], $0x80, s2, s20, $0xb8;
	[tilespmem:$0x1D200] =	vst v63  }
0x121: {  	_ =	swait.ge [sflag:s25], $0x2800  }
0x122: {  	[sflag:s25] =	ssyncset.done $0x0  }
0x123: {  	s8 =	sadd.s32 $0x1000, s0;
	[sflag:s25] =	ssyncadd.s32 $0xFFFFD800  }
0x124: {  	[spmem:s1] =	stream.indirect.scatter.add.f32 [tilespmem:s21], [sflag:$0x4], $0x80, s8, s20, $0xb8;
	[tilespmem:$0x1D200] =	vst v63  }
0x125: {  	_ =	swait.ge [sflag:s18], $0x2800  }
0x126: {  	[sflag:s18] =	ssyncset.done $0x0  }
0x127: {  	s5 =	sadd.s32 $0x180, s0;
	[sflag:s18] =	ssyncadd.s32 $0xFFFFD800  }
0x128: {  	[tilespmem:s21], [sflag:$0x1] =	stream.indirect.gather [hbm4b:s4+s20], $0x80, s5, s20, $0xb8;
	[tilespmem:$0x1D200] =	vst v63  }
0x129: {  	_ =	swait.ge [sflag:s26], $0x2800  }
0x12a: {  	[sflag:s26] =	ssyncset.done $0x0  }
0x12b: {  	s7 =	sadd.s32 $0x1080, s0;
	[sflag:s26] =	ssyncadd.s32 $0xFFFFD800  }
0x12c: {  	[spmem:s1] =	stream.indirect.scatter.add.f32 [tilespmem:s23], [sflag:$0x4], $0x80, s7, s20, $0xb8;
	[tilespmem:$0x1D200] =	vst v63  }
0x12d: {  	_ =	swait.ge [sflag:s18], $0x2800  }
0x12e: {  	[sflag:s18] =	ssyncset.done $0x0  }
0x12f: {  	s8 =	sadd.s32 $0x200, s0;
	[sflag:s18] =	ssyncadd.s32 $0xFFFFD800  }
0x130: {  	[tilespmem:s23], [sflag:$0x2] =	stream.indirect.gather [hbm4b:s4+s20], $0x80, s8, s20, $0xb8;
	[tilespmem:$0x1D200] =	vst v63  }
0x131: {  	_ =	swait.ge [sflag:s28], $0x2800  }
0x132: {  	[sflag:s28] =	ssyncset.done $0x0  }
0x133: {  	s2 =	sadd.s32 $0x1100, s0;
	[sflag:s28] =	ssyncadd.s32 $0xFFFFD800  }
0x134: {  	[spmem:s1] =	stream.indirect.scatter.add.f32 [tilespmem:s24], [sflag:$0x4], $0x80, s2, s20, $0xb8;
	[tilespmem:$0x1D200] =	vst v63  }
0x135: {  	_ =	swait.ge [sflag:s18], $0x2800  }
0x136: {  	[sflag:s18] =	ssyncset.done $0x0  }
0x137: {  	[sflag:s18] =	ssyncadd.s32 $0xFFFFD800  }
0x138: {  	_ =	swait.ge [sflag:s25], $0x2800  }
0x139: {  	[sflag:s25] =	ssyncset.done $0x0  }
0x13a: {  	[sflag:s25] =	ssyncadd.s32 $0xFFFFD800  }
0x13b: {  	[spmem:s1] =	stream.indirect.scatter.add.f32 [tilespmem:s21], [sflag:$0x4], $0x80, s29, s20, $0xb8;
	[tilespmem:$0x1D200] =	vst v63  }
0x13c: {  	_ =	swait.ge [sflag:s18], $0x2800  }
0x13d: {  	[sflag:s18] =	ssyncset.done $0x0  }
0x13e: {  	[sflag:s18] =	ssyncadd.s32 $0xFFFFD800  }
0x13f: {  	_ =	swait.ge [sflag:s26], $0x2800  }
0x140: {  	[sflag:s26] =	ssyncset.done $0x0  }
0x141: {  	[sflag:s26] =	ssyncadd.s32 $0xFFFFD800  }
0x142: {  	[spmem:s1] =	stream.indirect.scatter.add.f32 [tilespmem:s23], [sflag:$0x4], $0x80, s30, s20, $0xb8;
	[tilespmem:$0x1D200] =	vst v63  }
0x143: {  	_ =	swait.ge [sflag:s18], $0x2800  }
0x144: {  	[sflag:s18] =	ssyncset.done $0x0  }
0x145: {  	s5 =	simm.s32 $0x0;
	[sflag:s18] =	ssyncadd.s32 $0xFFFFD800  }
0x146: {  	[tilespmem:s5], [sflag:$0x4] =	stream.linear.gather [hbm4b:s13+s5], $0x1000, $0x38;
	[tilespmem:$0x1D200] =	vst v63  }
0x147: {  	_ =	swait.ge [sflag:s18], $0x1000  }
0x148: {  	[sflag:s18] =	ssyncset.done $0x0  }
0x149: {  	[sflag:s18] =	ssyncadd.s32 $0xFFFFF000  }
0x14a: {  	[tilespmem:s19], [sflag:$0x4] =	stream.linear.gather [hbm4b:s14+s5], $0x1000, $0x38;
	[tilespmem:$0x1D200] =	vst v63  }
0x14b: {  	_ =	swait.ge [sflag:s18], $0x1000  }
0x14c: {  	[sflag:s18] =	ssyncset.done $0x0  }
0x14d: {  	[sflag:s18] =	ssyncadd.s32 $0xFFFFF000  }
0x14e: {  	[tilespmem:s21], [sflag:$0x1] =	stream.indirect.gather [hbm4b:s4+s20], $0x80, s5, s20, $0xb8;
	[tilespmem:$0x1D200] =	vst v63  }
0x14f: {  	_ = 	snop  }
0x150: {  	[tilespmem:s23], [sflag:$0x2] =	stream.indirect.gather [hbm4b:s4+s20], $0x80, s22, s20, $0xb8;
	[tilespmem:$0x1D200] =	vst v63  }
0x151: {  	s7 =	simm.s32 $0x100  }
0x152: {  	[tilespmem:s24], [sflag:$0x3] =	stream.indirect.gather [hbm4b:s4+s20], $0x80, s7, s20, $0xb8;
	[tilespmem:$0x1D200] =	vst v63  }
0x153: {  	_ =	swait.ge [sflag:s25], $0x2800  }
0x154: {  	[sflag:s25] =	ssyncset.done $0x0  }
0x155: {  	s8 =	simm.s32 $0x1000;
	[sflag:s25] =	ssyncadd.s32 $0xFFFFD800  }
0x156: {  	[spmem:s1] =	stream.indirect.scatter.add.f32 [tilespmem:s21], [sflag:$0x4], $0x80, s8, s20, $0xb8;
	[tilespmem:$0x1D200] =	vst v63  }
0x157: {  	_ =	swait.ge [sflag:s18], $0x2800  }
0x158: {  	[sflag:s18] =	ssyncset.done $0x0  }
0x159: {  	s2 =	simm.s32 $0x180;
	[sflag:s18] =	ssyncadd.s32 $0xFFFFD800  }
0x15a: {  	[tilespmem:s21], [sflag:$0x1] =	stream.indirect.gather [hbm4b:s4+s20], $0x80, s2, s20, $0xb8;
	[tilespmem:$0x1D200] =	vst v63  }
0x15b: {  	_ =	swait.ge [sflag:s26], $0x2800  }
0x15c: {  	[sflag:s26] =	ssyncset.done $0x0  }
0x15d: {  	s5 =	simm.s32 $0x1080;
	[sflag:s26] =	ssyncadd.s32 $0xFFFFD800  }
0x15e: {  	[spmem:s1] =	stream.indirect.scatter.add.f32 [tilespmem:s23], [sflag:$0x4], $0x80, s5, s20, $0xb8;
	[tilespmem:$0x1D200] =	vst v63  }
0x15f: {  	_ =	swait.ge [sflag:s18], $0x2800  }
0x160: {  	[sflag:s18] =	ssyncset.done $0x0  }
0x161: {  	s7 =	simm.s32 $0x200;
	[sflag:s18] =	ssyncadd.s32 $0xFFFFD800  }
0x162: {  	[tilespmem:s23], [sflag:$0x2] =	stream.indirect.gather [hbm4b:s4+s20], $0x80, s7, s20, $0xb8;
	[tilespmem:$0x1D200] =	vst v63  }
0x163: {  	_ =	swait.ge [sflag:s28], $0x2800  }
0x164: {  	[sflag:s28] =	ssyncset.done $0x0  }
0x165: {  	s8 =	simm.s32 $0x1100;
	[sflag:s28] =	ssyncadd.s32 $0xFFFFD800  }
0x166: {  	[spmem:s1] =	stream.indirect.scatter.add.f32 [tilespmem:s24], [sflag:$0x4], $0x80, s8, s20, $0xb8;
	[tilespmem:$0x1D200] =	vst v63  }
0x167: {  	_ =	swait.ge [sflag:s18], $0x2800  }
0x168: {  	s0 =	simm.s32 $0x180;
	s2 =	simm.s32 $0xC00;
	[sflag:s18] =	ssyncset.done $0x0  }
.LBB2_8:
0x169: {  	s5 =	sadd.s32 $0x100, s0  }
0x16a: {  	[sflag:s18] =	ssyncadd.s32 $0xFFFFD800;
	s7 =	smov.u32 s2;
	s8 =	sadd.s32 $0x600, s2  }
0x16b: {  	[tilespmem:s24], [sflag:$0x3] =	stream.indirect.gather [hbm4b:s4+s20], $0x80, s5, s20, $0xb8;
	[tilespmem:$0x1D200] =	vst v63  }
0x16c: {  	p0 =	sne.s32 s2, $0x3600;
	_ =	swait.ge [sflag:s25], $0x2800  }
0x16d: {  	[sflag:s25] =	ssyncset.done $0x0  }
0x16e: {  	s2 =	sadd.s32 $0x1000, s0;
	[sflag:s25] =	ssyncadd.s32 $0xFFFFD800  }
0x16f: {  	[spmem:s1] =	stream.indirect.scatter.add.f32 [tilespmem:s21], [sflag:$0x4], $0x80, s2, s20, $0xb8;
	[tilespmem:$0x1D200] =	vst v63  }
0x170: {  	_ =	swait.ge [sflag:s18], $0x2800  }
0x171: {  	[sflag:s18] =	ssyncset.done $0x0  }
0x172: {  	s2 =	sadd.s32 $0x180, s0;
	[sflag:s18] =	ssyncadd.s32 $0xFFFFD800  }
0x173: {  	[tilespmem:s21], [sflag:$0x1] =	stream.indirect.gather [hbm4b:s4+s20], $0x80, s2, s20, $0xb8;
	[tilespmem:$0x1D200] =	vst v63  }
0x174: {  	_ =	swait.ge [sflag:s26], $0x2800  }
0x175: {  	[sflag:s26] =	ssyncset.done $0x0  }
0x176: {  	s2 =	sadd.s32 $0x1080, s0;
	[sflag:s26] =	ssyncadd.s32 $0xFFFFD800  }
0x177: {  	[spmem:s1] =	stream.indirect.scatter.add.f32 [tilespmem:s23], [sflag:$0x4], $0x80, s2, s20, $0xb8;
	[tilespmem:$0x1D200] =	vst v63  }
0x178: {  	_ =	swait.ge [sflag:s18], $0x2800  }
0x179: {  	[sflag:s18] =	ssyncset.done $0x0  }
0x17a: {  	s2 =	sadd.s32 $0x200, s0;
	[sflag:s18] =	ssyncadd.s32 $0xFFFFD800  }
0x17b: {  	[tilespmem:s23], [sflag:$0x2] =	stream.indirect.gather [hbm4b:s4+s20], $0x80, s2, s20, $0xb8;
	[tilespmem:$0x1D200] =	vst v63  }
0x17c: {  	_ =	swait.ge [sflag:s28], $0x2800  }
.Ltmp3:
0x17d: {  	[sflag:s28] =	ssyncset.done $0x0;
	(pc) =	sbr.rel @p0 .LBB2_8-.Ltmp3, $4  }
0x17e: {  	s0 =	sadd.s32 $0x1100, s0;
	[sflag:s28] =	ssyncadd.s32 $0xFFFFD800  }
0x17f: {  	[spmem:s1] =	stream.indirect.scatter.add.f32 [tilespmem:s24], [sflag:$0x4], $0x80, s0, s20, $0xb8;
	[tilespmem:$0x1D200] =	vst v63  }
0x180: {  	_ =	swait.ge [sflag:s18], $0x2800  }
0x181: {  	s2 =	smov.u32 s8;
	s0 =	sshra.s32 s7, $0x2;
	[sflag:s18] =	ssyncset.done $0x0  }
0x182: {  	s2 =	sadd.s32 $0x100, s0;
	[sflag:s18] =	ssyncadd.s32 $0xFFFFD800  }
0x183: {  	[tilespmem:s24], [sflag:$0x3] =	stream.indirect.gather [hbm4b:s4+s20], $0x80, s2, s20, $0xb8;
	[tilespmem:$0x1D200] =	vst v63  }
0x184: {  	_ =	swait.ge [sflag:s25], $0x2800  }
0x185: {  	[sflag:s25] =	ssyncset.done $0x0  }
0x186: {  	s7 =	sadd.s32 $0x1000, s0;
	[sflag:s25] =	ssyncadd.s32 $0xFFFFD800  }
0x187: {  	[spmem:s1] =	stream.indirect.scatter.add.f32 [tilespmem:s21], [sflag:$0x4], $0x80, s7, s20, $0xb8;
	[tilespmem:$0x1D200] =	vst v63  }
0x188: {  	_ =	swait.ge [sflag:s18], $0x2800  }
0x189: {  	[sflag:s18] =	ssyncset.done $0x0  }
0x18a: {  	s8 =	sadd.s32 $0x180, s0;
	[sflag:s18] =	ssyncadd.s32 $0xFFFFD800  }
0x18b: {  	[tilespmem:s21], [sflag:$0x1] =	stream.indirect.gather [hbm4b:s4+s20], $0x80, s8, s20, $0xb8;
	[tilespmem:$0x1D200] =	vst v63  }
0x18c: {  	_ =	swait.ge [sflag:s26], $0x2800  }
0x18d: {  	[sflag:s26] =	ssyncset.done $0x0  }
0x18e: {  	s5 =	sadd.s32 $0x1080, s0;
	[sflag:s26] =	ssyncadd.s32 $0xFFFFD800  }
0x18f: {  	[spmem:s1] =	stream.indirect.scatter.add.f32 [tilespmem:s23], [sflag:$0x4], $0x80, s5, s20, $0xb8;
	[tilespmem:$0x1D200] =	vst v63  }
0x190: {  	_ =	swait.ge [sflag:s18], $0x2800  }
0x191: {  	[sflag:s18] =	ssyncset.done $0x0  }
0x192: {  	s7 =	sadd.s32 $0x200, s0;
	[sflag:s18] =	ssyncadd.s32 $0xFFFFD800  }
0x193: {  	[tilespmem:s23], [sflag:$0x2] =	stream.indirect.gather [hbm4b:s4+s20], $0x80, s7, s20, $0xb8;
	[tilespmem:$0x1D200] =	vst v63  }
0x194: {  	_ =	swait.ge [sflag:s28], $0x2800  }
0x195: {  	[sflag:s28] =	ssyncset.done $0x0  }
0x196: {  	s8 =	sadd.s32 $0x1100, s0;
	[sflag:s28] =	ssyncadd.s32 $0xFFFFD800  }
0x197: {  	[spmem:s1] =	stream.indirect.scatter.add.f32 [tilespmem:s24], [sflag:$0x4], $0x80, s8, s20, $0xb8;
	[tilespmem:$0x1D200] =	vst v63  }
0x198: {  	_ =	swait.ge [sflag:s18], $0x2800  }
0x199: {  	[sflag:s18] =	ssyncset.done $0x0  }
0x19a: {  	[sflag:s18] =	ssyncadd.s32 $0xFFFFD800  }
0x19b: {  	_ =	swait.ge [sflag:s25], $0x2800  }
0x19c: {  	[sflag:s25] =	ssyncset.done $0x0  }
0x19d: {  	[sflag:s25] =	ssyncadd.s32 $0xFFFFD800  }
0x19e: {  	[spmem:s1] =	stream.indirect.scatter.add.f32 [tilespmem:s21], [sflag:$0x4], $0x80, s29, s20, $0xb8;
	[tilespmem:$0x1D200] =	vst v63  }
0x19f: {  	_ =	swait.ge [sflag:s18], $0x2800  }
0x1a0: {  	[sflag:s18] =	ssyncset.done $0x0  }
0x1a1: {  	[sflag:s18] =	ssyncadd.s32 $0xFFFFD800  }
0x1a2: {  	_ =	swait.ge [sflag:s26], $0x2800  }
0x1a3: {  	[sflag:s26] =	ssyncset.done $0x0  }
0x1a4: {  	[sflag:s26] =	ssyncadd.s32 $0xFFFFD800  }
0x1a5: {  	[spmem:s1] =	stream.indirect.scatter.add.f32 [tilespmem:s23], [sflag:$0x4], $0x80, s30, s20, $0xb8;
	[tilespmem:$0x1D200] =	vst v63  }
0x1a6: {  	_ =	swait.ge [sflag:s18], $0x2800  }
0x1a7: {  	s31 =	sadd.s32 $0x1, s31;
	[sflag:s18] =	ssyncset.done $0x0  }
0x1a8: {  	p0 =	sne.s32 s31, s16;
	[sflag:s18] =	ssyncadd.s32 $0xFFFFD800  }
.Ltmp4:
0x1a9: {  	[bflag:$0x0] =	sbarrier.arrive $0xFFFF;
	(pc) =	sbr.rel @p0 .LBB2_1-.Ltmp4, $4  }
0x1aa: {  	[hbm:s15], [sflag:s6] =	dma.local [spmem:s17], $0x2800  }
0x1ab: {  	_ =	swait.ge [sflag:s18], $0x2800  }
0x1ac: {  	[sflag:s18] =	ssyncset.done $0x0  }
0x1ad: {  	[sflag:s18] =	ssyncadd.s32 $0xFFFFD800  }
0x1ae: {  	_ =	sfence.sel $0x180000  }
0x1af: {  	[bflag:$0x0] =	sbarrier.arrive $0xFFFF  }
0x1b0: {  	_ =	strace $0x9000004A  }
0x1b1: {  	s0 =	stileid.u32;
	[bflag:$0x2] =	sbarrier.arrive $0xFFFF  }
0x1b2: {  	p0 =	sne.s32 s0, $0x0;
	s0 =	rddreg [dreg:$0x3]  }
0x1b3: {  	s0 =	sadd.s32 @!p0 $0x100000, s0  }
0x1b4: {  	[sflag:s0] =	ssyncadd.tile.s32 @!p0 $0x1;
	_ =	shalt  }
.Lfunc_end2:
_tile_overlayer_lowered:
.L_overlay_start_2:
0x1b5: {  	(tag) =	ssettag $0x2  }
0x1b6: {  	s0 =	rddreg [dreg:$0x0];
	s2 =	stileid.u32  }
0x1b7: {  	s1 =	rddreg [dreg:$0x1];
	p0 =	sne.s32 s2, $0x0  }
0x1b8: {  	s3 =	rddreg [dreg:$0x2];
	[bflag:$0x3] =	sbarrier.arrive $0xFFFF;
	s2 =	simm.s32 @!p0 $0x1C04  }
0x1b9: {  	[timem:s3], [sflag:s2] =	dma.local @!p0 [hbm:s0], s1  }
0x1ba: {  	s0 =	simm.s32 @!p0 $0x4  }
0x1bb: {  	_ =	swait.ge @!p0 [sflag:s0], s1  }
0x1bc: {  	s1 =	ssub.s32 @!p0 $0x0, s1;
	[sflag:s0] =	ssyncset.done @!p0 $0x0  }
0x1bd: {  	[sflag:s0] =	ssyncadd.s32 @!p0 s1  }
0x1be: {  	[bflag:$0x3] =	sbarrier.arrive $0xFFFF  }
0x1bf: {  	_ =	shalt  }

// kernel: kernel.7.cloned.1.call-start
scs
__scs_entry_jumppad:
0x0: {  	(pc) =	sbr.rel $0x88, $3  }
0x1: {  	(tag) =	ssettag $0x0;
	lr =	simm.s32 $0x1  }
0x2: {  	[smem:$0x3F9B] =	sst lr;
	_ =	strace $0xD0000000  }
0x3: {  	_ = 	snop  }
0x4: {  	_ = 	snop  }
0x5: {  	_ = 	snop  }
0x6: {  	_ = 	snop  }
0x7: {  	_ = 	snop  }
__scs_overlays_trampoline_lowered:
0x8: {  	[smem:$0x3FAA] =	sst s0  }
0x9: {  	[smem:$0x3FAB] =	sst s1  }
0xa: {  	[smem:$0x3FAC] =	sst s2  }
0xb: {  	[smem:$0x3FAD] =	sst s3  }
0xc: {  	[smem:$0x3FAE] =	sst s4  }
0xd: {  	[smem:$0x3FAF] =	sst s5  }
0xe: {  	[smem:$0x3FB0] =	sst s6  }
0xf: {  	[smem:$0x3FB1] =	sst s7  }
0x10: {  	[smem:$0x3FB2] =	sst s8  }
0x11: {  	[smem:$0x3FB3] =	sst s9;
	s0 =	simm.s32 @!p0 $0x0  }
0x12: {  	s1 =	sld [smem:$0x3F99];
	s0 =	simm.s32 @p0 $0x1  }
0x13: {  	[smem:$0x3FB4] =	sst s0;
	s0 =	simm.s32 @!p1 $0x0  }
0x14: {  	s2 =	sld [smem:$0x3F98];
	s0 =	simm.s32 @p1 $0x1  }
0x15: {  	[smem:$0x3FB5] =	sst s0;
	s0 =	simm.s32 @!p2 $0x0  }
0x16: {  	s3 =	sld [smem:$0x3FDB];
	s0 =	simm.s32 @p2 $0x1  }
0x17: {  	s4 =	simm.s32 $0x1BF5;
	[smem:$0x3FB7] =	sst s0  }
0x18: {  	s0 =	sld [smem:$0x3F9A];
	_ =	swait.ge [sflag:s4], $0x0  }
0x19: {  	s7 =	sld [smem:$0x3F9B]  }
0x1a: {  	s8 =	sadd.s32 $0xFFFFE003, lr  }
0x1b: {  	s9 =	sadd.s32 $0xFFFFFEF7, lr;
	s5 =	simm.s32 $0xFFFFFFFF;
	p2 =	slt.u32 s8, $0xFFFFF086  }
0x1c: {  	p1 =	slt.u32 s9, $0xF7A;
	s5 =	simm.s32 @!p2 $0x0  }
0x1d: {  	s5 =	simm.s32 @p1 $0x1;
	p0 =	seq.s32 s7, s2  }
0x1e: {  	s7 =	smul.u32 @!p0 $0xF7A, s2;
	p2 =	seq.s32 @!p0 s5, $0x0  }
0x1f: {  	s9 =	smul.u32 $0xF7A, s1;
	s8 =	simm.s32 @!p0 $0x1BF5;
	p2 =	por !p2, p0  }
0x20: {  	[sflag:s8] =	ssyncset.s32 @!p0 $0xFFFFF086;
	s6 =	sadd.s32 @!p0 s3, s7;
	s7 =	simm.s32 @!p0 $0x108  }
0x21: {  	s3 =	sadd.s32 s3, s9;
	s6 =	sadd.s32 @!p0 $0x88, s6;
	s7 =	simm.s32 @p2 $0x1082  }
0x22: {  	[simem:s7], [sflag:s8] =	dma.local @!p0 [hbm:s6], $0xF7A  }
0x23: {  	s9 =	sor.u32 $0xD0000000, s2;
	s6 =	simm.s32 $0x108;
	_ =	swait.ge @!p0 [sflag:s8], $0x0  }
0x24: {  	s3 =	sadd.s32 $0x88, s3;
	s6 =	simm.s32 @!p1 $0x1082;
	[sflag:s4] =	ssyncset.s32 $0xFFFFF086  }
0x25: {  	[simem:s6], [sflag:s4] =	dma.local [hbm:s3], $0xF7A  }
0x26: {  	[smem:$0x3F9B] =	sst s1;
	(tag) =	ssettag s2;
	_ =	strace s9  }
0x27: {  	s1 =	sld [smem:$0x3FAB]  }
0x28: {  	s2 =	sld [smem:$0x3FAC]  }
0x29: {  	s4 =	sld [smem:$0x3FAE]  }
0x2a: {  	p0 =	seq.s32 s5, $0x0;
	s5 =	sld [smem:$0x3FAF]  }
0x2b: {  	s6 =	sld [smem:$0x3FB0]  }
0x2c: {  	s7 =	sld [smem:$0x3FB1]  }
0x2d: {  	s3 =	simm.s32 $0x108;
	s8 =	sld [smem:$0x3FB2]  }
0x2e: {  	s3 =	simm.s32 @!p0 $0x1082;
	s9 =	sld [smem:$0x3FB3]  }
0x2f: {  	lr =	sadd.s32 s0, s3;
	s0 =	sld [smem:$0x3FAA]  }
0x30: {  	s3 =	sld [smem:$0x3FAD]  }
0x31: {  	[smem:$0x3FB6] =	sst s10  }
0x32: {  	s10 =	sld [smem:$0x3FB4];
	_ =	sdelay $0x3  }
0x33: {  	p0 =	seq.s32 s10, $0x1;
	s10 =	sld [smem:$0x3FB6];
	_ =	sdelay $0x3  }
0x34: {  	[smem:$0x3FB6] =	sst s10  }
0x35: {  	s10 =	sld [smem:$0x3FB5];
	_ =	sdelay $0x3  }
0x36: {  	p1 =	seq.s32 s10, $0x1;
	s10 =	sld [smem:$0x3FB6];
	_ =	sdelay $0x3  }
0x37: {  	[smem:$0x3FB6] =	sst s10  }
0x38: {  	s10 =	sld [smem:$0x3FB7]  }
0x39: {  	_ = 	snop;
	(pc) =	sbr.ind lr, $3  }
0x3a: {  	_ = 	snop  }
0x3b: {  	_ = 	snop  }
0x3c: {  	p2 =	seq.s32 s10, $0x1;
	s10 =	sld [smem:$0x3FB6]  }
0x3d: {  	_ =	shalt  }
0x3e: {  	_ =	shalt  }
0x3f: {  	_ =	shalt  }
0x40: {  	_ =	shalt  }
0x41: {  	_ =	shalt  }
0x42: {  	_ =	shalt  }
0x43: {  	_ =	shalt  }
0x44: {  	_ =	shalt  }
0x45: {  	_ =	shalt  }
0x46: {  	_ =	shalt  }
0x47: {  	_ =	shalt  }
0x48: {  	_ =	shalt  }
0x49: {  	_ =	shalt  }
0x4a: {  	_ =	shalt  }
0x4b: {  	_ =	shalt  }
0x4c: {  	_ =	shalt  }
0x4d: {  	_ =	shalt  }
0x4e: {  	_ =	shalt  }
0x4f: {  	_ =	shalt  }
0x50: {  	_ =	shalt  }
0x51: {  	_ =	shalt  }
0x52: {  	_ =	shalt  }
0x53: {  	_ =	shalt  }
0x54: {  	_ =	shalt  }
0x55: {  	_ =	shalt  }
0x56: {  	_ =	shalt  }
0x57: {  	_ =	shalt  }
0x58: {  	_ =	shalt  }
0x59: {  	_ =	shalt  }
0x5a: {  	_ =	shalt  }
0x5b: {  	_ =	shalt  }
0x5c: {  	_ =	shalt  }
0x5d: {  	_ =	shalt  }
0x5e: {  	_ =	shalt  }
0x5f: {  	_ =	shalt  }
0x60: {  	_ =	shalt  }
0x61: {  	_ =	shalt  }
0x62: {  	_ =	shalt  }
0x63: {  	_ =	shalt  }
0x64: {  	_ =	shalt  }
0x65: {  	_ =	shalt  }
0x66: {  	_ =	shalt  }
0x67: {  	_ =	shalt  }
0x68: {  	_ =	shalt  }
0x69: {  	_ =	shalt  }
0x6a: {  	_ =	shalt  }
0x6b: {  	_ =	shalt  }
0x6c: {  	_ =	shalt  }
0x6d: {  	_ =	shalt  }
0x6e: {  	_ =	shalt  }
0x6f: {  	_ =	shalt  }
0x70: {  	_ =	shalt  }
0x71: {  	_ =	shalt  }
0x72: {  	_ =	shalt  }
0x73: {  	_ =	shalt  }
0x74: {  	_ =	shalt  }
0x75: {  	_ =	shalt  }
0x76: {  	_ =	shalt  }
0x77: {  	_ =	shalt  }
0x78: {  	_ =	shalt  }
0x79: {  	_ =	shalt  }
0x7a: {  	_ =	shalt  }
0x7b: {  	_ =	shalt  }
0x7c: {  	_ =	shalt  }
0x7d: {  	_ =	shalt  }
0x7e: {  	_ =	shalt  }
0x7f: {  	_ =	shalt  }
0x80: {  	_ =	shalt  }
0x81: {  	_ =	shalt  }
0x82: {  	_ =	shalt  }
0x83: {  	_ =	shalt  }
0x84: {  	_ =	shalt  }
0x85: {  	_ =	shalt  }
0x86: {  	_ =	shalt  }
0x87: {  	_ =	shalt  }
.Lfunc_end0:
.L_simem_size_0:
called_computation_lowered:
.L_overlay_start_0:
0x88: {  	s2 =	sld [smem:$0x3FD9]  }
0x89: {  	s3 =	sld [smem:$0x3FFE];
	_ =	sdelay $0x1  }
0x8a: {  	s1 =	srdreg.scid  }
0x8b: {  	s0 =	sand.u32 $0x1, s1  }
0x8c: {  	s17 =	sshll.u32 s0, $0xA;
	s2 =	sadd.s32 s3, s2  }
0x8d: {  	s2 =	sadd.s32 s2, s17  }
0x8e: {  	[smem:$0x3FC2] =	sst s2  }
0x8f: {  	_ = 	snop  }
0x90: {  	s2 =	sld [smem:$0x3FD0];
	(tm) =	ssettm $0x1  }
0x91: {  	s18 =	sld [smem:$0x3FFB];
	_ =	sdelay $0x3  }
0x92: {  	_ =	strace s18  }
0x93: {  	s3 =	sld [smem:$0x3FFC];
	_ =	sdelay $0x3  }
0x94: {  	_ =	strace s3  }
0x95: {  	s3 =	sld [smem:$0x3FFD];
	_ =	sdelay $0x3  }
0x96: {  	_ =	strace s3  }
0x97: {  	_ =	strace $0x8FFFFFFF  }
0x98: {  	s19 =	sld [smem:$0x3FDB];
	_ =	sdelay $0x1  }
0x99: {  	s4 =	simm.s32 $_scs_section_size  }
0x9a: {  	s5 =	simm.s32 $_size__tile_overlayer_lowered;
	s6 =	simm.s32 $_tile_overlayer_lowered  }
0x9b: {  	s22 =	simm.s32 $0x1BFF;
	s21 =	sshll.u32 s6, $0x1;
	s3 =	sadd.s32 s4, s19  }
0x9c: {  	s7 =	simm.s32 $0x0;
	s20 =	sshll.u32 s5, $0x1;
	s5 =	sadd.s32 s21, s3  }
0x9d: {  	[timem:s7], [sflag:s22] =	dma.local [hbm:s5], s20  }
0x9e: {  	_ =	swait.ge [sflag:s22], s20  }
0x9f: {  	s4 =	ssub.s32 $0x0, s20;
	[sflag:s22] =	ssyncset.done $0x0  }
0xa0: {  	[sflag:s22] =	ssyncadd.s32 s4;
	_ =	sdelay $0x1  }
0xa1: {  	s23 =	simm.s32 $0x1B8B  }
0xa2: {  	_ =	swait.ge [sflag:s23], $0x1  }
0xa3: {  	[sflag:s23] =	ssyncset.done $0x0  }
0xa4: {  	s25 =	simm.s32 $0x1B8E;
	s24 =	sld [smem:$0x3FFE];
	[sflag:s23] =	ssyncadd.s32 $0xFFFFFFFF  }
0xa5: {  	s26 =	simm.s32 $execute0_lowered;
	[smem:$0x3FD2] =	sst s25  }
0xa6: {  	s5 =	sshll.u32 s26, $0x1;
	_ =	strace $0x80000046;
	[dreg:$0x1] =	wrdreg $0xFFFFFFFF  }
0xa7: {  	s28 =	simm.s32 $_size_execute0_lowered;
	s3 =	sadd.s32 s3, s5;
	[dreg:$0x0] =	wrdreg $0x0  }
0xa8: {  	s5 =	sshll.u32 s28, $0x1;
	[dreg:$0x2] =	wrdreg s3  }
0xa9: {  	[dreg:$0x3] =	wrdreg s5  }
0xaa: {  	[dreg:$0x4] =	wrdreg $0xC0  }
0xab: {  	_ =	task [dreg:s7], $0x5FFFF  }
0xac: {  	[dreg:$0x1] =	wrdreg $0xFFFFFFFF  }
0xad: {  	[dreg:$0x0] =	wrdreg $0x60  }
0xae: {  	[dreg:$0x2] =	wrdreg s24  }
0xaf: {  	[dreg:$0x3] =	wrdreg s2  }
0xb0: {  	[dreg:$0x4] =	wrdreg $0x98000  }
0xb1: {  	[dreg:$0x5] =	wrdreg $0x9  }
0xb2: {  	_ =	task.clear_ibuf [dreg:s7], $0x6FFFF;
	_ =	strace $0x90000046  }
0xb3: {  	s29 =	simm.s32 $0x9;
	_ =	strace $0x80000048  }
0xb4: {  	_ =	swait.ge [sflag:s29], $0x1  }
0xb5: {  	[sflag:s29] =	ssyncadd.s32 $0xFFFFFFFF  }
0xb6: {  	_ =	strace $0x90000048  }
0xb7: {  	_ =	sfence  }
0xb8: {  	s30 =	sld [smem:$0x0];
	_ =	sdelay $0x2  }
0xb9: {  	s31 =	sshll.u32 s1, $0xD;
	s1 =	sshrl.u32 s1, $0x2  }
0xba: {  	s3 =	sand.u32 $0x4000, s31;
	s1 =	sadd.s32 s1, s30  }
0xbb: {  	s0 =	sor.u32 s3, s0;
	s1 =	sshll.u32 s1, $0x11  }
0xbc: {  	s0 =	sor.u32 s1, s0  }
0xbd: {  	s0 =	sadd.s32 $0x8F2B, s0  }
0xbe: {  	[sflag:s0] =	ssyncadd.remote.s32 $0x1  }
0xbf: {  	_ =	sfence.sel $0xFFFF  }
0xc0: {  	[dreg:$0x0] =	wrdreg $0xFFFFFFFF;
	(pc) =	sbr.abs _section_cstart, $3  }
0xc1: {  	[dreg:$0x1] =	wrdreg $0xFFFFFFFF  }
0xc2: {  	_ =	task.clear_ibuf [dreg:s7], $0x2FFFF;
	_ =	strace $0x9FFFFFFF  }
0xc3: {  	(tm) =	ssettm $0x7FFFFFFF  }
tec
execute0_lowered:
.L_overlay_start_1:
0x0: {  	(tag) =	ssettag $0x1  }
0x1: {  	s0 =	rddreg [dreg:$0x0]  }
0x2: {  	s2 =	rddreg [dreg:$0x1]  }
0x3: {  	s1 =	rddreg [dreg:$0x2];
	s3 =	srdreg.scid  }
0x4: {  	s11 =	stileid.u32;
	s18 =	simm.s32 $0x4;
	s19 =	simm.s32 $0x1000  }
0x5: {  	s28 =	simm.s32 $0x3;
	s29 =	simm.s32 $0x1F00;
	s30 =	simm.s32 $0x1F80  }
0x6: {  	s31 =	simm.s32 $0x0;
	s6 =	sand.u32 $0x1, s3;
	s3 =	simm.s32 $0x0  }
0x7: {  	s7 =	smul.u32 $0x13800, s11;
	s4 =	sadd.s32 $0x11800, s0;
	s14 =	sadd.s32 $0x1800, s0  }
0x8: {  	s9 =	smul.u32 $0x4E000, s11;
	s20 =	sadd.s32 $0x38A00, s0;
	s22 =	sshll.u32 s11, $0x6  }
0x9: {  	s24 =	sshll.u32 s11, $0xB;
	s5 =	smul.u32 $0x138800, s6;
	[smem:$0x7FF] =	sst s3  }
0xa: {  	s8 =	ssub.s32 $0x2, s6;
	s23 =	sshll.u32 s6, $0xF;
	s6 =	sor.u32 $0x1C04, s22  }
0xb: {  	s22 =	simm.s32 $0x80;
	_ =	strace $0x80000047;
	[dreg:$0x4] =	wrdreg s20  }
0xc: {  	s10 =	sshrl.u32 s8, $0x1;
	s21 =	sshrl.u32 s9, $0x2;
	s13 =	sor.u32 s24, s23  }
0xd: {  	s20 =	simm.s32 $0x50;
	s23 =	simm.s32 $0x4800;
	s24 =	simm.s32 $0x7000  }
0xe: {  	s7 =	sadd.s32 s7, s5;
	s16 =	ssub.s32 s8, s10;
	s17 =	sadd.s32 s21, s1  }
0xf: {  	s25 =	sadd.s32 s2, s13;
	s26 =	sadd.s32 s14, s13;
	s10 =	sor.u32 $0x200, s13  }
0x10: {  	s12 =	sor.u32 $0x400, s13;
	s15 =	sor.u32 $0x600, s13;
	[dreg:$0x5] =	wrdreg s25  }
0x11: {  	s21 =	simm.s32 $0x2000;
	s7 =	sshrl.u32 s7, $0x3;
	[dreg:$0x6] =	wrdreg s26  }
0x12: {  	s9 =	sadd.s32 s2, s10;
	s10 =	sadd.s32 s14, s10;
	s11 =	sadd.s32 s2, s12  }
0x13: {  	s12 =	sadd.s32 s14, s12;
	s13 =	sadd.s32 s2, s15;
	s14 =	sadd.s32 s14, s15  }
0x14: {  	s16 =	smax.u32 s16, $0x1;
	s17 =	sshrl.u32 s17, $0x3;
	s0 =	sadd.s32 s7, s0  }
0x15: {  	s25 =	simm.s32 $0x1;
	s26 =	simm.s32 $0x2;
	s15 =	sadd.s32 $0x3B200, s0  }
.LBB2_1:
0x16: {  	s0 =	rddreg [dreg:$0x4]  }
0x17: {  	[spmem:s17], [sflag:s6] =	dma.local [hbm:s0], $0x2800  }
0x18: {  	_ =	swait.ge [sflag:s18], $0x2800  }
0x19: {  	[sflag:s18] =	ssyncset.done $0x0  }
0x1a: {  	[sflag:s18] =	ssyncadd.s32 $0xFFFFD800  }
0x1b: {  	[bflag:$0x0] =	sbarrier.arrive $0xFFFF  }
0x1c: {  	s2 =	rddreg [dreg:$0x5]  }
0x1d: {  	[tilespmem:s3], [sflag:$0x4] =	stream.linear.gather [hbm4b:s2+s3], $0x1000, $0x38;
	[tilespmem:$0x1D200] =	vst v63  }
0x1e: {  	_ =	swait.ge [sflag:s18], $0x1000  }
0x1f: {  	[sflag:s18] =	ssyncset.done $0x0  }
0x20: {  	s5 =	rddreg [dreg:$0x6];
	[sflag:s18] =	ssyncadd.s32 $0xFFFFF000  }
0x21: {  	[tilespmem:s19], [sflag:$0x4] =	stream.linear.gather [hbm4b:s5+s3], $0x1000, $0x38;
	[tilespmem:$0x1D200] =	vst v63  }
0x22: {  	_ =	swait.ge [sflag:s18], $0x1000  }
0x23: {  	[sflag:s18] =	ssyncset.done $0x0  }
0x24: {  	[sflag:s18] =	ssyncadd.s32 $0xFFFFF000  }
0x25: {  	[tilespmem:s21], [sflag:$0x1] =	stream.indirect.gather [hbm4b:s4+s20], $0x80, s3, s20, $0xb8;
	[tilespmem:$0x1D200] =	vst v63  }
0x26: {  	_ = 	snop  }
0x27: {  	[tilespmem:s23], [sflag:$0x2] =	stream.indirect.gather [hbm4b:s4+s20], $0x80, s22, s20, $0xb8;
	[tilespmem:$0x1D200] =	vst v63  }
0x28: {  	s7 =	simm.s32 $0x100  }
0x29: {  	[tilespmem:s24], [sflag:$0x3] =	stream.indirect.gather [hbm4b:s4+s20], $0x80, s7, s20, $0xb8;
	[tilespmem:$0x1D200] =	vst v63  }
0x2a: {  	_ =	swait.ge [sflag:s25], $0x2800  }
0x2b: {  	[sflag:s25] =	ssyncset.done $0x0  }
0x2c: {  	s8 =	simm.s32 $0x1000;
	[sflag:s25] =	ssyncadd.s32 $0xFFFFD800  }
0x2d: {  	[spmem:s1] =	stream.indirect.scatter.add.f32 [tilespmem:s21], [sflag:$0x4], $0x80, s8, s20, $0xb8;
	[tilespmem:$0x1D200] =	vst v63  }
0x2e: {  	_ =	swait.ge [sflag:s18], $0x2800  }
0x2f: {  	[sflag:s18] =	ssyncset.done $0x0  }
0x30: {  	s2 =	simm.s32 $0x180;
	[sflag:s18] =	ssyncadd.s32 $0xFFFFD800  }
0x31: {  	[tilespmem:s21], [sflag:$0x1] =	stream.indirect.gather [hbm4b:s4+s20], $0x80, s2, s20, $0xb8;
	[tilespmem:$0x1D200] =	vst v63  }
0x32: {  	_ =	swait.ge [sflag:s26], $0x2800  }
0x33: {  	[sflag:s26] =	ssyncset.done $0x0  }
0x34: {  	s5 =	simm.s32 $0x1080;
	[sflag:s26] =	ssyncadd.s32 $0xFFFFD800  }
0x35: {  	[spmem:s1] =	stream.indirect.scatter.add.f32 [tilespmem:s23], [sflag:$0x4], $0x80, s5, s20, $0xb8;
	[tilespmem:$0x1D200] =	vst v63  }
0x36: {  	_ =	swait.ge [sflag:s18], $0x2800  }
0x37: {  	[sflag:s18] =	ssyncset.done $0x0  }
0x38: {  	s7 =	simm.s32 $0x200;
	[sflag:s18] =	ssyncadd.s32 $0xFFFFD800  }
0x39: {  	[tilespmem:s23], [sflag:$0x2] =	stream.indirect.gather [hbm4b:s4+s20], $0x80, s7, s20, $0xb8;
	[tilespmem:$0x1D200] =	vst v63  }
0x3a: {  	_ =	swait.ge [sflag:s28], $0x2800  }
0x3b: {  	[sflag:s28] =	ssyncset.done $0x0  }
0x3c: {  	s8 =	simm.s32 $0x1100;
	[sflag:s28] =	ssyncadd.s32 $0xFFFFD800  }
0x3d: {  	[spmem:s1] =	stream.indirect.scatter.add.f32 [tilespmem:s24], [sflag:$0x4], $0x80, s8, s20, $0xb8;
	[tilespmem:$0x1D200] =	vst v63  }
0x3e: {  	_ =	swait.ge [sflag:s18], $0x2800  }
0x3f: {  	s0 =	simm.s32 $0x180;
	s2 =	simm.s32 $0xC00;
	[sflag:s18] =	ssyncset.done $0x0  }
.LBB2_2:
0x40: {  	s5 =	sadd.s32 $0x100, s0  }
0x41: {  	[sflag:s18] =	ssyncadd.s32 $0xFFFFD800;
	s7 =	smov.u32 s2;
	s8 =	sadd.s32 $0x600, s2  }
0x42: {  	[tilespmem:s24], [sflag:$0x3] =	stream.indirect.gather [hbm4b:s4+s20], $0x80, s5, s20, $0xb8;
	[tilespmem:$0x1D200] =	vst v63  }
0x43: {  	p0 =	sne.s32 s2, $0x3600;
	_ =	swait.ge [sflag:s25], $0x2800  }
0x44: {  	[sflag:s25] =	ssyncset.done $0x0  }
0x45: {  	s2 =	sadd.s32 $0x1000, s0;
	[sflag:s25] =	ssyncadd.s32 $0xFFFFD800  }
0x46: {  	[spmem:s1] =	stream.indirect.scatter.add.f32 [tilespmem:s21], [sflag:$0x4], $0x80, s2, s20, $0xb8;
	[tilespmem:$0x1D200] =	vst v63  }
0x47: {  	_ =	swait.ge [sflag:s18], $0x2800  }
0x48: {  	[sflag:s18] =	ssyncset.done $0x0  }
0x49: {  	s2 =	sadd.s32 $0x180, s0;
	[sflag:s18] =	ssyncadd.s32 $0xFFFFD800  }
0x4a: {  	[tilespmem:s21], [sflag:$0x1] =	stream.indirect.gather [hbm4b:s4+s20], $0x80, s2, s20, $0xb8;
	[tilespmem:$0x1D200] =	vst v63  }
0x4b: {  	_ =	swait.ge [sflag:s26], $0x2800  }
0x4c: {  	[sflag:s26] =	ssyncset.done $0x0  }
0x4d: {  	s2 =	sadd.s32 $0x1080, s0;
	[sflag:s26] =	ssyncadd.s32 $0xFFFFD800  }
0x4e: {  	[spmem:s1] =	stream.indirect.scatter.add.f32 [tilespmem:s23], [sflag:$0x4], $0x80, s2, s20, $0xb8;
	[tilespmem:$0x1D200] =	vst v63  }
0x4f: {  	_ =	swait.ge [sflag:s18], $0x2800  }
0x50: {  	[sflag:s18] =	ssyncset.done $0x0  }
0x51: {  	s2 =	sadd.s32 $0x200, s0;
	[sflag:s18] =	ssyncadd.s32 $0xFFFFD800  }
0x52: {  	[tilespmem:s23], [sflag:$0x2] =	stream.indirect.gather [hbm4b:s4+s20], $0x80, s2, s20, $0xb8;
	[tilespmem:$0x1D200] =	vst v63  }
0x53: {  	_ =	swait.ge [sflag:s28], $0x2800  }
.Ltmp0:
0x54: {  	[sflag:s28] =	ssyncset.done $0x0;
	(pc) =	sbr.rel @p0 .LBB2_2-.Ltmp0, $4  }
0x55: {  	s0 =	sadd.s32 $0x1100, s0;
	[sflag:s28] =	ssyncadd.s32 $0xFFFFD800  }
0x56: {  	[spmem:s1] =	stream.indirect.scatter.add.f32 [tilespmem:s24], [sflag:$0x4], $0x80, s0, s20, $0xb8;
	[tilespmem:$0x1D200] =	vst v63  }
0x57: {  	_ =	swait.ge [sflag:s18], $0x2800  }
0x58: {  	s2 =	smov.u32 s8;
	s0 =	sshra.s32 s7, $0x2;
	[sflag:s18] =	ssyncset.done $0x0  }
0x59: {  	s2 =	sadd.s32 $0x100, s0;
	[sflag:s18] =	ssyncadd.s32 $0xFFFFD800  }
0x5a: {  	[tilespmem:s24], [sflag:$0x3] =	stream.indirect.gather [hbm4b:s4+s20], $0x80, s2, s20, $0xb8;
	[tilespmem:$0x1D200] =	vst v63  }
0x5b: {  	_ =	swait.ge [sflag:s25], $0x2800  }
0x5c: {  	[sflag:s25] =	ssyncset.done $0x0  }
0x5d: {  	s8 =	sadd.s32 $0x1000, s0;
	[sflag:s25] =	ssyncadd.s32 $0xFFFFD800  }
0x5e: {  	[spmem:s1] =	stream.indirect.scatter.add.f32 [tilespmem:s21], [sflag:$0x4], $0x80, s8, s20, $0xb8;
	[tilespmem:$0x1D200] =	vst v63  }
0x5f: {  	_ =	swait.ge [sflag:s18], $0x2800  }
0x60: {  	[sflag:s18] =	ssyncset.done $0x0  }
0x61: {  	s5 =	sadd.s32 $0x180, s0;
	[sflag:s18] =	ssyncadd.s32 $0xFFFFD800  }
0x62: {  	[tilespmem:s21], [sflag:$0x1] =	stream.indirect.gather [hbm4b:s4+s20], $0x80, s5, s20, $0xb8;
	[tilespmem:$0x1D200] =	vst v63  }
0x63: {  	_ =	swait.ge [sflag:s26], $0x2800  }
0x64: {  	[sflag:s26] =	ssyncset.done $0x0  }
0x65: {  	s7 =	sadd.s32 $0x1080, s0;
	[sflag:s26] =	ssyncadd.s32 $0xFFFFD800  }
0x66: {  	[spmem:s1] =	stream.indirect.scatter.add.f32 [tilespmem:s23], [sflag:$0x4], $0x80, s7, s20, $0xb8;
	[tilespmem:$0x1D200] =	vst v63  }
0x67: {  	_ =	swait.ge [sflag:s18], $0x2800  }
0x68: {  	[sflag:s18] =	ssyncset.done $0x0  }
0x69: {  	s8 =	sadd.s32 $0x200, s0;
	[sflag:s18] =	ssyncadd.s32 $0xFFFFD800  }
0x6a: {  	[tilespmem:s23], [sflag:$0x2] =	stream.indirect.gather [hbm4b:s4+s20], $0x80, s8, s20, $0xb8;
	[tilespmem:$0x1D200] =	vst v63  }
0x6b: {  	_ =	swait.ge [sflag:s28], $0x2800  }
0x6c: {  	[sflag:s28] =	ssyncset.done $0x0  }
0x6d: {  	s2 =	sadd.s32 $0x1100, s0;
	[sflag:s28] =	ssyncadd.s32 $0xFFFFD800  }
0x6e: {  	[spmem:s1] =	stream.indirect.scatter.add.f32 [tilespmem:s24], [sflag:$0x4], $0x80, s2, s20, $0xb8;
	[tilespmem:$0x1D200] =	vst v63  }
0x6f: {  	_ =	swait.ge [sflag:s18], $0x2800  }
0x70: {  	[sflag:s18] =	ssyncset.done $0x0  }
0x71: {  	[sflag:s18] =	ssyncadd.s32 $0xFFFFD800  }
0x72: {  	_ =	swait.ge [sflag:s25], $0x2800  }
0x73: {  	[sflag:s25] =	ssyncset.done $0x0  }
0x74: {  	[sflag:s25] =	ssyncadd.s32 $0xFFFFD800  }
0x75: {  	[spmem:s1] =	stream.indirect.scatter.add.f32 [tilespmem:s21], [sflag:$0x4], $0x80, s29, s20, $0xb8;
	[tilespmem:$0x1D200] =	vst v63  }
0x76: {  	_ =	swait.ge [sflag:s18], $0x2800  }
0x77: {  	[sflag:s18] =	ssyncset.done $0x0  }
0x78: {  	[sflag:s18] =	ssyncadd.s32 $0xFFFFD800  }
0x79: {  	_ =	swait.ge [sflag:s26], $0x2800  }
0x7a: {  	[sflag:s26] =	ssyncset.done $0x0  }
0x7b: {  	[sflag:s26] =	ssyncadd.s32 $0xFFFFD800  }
0x7c: {  	[spmem:s1] =	stream.indirect.scatter.add.f32 [tilespmem:s23], [sflag:$0x4], $0x80, s30, s20, $0xb8;
	[tilespmem:$0x1D200] =	vst v63  }
0x7d: {  	_ =	swait.ge [sflag:s18], $0x2800  }
0x7e: {  	[sflag:s18] =	ssyncset.done $0x0  }
0x7f: {  	s5 =	simm.s32 $0x0;
	[sflag:s18] =	ssyncadd.s32 $0xFFFFD800  }
0x80: {  	[tilespmem:s5], [sflag:$0x4] =	stream.linear.gather [hbm4b:s9+s5], $0x1000, $0x38;
	[tilespmem:$0x1D200] =	vst v63  }
0x81: {  	_ =	swait.ge [sflag:s18], $0x1000  }
0x82: {  	[sflag:s18] =	ssyncset.done $0x0  }
0x83: {  	[sflag:s18] =	ssyncadd.s32 $0xFFFFF000  }
0x84: {  	[tilespmem:s19], [sflag:$0x4] =	stream.linear.gather [hbm4b:s10+s5], $0x1000, $0x38;
	[tilespmem:$0x1D200] =	vst v63  }
0x85: {  	_ =	swait.ge [sflag:s18], $0x1000  }
0x86: {  	[sflag:s18] =	ssyncset.done $0x0  }
0x87: {  	[sflag:s18] =	ssyncadd.s32 $0xFFFFF000  }
0x88: {  	[tilespmem:s21], [sflag:$0x1] =	stream.indirect.gather [hbm4b:s4+s20], $0x80, s5, s20, $0xb8;
	[tilespmem:$0x1D200] =	vst v63  }
0x89: {  	_ = 	snop  }
0x8a: {  	[tilespmem:s23], [sflag:$0x2] =	stream.indirect.gather [hbm4b:s4+s20], $0x80, s22, s20, $0xb8;
	[tilespmem:$0x1D200] =	vst v63  }
0x8b: {  	s7 =	simm.s32 $0x100  }
0x8c: {  	[tilespmem:s24], [sflag:$0x3] =	stream.indirect.gather [hbm4b:s4+s20], $0x80, s7, s20, $0xb8;
	[tilespmem:$0x1D200] =	vst v63  }
0x8d: {  	_ =	swait.ge [sflag:s25], $0x2800  }
0x8e: {  	[sflag:s25] =	ssyncset.done $0x0  }
0x8f: {  	s8 =	simm.s32 $0x1000;
	[sflag:s25] =	ssyncadd.s32 $0xFFFFD800  }
0x90: {  	[spmem:s1] =	stream.indirect.scatter.add.f32 [tilespmem:s21], [sflag:$0x4], $0x80, s8, s20, $0xb8;
	[tilespmem:$0x1D200] =	vst v63  }
0x91: {  	_ =	swait.ge [sflag:s18], $0x2800  }
0x92: {  	[sflag:s18] =	ssyncset.done $0x0  }
0x93: {  	s2 =	simm.s32 $0x180;
	[sflag:s18] =	ssyncadd.s32 $0xFFFFD800  }
0x94: {  	[tilespmem:s21], [sflag:$0x1] =	stream.indirect.gather [hbm4b:s4+s20], $0x80, s2, s20, $0xb8;
	[tilespmem:$0x1D200] =	vst v63  }
0x95: {  	_ =	swait.ge [sflag:s26], $0x2800  }
0x96: {  	[sflag:s26] =	ssyncset.done $0x0  }
0x97: {  	s5 =	simm.s32 $0x1080;
	[sflag:s26] =	ssyncadd.s32 $0xFFFFD800  }
0x98: {  	[spmem:s1] =	stream.indirect.scatter.add.f32 [tilespmem:s23], [sflag:$0x4], $0x80, s5, s20, $0xb8;
	[tilespmem:$0x1D200] =	vst v63  }
0x99: {  	_ =	swait.ge [sflag:s18], $0x2800  }
0x9a: {  	[sflag:s18] =	ssyncset.done $0x0  }
0x9b: {  	s7 =	simm.s32 $0x200;
	[sflag:s18] =	ssyncadd.s32 $0xFFFFD800  }
0x9c: {  	[tilespmem:s23], [sflag:$0x2] =	stream.indirect.gather [hbm4b:s4+s20], $0x80, s7, s20, $0xb8;
	[tilespmem:$0x1D200] =	vst v63  }
0x9d: {  	_ =	swait.ge [sflag:s28], $0x2800  }
0x9e: {  	[sflag:s28] =	ssyncset.done $0x0  }
0x9f: {  	s8 =	simm.s32 $0x1100;
	[sflag:s28] =	ssyncadd.s32 $0xFFFFD800  }
0xa0: {  	[spmem:s1] =	stream.indirect.scatter.add.f32 [tilespmem:s24], [sflag:$0x4], $0x80, s8, s20, $0xb8;
	[tilespmem:$0x1D200] =	vst v63  }
0xa1: {  	_ =	swait.ge [sflag:s18], $0x2800  }
0xa2: {  	s0 =	simm.s32 $0x180;
	s2 =	simm.s32 $0xC00;
	[sflag:s18] =	ssyncset.done $0x0  }
.LBB2_4:
0xa3: {  	s5 =	sadd.s32 $0x100, s0  }
0xa4: {  	[sflag:s18] =	ssyncadd.s32 $0xFFFFD800;
	s7 =	smov.u32 s2;
	s8 =	sadd.s32 $0x600, s2  }
0xa5: {  	[tilespmem:s24], [sflag:$0x3] =	stream.indirect.gather [hbm4b:s4+s20], $0x80, s5, s20, $0xb8;
	[tilespmem:$0x1D200] =	vst v63  }
0xa6: {  	p0 =	sne.s32 s2, $0x3600;
	_ =	swait.ge [sflag:s25], $0x2800  }
0xa7: {  	[sflag:s25] =	ssyncset.done $0x0  }
0xa8: {  	s2 =	sadd.s32 $0x1000, s0;
	[sflag:s25] =	ssyncadd.s32 $0xFFFFD800  }
0xa9: {  	[spmem:s1] =	stream.indirect.scatter.add.f32 [tilespmem:s21], [sflag:$0x4], $0x80, s2, s20, $0xb8;
	[tilespmem:$0x1D200] =	vst v63  }
0xaa: {  	_ =	swait.ge [sflag:s18], $0x2800  }
0xab: {  	[sflag:s18] =	ssyncset.done $0x0  }
0xac: {  	s2 =	sadd.s32 $0x180, s0;
	[sflag:s18] =	ssyncadd.s32 $0xFFFFD800  }
0xad: {  	[tilespmem:s21], [sflag:$0x1] =	stream.indirect.gather [hbm4b:s4+s20], $0x80, s2, s20, $0xb8;
	[tilespmem:$0x1D200] =	vst v63  }
0xae: {  	_ =	swait.ge [sflag:s26], $0x2800  }
0xaf: {  	[sflag:s26] =	ssyncset.done $0x0  }
0xb0: {  	s2 =	sadd.s32 $0x1080, s0;
	[sflag:s26] =	ssyncadd.s32 $0xFFFFD800  }
0xb1: {  	[spmem:s1] =	stream.indirect.scatter.add.f32 [tilespmem:s23], [sflag:$0x4], $0x80, s2, s20, $0xb8;
	[tilespmem:$0x1D200] =	vst v63  }
0xb2: {  	_ =	swait.ge [sflag:s18], $0x2800  }
0xb3: {  	[sflag:s18] =	ssyncset.done $0x0  }
0xb4: {  	s2 =	sadd.s32 $0x200, s0;
	[sflag:s18] =	ssyncadd.s32 $0xFFFFD800  }
0xb5: {  	[tilespmem:s23], [sflag:$0x2] =	stream.indirect.gather [hbm4b:s4+s20], $0x80, s2, s20, $0xb8;
	[tilespmem:$0x1D200] =	vst v63  }
0xb6: {  	_ =	swait.ge [sflag:s28], $0x2800  }
.Ltmp1:
0xb7: {  	[sflag:s28] =	ssyncset.done $0x0;
	(pc) =	sbr.rel @p0 .LBB2_4-.Ltmp1, $4  }
0xb8: {  	s0 =	sadd.s32 $0x1100, s0;
	[sflag:s28] =	ssyncadd.s32 $0xFFFFD800  }
0xb9: {  	[spmem:s1] =	stream.indirect.scatter.add.f32 [tilespmem:s24], [sflag:$0x4], $0x80, s0, s20, $0xb8;
	[tilespmem:$0x1D200] =	vst v63  }
0xba: {  	_ =	swait.ge [sflag:s18], $0x2800  }
0xbb: {  	s2 =	smov.u32 s8;
	s0 =	sshra.s32 s7, $0x2;
	[sflag:s18] =	ssyncset.done $0x0  }
0xbc: {  	s2 =	sadd.s32 $0x100, s0;
	[sflag:s18] =	ssyncadd.s32 $0xFFFFD800  }
0xbd: {  	[tilespmem:s24], [sflag:$0x3] =	stream.indirect.gather [hbm4b:s4+s20], $0x80, s2, s20, $0xb8;
	[tilespmem:$0x1D200] =	vst v63  }
0xbe: {  	_ =	swait.ge [sflag:s25], $0x2800  }
0xbf: {  	[sflag:s25] =	ssyncset.done $0x0  }
0xc0: {  	s8 =	sadd.s32 $0x1000, s0;
	[sflag:s25] =	ssyncadd.s32 $0xFFFFD800  }
0xc1: {  	[spmem:s1] =	stream.indirect.scatter.add.f32 [tilespmem:s21], [sflag:$0x4], $0x80, s8, s20, $0xb8;
	[tilespmem:$0x1D200] =	vst v63  }
0xc2: {  	_ =	swait.ge [sflag:s18], $0x2800  }
0xc3: {  	[sflag:s18] =	ssyncset.done $0x0  }
0xc4: {  	s5 =	sadd.s32 $0x180, s0;
	[sflag:s18] =	ssyncadd.s32 $0xFFFFD800  }
0xc5: {  	[tilespmem:s21], [sflag:$0x1] =	stream.indirect.gather [hbm4b:s4+s20], $0x80, s5, s20, $0xb8;
	[tilespmem:$0x1D200] =	vst v63  }
0xc6: {  	_ =	swait.ge [sflag:s26], $0x2800  }
0xc7: {  	[sflag:s26] =	ssyncset.done $0x0  }
0xc8: {  	s7 =	sadd.s32 $0x1080, s0;
	[sflag:s26] =	ssyncadd.s32 $0xFFFFD800  }
0xc9: {  	[spmem:s1] =	stream.indirect.scatter.add.f32 [tilespmem:s23], [sflag:$0x4], $0x80, s7, s20, $0xb8;
	[tilespmem:$0x1D200] =	vst v63  }
0xca: {  	_ =	swait.ge [sflag:s18], $0x2800  }
0xcb: {  	[sflag:s18] =	ssyncset.done $0x0  }
0xcc: {  	s8 =	sadd.s32 $0x200, s0;
	[sflag:s18] =	ssyncadd.s32 $0xFFFFD800  }
0xcd: {  	[tilespmem:s23], [sflag:$0x2] =	stream.indirect.gather [hbm4b:s4+s20], $0x80, s8, s20, $0xb8;
	[tilespmem:$0x1D200] =	vst v63  }
0xce: {  	_ =	swait.ge [sflag:s28], $0x2800  }
0xcf: {  	[sflag:s28] =	ssyncset.done $0x0  }
0xd0: {  	s2 =	sadd.s32 $0x1100, s0;
	[sflag:s28] =	ssyncadd.s32 $0xFFFFD800  }
0xd1: {  	[spmem:s1] =	stream.indirect.scatter.add.f32 [tilespmem:s24], [sflag:$0x4], $0x80, s2, s20, $0xb8;
	[tilespmem:$0x1D200] =	vst v63  }
0xd2: {  	_ =	swait.ge [sflag:s18], $0x2800  }
0xd3: {  	[sflag:s18] =	ssyncset.done $0x0  }
0xd4: {  	[sflag:s18] =	ssyncadd.s32 $0xFFFFD800  }
0xd5: {  	_ =	swait.ge [sflag:s25], $0x2800  }
0xd6: {  	[sflag:s25] =	ssyncset.done $0x0  }
0xd7: {  	[sflag:s25] =	ssyncadd.s32 $0xFFFFD800  }
0xd8: {  	[spmem:s1] =	stream.indirect.scatter.add.f32 [tilespmem:s21], [sflag:$0x4], $0x80, s29, s20, $0xb8;
	[tilespmem:$0x1D200] =	vst v63  }
0xd9: {  	_ =	swait.ge [sflag:s18], $0x2800  }
0xda: {  	[sflag:s18] =	ssyncset.done $0x0  }
0xdb: {  	[sflag:s18] =	ssyncadd.s32 $0xFFFFD800  }
0xdc: {  	_ =	swait.ge [sflag:s26], $0x2800  }
0xdd: {  	[sflag:s26] =	ssyncset.done $0x0  }
0xde: {  	[sflag:s26] =	ssyncadd.s32 $0xFFFFD800  }
0xdf: {  	[spmem:s1] =	stream.indirect.scatter.add.f32 [tilespmem:s23], [sflag:$0x4], $0x80, s30, s20, $0xb8;
	[tilespmem:$0x1D200] =	vst v63  }
0xe0: {  	_ =	swait.ge [sflag:s18], $0x2800  }
0xe1: {  	[sflag:s18] =	ssyncset.done $0x0  }
0xe2: {  	s5 =	simm.s32 $0x0;
	[sflag:s18] =	ssyncadd.s32 $0xFFFFD800  }
0xe3: {  	[tilespmem:s5], [sflag:$0x4] =	stream.linear.gather [hbm4b:s11+s5], $0x1000, $0x38;
	[tilespmem:$0x1D200] =	vst v63  }
0xe4: {  	_ =	swait.ge [sflag:s18], $0x1000  }
0xe5: {  	[sflag:s18] =	ssyncset.done $0x0  }
0xe6: {  	[sflag:s18] =	ssyncadd.s32 $0xFFFFF000  }
0xe7: {  	[tilespmem:s19], [sflag:$0x4] =	stream.linear.gather [hbm4b:s12+s5], $0x1000, $0x38;
	[tilespmem:$0x1D200] =	vst v63  }
0xe8: {  	_ =	swait.ge [sflag:s18], $0x1000  }
0xe9: {  	[sflag:s18] =	ssyncset.done $0x0  }
0xea: {  	[sflag:s18] =	ssyncadd.s32 $0xFFFFF000  }
0xeb: {  	[tilespmem:s21], [sflag:$0x1] =	stream.indirect.gather [hbm4b:s4+s20], $0x80, s5, s20, $0xb8;
	[tilespmem:$0x1D200] =	vst v63  }
0xec: {  	_ = 	snop  }
0xed: {  	[tilespmem:s23], [sflag:$0x2] =	stream.indirect.gather [hbm4b:s4+s20], $0x80, s22, s20, $0xb8;
	[tilespmem:$0x1D200] =	vst v63  }
0xee: {  	s7 =	simm.s32 $0x100  }
0xef: {  	[tilespmem:s24], [sflag:$0x3] =	stream.indirect.gather [hbm4b:s4+s20], $0x80, s7, s20, $0xb8;
	[tilespmem:$0x1D200] =	vst v63  }
0xf0: {  	_ =	swait.ge [sflag:s25], $0x2800  }
0xf1: {  	[sflag:s25] =	ssyncset.done $0x0  }
0xf2: {  	s8 =	simm.s32 $0x1000;
	[sflag:s25] =	ssyncadd.s32 $0xFFFFD800  }
0xf3: {  	[spmem:s1] =	stream.indirect.scatter.add.f32 [tilespmem:s21], [sflag:$0x4], $0x80, s8, s20, $0xb8;
	[tilespmem:$0x1D200] =	vst v63  }
0xf4: {  	_ =	swait.ge [sflag:s18], $0x2800  }
0xf5: {  	[sflag:s18] =	ssyncset.done $0x0  }
0xf6: {  	s2 =	simm.s32 $0x180;
	[sflag:s18] =	ssyncadd.s32 $0xFFFFD800  }
0xf7: {  	[tilespmem:s21], [sflag:$0x1] =	stream.indirect.gather [hbm4b:s4+s20], $0x80, s2, s20, $0xb8;
	[tilespmem:$0x1D200] =	vst v63  }
0xf8: {  	_ =	swait.ge [sflag:s26], $0x2800  }
0xf9: {  	[sflag:s26] =	ssyncset.done $0x0  }
0xfa: {  	s5 =	simm.s32 $0x1080;
	[sflag:s26] =	ssyncadd.s32 $0xFFFFD800  }
0xfb: {  	[spmem:s1] =	stream.indirect.scatter.add.f32 [tilespmem:s23], [sflag:$0x4], $0x80, s5, s20, $0xb8;
	[tilespmem:$0x1D200] =	vst v63  }
0xfc: {  	_ =	swait.ge [sflag:s18], $0x2800  }
0xfd: {  	[sflag:s18] =	ssyncset.done $0x0  }
0xfe: {  	s7 =	simm.s32 $0x200;
	[sflag:s18] =	ssyncadd.s32 $0xFFFFD800  }
0xff: {  	[tilespmem:s23], [sflag:$0x2] =	stream.indirect.gather [hbm4b:s4+s20], $0x80, s7, s20, $0xb8;
	[tilespmem:$0x1D200] =	vst v63  }
0x100: {  	_ =	swait.ge [sflag:s28], $0x2800  }
0x101: {  	[sflag:s28] =	ssyncset.done $0x0  }
0x102: {  	s8 =	simm.s32 $0x1100;
	[sflag:s28] =	ssyncadd.s32 $0xFFFFD800  }
0x103: {  	[spmem:s1] =	stream.indirect.scatter.add.f32 [tilespmem:s24], [sflag:$0x4], $0x80, s8, s20, $0xb8;
	[tilespmem:$0x1D200] =	vst v63  }
0x104: {  	_ =	swait.ge [sflag:s18], $0x2800  }
0x105: {  	s0 =	simm.s32 $0x180;
	s2 =	simm.s32 $0xC00;
	[sflag:s18] =	ssyncset.done $0x0  }
.LBB2_6:
0x106: {  	s5 =	sadd.s32 $0x100, s0  }
0x107: {  	[sflag:s18] =	ssyncadd.s32 $0xFFFFD800;
	s7 =	smov.u32 s2;
	s8 =	sadd.s32 $0x600, s2  }
0x108: {  	[tilespmem:s24], [sflag:$0x3] =	stream.indirect.gather [hbm4b:s4+s20], $0x80, s5, s20, $0xb8;
	[tilespmem:$0x1D200] =	vst v63  }
0x109: {  	p0 =	sne.s32 s2, $0x3600;
	_ =	swait.ge [sflag:s25], $0x2800  }
0x10a: {  	[sflag:s25] =	ssyncset.done $0x0  }
0x10b: {  	s2 =	sadd.s32 $0x1000, s0;
	[sflag:s25] =	ssyncadd.s32 $0xFFFFD800  }
0x10c: {  	[spmem:s1] =	stream.indirect.scatter.add.f32 [tilespmem:s21], [sflag:$0x4], $0x80, s2, s20, $0xb8;
	[tilespmem:$0x1D200] =	vst v63  }
0x10d: {  	_ =	swait.ge [sflag:s18], $0x2800  }
0x10e: {  	[sflag:s18] =	ssyncset.done $0x0  }
0x10f: {  	s2 =	sadd.s32 $0x180, s0;
	[sflag:s18] =	ssyncadd.s32 $0xFFFFD800  }
0x110: {  	[tilespmem:s21], [sflag:$0x1] =	stream.indirect.gather [hbm4b:s4+s20], $0x80, s2, s20, $0xb8;
	[tilespmem:$0x1D200] =	vst v63  }
0x111: {  	_ =	swait.ge [sflag:s26], $0x2800  }
0x112: {  	[sflag:s26] =	ssyncset.done $0x0  }
0x113: {  	s2 =	sadd.s32 $0x1080, s0;
	[sflag:s26] =	ssyncadd.s32 $0xFFFFD800  }
0x114: {  	[spmem:s1] =	stream.indirect.scatter.add.f32 [tilespmem:s23], [sflag:$0x4], $0x80, s2, s20, $0xb8;
	[tilespmem:$0x1D200] =	vst v63  }
0x115: {  	_ =	swait.ge [sflag:s18], $0x2800  }
0x116: {  	[sflag:s18] =	ssyncset.done $0x0  }
0x117: {  	s2 =	sadd.s32 $0x200, s0;
	[sflag:s18] =	ssyncadd.s32 $0xFFFFD800  }
0x118: {  	[tilespmem:s23], [sflag:$0x2] =	stream.indirect.gather [hbm4b:s4+s20], $0x80, s2, s20, $0xb8;
	[tilespmem:$0x1D200] =	vst v63  }
0x119: {  	_ =	swait.ge [sflag:s28], $0x2800  }
.Ltmp2:
0x11a: {  	[sflag:s28] =	ssyncset.done $0x0;
	(pc) =	sbr.rel @p0 .LBB2_6-.Ltmp2, $4  }
0x11b: {  	s0 =	sadd.s32 $0x1100, s0;
	[sflag:s28] =	ssyncadd.s32 $0xFFFFD800  }
0x11c: {  	[spmem:s1] =	stream.indirect.scatter.add.f32 [tilespmem:s24], [sflag:$0x4], $0x80, s0, s20, $0xb8;
	[tilespmem:$0x1D200] =	vst v63  }
0x11d: {  	_ =	swait.ge [sflag:s18], $0x2800  }
0x11e: {  	s2 =	smov.u32 s8;
	s0 =	sshra.s32 s7, $0x2;
	[sflag:s18] =	ssyncset.done $0x0  }
0x11f: {  	s2 =	sadd.s32 $0x100, s0;
	[sflag:s18] =	ssyncadd.s32 $0xFFFFD800  }
0x120: {  	[tilespmem:s24], [sflag:$0x3] =	stream.indirect.gather [hbm4b:s4+s20], $0x80, s2, s20, $0xb8;
	[tilespmem:$0x1D200] =	vst v63  }
0x121: {  	_ =	swait.ge [sflag:s25], $0x2800  }
0x122: {  	[sflag:s25] =	ssyncset.done $0x0  }
0x123: {  	s8 =	sadd.s32 $0x1000, s0;
	[sflag:s25] =	ssyncadd.s32 $0xFFFFD800  }
0x124: {  	[spmem:s1] =	stream.indirect.scatter.add.f32 [tilespmem:s21], [sflag:$0x4], $0x80, s8, s20, $0xb8;
	[tilespmem:$0x1D200] =	vst v63  }
0x125: {  	_ =	swait.ge [sflag:s18], $0x2800  }
0x126: {  	[sflag:s18] =	ssyncset.done $0x0  }
0x127: {  	s5 =	sadd.s32 $0x180, s0;
	[sflag:s18] =	ssyncadd.s32 $0xFFFFD800  }
0x128: {  	[tilespmem:s21], [sflag:$0x1] =	stream.indirect.gather [hbm4b:s4+s20], $0x80, s5, s20, $0xb8;
	[tilespmem:$0x1D200] =	vst v63  }
0x129: {  	_ =	swait.ge [sflag:s26], $0x2800  }
0x12a: {  	[sflag:s26] =	ssyncset.done $0x0  }
0x12b: {  	s7 =	sadd.s32 $0x1080, s0;
	[sflag:s26] =	ssyncadd.s32 $0xFFFFD800  }
0x12c: {  	[spmem:s1] =	stream.indirect.scatter.add.f32 [tilespmem:s23], [sflag:$0x4], $0x80, s7, s20, $0xb8;
	[tilespmem:$0x1D200] =	vst v63  }
0x12d: {  	_ =	swait.ge [sflag:s18], $0x2800  }
0x12e: {  	[sflag:s18] =	ssyncset.done $0x0  }
0x12f: {  	s8 =	sadd.s32 $0x200, s0;
	[sflag:s18] =	ssyncadd.s32 $0xFFFFD800  }
0x130: {  	[tilespmem:s23], [sflag:$0x2] =	stream.indirect.gather [hbm4b:s4+s20], $0x80, s8, s20, $0xb8;
	[tilespmem:$0x1D200] =	vst v63  }
0x131: {  	_ =	swait.ge [sflag:s28], $0x2800  }
0x132: {  	[sflag:s28] =	ssyncset.done $0x0  }
0x133: {  	s2 =	sadd.s32 $0x1100, s0;
	[sflag:s28] =	ssyncadd.s32 $0xFFFFD800  }
0x134: {  	[spmem:s1] =	stream.indirect.scatter.add.f32 [tilespmem:s24], [sflag:$0x4], $0x80, s2, s20, $0xb8;
	[tilespmem:$0x1D200] =	vst v63  }
0x135: {  	_ =	swait.ge [sflag:s18], $0x2800  }
0x136: {  	[sflag:s18] =	ssyncset.done $0x0  }
0x137: {  	[sflag:s18] =	ssyncadd.s32 $0xFFFFD800  }
0x138: {  	_ =	swait.ge [sflag:s25], $0x2800  }
0x139: {  	[sflag:s25] =	ssyncset.done $0x0  }
0x13a: {  	[sflag:s25] =	ssyncadd.s32 $0xFFFFD800  }
0x13b: {  	[spmem:s1] =	stream.indirect.scatter.add.f32 [tilespmem:s21], [sflag:$0x4], $0x80, s29, s20, $0xb8;
	[tilespmem:$0x1D200] =	vst v63  }
0x13c: {  	_ =	swait.ge [sflag:s18], $0x2800  }
0x13d: {  	[sflag:s18] =	ssyncset.done $0x0  }
0x13e: {  	[sflag:s18] =	ssyncadd.s32 $0xFFFFD800  }
0x13f: {  	_ =	swait.ge [sflag:s26], $0x2800  }
0x140: {  	[sflag:s26] =	ssyncset.done $0x0  }
0x141: {  	[sflag:s26] =	ssyncadd.s32 $0xFFFFD800  }
0x142: {  	[spmem:s1] =	stream.indirect.scatter.add.f32 [tilespmem:s23], [sflag:$0x4], $0x80, s30, s20, $0xb8;
	[tilespmem:$0x1D200] =	vst v63  }
0x143: {  	_ =	swait.ge [sflag:s18], $0x2800  }
0x144: {  	[sflag:s18] =	ssyncset.done $0x0  }
0x145: {  	s5 =	simm.s32 $0x0;
	[sflag:s18] =	ssyncadd.s32 $0xFFFFD800  }
0x146: {  	[tilespmem:s5], [sflag:$0x4] =	stream.linear.gather [hbm4b:s13+s5], $0x1000, $0x38;
	[tilespmem:$0x1D200] =	vst v63  }
0x147: {  	_ =	swait.ge [sflag:s18], $0x1000  }
0x148: {  	[sflag:s18] =	ssyncset.done $0x0  }
0x149: {  	[sflag:s18] =	ssyncadd.s32 $0xFFFFF000  }
0x14a: {  	[tilespmem:s19], [sflag:$0x4] =	stream.linear.gather [hbm4b:s14+s5], $0x1000, $0x38;
	[tilespmem:$0x1D200] =	vst v63  }
0x14b: {  	_ =	swait.ge [sflag:s18], $0x1000  }
0x14c: {  	[sflag:s18] =	ssyncset.done $0x0  }
0x14d: {  	[sflag:s18] =	ssyncadd.s32 $0xFFFFF000  }
0x14e: {  	[tilespmem:s21], [sflag:$0x1] =	stream.indirect.gather [hbm4b:s4+s20], $0x80, s5, s20, $0xb8;
	[tilespmem:$0x1D200] =	vst v63  }
0x14f: {  	_ = 	snop  }
0x150: {  	[tilespmem:s23], [sflag:$0x2] =	stream.indirect.gather [hbm4b:s4+s20], $0x80, s22, s20, $0xb8;
	[tilespmem:$0x1D200] =	vst v63  }
0x151: {  	s7 =	simm.s32 $0x100  }
0x152: {  	[tilespmem:s24], [sflag:$0x3] =	stream.indirect.gather [hbm4b:s4+s20], $0x80, s7, s20, $0xb8;
	[tilespmem:$0x1D200] =	vst v63  }
0x153: {  	_ =	swait.ge [sflag:s25], $0x2800  }
0x154: {  	[sflag:s25] =	ssyncset.done $0x0  }
0x155: {  	s8 =	simm.s32 $0x1000;
	[sflag:s25] =	ssyncadd.s32 $0xFFFFD800  }
0x156: {  	[spmem:s1] =	stream.indirect.scatter.add.f32 [tilespmem:s21], [sflag:$0x4], $0x80, s8, s20, $0xb8;
	[tilespmem:$0x1D200] =	vst v63  }
0x157: {  	_ =	swait.ge [sflag:s18], $0x2800  }
0x158: {  	[sflag:s18] =	ssyncset.done $0x0  }
0x159: {  	s2 =	simm.s32 $0x180;
	[sflag:s18] =	ssyncadd.s32 $0xFFFFD800  }
0x15a: {  	[tilespmem:s21], [sflag:$0x1] =	stream.indirect.gather [hbm4b:s4+s20], $0x80, s2, s20, $0xb8;
	[tilespmem:$0x1D200] =	vst v63  }
0x15b: {  	_ =	swait.ge [sflag:s26], $0x2800  }
0x15c: {  	[sflag:s26] =	ssyncset.done $0x0  }
0x15d: {  	s5 =	simm.s32 $0x1080;
	[sflag:s26] =	ssyncadd.s32 $0xFFFFD800  }
0x15e: {  	[spmem:s1] =	stream.indirect.scatter.add.f32 [tilespmem:s23], [sflag:$0x4], $0x80, s5, s20, $0xb8;
	[tilespmem:$0x1D200] =	vst v63  }
0x15f: {  	_ =	swait.ge [sflag:s18], $0x2800  }
0x160: {  	[sflag:s18] =	ssyncset.done $0x0  }
0x161: {  	s7 =	simm.s32 $0x200;
	[sflag:s18] =	ssyncadd.s32 $0xFFFFD800  }
0x162: {  	[tilespmem:s23], [sflag:$0x2] =	stream.indirect.gather [hbm4b:s4+s20], $0x80, s7, s20, $0xb8;
	[tilespmem:$0x1D200] =	vst v63  }
0x163: {  	_ =	swait.ge [sflag:s28], $0x2800  }
0x164: {  	[sflag:s28] =	ssyncset.done $0x0  }
0x165: {  	s8 =	simm.s32 $0x1100;
	[sflag:s28] =	ssyncadd.s32 $0xFFFFD800  }
0x166: {  	[spmem:s1] =	stream.indirect.scatter.add.f32 [tilespmem:s24], [sflag:$0x4], $0x80, s8, s20, $0xb8;
	[tilespmem:$0x1D200] =	vst v63  }
0x167: {  	_ =	swait.ge [sflag:s18], $0x2800  }
0x168: {  	s0 =	simm.s32 $0x180;
	s2 =	simm.s32 $0xC00;
	[sflag:s18] =	ssyncset.done $0x0  }
.LBB2_8:
0x169: {  	s5 =	sadd.s32 $0x100, s0  }
0x16a: {  	[sflag:s18] =	ssyncadd.s32 $0xFFFFD800;
	s7 =	smov.u32 s2;
	s8 =	sadd.s32 $0x600, s2  }
0x16b: {  	[tilespmem:s24], [sflag:$0x3] =	stream.indirect.gather [hbm4b:s4+s20], $0x80, s5, s20, $0xb8;
	[tilespmem:$0x1D200] =	vst v63  }
0x16c: {  	p0 =	sne.s32 s2, $0x3600;
	_ =	swait.ge [sflag:s25], $0x2800  }
0x16d: {  	[sflag:s25] =	ssyncset.done $0x0  }
0x16e: {  	s2 =	sadd.s32 $0x1000, s0;
	[sflag:s25] =	ssyncadd.s32 $0xFFFFD800  }
0x16f: {  	[spmem:s1] =	stream.indirect.scatter.add.f32 [tilespmem:s21], [sflag:$0x4], $0x80, s2, s20, $0xb8;
	[tilespmem:$0x1D200] =	vst v63  }
0x170: {  	_ =	swait.ge [sflag:s18], $0x2800  }
0x171: {  	[sflag:s18] =	ssyncset.done $0x0  }
0x172: {  	s2 =	sadd.s32 $0x180, s0;
	[sflag:s18] =	ssyncadd.s32 $0xFFFFD800  }
0x173: {  	[tilespmem:s21], [sflag:$0x1] =	stream.indirect.gather [hbm4b:s4+s20], $0x80, s2, s20, $0xb8;
	[tilespmem:$0x1D200] =	vst v63  }
0x174: {  	_ =	swait.ge [sflag:s26], $0x2800  }
0x175: {  	[sflag:s26] =	ssyncset.done $0x0  }
0x176: {  	s2 =	sadd.s32 $0x1080, s0;
	[sflag:s26] =	ssyncadd.s32 $0xFFFFD800  }
0x177: {  	[spmem:s1] =	stream.indirect.scatter.add.f32 [tilespmem:s23], [sflag:$0x4], $0x80, s2, s20, $0xb8;
	[tilespmem:$0x1D200] =	vst v63  }
0x178: {  	_ =	swait.ge [sflag:s18], $0x2800  }
0x179: {  	[sflag:s18] =	ssyncset.done $0x0  }
0x17a: {  	s2 =	sadd.s32 $0x200, s0;
	[sflag:s18] =	ssyncadd.s32 $0xFFFFD800  }
0x17b: {  	[tilespmem:s23], [sflag:$0x2] =	stream.indirect.gather [hbm4b:s4+s20], $0x80, s2, s20, $0xb8;
	[tilespmem:$0x1D200] =	vst v63  }
0x17c: {  	_ =	swait.ge [sflag:s28], $0x2800  }
.Ltmp3:
0x17d: {  	[sflag:s28] =	ssyncset.done $0x0;
	(pc) =	sbr.rel @p0 .LBB2_8-.Ltmp3, $4  }
0x17e: {  	s0 =	sadd.s32 $0x1100, s0;
	[sflag:s28] =	ssyncadd.s32 $0xFFFFD800  }
0x17f: {  	[spmem:s1] =	stream.indirect.scatter.add.f32 [tilespmem:s24], [sflag:$0x4], $0x80, s0, s20, $0xb8;
	[tilespmem:$0x1D200] =	vst v63  }
0x180: {  	_ =	swait.ge [sflag:s18], $0x2800  }
0x181: {  	s2 =	smov.u32 s8;
	s0 =	sshra.s32 s7, $0x2;
	[sflag:s18] =	ssyncset.done $0x0  }
0x182: {  	s2 =	sadd.s32 $0x100, s0;
	[sflag:s18] =	ssyncadd.s32 $0xFFFFD800  }
0x183: {  	[tilespmem:s24], [sflag:$0x3] =	stream.indirect.gather [hbm4b:s4+s20], $0x80, s2, s20, $0xb8;
	[tilespmem:$0x1D200] =	vst v63  }
0x184: {  	_ =	swait.ge [sflag:s25], $0x2800  }
0x185: {  	[sflag:s25] =	ssyncset.done $0x0  }
0x186: {  	s7 =	sadd.s32 $0x1000, s0;
	[sflag:s25] =	ssyncadd.s32 $0xFFFFD800  }
0x187: {  	[spmem:s1] =	stream.indirect.scatter.add.f32 [tilespmem:s21], [sflag:$0x4], $0x80, s7, s20, $0xb8;
	[tilespmem:$0x1D200] =	vst v63  }
0x188: {  	_ =	swait.ge [sflag:s18], $0x2800  }
0x189: {  	[sflag:s18] =	ssyncset.done $0x0  }
0x18a: {  	s8 =	sadd.s32 $0x180, s0;
	[sflag:s18] =	ssyncadd.s32 $0xFFFFD800  }
0x18b: {  	[tilespmem:s21], [sflag:$0x1] =	stream.indirect.gather [hbm4b:s4+s20], $0x80, s8, s20, $0xb8;
	[tilespmem:$0x1D200] =	vst v63  }
0x18c: {  	_ =	swait.ge [sflag:s26], $0x2800  }
0x18d: {  	[sflag:s26] =	ssyncset.done $0x0  }
0x18e: {  	s5 =	sadd.s32 $0x1080, s0;
	[sflag:s26] =	ssyncadd.s32 $0xFFFFD800  }
0x18f: {  	[spmem:s1] =	stream.indirect.scatter.add.f32 [tilespmem:s23], [sflag:$0x4], $0x80, s5, s20, $0xb8;
	[tilespmem:$0x1D200] =	vst v63  }
0x190: {  	_ =	swait.ge [sflag:s18], $0x2800  }
0x191: {  	[sflag:s18] =	ssyncset.done $0x0  }
0x192: {  	s7 =	sadd.s32 $0x200, s0;
	[sflag:s18] =	ssyncadd.s32 $0xFFFFD800  }
0x193: {  	[tilespmem:s23], [sflag:$0x2] =	stream.indirect.gather [hbm4b:s4+s20], $0x80, s7, s20, $0xb8;
	[tilespmem:$0x1D200] =	vst v63  }
0x194: {  	_ =	swait.ge [sflag:s28], $0x2800  }
0x195: {  	[sflag:s28] =	ssyncset.done $0x0  }
0x196: {  	s8 =	sadd.s32 $0x1100, s0;
	[sflag:s28] =	ssyncadd.s32 $0xFFFFD800  }
0x197: {  	[spmem:s1] =	stream.indirect.scatter.add.f32 [tilespmem:s24], [sflag:$0x4], $0x80, s8, s20, $0xb8;
	[tilespmem:$0x1D200] =	vst v63  }
0x198: {  	_ =	swait.ge [sflag:s18], $0x2800  }
0x199: {  	[sflag:s18] =	ssyncset.done $0x0  }
0x19a: {  	[sflag:s18] =	ssyncadd.s32 $0xFFFFD800  }
0x19b: {  	_ =	swait.ge [sflag:s25], $0x2800  }
0x19c: {  	[sflag:s25] =	ssyncset.done $0x0  }
0x19d: {  	[sflag:s25] =	ssyncadd.s32 $0xFFFFD800  }
0x19e: {  	[spmem:s1] =	stream.indirect.scatter.add.f32 [tilespmem:s21], [sflag:$0x4], $0x80, s29, s20, $0xb8;
	[tilespmem:$0x1D200] =	vst v63  }
0x19f: {  	_ =	swait.ge [sflag:s18], $0x2800  }
0x1a0: {  	[sflag:s18] =	ssyncset.done $0x0  }
0x1a1: {  	[sflag:s18] =	ssyncadd.s32 $0xFFFFD800  }
0x1a2: {  	_ =	swait.ge [sflag:s26], $0x2800  }
0x1a3: {  	[sflag:s26] =	ssyncset.done $0x0  }
0x1a4: {  	[sflag:s26] =	ssyncadd.s32 $0xFFFFD800  }
0x1a5: {  	[spmem:s1] =	stream.indirect.scatter.add.f32 [tilespmem:s23], [sflag:$0x4], $0x80, s30, s20, $0xb8;
	[tilespmem:$0x1D200] =	vst v63  }
0x1a6: {  	_ =	swait.ge [sflag:s18], $0x2800  }
0x1a7: {  	s31 =	sadd.s32 $0x1, s31;
	[sflag:s18] =	ssyncset.done $0x0  }
0x1a8: {  	p0 =	sne.s32 s31, s16;
	[sflag:s18] =	ssyncadd.s32 $0xFFFFD800  }
.Ltmp4:
0x1a9: {  	[bflag:$0x0] =	sbarrier.arrive $0xFFFF;
	(pc) =	sbr.rel @p0 .LBB2_1-.Ltmp4, $4  }
0x1aa: {  	[hbm:s15], [sflag:s6] =	dma.local [spmem:s17], $0x2800  }
0x1ab: {  	_ =	swait.ge [sflag:s18], $0x2800  }
0x1ac: {  	[sflag:s18] =	ssyncset.done $0x0  }
0x1ad: {  	[sflag:s18] =	ssyncadd.s32 $0xFFFFD800  }
0x1ae: {  	_ =	sfence.sel $0x180000  }
0x1af: {  	[bflag:$0x0] =	sbarrier.arrive $0xFFFF  }
0x1b0: {  	_ =	strace $0x90000047  }
0x1b1: {  	s0 =	stileid.u32;
	[bflag:$0x2] =	sbarrier.arrive $0xFFFF  }
0x1b2: {  	p0 =	sne.s32 s0, $0x0;
	s0 =	rddreg [dreg:$0x3]  }
0x1b3: {  	s0 =	sadd.s32 @!p0 $0x100000, s0  }
0x1b4: {  	[sflag:s0] =	ssyncadd.tile.s32 @!p0 $0x1;
	_ =	shalt  }
.Lfunc_end2:
_tile_overlayer_lowered:
.L_overlay_start_2:
0x1b5: {  	(tag) =	ssettag $0x2  }
0x1b6: {  	s0 =	rddreg [dreg:$0x0];
	s2 =	stileid.u32  }
0x1b7: {  	s1 =	rddreg [dreg:$0x1];
	p0 =	sne.s32 s2, $0x0  }
0x1b8: {  	s3 =	rddreg [dreg:$0x2];
	[bflag:$0x3] =	sbarrier.arrive $0xFFFF;
	s2 =	simm.s32 @!p0 $0x1C04  }
0x1b9: {  	[timem:s3], [sflag:s2] =	dma.local @!p0 [hbm:s0], s1  }
0x1ba: {  	s0 =	simm.s32 @!p0 $0x4  }
0x1bb: {  	_ =	swait.ge @!p0 [sflag:s0], s1  }
0x1bc: {  	s1 =	ssub.s32 @!p0 $0x0, s1;
	[sflag:s0] =	ssyncset.done @!p0 $0x0  }
0x1bd: {  	[sflag:s0] =	ssyncadd.s32 @!p0 s1  }
0x1be: {  	[bflag:$0x3] =	sbarrier.arrive $0xFFFF  }
0x1bf: {  	_ =	shalt  }

</sc_bundles>
